<compile_context>
chip_gen: v7x
topology: tpu7x:2x2x1
jax: 0.10.2.dev20260603
libtpu: 0.0.44.dev20260713+nightly
codegen_flags: <defaults>
</compile_context>

<pallas_src>
import functools

import jax
import jax.numpy as jnp
from jax import lax
from jax.experimental import pallas as pl
from jax.experimental.pallas import tpu as pltpu
from jax.experimental.pallas import tpu_sc as plsc

_BF = jnp.bfloat16
_F32 = jnp.float32
_I32 = jnp.int32


def _router_body(x_ref, wrt_ref, br_ref, tri_ref,
                 e1_ref, e2_ref, s1_ref, s2_ref, w1_ref, w2_ref,
                 gid_ref, adj_ref, u_scr,
                 *, tile, E, n_tiles, gtile):
    pid = pl.program_id(0)

    @pl.when(pid == 0)
    def _init():
        u_scr[...] = jnp.zeros_like(u_scr)

    xt = x_ref[...]
    xb = xt.astype(_BF)
    logits = lax.dot_general(
        xb, wrt_ref[...], (((1,), (0,)), ((), ())),
        preferred_element_type=_F32,
    ) + br_ref[...]

    iota = lax.broadcasted_iota(_I32, (tile, E), 1)
    m1 = jnp.max(logits, axis=1, keepdims=True)
    i1 = jnp.min(jnp.where(logits == m1, iota, E), axis=1, keepdims=True)
    rem = jnp.where(iota == i1, -jnp.inf, logits)
    m2 = jnp.max(rem, axis=1, keepdims=True)
    i2 = jnp.min(jnp.where(rem == m2, iota, E), axis=1, keepdims=True)
    w1 = 1.0 / (1.0 + jnp.exp(m2 - m1))

    oh1 = (iota == i1).astype(_F32)
    oh2 = (iota == i2).astype(_F32)
    tot = oh1 + oh2
    ranks = lax.dot_general(
        tri_ref[...], tot.astype(_BF), (((1,), (0,)), ((), ())),
        preferred_element_type=_F32,
    )
    u = u_scr[...]
    slots = ranks + u
    s1 = jnp.sum(oh1 * slots, axis=1, keepdims=True)
    s2 = jnp.sum(oh2 * slots, axis=1, keepdims=True)

    e1_ref[...] = i1
    e2_ref[...] = i2
    s1_ref[...] = s1.astype(_I32)
    s2_ref[...] = s2.astype(_I32)
    w1_ref[...] = w1
    w2_ref[...] = 1.0 - w1

    new_u = u + jnp.sum(tot, axis=0, keepdims=True)
    u_scr[...] = new_u

    @pl.when(pid == n_tiles - 1)
    def _final():
        g = float(gtile)
        lane = lax.broadcasted_iota(_I32, (1, 128), 1).astype(_F32)
        gid_acc = jnp.zeros((1, 128), _F32)
        adj_cols = []
        pacc = jnp.zeros((1, 1), _F32)
        for e in range(E):
            te = new_u[0:1, e:e + 1]
            ge = jnp.floor((te + (g - 1.0)) / g) * g
            se = pacc / g
            ne = ge / g
            mask = (lane >= se) & (lane < se + ne)
            gid_acc = gid_acc + jnp.where(mask, float(e), 0.0)
            adj_cols.append(pacc)
            pacc = pacc + ge
        gid_ref[...] = gid_acc.astype(_I32)
        adj = jnp.concatenate(adj_cols + [jnp.zeros((1, 8), _F32)], axis=1)
        adj_ref[...] = adj.astype(_I32)


def _gmm_body(g_ref, xs_ref, wet_ref, be_ref, y_ref):
    e = g_ref[pl.program_id(0)]
    y = lax.dot_general(
        xs_ref[...].astype(_BF), wet_ref[e], (((1,), (0,)), ((), ())),
        preferred_element_type=_F32,
    )
    y_ref[...] = y + be_ref[e]


def kernel(x, Wr, br, We, be):
    B, N, D = x.shape
    E, C, _ = We.shape
    T = B * N
    tile = 512
    n_tiles = T // tile
    gtile = 256
    spad = 2 * T + E * gtile
    ng = spad // gtile

    info = plsc.get_sparse_core_info()
    nc, ns = info.num_cores, info.num_subcores
    nw = nc * ns
    tpw = T // nw

    xf = x.reshape(T, D)
    wrt = Wr.T.astype(_BF)
    br2 = br.reshape(1, E)
    wet = jnp.swapaxes(We, 1, 2).astype(_BF)
    be3 = be.reshape(E, 1, C)
    tri = jnp.tril(jnp.ones((tile, tile), _BF), -1)

    a_out = pl.pallas_call(
        functools.partial(_router_body, tile=tile, E=E,
                          n_tiles=n_tiles, gtile=gtile),
        grid=(n_tiles,),
        in_specs=[
            pl.BlockSpec((tile, D), lambda i: (i, 0)),
            pl.BlockSpec((D, E), lambda i: (0, 0)),
            pl.BlockSpec((1, E), lambda i: (0, 0)),
            pl.BlockSpec((tile, tile), lambda i: (0, 0)),
        ],
        out_specs=[
            pl.BlockSpec((tile, 1), lambda i: (i, 0)),
            pl.BlockSpec((tile, 1), lambda i: (i, 0)),
            pl.BlockSpec((tile, 1), lambda i: (i, 0)),
            pl.BlockSpec((tile, 1), lambda i: (i, 0)),
            pl.BlockSpec((tile, 1), lambda i: (i, 0)),
            pl.BlockSpec((tile, 1), lambda i: (i, 0)),
            pl.BlockSpec((1, 128), lambda i: (0, 0)),
            pl.BlockSpec((1, 16), lambda i: (0, 0)),
        ],
        out_shape=[
            jax.ShapeDtypeStruct((T, 1), _I32),
            jax.ShapeDtypeStruct((T, 1), _I32),
            jax.ShapeDtypeStruct((T, 1), _I32),
            jax.ShapeDtypeStruct((T, 1), _I32),
            jax.ShapeDtypeStruct((T, 1), _F32),
            jax.ShapeDtypeStruct((T, 1), _F32),
            jax.ShapeDtypeStruct((1, 128), _I32),
            jax.ShapeDtypeStruct((1, 16), _I32),
        ],
        scratch_shapes=[pltpu.VMEM((1, E), _F32)],
    )(xf, wrt, br2, tri)
    e1, e2, s1u, s2u, w1, w2, gid2, adj2 = a_out
    e1 = e1.reshape(T)
    e2 = e2.reshape(T)
    s1u = s1u.reshape(T)
    s2u = s2u.reshape(T)
    w1f = w1.reshape(T)
    w2f = w2.reshape(T)
    gid = gid2.reshape(128)
    adj = adj2.reshape(16)

    mesh = plsc.VectorSubcoreMesh(core_axis_name="c", subcore_axis_name="s")
    half = tpw // 2

    @functools.partial(
        pl.kernel,
        out_type=[
            jax.ShapeDtypeStruct((spad, D), _F32),
            jax.ShapeDtypeStruct((T,), _I32),
            jax.ShapeDtypeStruct((T,), _I32),
        ],
        mesh=mesh,
        scratch_types=[
            pltpu.VMEM((tpw,), _I32),
            pltpu.VMEM((tpw,), _I32),
            pltpu.VMEM((tpw,), _I32),
            pltpu.VMEM((tpw,), _I32),
            pltpu.VMEM((tpw,), _I32),
            pltpu.VMEM((tpw,), _I32),
            pltpu.VMEM((16,), _I32),
            pltpu.VMEM((half,), _I32),
            pltpu.VMEM((half,), _I32),
            pltpu.VMEM((half,), _I32),
            pltpu.VMEM((half,), _I32),
            pltpu.VMEM((half, D), _F32),
            pltpu.SemaphoreType.DMA,
            pltpu.SemaphoreType.DMA,
        ],
    )
    def _scatter_k(xf_hbm, e1_hbm, e2_hbm, s1_hbm, s2_hbm, adj_hbm,
                   xs_hbm, s1p_hbm, s2p_hbm,
                   e1v, e2v, s1v, s2v, s1pv, s2pv, adjv,
                   sl1a, sl1b, sl2a, sl2b, rows, sem1, sem2):
        wid = lax.axis_index("s") * nc + lax.axis_index("c")
        base = wid * tpw
        pltpu.sync_copy(e1_hbm.at[pl.ds(base, tpw)], e1v)
        pltpu.sync_copy(e2_hbm.at[pl.ds(base, tpw)], e2v)
        pltpu.sync_copy(s1_hbm.at[pl.ds(base, tpw)], s1v)
        pltpu.sync_copy(s2_hbm.at[pl.ds(base, tpw)], s2v)
        pltpu.sync_copy(adj_hbm, adjv)
        av = adjv[...]
        for j in range(tpw // 16):
            for ev_ref, sv_ref, pv_ref, half_refs in (
                (e1v, s1v, s1pv, (sl1a, sl1b)),
                (e2v, s2v, s2pv, (sl2a, sl2b)),
            ):
                ev = ev_ref[pl.ds(j * 16, 16)]
                sv = sv_ref[pl.ds(j * 16, 16)]
                sp = sv + av.at[ev].get(mode="promise_in_bounds")
                pv_ref[pl.ds(j * 16, 16)] = sp
                hr = half_refs[0] if j < (tpw // 32) else half_refs[1]
                hoff = (j % (tpw // 32)) * 16
                hr[pl.ds(hoff, 16)] = sp
        pltpu.sync_copy(s1pv, s1p_hbm.at[pl.ds(base, tpw)])
        pltpu.sync_copy(s2pv, s2p_hbm.at[pl.ds(base, tpw)])
        for h, (i1r, i2r) in enumerate(((sl1a, sl2a), (sl1b, sl2b))):
            pltpu.sync_copy(xf_hbm.at[pl.ds(base + h * half, half)], rows)
            cp1 = pltpu.async_copy(rows, xs_hbm.at[i1r], sem1)
            cp2 = pltpu.async_copy(rows, xs_hbm.at[i2r], sem2)
            cp1.wait()
            cp2.wait()

    xs, s1p, s2p = _scatter_k(xf, e1, e2, s1u, s2u, adj)

    y = pl.pallas_call(
        _gmm_body,
        grid_spec=pltpu.PrefetchScalarGridSpec(
            num_scalar_prefetch=1,
            grid=(ng,),
            in_specs=[
                pl.BlockSpec((gtile, D), lambda i, g: (i, 0)),
                pl.BlockSpec((E, D, C), lambda i, g: (0, 0, 0)),
                pl.BlockSpec((E, 1, C), lambda i, g: (0, 0, 0)),
            ],
            out_specs=pl.BlockSpec((gtile, C), lambda i, g: (i, 0)),
        ),
        out_shape=jax.ShapeDtypeStruct((spad, C), _F32),
    )(gid, xs, wet, be3)

    grp = 16
    ngrp = tpw // grp
    depth = 3
    outf_shape = jax.ShapeDtypeStruct((T * C,), _F32)

    @functools.partial(
        pl.kernel,
        out_type=outf_shape,
        mesh=mesh,
        scratch_types=[
            pltpu.VMEM((tpw,), _I32),
            pltpu.VMEM((tpw,), _I32),
            pltpu.VMEM((tpw,), _F32),
            pltpu.VMEM((tpw,), _F32),
            [pltpu.VMEM((grp,), _I32)] * 3,
            [pltpu.VMEM((grp,), _I32)] * 3,
            [pltpu.VMEM((grp, C), _F32)] * 3,
            [pltpu.VMEM((grp, C), _F32)] * 3,
            pltpu.VMEM((grp * C,), _F32),
            [pltpu.SemaphoreType.DMA] * 3,
            pltpu.SemaphoreType.DMA,
        ],
    )
    def _combine_k(y_hbm, s1p_hbm, s2p_hbm, w1_hbm, w2_hbm, out_hbm,
                   s1l, s2l, w1l, w2l, g1, g2, rows1, rows2, outb,
                   gsem, osem):
        wid = lax.axis_index("s") * nc + lax.axis_index("c")
        base = wid * tpw
        pltpu.sync_copy(s1p_hbm.at[pl.ds(base, tpw)], s1l)
        pltpu.sync_copy(s2p_hbm.at[pl.ds(base, tpw)], s2l)
        pltpu.sync_copy(w1_hbm.at[pl.ds(base, tpw)], w1l)
        pltpu.sync_copy(w2_hbm.at[pl.ds(base, tpw)], w2l)
        iota16 = lax.broadcasted_iota(_I32, (16,), 0)

        def _issue_gather(g):
            bi = g % depth
            g1[bi][...] = s1l[pl.ds(g * grp, grp)]
            g2[bi][...] = s2l[pl.ds(g * grp, grp)]
            return (pltpu.async_copy(y_hbm.at[g1[bi]], rows1[bi], gsem[bi]),
                    pltpu.async_copy(y_hbm.at[g2[bi]], rows2[bi], gsem[bi]))

        gcp = {g: _issue_gather(g) for g in range(depth - 1)}
        ocp = {}
        for g in range(ngrp):
            bi = g % depth
            for cp in gcp.pop(g):
                cp.wait()
            if g + depth - 1 < ngrp:
                gcp[g + depth - 1] = _issue_gather(g + depth - 1)
            if g - 1 in ocp:
                ocp.pop(g - 1).wait()
            w1v = w1l[pl.ds(g * grp, 16)]
            w2v = w2l[pl.ds(g * grp, 16)]
            r1, r2, ob = rows1[bi], rows2[bi], outb

            def tok_body(t16, _, w1v=w1v, w2v=w2v, r1=r1, r2=r2, ob=ob):
                t16v = jnp.full((16,), t16, _I32)
                w1b = w1v.at[t16v].get(mode="promise_in_bounds")
                w2b = w2v.at[t16v].get(mode="promise_in_bounds")
                tbase = t16 * C

                def col_body(c64, _):
                    for k in range(4):
                        off = c64 * 64 + k * 16
                        a = r1[t16, pl.ds(off, 16)]
                        b = r2[t16, pl.ds(off, 16)]
                        ob[pl.ds(tbase + off, 16)] = w1b * a + w2b * b
                    return 0

                lax.fori_loop(0, C // 64, col_body, 0)
                return 0

            lax.fori_loop(0, grp, tok_body, 0)
            ocp[g] = pltpu.async_copy(
                ob, out_hbm.at[pl.ds((base + g * grp) * C, grp * C)],
                osem)
        for cp in ocp.values():
            cp.wait()

    outf = _combine_k(y, s1p, s2p, w1f, w2f)
    return outf.reshape(B, N, C)

# --- scband reference (transcript-rebuilt; emitter-appended) ---
"""Pipeline reference for scband-mo-elayer-39651138076718 (READ-ONLY COPY).

The authoritative reference and input builder live on the scoring server;
editing this copy changes nothing except your own understanding.
"""

import jax, jax.numpy as jnp
import numpy as np

B, N, D, C, E, K = 2, 2048, 1024, 1024, 8, 2

def setup_inputs(seed: int = 0) -> dict:
    key = jax.random.key(seed)
    ks = jax.random.split(key, 5)
    x = jax.random.normal(ks[0], (B, N, D), dtype=jnp.float32)
    # router: torch.nn.Linear(input_dim, num_experts) -> weight [E, D], bias [E]
    Wr = jax.random.normal(ks[1], (E, D), dtype=jnp.float32) * (1.0 / np.sqrt(D))
    br = jax.random.normal(ks[2], (E,), dtype=jnp.float32) * 0.01
    # experts: E x torch.nn.Linear(input_dim, output_dim) -> weights [E, C, D], biases [E, C]
    We = jax.random.normal(ks[3], (E, C, D), dtype=jnp.float32) * (1.0 / np.sqrt(D))
    be = jax.random.normal(ks[4], (E, C), dtype=jnp.float32) * 0.01
    return {"x": x, "Wr": Wr, "br": br, "We": We, "be": be}

def reference(x, Wr, br, We, be):
    # router probs over experts
    router_logits = jnp.einsum('bnd,ed->bne', x, Wr) + br[None, None, :]
    router_probs = jax.nn.softmax(router_logits, axis=-1)
    # top-k experts per token
    top_k_probs, top_k_indices = jax.lax.top_k(router_probs, K)  # [B,N,K]
    top_k_probs = top_k_probs / jnp.sum(top_k_probs, axis=-1, keepdims=True)
    # all experts applied to all tokens (dense MoE, matches torch.stack over experts)
    expert_outputs = jnp.einsum('bnd,ecd->bnec', x, We) + be[None, None, :, :]  # [B,N,E,C]
    # gather the selected experts' outputs per token
    gathered = jnp.take_along_axis(expert_outputs, top_k_indices[..., None], axis=2)  # [B,N,K,C]
    # weighted combine over the top-k experts
    outputs = jnp.einsum('bnk,bnkc->bnc', top_k_probs, gathered)  # [B,N,C]
    return outputs

if __name__ == "__main__":
    import jax
    _d = setup_inputs()
    print(jax.jit(kernel)(*tuple(_d.values())))

</pallas_src>

<mosaic_0001>
#map = affine_map<(d0, d1) -> (0, 0)>
#map1 = affine_map<(d0, d1) -> (0)>
module attributes {stable_mosaic.version = 14 : i64} {
  func.func @_combine_k(%arg0: i32, %arg1: i32, %arg2: memref<10240x1024xf32, #tpu.memory_space<hbm>>, %arg3: memref<4096xi32, #tpu.memory_space<hbm>>, %arg4: memref<4096xi32, #tpu.memory_space<hbm>>, %arg5: memref<4096xf32, #tpu.memory_space<hbm>>, %arg6: memref<4096xf32, #tpu.memory_space<hbm>>, %arg7: memref<4194304xf32, #tpu.memory_space<hbm>>, %arg8: memref<128xi32, #tpu.memory_space<vmem>>, %arg9: memref<128xi32, #tpu.memory_space<vmem>>, %arg10: memref<128xf32, #tpu.memory_space<vmem>>, %arg11: memref<128xf32, #tpu.memory_space<vmem>>, %arg12: memref<16xi32, #tpu.memory_space<vmem>>, %arg13: memref<16xi32, #tpu.memory_space<vmem>>, %arg14: memref<16xi32, #tpu.memory_space<vmem>>, %arg15: memref<16xi32, #tpu.memory_space<vmem>>, %arg16: memref<16xi32, #tpu.memory_space<vmem>>, %arg17: memref<16xi32, #tpu.memory_space<vmem>>, %arg18: memref<16x1024xf32, #tpu.memory_space<vmem>>, %arg19: memref<16x1024xf32, #tpu.memory_space<vmem>>, %arg20: memref<16x1024xf32, #tpu.memory_space<vmem>>, %arg21: memref<16x1024xf32, #tpu.memory_space<vmem>>, %arg22: memref<16x1024xf32, #tpu.memory_space<vmem>>, %arg23: memref<16x1024xf32, #tpu.memory_space<vmem>>, %arg24: memref<16384xf32, #tpu.memory_space<vmem>>, %arg25: memref<!tpu.dma_semaphore, #tpu.memory_space<semaphore_mem>>, %arg26: memref<!tpu.dma_semaphore, #tpu.memory_space<semaphore_mem>>, %arg27: memref<!tpu.dma_semaphore, #tpu.memory_space<semaphore_mem>>, %arg28: memref<!tpu.dma_semaphore, #tpu.memory_space<semaphore_mem>>) attributes {dimension_semantics = [#tpu.dimension_semantics<core_parallel>, #tpu.dimension_semantics<subcore_parallel>], iteration_bounds = array<i64: 2, 16>, scalar_prefetch = 0 : i64, scratch_operands = 21 : i64, tpu.core_type = #tpu.core_type<sc_vector_subcore>, window_params = [{transform_indices = #map}, {transform_indices = #map1}, {transform_indices = #map1}, {transform_indices = #map1}, {transform_indices = #map1}, {transform_indices = #map1}]} {
    %mul3A = arith.constant 2 : i32
    %mul3A_0 = arith.muli %arg1, %mul3A : i32
    %add3A = arith.addi %mul3A_0, %arg0 : i32
    %mul3A_1 = arith.constant 128 : i32
    %mul3A_2 = arith.muli %add3A, %mul3A_1 : i32
    "tpu.region"() ({
      %run_scoped3A = tpu.sem_alloc : memref<!tpu.dma_semaphore, #tpu.memory_space<semaphore_mem>>
      %dma_start3A_374 = tpu.memref_slice %arg3[%mul3A_2] : memref<4096xi32, #tpu.memory_space<hbm>> -> memref<128xi32, #tpu.memory_space<hbm>>
      %dma_start3A_375 = tpu.memref_slice %arg3[%mul3A_2] : memref<4096xi32, #tpu.memory_space<hbm>> -> memref<128xi32, #tpu.memory_space<hbm>>
      tpu.enqueue_dma source(%dma_start3A_375 : memref<128xi32, #tpu.memory_space<hbm>>) target(%arg8 : memref<128xi32, #tpu.memory_space<vmem>>) target_semaphore(%run_scoped3A : memref<!tpu.dma_semaphore, #tpu.memory_space<semaphore_mem>>)
      %dma_wait3A_376 = tpu.memref_slice %arg3[%mul3A_2] : memref<4096xi32, #tpu.memory_space<hbm>> -> memref<128xi32, #tpu.memory_space<hbm>>
      %dma_wait3A_377 = tpu.memref_slice %arg3[%mul3A_2] : memref<4096xi32, #tpu.memory_space<hbm>> -> memref<128xi32, #tpu.memory_space<hbm>>
      tpu.wait_dma2 semaphore(%run_scoped3A : memref<!tpu.dma_semaphore, #tpu.memory_space<semaphore_mem>>) src(%dma_wait3A_377 : memref<128xi32, #tpu.memory_space<hbm>>) dst(%arg8 : memref<128xi32, #tpu.memory_space<vmem>>)
      tpu.yield
    }) : () -> ()
    "tpu.region"() ({
      %run_scoped3A = tpu.sem_alloc : memref<!tpu.dma_semaphore, #tpu.memory_space<semaphore_mem>>
      %dma_start3A_374 = tpu.memref_slice %arg4[%mul3A_2] : memref<4096xi32, #tpu.memory_space<hbm>> -> memref<128xi32, #tpu.memory_space<hbm>>
      %dma_start3A_375 = tpu.memref_slice %arg4[%mul3A_2] : memref<4096xi32, #tpu.memory_space<hbm>> -> memref<128xi32, #tpu.memory_space<hbm>>
      tpu.enqueue_dma source(%dma_start3A_375 : memref<128xi32, #tpu.memory_space<hbm>>) target(%arg9 : memref<128xi32, #tpu.memory_space<vmem>>) target_semaphore(%run_scoped3A : memref<!tpu.dma_semaphore, #tpu.memory_space<semaphore_mem>>)
      %dma_wait3A_376 = tpu.memref_slice %arg4[%mul3A_2] : memref<4096xi32, #tpu.memory_space<hbm>> -> memref<128xi32, #tpu.memory_space<hbm>>
      %dma_wait3A_377 = tpu.memref_slice %arg4[%mul3A_2] : memref<4096xi32, #tpu.memory_space<hbm>> -> memref<128xi32, #tpu.memory_space<hbm>>
      tpu.wait_dma2 semaphore(%run_scoped3A : memref<!tpu.dma_semaphore, #tpu.memory_space<semaphore_mem>>) src(%dma_wait3A_377 : memref<128xi32, #tpu.memory_space<hbm>>) dst(%arg9 : memref<128xi32, #tpu.memory_space<vmem>>)
      tpu.yield
    }) : () -> ()
    "tpu.region"() ({
      %run_scoped3A = tpu.sem_alloc : memref<!tpu.dma_semaphore, #tpu.memory_space<semaphore_mem>>
      %dma_start3A_374 = tpu.memref_slice %arg5[%mul3A_2] : memref<4096xf32, #tpu.memory_space<hbm>> -> memref<128xf32, #tpu.memory_space<hbm>>
      %dma_start3A_375 = tpu.memref_slice %arg5[%mul3A_2] : memref<4096xf32, #tpu.memory_space<hbm>> -> memref<128xf32, #tpu.memory_space<hbm>>
      tpu.enqueue_dma source(%dma_start3A_375 : memref<128xf32, #tpu.memory_space<hbm>>) target(%arg10 : memref<128xf32, #tpu.memory_space<vmem>>) target_semaphore(%run_scoped3A : memref<!tpu.dma_semaphore, #tpu.memory_space<semaphore_mem>>)
      %dma_wait3A_376 = tpu.memref_slice %arg5[%mul3A_2] : memref<4096xf32, #tpu.memory_space<hbm>> -> memref<128xf32, #tpu.memory_space<hbm>>
      %dma_wait3A_377 = tpu.memref_slice %arg5[%mul3A_2] : memref<4096xf32, #tpu.memory_space<hbm>> -> memref<128xf32, #tpu.memory_space<hbm>>
      tpu.wait_dma2 semaphore(%run_scoped3A : memref<!tpu.dma_semaphore, #tpu.memory_space<semaphore_mem>>) src(%dma_wait3A_377 : memref<128xf32, #tpu.memory_space<hbm>>) dst(%arg10 : memref<128xf32, #tpu.memory_space<vmem>>)
      tpu.yield
    }) : () -> ()
    "tpu.region"() ({
      %run_scoped3A = tpu.sem_alloc : memref<!tpu.dma_semaphore, #tpu.memory_space<semaphore_mem>>
      %dma_start3A_374 = tpu.memref_slice %arg6[%mul3A_2] : memref<4096xf32, #tpu.memory_space<hbm>> -> memref<128xf32, #tpu.memory_space<hbm>>
      %dma_start3A_375 = tpu.memref_slice %arg6[%mul3A_2] : memref<4096xf32, #tpu.memory_space<hbm>> -> memref<128xf32, #tpu.memory_space<hbm>>
      tpu.enqueue_dma source(%dma_start3A_375 : memref<128xf32, #tpu.memory_space<hbm>>) target(%arg11 : memref<128xf32, #tpu.memory_space<vmem>>) target_semaphore(%run_scoped3A : memref<!tpu.dma_semaphore, #tpu.memory_space<semaphore_mem>>)
      %dma_wait3A_376 = tpu.memref_slice %arg6[%mul3A_2] : memref<4096xf32, #tpu.memory_space<hbm>> -> memref<128xf32, #tpu.memory_space<hbm>>
      %dma_wait3A_377 = tpu.memref_slice %arg6[%mul3A_2] : memref<4096xf32, #tpu.memory_space<hbm>> -> memref<128xf32, #tpu.memory_space<hbm>>
      tpu.wait_dma2 semaphore(%run_scoped3A : memref<!tpu.dma_semaphore, #tpu.memory_space<semaphore_mem>>) src(%dma_wait3A_377 : memref<128xf32, #tpu.memory_space<hbm>>) dst(%arg11 : memref<128xf32, #tpu.memory_space<vmem>>)
      tpu.yield
    }) : () -> ()
    %iota3A = tpu.iota {dimensions = array<i32: 0>} : vector<16xi32>
    %get3A = arith.constant 0 : index
    %get3A_3 = tpu.vector_load %arg8[%get3A] {strides = array<i32>} : memref<128xi32, #tpu.memory_space<vmem>>, vector<16xi32>,
    %get3A_4 = vector.shape_cast %get3A_3 : vector<16xi32> to vector<16xi32>
    %swap3A = arith.constant 0 : index
    %swap3A_5 = tpu.vector_load %arg12[%swap3A] {strides = array<i32>} : memref<16xi32, #tpu.memory_space<vmem>>, vector<16xi32>,
    %swap3A_6 = vector.shape_cast %swap3A_5 : vector<16xi32> to vector<16xi32>
    %swap3A_7 = vector.shape_cast %get3A_4 : vector<16xi32> to vector<16xi32>
    tpu.vector_store %arg12[%swap3A], %swap3A_7 {strides = array<i32>} : memref<16xi32, #tpu.memory_space<vmem>>, vector<16xi32>,
    %get3A_8 = arith.constant 0 : index
    %get3A_9 = tpu.vector_load %arg9[%get3A_8] {strides = array<i32>} : memref<128xi32, #tpu.memory_space<vmem>>, vector<16xi32>,
    %get3A_10 = vector.shape_cast %get3A_9 : vector<16xi32> to vector<16xi32>
    %swap3A_11 = arith.constant 0 : index
    %swap3A_12 = tpu.vector_load %arg15[%swap3A_11] {strides = array<i32>} : memref<16xi32, #tpu.memory_space<vmem>>, vector<16xi32>,
    %swap3A_13 = vector.shape_cast %swap3A_12 : vector<16xi32> to vector<16xi32>
    %swap3A_14 = vector.shape_cast %get3A_10 : vector<16xi32> to vector<16xi32>
    tpu.vector_store %arg15[%swap3A_11], %swap3A_14 {strides = array<i32>} : memref<16xi32, #tpu.memory_space<vmem>>, vector<16xi32>,
    %dma_start3A = arith.constant 0 : i32
    %dma_start3A_15 = arith.constant 0 : i32
    %dma_start3A_16 = tpu.memref_slice %arg2[%dma_start3A, %dma_start3A_15] : memref<10240x1024xf32, #tpu.memory_space<hbm>> -> memref<10240x1024xf32, #tpu.memory_space<hbm>>
    tpu.enqueue_indirect_dma source(%dma_start3A_16 : memref<10240x1024xf32, #tpu.memory_space<hbm>>) target(%arg18 : memref<16x1024xf32, #tpu.memory_space<vmem>>) offsets(%arg12 : memref<16xi32, #tpu.memory_space<vmem>>) semaphore(%arg25 : memref<!tpu.dma_semaphore, #tpu.memory_space<semaphore_mem>>)
    %dma_start3A_17 = arith.constant 0 : i32
    %dma_start3A_18 = arith.constant 0 : i32
    %dma_start3A_19 = tpu.memref_slice %arg2[%dma_start3A_17, %dma_start3A_18] : memref<10240x1024xf32, #tpu.memory_space<hbm>> -> memref<10240x1024xf32, #tpu.memory_space<hbm>>
    tpu.enqueue_indirect_dma source(%dma_start3A_19 : memref<10240x1024xf32, #tpu.memory_space<hbm>>) target(%arg21 : memref<16x1024xf32, #tpu.memory_space<vmem>>) offsets(%arg15 : memref<16xi32, #tpu.memory_space<vmem>>) semaphore(%arg25 : memref<!tpu.dma_semaphore, #tpu.memory_space<semaphore_mem>>)
    %get3A_20 = arith.constant 16 : index
    %get3A_21 = tpu.vector_load %arg8[%get3A_20] {strides = array<i32>} : memref<128xi32, #tpu.memory_space<vmem>>, vector<16xi32>,
    %get3A_22 = vector.shape_cast %get3A_21 : vector<16xi32> to vector<16xi32>
    %swap3A_23 = arith.constant 0 : index
    %swap3A_24 = tpu.vector_load %arg13[%swap3A_23] {strides = array<i32>} : memref<16xi32, #tpu.memory_space<vmem>>, vector<16xi32>,
    %swap3A_25 = vector.shape_cast %swap3A_24 : vector<16xi32> to vector<16xi32>
    %swap3A_26 = vector.shape_cast %get3A_22 : vector<16xi32> to vector<16xi32>
    tpu.vector_store %arg13[%swap3A_23], %swap3A_26 {strides = array<i32>} : memref<16xi32, #tpu.memory_space<vmem>>, vector<16xi32>,
    %get3A_27 = arith.constant 16 : index
    %get3A_28 = tpu.vector_load %arg9[%get3A_27] {strides = array<i32>} : memref<128xi32, #tpu.memory_space<vmem>>, vector<16xi32>,
    %get3A_29 = vector.shape_cast %get3A_28 : vector<16xi32> to vector<16xi32>
    %swap3A_30 = arith.constant 0 : index
    %swap3A_31 = tpu.vector_load %arg16[%swap3A_30] {strides = array<i32>} : memref<16xi32, #tpu.memory_space<vmem>>, vector<16xi32>,
    %swap3A_32 = vector.shape_cast %swap3A_31 : vector<16xi32> to vector<16xi32>
    %swap3A_33 = vector.shape_cast %get3A_29 : vector<16xi32> to vector<16xi32>
    tpu.vector_store %arg16[%swap3A_30], %swap3A_33 {strides = array<i32>} : memref<16xi32, #tpu.memory_space<vmem>>, vector<16xi32>,
    %dma_start3A_34 = arith.constant 0 : i32
    %dma_start3A_35 = arith.constant 0 : i32
    %dma_start3A_36 = tpu.memref_slice %arg2[%dma_start3A_34, %dma_start3A_35] : memref<10240x1024xf32, #tpu.memory_space<hbm>> -> memref<10240x1024xf32, #tpu.memory_space<hbm>>
    tpu.enqueue_indirect_dma source(%dma_start3A_36 : memref<10240x1024xf32, #tpu.memory_space<hbm>>) target(%arg19 : memref<16x1024xf32, #tpu.memory_space<vmem>>) offsets(%arg13 : memref<16xi32, #tpu.memory_space<vmem>>) semaphore(%arg26 : memref<!tpu.dma_semaphore, #tpu.memory_space<semaphore_mem>>)
    %dma_start3A_37 = arith.constant 0 : i32
    %dma_start3A_38 = arith.constant 0 : i32
    %dma_start3A_39 = tpu.memref_slice %arg2[%dma_start3A_37, %dma_start3A_38] : memref<10240x1024xf32, #tpu.memory_space<hbm>> -> memref<10240x1024xf32, #tpu.memory_space<hbm>>
    tpu.enqueue_indirect_dma source(%dma_start3A_39 : memref<10240x1024xf32, #tpu.memory_space<hbm>>) target(%arg22 : memref<16x1024xf32, #tpu.memory_space<vmem>>) offsets(%arg16 : memref<16xi32, #tpu.memory_space<vmem>>) semaphore(%arg26 : memref<!tpu.dma_semaphore, #tpu.memory_space<semaphore_mem>>)
    %dma_wait3A = arith.constant 0 : i32
    %dma_wait3A_40 = arith.constant 0 : i32
    %dma_wait3A_41 = tpu.memref_slice %arg2[%dma_wait3A, %dma_wait3A_40] : memref<10240x1024xf32, #tpu.memory_space<hbm>> -> memref<10240x1024xf32, #tpu.memory_space<hbm>>
    tpu.wait_indirect_dma semaphore(%arg25 : memref<!tpu.dma_semaphore, #tpu.memory_space<semaphore_mem>>) src(%dma_wait3A_41 : memref<10240x1024xf32, #tpu.memory_space<hbm>>) dst(%arg18 : memref<16x1024xf32, #tpu.memory_space<vmem>>)
    %dma_wait3A_42 = arith.constant 0 : i32
    %dma_wait3A_43 = arith.constant 0 : i32
    %dma_wait3A_44 = tpu.memref_slice %arg2[%dma_wait3A_42, %dma_wait3A_43] : memref<10240x1024xf32, #tpu.memory_space<hbm>> -> memref<10240x1024xf32, #tpu.memory_space<hbm>>
    tpu.wait_indirect_dma semaphore(%arg25 : memref<!tpu.dma_semaphore, #tpu.memory_space<semaphore_mem>>) src(%dma_wait3A_44 : memref<10240x1024xf32, #tpu.memory_space<hbm>>) dst(%arg21 : memref<16x1024xf32, #tpu.memory_space<vmem>>)
    %get3A_45 = arith.constant 32 : index
    %get3A_46 = tpu.vector_load %arg8[%get3A_45] {strides = array<i32>} : memref<128xi32, #tpu.memory_space<vmem>>, vector<16xi32>,
    %get3A_47 = vector.shape_cast %get3A_46 : vector<16xi32> to vector<16xi32>
    %swap3A_48 = arith.constant 0 : index
    %swap3A_49 = tpu.vector_load %arg14[%swap3A_48] {strides = array<i32>} : memref<16xi32, #tpu.memory_space<vmem>>, vector<16xi32>,
    %swap3A_50 = vector.shape_cast %swap3A_49 : vector<16xi32> to vector<16xi32>
    %swap3A_51 = vector.shape_cast %get3A_47 : vector<16xi32> to vector<16xi32>
    tpu.vector_store %arg14[%swap3A_48], %swap3A_51 {strides = array<i32>} : memref<16xi32, #tpu.memory_space<vmem>>, vector<16xi32>,
    %get3A_52 = arith.constant 32 : index
    %get3A_53 = tpu.vector_load %arg9[%get3A_52] {strides = array<i32>} : memref<128xi32, #tpu.memory_space<vmem>>, vector<16xi32>,
    %get3A_54 = vector.shape_cast %get3A_53 : vector<16xi32> to vector<16xi32>
    %swap3A_55 = arith.constant 0 : index
    %swap3A_56 = tpu.vector_load %arg17[%swap3A_55] {strides = array<i32>} : memref<16xi32, #tpu.memory_space<vmem>>, vector<16xi32>,
    %swap3A_57 = vector.shape_cast %swap3A_56 : vector<16xi32> to vector<16xi32>
    %swap3A_58 = vector.shape_cast %get3A_54 : vector<16xi32> to vector<16xi32>
    tpu.vector_store %arg17[%swap3A_55], %swap3A_58 {strides = array<i32>} : memref<16xi32, #tpu.memory_space<vmem>>, vector<16xi32>,
    %dma_start3A_59 = arith.constant 0 : i32
    %dma_start3A_60 = arith.constant 0 : i32
    %dma_start3A_61 = tpu.memref_slice %arg2[%dma_start3A_59, %dma_start3A_60] : memref<10240x1024xf32, #tpu.memory_space<hbm>> -> memref<10240x1024xf32, #tpu.memory_space<hbm>>
    tpu.enqueue_indirect_dma source(%dma_start3A_61 : memref<10240x1024xf32, #tpu.memory_space<hbm>>) target(%arg20 : memref<16x1024xf32, #tpu.memory_space<vmem>>) offsets(%arg14 : memref<16xi32, #tpu.memory_space<vmem>>) semaphore(%arg27 : memref<!tpu.dma_semaphore, #tpu.memory_space<semaphore_mem>>)
    %dma_start3A_62 = arith.constant 0 : i32
    %dma_start3A_63 = arith.constant 0 : i32
    %dma_start3A_64 = tpu.memref_slice %arg2[%dma_start3A_62, %dma_start3A_63] : memref<10240x1024xf32, #tpu.memory_space<hbm>> -> memref<10240x1024xf32, #tpu.memory_space<hbm>>
    tpu.enqueue_indirect_dma source(%dma_start3A_64 : memref<10240x1024xf32, #tpu.memory_space<hbm>>) target(%arg23 : memref<16x1024xf32, #tpu.memory_space<vmem>>) offsets(%arg17 : memref<16xi32, #tpu.memory_space<vmem>>) semaphore(%arg27 : memref<!tpu.dma_semaphore, #tpu.memory_space<semaphore_mem>>)
    %get3A_65 = arith.constant 0 : index
    %get3A_66 = tpu.vector_load %arg10[%get3A_65] {strides = array<i32>} : memref<128xf32, #tpu.memory_space<vmem>>, vector<16xf32>,
    %get3A_67 = vector.shape_cast %get3A_66 : vector<16xf32> to vector<16xf32>
    %get3A_68 = arith.constant 0 : index
    %get3A_69 = tpu.vector_load %arg11[%get3A_68] {strides = array<i32>} : memref<128xf32, #tpu.memory_space<vmem>>, vector<16xf32>,
    %get3A_70 = vector.shape_cast %get3A_69 : vector<16xf32> to vector<16xf32>
    %scan3A = arith.constant 0 : i32
    %scan3A_71 = arith.constant 0 : i32
    %scan3A_72 = arith.constant 16 : i32
    %scan3A_73 = arith.addi %scan3A_71, %scan3A_72 : i32
    %scan3A_74 = arith.constant 1 : i32
    %scan3A_75 = scf.for %scan3A_374 = %scan3A_71 to %scan3A_73 step %scan3A_74 iter_args(%scan3A_375 = %scan3A) -> (i32)  : i32 {
      %broadcast_in_dim3A = vector.broadcast %scan3A_374 : i32 to vector<16xi32>
      %lt3A = arith.constant 0 : i32
      %lt3A_376 = vector.broadcast %lt3A : i32 to vector<16xi32>
      %lt3A_377 = arith.cmpi slt, %broadcast_in_dim3A, %lt3A_376 : vector<16xi32>
      %add3A_378 = arith.constant 16 : i32
      %add3A_379 = vector.broadcast %add3A_378 : i32 to vector<16xi32>
      %add3A_380 = arith.addi %broadcast_in_dim3A, %add3A_379 : vector<16xi32>
      %select_n3A = arith.select %lt3A_377, %add3A_380, %broadcast_in_dim3A : vector<16xi1>, vector<16xi32>
      %broadcast_in_dim3A_381 = vector.shape_cast %select_n3A : vector<16xi32> to vector<16x1xi32>
      %gather3A = vector.shape_cast %broadcast_in_dim3A_381 : vector<16x1xi32> to vector<16xi32>
      %gather3A_382 = tpu.dynamic_gather %get3A_67[%gather3A] in [0] : vector<16xf32>, vector<16xi32> -> vector<16xf32>
      %lt3A_383 = arith.constant 0 : i32
      %lt3A_384 = vector.broadcast %lt3A_383 : i32 to vector<16xi32>
      %lt3A_385 = arith.cmpi slt, %broadcast_in_dim3A, %lt3A_384 : vector<16xi32>
      %add3A_386 = arith.constant 16 : i32
      %add3A_387 = vector.broadcast %add3A_386 : i32 to vector<16xi32>
      %add3A_388 = arith.addi %broadcast_in_dim3A, %add3A_387 : vector<16xi32>
      %select_n3A_389 = arith.select %lt3A_385, %add3A_388, %broadcast_in_dim3A : vector<16xi1>, vector<16xi32>
      %broadcast_in_dim3A_390 = vector.shape_cast %select_n3A_389 : vector<16xi32> to vector<16x1xi32>
      %gather3A_391 = vector.shape_cast %broadcast_in_dim3A_390 : vector<16x1xi32> to vector<16xi32>
      %gather3A_392 = tpu.dynamic_gather %get3A_70[%gather3A_391] in [0] : vector<16xf32>, vector<16xi32> -> vector<16xf32>
      %mul3A_393 = arith.constant 1024 : i32
      %mul3A_394 = arith.muli %scan3A_374, %mul3A_393 : i32
      %scan3A_395 = arith.constant 0 : i32
      %scan3A_396 = arith.constant 0 : i32
      %scan3A_397 = arith.constant 16 : i32
      %scan3A_398 = arith.addi %scan3A_396, %scan3A_397 : i32
      %scan3A_399 = arith.constant 1 : i32
      %scan3A_400 = scf.for %scan3A_403 = %scan3A_396 to %scan3A_398 step %scan3A_399 iter_args(%scan3A_404 = %scan3A_395) -> (i32)  : i32 {
        %mul3A_405 = arith.constant 64 : i32
        %mul3A_406 = arith.muli %scan3A_403, %mul3A_405 : i32
        %add3A_407 = arith.constant 0 : i32
        %add3A_408 = arith.addi %mul3A_406, %add3A_407 : i32
        %get3A_409 = arith.index_cast %scan3A_374 : i32 to index
        %get3A_410 = arith.index_cast %add3A_408 : i32 to index
        %get3A_411 = tpu.vector_load %arg18[%get3A_409, %get3A_410] {strides = array<i32>} : memref<16x1024xf32, #tpu.memory_space<vmem>>, vector<1x16xf32>,
        %get3A_412 = vector.shape_cast %get3A_411 : vector<1x16xf32> to vector<16xf32>
        %get3A_413 = arith.index_cast %scan3A_374 : i32 to index
        %get3A_414 = arith.index_cast %add3A_408 : i32 to index
        %get3A_415 = tpu.vector_load %arg21[%get3A_413, %get3A_414] {strides = array<i32>} : memref<16x1024xf32, #tpu.memory_space<vmem>>, vector<1x16xf32>,
        %get3A_416 = vector.shape_cast %get3A_415 : vector<1x16xf32> to vector<16xf32>
        %mul3A_417 = arith.mulf %gather3A_382, %get3A_412 : vector<16xf32>
        %mul3A_418 = arith.mulf %gather3A_392, %get3A_416 : vector<16xf32>
        %add3A_419 = arith.addf %mul3A_417, %mul3A_418 : vector<16xf32>
        %add3A_420 = arith.addi %mul3A_394, %add3A_408 : i32
        %swap3A_421 = arith.index_cast %add3A_420 : i32 to index
        %swap3A_422 = tpu.vector_load %arg24[%swap3A_421] {strides = array<i32>} : memref<16384xf32, #tpu.memory_space<vmem>>, vector<16xf32>,
        %swap3A_423 = vector.shape_cast %swap3A_422 : vector<16xf32> to vector<16xf32>
        %swap3A_424 = vector.shape_cast %add3A_419 : vector<16xf32> to vector<16xf32>
        tpu.vector_store %arg24[%swap3A_421], %swap3A_424 {strides = array<i32>} : memref<16384xf32, #tpu.memory_space<vmem>>, vector<16xf32>,
        %mul3A_425 = arith.constant 64 : i32
        %mul3A_426 = arith.muli %scan3A_403, %mul3A_425 : i32
        %add3A_427 = arith.constant 16 : i32
        %add3A_428 = arith.addi %mul3A_426, %add3A_427 : i32
        %get3A_429 = arith.index_cast %scan3A_374 : i32 to index
        %get3A_430 = arith.index_cast %add3A_428 : i32 to index
        %get3A_431 = tpu.vector_load %arg18[%get3A_429, %get3A_430] {strides = array<i32>} : memref<16x1024xf32, #tpu.memory_space<vmem>>, vector<1x16xf32>,
        %get3A_432 = vector.shape_cast %get3A_431 : vector<1x16xf32> to vector<16xf32>
        %get3A_433 = arith.index_cast %scan3A_374 : i32 to index
        %get3A_434 = arith.index_cast %add3A_428 : i32 to index
        %get3A_435 = tpu.vector_load %arg21[%get3A_433, %get3A_434] {strides = array<i32>} : memref<16x1024xf32, #tpu.memory_space<vmem>>, vector<1x16xf32>,
        %get3A_436 = vector.shape_cast %get3A_435 : vector<1x16xf32> to vector<16xf32>
        %mul3A_437 = arith.mulf %gather3A_382, %get3A_432 : vector<16xf32>
        %mul3A_438 = arith.mulf %gather3A_392, %get3A_436 : vector<16xf32>
        %add3A_439 = arith.addf %mul3A_437, %mul3A_438 : vector<16xf32>
        %add3A_440 = arith.addi %mul3A_394, %add3A_428 : i32
        %swap3A_441 = arith.index_cast %add3A_440 : i32 to index
        %swap3A_442 = tpu.vector_load %arg24[%swap3A_441] {strides = array<i32>} : memref<16384xf32, #tpu.memory_space<vmem>>, vector<16xf32>,
        %swap3A_443 = vector.shape_cast %swap3A_442 : vector<16xf32> to vector<16xf32>
        %swap3A_444 = vector.shape_cast %add3A_439 : vector<16xf32> to vector<16xf32>
        tpu.vector_store %arg24[%swap3A_441], %swap3A_444 {strides = array<i32>} : memref<16384xf32, #tpu.memory_space<vmem>>, vector<16xf32>,
        %mul3A_445 = arith.constant 64 : i32
        %mul3A_446 = arith.muli %scan3A_403, %mul3A_445 : i32
        %add3A_447 = arith.constant 32 : i32
        %add3A_448 = arith.addi %mul3A_446, %add3A_447 : i32
        %get3A_449 = arith.index_cast %scan3A_374 : i32 to index
        %get3A_450 = arith.index_cast %add3A_448 : i32 to index
        %get3A_451 = tpu.vector_load %arg18[%get3A_449, %get3A_450] {strides = array<i32>} : memref<16x1024xf32, #tpu.memory_space<vmem>>, vector<1x16xf32>,
        %get3A_452 = vector.shape_cast %get3A_451 : vector<1x16xf32> to vector<16xf32>
        %get3A_453 = arith.index_cast %scan3A_374 : i32 to index
        %get3A_454 = arith.index_cast %add3A_448 : i32 to index
        %get3A_455 = tpu.vector_load %arg21[%get3A_453, %get3A_454] {strides = array<i32>} : memref<16x1024xf32, #tpu.memory_space<vmem>>, vector<1x16xf32>,
        %get3A_456 = vector.shape_cast %get3A_455 : vector<1x16xf32> to vector<16xf32>
        %mul3A_457 = arith.mulf %gather3A_382, %get3A_452 : vector<16xf32>
        %mul3A_458 = arith.mulf %gather3A_392, %get3A_456 : vector<16xf32>
        %add3A_459 = arith.addf %mul3A_457, %mul3A_458 : vector<16xf32>
        %add3A_460 = arith.addi %mul3A_394, %add3A_448 : i32
        %swap3A_461 = arith.index_cast %add3A_460 : i32 to index
        %swap3A_462 = tpu.vector_load %arg24[%swap3A_461] {strides = array<i32>} : memref<16384xf32, #tpu.memory_space<vmem>>, vector<16xf32>,
        %swap3A_463 = vector.shape_cast %swap3A_462 : vector<16xf32> to vector<16xf32>
        %swap3A_464 = vector.shape_cast %add3A_459 : vector<16xf32> to vector<16xf32>
        tpu.vector_store %arg24[%swap3A_461], %swap3A_464 {strides = array<i32>} : memref<16384xf32, #tpu.memory_space<vmem>>, vector<16xf32>,
        %mul3A_465 = arith.constant 64 : i32
        %mul3A_466 = arith.muli %scan3A_403, %mul3A_465 : i32
        %add3A_467 = arith.constant 48 : i32
        %add3A_468 = arith.addi %mul3A_466, %add3A_467 : i32
        %get3A_469 = arith.index_cast %scan3A_374 : i32 to index
        %get3A_470 = arith.index_cast %add3A_468 : i32 to index
        %get3A_471 = tpu.vector_load %arg18[%get3A_469, %get3A_470] {strides = array<i32>} : memref<16x1024xf32, #tpu.memory_space<vmem>>, vector<1x16xf32>,
        %get3A_472 = vector.shape_cast %get3A_471 : vector<1x16xf32> to vector<16xf32>
        %get3A_473 = arith.index_cast %scan3A_374 : i32 to index
        %get3A_474 = arith.index_cast %add3A_468 : i32 to index
        %get3A_475 = tpu.vector_load %arg21[%get3A_473, %get3A_474] {strides = array<i32>} : memref<16x1024xf32, #tpu.memory_space<vmem>>, vector<1x16xf32>,
        %get3A_476 = vector.shape_cast %get3A_475 : vector<1x16xf32> to vector<16xf32>
        %mul3A_477 = arith.mulf %gather3A_382, %get3A_472 : vector<16xf32>
        %mul3A_478 = arith.mulf %gather3A_392, %get3A_476 : vector<16xf32>
        %add3A_479 = arith.addf %mul3A_477, %mul3A_478 : vector<16xf32>
        %add3A_480 = arith.addi %mul3A_394, %add3A_468 : i32
        %swap3A_481 = arith.index_cast %add3A_480 : i32 to index
        %swap3A_482 = tpu.vector_load %arg24[%swap3A_481] {strides = array<i32>} : memref<16384xf32, #tpu.memory_space<vmem>>, vector<16xf32>,
        %swap3A_483 = vector.shape_cast %swap3A_482 : vector<16xf32> to vector<16xf32>
        %swap3A_484 = vector.shape_cast %add3A_479 : vector<16xf32> to vector<16xf32>
        tpu.vector_store %arg24[%swap3A_481], %swap3A_484 {strides = array<i32>} : memref<16384xf32, #tpu.memory_space<vmem>>, vector<16xf32>,
        %scan3A_485 = arith.constant 0 : i32
        scf.yield %scan3A_485 : i32
      }
      %scan3A_401 = arith.constant 16 : i32
      %scan3A_402 = arith.constant 0 : i32
      scf.yield %scan3A_402 : i32
    }
    %scan3A_76 = arith.constant 16 : i32
    %add3A_77 = arith.constant 0 : i32
    %add3A_78 = arith.addi %mul3A_2, %add3A_77 : i32
    %mul3A_79 = arith.constant 1024 : i32
    %mul3A_80 = arith.muli %add3A_78, %mul3A_79 : i32
    %dma_start3A_81 = tpu.memref_slice %arg7[%mul3A_80] : memref<4194304xf32, #tpu.memory_space<hbm>> -> memref<16384xf32, #tpu.memory_space<hbm>>
    %dma_start3A_82 = tpu.memref_slice %arg7[%mul3A_80] : memref<4194304xf32, #tpu.memory_space<hbm>> -> memref<16384xf32, #tpu.memory_space<hbm>>
    tpu.enqueue_dma source(%arg24 : memref<16384xf32, #tpu.memory_space<vmem>>) target(%dma_start3A_82 : memref<16384xf32, #tpu.memory_space<hbm>>) target_semaphore(%arg28 : memref<!tpu.dma_semaphore, #tpu.memory_space<semaphore_mem>>)
    %dma_wait3A_83 = arith.constant 0 : i32
    %dma_wait3A_84 = arith.constant 0 : i32
    %dma_wait3A_85 = tpu.memref_slice %arg2[%dma_wait3A_83, %dma_wait3A_84] : memref<10240x1024xf32, #tpu.memory_space<hbm>> -> memref<10240x1024xf32, #tpu.memory_space<hbm>>
    tpu.wait_indirect_dma semaphore(%arg26 : memref<!tpu.dma_semaphore, #tpu.memory_space<semaphore_mem>>) src(%dma_wait3A_85 : memref<10240x1024xf32, #tpu.memory_space<hbm>>) dst(%arg19 : memref<16x1024xf32, #tpu.memory_space<vmem>>)
    %dma_wait3A_86 = arith.constant 0 : i32
    %dma_wait3A_87 = arith.constant 0 : i32
    %dma_wait3A_88 = tpu.memref_slice %arg2[%dma_wait3A_86, %dma_wait3A_87] : memref<10240x1024xf32, #tpu.memory_space<hbm>> -> memref<10240x1024xf32, #tpu.memory_space<hbm>>
    tpu.wait_indirect_dma semaphore(%arg26 : memref<!tpu.dma_semaphore, #tpu.memory_space<semaphore_mem>>) src(%dma_wait3A_88 : memref<10240x1024xf32, #tpu.memory_space<hbm>>) dst(%arg22 : memref<16x1024xf32, #tpu.memory_space<vmem>>)
    %get3A_89 = arith.constant 48 : index
    %get3A_90 = tpu.vector_load %arg8[%get3A_89] {strides = array<i32>} : memref<128xi32, #tpu.memory_space<vmem>>, vector<16xi32>,
    %get3A_91 = vector.shape_cast %get3A_90 : vector<16xi32> to vector<16xi32>
    %swap3A_92 = arith.constant 0 : index
    %swap3A_93 = tpu.vector_load %arg12[%swap3A_92] {strides = array<i32>} : memref<16xi32, #tpu.memory_space<vmem>>, vector<16xi32>,
    %swap3A_94 = vector.shape_cast %swap3A_93 : vector<16xi32> to vector<16xi32>
    %swap3A_95 = vector.shape_cast %get3A_91 : vector<16xi32> to vector<16xi32>
    tpu.vector_store %arg12[%swap3A_92], %swap3A_95 {strides = array<i32>} : memref<16xi32, #tpu.memory_space<vmem>>, vector<16xi32>,
    %get3A_96 = arith.constant 48 : index
    %get3A_97 = tpu.vector_load %arg9[%get3A_96] {strides = array<i32>} : memref<128xi32, #tpu.memory_space<vmem>>, vector<16xi32>,
    %get3A_98 = vector.shape_cast %get3A_97 : vector<16xi32> to vector<16xi32>
    %swap3A_99 = arith.constant 0 : index
    %swap3A_100 = tpu.vector_load %arg15[%swap3A_99] {strides = array<i32>} : memref<16xi32, #tpu.memory_space<vmem>>, vector<16xi32>,
    %swap3A_101 = vector.shape_cast %swap3A_100 : vector<16xi32> to vector<16xi32>
    %swap3A_102 = vector.shape_cast %get3A_98 : vector<16xi32> to vector<16xi32>
    tpu.vector_store %arg15[%swap3A_99], %swap3A_102 {strides = array<i32>} : memref<16xi32, #tpu.memory_space<vmem>>, vector<16xi32>,
    %dma_start3A_103 = arith.constant 0 : i32
    %dma_start3A_104 = arith.constant 0 : i32
    %dma_start3A_105 = tpu.memref_slice %arg2[%dma_start3A_103, %dma_start3A_104] : memref<10240x1024xf32, #tpu.memory_space<hbm>> -> memref<10240x1024xf32, #tpu.memory_space<hbm>>
    tpu.enqueue_indirect_dma source(%dma_start3A_105 : memref<10240x1024xf32, #tpu.memory_space<hbm>>) target(%arg18 : memref<16x1024xf32, #tpu.memory_space<vmem>>) offsets(%arg12 : memref<16xi32, #tpu.memory_space<vmem>>) semaphore(%arg25 : memref<!tpu.dma_semaphore, #tpu.memory_space<semaphore_mem>>)
    %dma_start3A_106 = arith.constant 0 : i32
    %dma_start3A_107 = arith.constant 0 : i32
    %dma_start3A_108 = tpu.memref_slice %arg2[%dma_start3A_106, %dma_start3A_107] : memref<10240x1024xf32, #tpu.memory_space<hbm>> -> memref<10240x1024xf32, #tpu.memory_space<hbm>>
    tpu.enqueue_indirect_dma source(%dma_start3A_108 : memref<10240x1024xf32, #tpu.memory_space<hbm>>) target(%arg21 : memref<16x1024xf32, #tpu.memory_space<vmem>>) offsets(%arg15 : memref<16xi32, #tpu.memory_space<vmem>>) semaphore(%arg25 : memref<!tpu.dma_semaphore, #tpu.memory_space<semaphore_mem>>)
    %dma_wait3A_109 = tpu.memref_slice %arg7[%mul3A_80] : memref<4194304xf32, #tpu.memory_space<hbm>> -> memref<16384xf32, #tpu.memory_space<hbm>>
    %dma_wait3A_110 = tpu.memref_slice %arg7[%mul3A_80] : memref<4194304xf32, #tpu.memory_space<hbm>> -> memref<16384xf32, #tpu.memory_space<hbm>>
    tpu.wait_dma2 semaphore(%arg28 : memref<!tpu.dma_semaphore, #tpu.memory_space<semaphore_mem>>) src(%arg24 : memref<16384xf32, #tpu.memory_space<vmem>>) dst(%dma_wait3A_110 : memref<16384xf32, #tpu.memory_space<hbm>>)
    %get3A_111 = arith.constant 16 : index
    %get3A_112 = tpu.vector_load %arg10[%get3A_111] {strides = array<i32>} : memref<128xf32, #tpu.memory_space<vmem>>, vector<16xf32>,
    %get3A_113 = vector.shape_cast %get3A_112 : vector<16xf32> to vector<16xf32>
    %get3A_114 = arith.constant 16 : index
    %get3A_115 = tpu.vector_load %arg11[%get3A_114] {strides = array<i32>} : memref<128xf32, #tpu.memory_space<vmem>>, vector<16xf32>,
    %get3A_116 = vector.shape_cast %get3A_115 : vector<16xf32> to vector<16xf32>
    %scan3A_117 = arith.constant 0 : i32
    %scan3A_118 = arith.constant 0 : i32
    %scan3A_119 = arith.constant 16 : i32
    %scan3A_120 = arith.addi %scan3A_118, %scan3A_119 : i32
    %scan3A_121 = arith.constant 1 : i32
    %scan3A_122 = scf.for %scan3A_374 = %scan3A_118 to %scan3A_120 step %scan3A_121 iter_args(%scan3A_375 = %scan3A_117) -> (i32)  : i32 {
      %broadcast_in_dim3A = vector.broadcast %scan3A_374 : i32 to vector<16xi32>
      %lt3A = arith.constant 0 : i32
      %lt3A_376 = vector.broadcast %lt3A : i32 to vector<16xi32>
      %lt3A_377 = arith.cmpi slt, %broadcast_in_dim3A, %lt3A_376 : vector<16xi32>
      %add3A_378 = arith.constant 16 : i32
      %add3A_379 = vector.broadcast %add3A_378 : i32 to vector<16xi32>
      %add3A_380 = arith.addi %broadcast_in_dim3A, %add3A_379 : vector<16xi32>
      %select_n3A = arith.select %lt3A_377, %add3A_380, %broadcast_in_dim3A : vector<16xi1>, vector<16xi32>
      %broadcast_in_dim3A_381 = vector.shape_cast %select_n3A : vector<16xi32> to vector<16x1xi32>
      %gather3A = vector.shape_cast %broadcast_in_dim3A_381 : vector<16x1xi32> to vector<16xi32>
      %gather3A_382 = tpu.dynamic_gather %get3A_113[%gather3A] in [0] : vector<16xf32>, vector<16xi32> -> vector<16xf32>
      %lt3A_383 = arith.constant 0 : i32
      %lt3A_384 = vector.broadcast %lt3A_383 : i32 to vector<16xi32>
      %lt3A_385 = arith.cmpi slt, %broadcast_in_dim3A, %lt3A_384 : vector<16xi32>
      %add3A_386 = arith.constant 16 : i32
      %add3A_387 = vector.broadcast %add3A_386 : i32 to vector<16xi32>
      %add3A_388 = arith.addi %broadcast_in_dim3A, %add3A_387 : vector<16xi32>
      %select_n3A_389 = arith.select %lt3A_385, %add3A_388, %broadcast_in_dim3A : vector<16xi1>, vector<16xi32>
      %broadcast_in_dim3A_390 = vector.shape_cast %select_n3A_389 : vector<16xi32> to vector<16x1xi32>
      %gather3A_391 = vector.shape_cast %broadcast_in_dim3A_390 : vector<16x1xi32> to vector<16xi32>
      %gather3A_392 = tpu.dynamic_gather %get3A_116[%gather3A_391] in [0] : vector<16xf32>, vector<16xi32> -> vector<16xf32>
      %mul3A_393 = arith.constant 1024 : i32
      %mul3A_394 = arith.muli %scan3A_374, %mul3A_393 : i32
      %scan3A_395 = arith.constant 0 : i32
      %scan3A_396 = arith.constant 0 : i32
      %scan3A_397 = arith.constant 16 : i32
      %scan3A_398 = arith.addi %scan3A_396, %scan3A_397 : i32
      %scan3A_399 = arith.constant 1 : i32
      %scan3A_400 = scf.for %scan3A_403 = %scan3A_396 to %scan3A_398 step %scan3A_399 iter_args(%scan3A_404 = %scan3A_395) -> (i32)  : i32 {
        %mul3A_405 = arith.constant 64 : i32
        %mul3A_406 = arith.muli %scan3A_403, %mul3A_405 : i32
        %add3A_407 = arith.constant 0 : i32
        %add3A_408 = arith.addi %mul3A_406, %add3A_407 : i32
        %get3A_409 = arith.index_cast %scan3A_374 : i32 to index
        %get3A_410 = arith.index_cast %add3A_408 : i32 to index
        %get3A_411 = tpu.vector_load %arg19[%get3A_409, %get3A_410] {strides = array<i32>} : memref<16x1024xf32, #tpu.memory_space<vmem>>, vector<1x16xf32>,
        %get3A_412 = vector.shape_cast %get3A_411 : vector<1x16xf32> to vector<16xf32>
        %get3A_413 = arith.index_cast %scan3A_374 : i32 to index
        %get3A_414 = arith.index_cast %add3A_408 : i32 to index
        %get3A_415 = tpu.vector_load %arg22[%get3A_413, %get3A_414] {strides = array<i32>} : memref<16x1024xf32, #tpu.memory_space<vmem>>, vector<1x16xf32>,
        %get3A_416 = vector.shape_cast %get3A_415 : vector<1x16xf32> to vector<16xf32>
        %mul3A_417 = arith.mulf %gather3A_382, %get3A_412 : vector<16xf32>
        %mul3A_418 = arith.mulf %gather3A_392, %get3A_416 : vector<16xf32>
        %add3A_419 = arith.addf %mul3A_417, %mul3A_418 : vector<16xf32>
        %add3A_420 = arith.addi %mul3A_394, %add3A_408 : i32
        %swap3A_421 = arith.index_cast %add3A_420 : i32 to index
        %swap3A_422 = tpu.vector_load %arg24[%swap3A_421] {strides = array<i32>} : memref<16384xf32, #tpu.memory_space<vmem>>, vector<16xf32>,
        %swap3A_423 = vector.shape_cast %swap3A_422 : vector<16xf32> to vector<16xf32>
        %swap3A_424 = vector.shape_cast %add3A_419 : vector<16xf32> to vector<16xf32>
        tpu.vector_store %arg24[%swap3A_421], %swap3A_424 {strides = array<i32>} : memref<16384xf32, #tpu.memory_space<vmem>>, vector<16xf32>,
        %mul3A_425 = arith.constant 64 : i32
        %mul3A_426 = arith.muli %scan3A_403, %mul3A_425 : i32
        %add3A_427 = arith.constant 16 : i32
        %add3A_428 = arith.addi %mul3A_426, %add3A_427 : i32
        %get3A_429 = arith.index_cast %scan3A_374 : i32 to index
        %get3A_430 = arith.index_cast %add3A_428 : i32 to index
        %get3A_431 = tpu.vector_load %arg19[%get3A_429, %get3A_430] {strides = array<i32>} : memref<16x1024xf32, #tpu.memory_space<vmem>>, vector<1x16xf32>,
        %get3A_432 = vector.shape_cast %get3A_431 : vector<1x16xf32> to vector<16xf32>
        %get3A_433 = arith.index_cast %scan3A_374 : i32 to index
        %get3A_434 = arith.index_cast %add3A_428 : i32 to index
        %get3A_435 = tpu.vector_load %arg22[%get3A_433, %get3A_434] {strides = array<i32>} : memref<16x1024xf32, #tpu.memory_space<vmem>>, vector<1x16xf32>,
        %get3A_436 = vector.shape_cast %get3A_435 : vector<1x16xf32> to vector<16xf32>
        %mul3A_437 = arith.mulf %gather3A_382, %get3A_432 : vector<16xf32>
        %mul3A_438 = arith.mulf %gather3A_392, %get3A_436 : vector<16xf32>
        %add3A_439 = arith.addf %mul3A_437, %mul3A_438 : vector<16xf32>
        %add3A_440 = arith.addi %mul3A_394, %add3A_428 : i32
        %swap3A_441 = arith.index_cast %add3A_440 : i32 to index
        %swap3A_442 = tpu.vector_load %arg24[%swap3A_441] {strides = array<i32>} : memref<16384xf32, #tpu.memory_space<vmem>>, vector<16xf32>,
        %swap3A_443 = vector.shape_cast %swap3A_442 : vector<16xf32> to vector<16xf32>
        %swap3A_444 = vector.shape_cast %add3A_439 : vector<16xf32> to vector<16xf32>
        tpu.vector_store %arg24[%swap3A_441], %swap3A_444 {strides = array<i32>} : memref<16384xf32, #tpu.memory_space<vmem>>, vector<16xf32>,
        %mul3A_445 = arith.constant 64 : i32
        %mul3A_446 = arith.muli %scan3A_403, %mul3A_445 : i32
        %add3A_447 = arith.constant 32 : i32
        %add3A_448 = arith.addi %mul3A_446, %add3A_447 : i32
        %get3A_449 = arith.index_cast %scan3A_374 : i32 to index
        %get3A_450 = arith.index_cast %add3A_448 : i32 to index
        %get3A_451 = tpu.vector_load %arg19[%get3A_449, %get3A_450] {strides = array<i32>} : memref<16x1024xf32, #tpu.memory_space<vmem>>, vector<1x16xf32>,
        %get3A_452 = vector.shape_cast %get3A_451 : vector<1x16xf32> to vector<16xf32>
        %get3A_453 = arith.index_cast %scan3A_374 : i32 to index
        %get3A_454 = arith.index_cast %add3A_448 : i32 to index
        %get3A_455 = tpu.vector_load %arg22[%get3A_453, %get3A_454] {strides = array<i32>} : memref<16x1024xf32, #tpu.memory_space<vmem>>, vector<1x16xf32>,
        %get3A_456 = vector.shape_cast %get3A_455 : vector<1x16xf32> to vector<16xf32>
        %mul3A_457 = arith.mulf %gather3A_382, %get3A_452 : vector<16xf32>
        %mul3A_458 = arith.mulf %gather3A_392, %get3A_456 : vector<16xf32>
        %add3A_459 = arith.addf %mul3A_457, %mul3A_458 : vector<16xf32>
        %add3A_460 = arith.addi %mul3A_394, %add3A_448 : i32
        %swap3A_461 = arith.index_cast %add3A_460 : i32 to index
        %swap3A_462 = tpu.vector_load %arg24[%swap3A_461] {strides = array<i32>} : memref<16384xf32, #tpu.memory_space<vmem>>, vector<16xf32>,
        %swap3A_463 = vector.shape_cast %swap3A_462 : vector<16xf32> to vector<16xf32>
        %swap3A_464 = vector.shape_cast %add3A_459 : vector<16xf32> to vector<16xf32>
        tpu.vector_store %arg24[%swap3A_461], %swap3A_464 {strides = array<i32>} : memref<16384xf32, #tpu.memory_space<vmem>>, vector<16xf32>,
        %mul3A_465 = arith.constant 64 : i32
        %mul3A_466 = arith.muli %scan3A_403, %mul3A_465 : i32
        %add3A_467 = arith.constant 48 : i32
        %add3A_468 = arith.addi %mul3A_466, %add3A_467 : i32
        %get3A_469 = arith.index_cast %scan3A_374 : i32 to index
        %get3A_470 = arith.index_cast %add3A_468 : i32 to index
        %get3A_471 = tpu.vector_load %arg19[%get3A_469, %get3A_470] {strides = array<i32>} : memref<16x1024xf32, #tpu.memory_space<vmem>>, vector<1x16xf32>,
        %get3A_472 = vector.shape_cast %get3A_471 : vector<1x16xf32> to vector<16xf32>
        %get3A_473 = arith.index_cast %scan3A_374 : i32 to index
        %get3A_474 = arith.index_cast %add3A_468 : i32 to index
        %get3A_475 = tpu.vector_load %arg22[%get3A_473, %get3A_474] {strides = array<i32>} : memref<16x1024xf32, #tpu.memory_space<vmem>>, vector<1x16xf32>,
        %get3A_476 = vector.shape_cast %get3A_475 : vector<1x16xf32> to vector<16xf32>
        %mul3A_477 = arith.mulf %gather3A_382, %get3A_472 : vector<16xf32>
        %mul3A_478 = arith.mulf %gather3A_392, %get3A_476 : vector<16xf32>
        %add3A_479 = arith.addf %mul3A_477, %mul3A_478 : vector<16xf32>
        %add3A_480 = arith.addi %mul3A_394, %add3A_468 : i32
        %swap3A_481 = arith.index_cast %add3A_480 : i32 to index
        %swap3A_482 = tpu.vector_load %arg24[%swap3A_481] {strides = array<i32>} : memref<16384xf32, #tpu.memory_space<vmem>>, vector<16xf32>,
        %swap3A_483 = vector.shape_cast %swap3A_482 : vector<16xf32> to vector<16xf32>
        %swap3A_484 = vector.shape_cast %add3A_479 : vector<16xf32> to vector<16xf32>
        tpu.vector_store %arg24[%swap3A_481], %swap3A_484 {strides = array<i32>} : memref<16384xf32, #tpu.memory_space<vmem>>, vector<16xf32>,
        %scan3A_485 = arith.constant 0 : i32
        scf.yield %scan3A_485 : i32
      }
      %scan3A_401 = arith.constant 16 : i32
      %scan3A_402 = arith.constant 0 : i32
      scf.yield %scan3A_402 : i32
    }
    %scan3A_123 = arith.constant 16 : i32
    %add3A_124 = arith.constant 16 : i32
    %add3A_125 = arith.addi %mul3A_2, %add3A_124 : i32
    %mul3A_126 = arith.constant 1024 : i32
    %mul3A_127 = arith.muli %add3A_125, %mul3A_126 : i32
    %dma_start3A_128 = tpu.memref_slice %arg7[%mul3A_127] : memref<4194304xf32, #tpu.memory_space<hbm>> -> memref<16384xf32, #tpu.memory_space<hbm>>
    %dma_start3A_129 = tpu.memref_slice %arg7[%mul3A_127] : memref<4194304xf32, #tpu.memory_space<hbm>> -> memref<16384xf32, #tpu.memory_space<hbm>>
    tpu.enqueue_dma source(%arg24 : memref<16384xf32, #tpu.memory_space<vmem>>) target(%dma_start3A_129 : memref<16384xf32, #tpu.memory_space<hbm>>) target_semaphore(%arg28 : memref<!tpu.dma_semaphore, #tpu.memory_space<semaphore_mem>>)
    %dma_wait3A_130 = arith.constant 0 : i32
    %dma_wait3A_131 = arith.constant 0 : i32
    %dma_wait3A_132 = tpu.memref_slice %arg2[%dma_wait3A_130, %dma_wait3A_131] : memref<10240x1024xf32, #tpu.memory_space<hbm>> -> memref<10240x1024xf32, #tpu.memory_space<hbm>>
    tpu.wait_indirect_dma semaphore(%arg27 : memref<!tpu.dma_semaphore, #tpu.memory_space<semaphore_mem>>) src(%dma_wait3A_132 : memref<10240x1024xf32, #tpu.memory_space<hbm>>) dst(%arg20 : memref<16x1024xf32, #tpu.memory_space<vmem>>)
    %dma_wait3A_133 = arith.constant 0 : i32
    %dma_wait3A_134 = arith.constant 0 : i32
    %dma_wait3A_135 = tpu.memref_slice %arg2[%dma_wait3A_133, %dma_wait3A_134] : memref<10240x1024xf32, #tpu.memory_space<hbm>> -> memref<10240x1024xf32, #tpu.memory_space<hbm>>
    tpu.wait_indirect_dma semaphore(%arg27 : memref<!tpu.dma_semaphore, #tpu.memory_space<semaphore_mem>>) src(%dma_wait3A_135 : memref<10240x1024xf32, #tpu.memory_space<hbm>>) dst(%arg23 : memref<16x1024xf32, #tpu.memory_space<vmem>>)
    %get3A_136 = arith.constant 64 : index
    %get3A_137 = tpu.vector_load %arg8[%get3A_136] {strides = array<i32>} : memref<128xi32, #tpu.memory_space<vmem>>, vector<16xi32>,
    %get3A_138 = vector.shape_cast %get3A_137 : vector<16xi32> to vector<16xi32>
    %swap3A_139 = arith.constant 0 : index
    %swap3A_140 = tpu.vector_load %arg13[%swap3A_139] {strides = array<i32>} : memref<16xi32, #tpu.memory_space<vmem>>, vector<16xi32>,
    %swap3A_141 = vector.shape_cast %swap3A_140 : vector<16xi32> to vector<16xi32>
    %swap3A_142 = vector.shape_cast %get3A_138 : vector<16xi32> to vector<16xi32>
    tpu.vector_store %arg13[%swap3A_139], %swap3A_142 {strides = array<i32>} : memref<16xi32, #tpu.memory_space<vmem>>, vector<16xi32>,
    %get3A_143 = arith.constant 64 : index
    %get3A_144 = tpu.vector_load %arg9[%get3A_143] {strides = array<i32>} : memref<128xi32, #tpu.memory_space<vmem>>, vector<16xi32>,
    %get3A_145 = vector.shape_cast %get3A_144 : vector<16xi32> to vector<16xi32>
    %swap3A_146 = arith.constant 0 : index
    %swap3A_147 = tpu.vector_load %arg16[%swap3A_146] {strides = array<i32>} : memref<16xi32, #tpu.memory_space<vmem>>, vector<16xi32>,
    %swap3A_148 = vector.shape_cast %swap3A_147 : vector<16xi32> to vector<16xi32>
    %swap3A_149 = vector.shape_cast %get3A_145 : vector<16xi32> to vector<16xi32>
    tpu.vector_store %arg16[%swap3A_146], %swap3A_149 {strides = array<i32>} : memref<16xi32, #tpu.memory_space<vmem>>, vector<16xi32>,
    %dma_start3A_150 = arith.constant 0 : i32
    %dma_start3A_151 = arith.constant 0 : i32
    %dma_start3A_152 = tpu.memref_slice %arg2[%dma_start3A_150, %dma_start3A_151] : memref<10240x1024xf32, #tpu.memory_space<hbm>> -> memref<10240x1024xf32, #tpu.memory_space<hbm>>
    tpu.enqueue_indirect_dma source(%dma_start3A_152 : memref<10240x1024xf32, #tpu.memory_space<hbm>>) target(%arg19 : memref<16x1024xf32, #tpu.memory_space<vmem>>) offsets(%arg13 : memref<16xi32, #tpu.memory_space<vmem>>) semaphore(%arg26 : memref<!tpu.dma_semaphore, #tpu.memory_space<semaphore_mem>>)
    %dma_start3A_153 = arith.constant 0 : i32
    %dma_start3A_154 = arith.constant 0 : i32
    %dma_start3A_155 = tpu.memref_slice %arg2[%dma_start3A_153, %dma_start3A_154] : memref<10240x1024xf32, #tpu.memory_space<hbm>> -> memref<10240x1024xf32, #tpu.memory_space<hbm>>
    tpu.enqueue_indirect_dma source(%dma_start3A_155 : memref<10240x1024xf32, #tpu.memory_space<hbm>>) target(%arg22 : memref<16x1024xf32, #tpu.memory_space<vmem>>) offsets(%arg16 : memref<16xi32, #tpu.memory_space<vmem>>) semaphore(%arg26 : memref<!tpu.dma_semaphore, #tpu.memory_space<semaphore_mem>>)
    %dma_wait3A_156 = tpu.memref_slice %arg7[%mul3A_127] : memref<4194304xf32, #tpu.memory_space<hbm>> -> memref<16384xf32, #tpu.memory_space<hbm>>
    %dma_wait3A_157 = tpu.memref_slice %arg7[%mul3A_127] : memref<4194304xf32, #tpu.memory_space<hbm>> -> memref<16384xf32, #tpu.memory_space<hbm>>
    tpu.wait_dma2 semaphore(%arg28 : memref<!tpu.dma_semaphore, #tpu.memory_space<semaphore_mem>>) src(%arg24 : memref<16384xf32, #tpu.memory_space<vmem>>) dst(%dma_wait3A_157 : memref<16384xf32, #tpu.memory_space<hbm>>)
    %get3A_158 = arith.constant 32 : index
    %get3A_159 = tpu.vector_load %arg10[%get3A_158] {strides = array<i32>} : memref<128xf32, #tpu.memory_space<vmem>>, vector<16xf32>,
    %get3A_160 = vector.shape_cast %get3A_159 : vector<16xf32> to vector<16xf32>
    %get3A_161 = arith.constant 32 : index
    %get3A_162 = tpu.vector_load %arg11[%get3A_161] {strides = array<i32>} : memref<128xf32, #tpu.memory_space<vmem>>, vector<16xf32>,
    %get3A_163 = vector.shape_cast %get3A_162 : vector<16xf32> to vector<16xf32>
    %scan3A_164 = arith.constant 0 : i32
    %scan3A_165 = arith.constant 0 : i32
    %scan3A_166 = arith.constant 16 : i32
    %scan3A_167 = arith.addi %scan3A_165, %scan3A_166 : i32
    %scan3A_168 = arith.constant 1 : i32
    %scan3A_169 = scf.for %scan3A_374 = %scan3A_165 to %scan3A_167 step %scan3A_168 iter_args(%scan3A_375 = %scan3A_164) -> (i32)  : i32 {
      %broadcast_in_dim3A = vector.broadcast %scan3A_374 : i32 to vector<16xi32>
      %lt3A = arith.constant 0 : i32
      %lt3A_376 = vector.broadcast %lt3A : i32 to vector<16xi32>
      %lt3A_377 = arith.cmpi slt, %broadcast_in_dim3A, %lt3A_376 : vector<16xi32>
      %add3A_378 = arith.constant 16 : i32
      %add3A_379 = vector.broadcast %add3A_378 : i32 to vector<16xi32>
      %add3A_380 = arith.addi %broadcast_in_dim3A, %add3A_379 : vector<16xi32>
      %select_n3A = arith.select %lt3A_377, %add3A_380, %broadcast_in_dim3A : vector<16xi1>, vector<16xi32>
      %broadcast_in_dim3A_381 = vector.shape_cast %select_n3A : vector<16xi32> to vector<16x1xi32>
      %gather3A = vector.shape_cast %broadcast_in_dim3A_381 : vector<16x1xi32> to vector<16xi32>
      %gather3A_382 = tpu.dynamic_gather %get3A_160[%gather3A] in [0] : vector<16xf32>, vector<16xi32> -> vector<16xf32>
      %lt3A_383 = arith.constant 0 : i32
      %lt3A_384 = vector.broadcast %lt3A_383 : i32 to vector<16xi32>
      %lt3A_385 = arith.cmpi slt, %broadcast_in_dim3A, %lt3A_384 : vector<16xi32>
      %add3A_386 = arith.constant 16 : i32
      %add3A_387 = vector.broadcast %add3A_386 : i32 to vector<16xi32>
      %add3A_388 = arith.addi %broadcast_in_dim3A, %add3A_387 : vector<16xi32>
      %select_n3A_389 = arith.select %lt3A_385, %add3A_388, %broadcast_in_dim3A : vector<16xi1>, vector<16xi32>
      %broadcast_in_dim3A_390 = vector.shape_cast %select_n3A_389 : vector<16xi32> to vector<16x1xi32>
      %gather3A_391 = vector.shape_cast %broadcast_in_dim3A_390 : vector<16x1xi32> to vector<16xi32>
      %gather3A_392 = tpu.dynamic_gather %get3A_163[%gather3A_391] in [0] : vector<16xf32>, vector<16xi32> -> vector<16xf32>
      %mul3A_393 = arith.constant 1024 : i32
      %mul3A_394 = arith.muli %scan3A_374, %mul3A_393 : i32
      %scan3A_395 = arith.constant 0 : i32
      %scan3A_396 = arith.constant 0 : i32
      %scan3A_397 = arith.constant 16 : i32
      %scan3A_398 = arith.addi %scan3A_396, %scan3A_397 : i32
      %scan3A_399 = arith.constant 1 : i32
      %scan3A_400 = scf.for %scan3A_403 = %scan3A_396 to %scan3A_398 step %scan3A_399 iter_args(%scan3A_404 = %scan3A_395) -> (i32)  : i32 {
        %mul3A_405 = arith.constant 64 : i32
        %mul3A_406 = arith.muli %scan3A_403, %mul3A_405 : i32
        %add3A_407 = arith.constant 0 : i32
        %add3A_408 = arith.addi %mul3A_406, %add3A_407 : i32
        %get3A_409 = arith.index_cast %scan3A_374 : i32 to index
        %get3A_410 = arith.index_cast %add3A_408 : i32 to index
        %get3A_411 = tpu.vector_load %arg20[%get3A_409, %get3A_410] {strides = array<i32>} : memref<16x1024xf32, #tpu.memory_space<vmem>>, vector<1x16xf32>,
        %get3A_412 = vector.shape_cast %get3A_411 : vector<1x16xf32> to vector<16xf32>
        %get3A_413 = arith.index_cast %scan3A_374 : i32 to index
        %get3A_414 = arith.index_cast %add3A_408 : i32 to index
        %get3A_415 = tpu.vector_load %arg23[%get3A_413, %get3A_414] {strides = array<i32>} : memref<16x1024xf32, #tpu.memory_space<vmem>>, vector<1x16xf32>,
        %get3A_416 = vector.shape_cast %get3A_415 : vector<1x16xf32> to vector<16xf32>
        %mul3A_417 = arith.mulf %gather3A_382, %get3A_412 : vector<16xf32>
        %mul3A_418 = arith.mulf %gather3A_392, %get3A_416 : vector<16xf32>
        %add3A_419 = arith.addf %mul3A_417, %mul3A_418 : vector<16xf32>
        %add3A_420 = arith.addi %mul3A_394, %add3A_408 : i32
        %swap3A_421 = arith.index_cast %add3A_420 : i32 to index
        %swap3A_422 = tpu.vector_load %arg24[%swap3A_421] {strides = array<i32>} : memref<16384xf32, #tpu.memory_space<vmem>>, vector<16xf32>,
        %swap3A_423 = vector.shape_cast %swap3A_422 : vector<16xf32> to vector<16xf32>
        %swap3A_424 = vector.shape_cast %add3A_419 : vector<16xf32> to vector<16xf32>
        tpu.vector_store %arg24[%swap3A_421], %swap3A_424 {strides = array<i32>} : memref<16384xf32, #tpu.memory_space<vmem>>, vector<16xf32>,
        %mul3A_425 = arith.constant 64 : i32
        %mul3A_426 = arith.muli %scan3A_403, %mul3A_425 : i32
        %add3A_427 = arith.constant 16 : i32
        %add3A_428 = arith.addi %mul3A_426, %add3A_427 : i32
        %get3A_429 = arith.index_cast %scan3A_374 : i32 to index
        %get3A_430 = arith.index_cast %add3A_428 : i32 to index
        %get3A_431 = tpu.vector_load %arg20[%get3A_429, %get3A_430] {strides = array<i32>} : memref<16x1024xf32, #tpu.memory_space<vmem>>, vector<1x16xf32>,
        %get3A_432 = vector.shape_cast %get3A_431 : vector<1x16xf32> to vector<16xf32>
        %get3A_433 = arith.index_cast %scan3A_374 : i32 to index
        %get3A_434 = arith.index_cast %add3A_428 : i32 to index
        %get3A_435 = tpu.vector_load %arg23[%get3A_433, %get3A_434] {strides = array<i32>} : memref<16x1024xf32, #tpu.memory_space<vmem>>, vector<1x16xf32>,
        %get3A_436 = vector.shape_cast %get3A_435 : vector<1x16xf32> to vector<16xf32>
        %mul3A_437 = arith.mulf %gather3A_382, %get3A_432 : vector<16xf32>
        %mul3A_438 = arith.mulf %gather3A_392, %get3A_436 : vector<16xf32>
        %add3A_439 = arith.addf %mul3A_437, %mul3A_438 : vector<16xf32>
        %add3A_440 = arith.addi %mul3A_394, %add3A_428 : i32
        %swap3A_441 = arith.index_cast %add3A_440 : i32 to index
        %swap3A_442 = tpu.vector_load %arg24[%swap3A_441] {strides = array<i32>} : memref<16384xf32, #tpu.memory_space<vmem>>, vector<16xf32>,
        %swap3A_443 = vector.shape_cast %swap3A_442 : vector<16xf32> to vector<16xf32>
        %swap3A_444 = vector.shape_cast %add3A_439 : vector<16xf32> to vector<16xf32>
        tpu.vector_store %arg24[%swap3A_441], %swap3A_444 {strides = array<i32>} : memref<16384xf32, #tpu.memory_space<vmem>>, vector<16xf32>,
        %mul3A_445 = arith.constant 64 : i32
        %mul3A_446 = arith.muli %scan3A_403, %mul3A_445 : i32
        %add3A_447 = arith.constant 32 : i32
        %add3A_448 = arith.addi %mul3A_446, %add3A_447 : i32
        %get3A_449 = arith.index_cast %scan3A_374 : i32 to index
        %get3A_450 = arith.index_cast %add3A_448 : i32 to index
        %get3A_451 = tpu.vector_load %arg20[%get3A_449, %get3A_450] {strides = array<i32>} : memref<16x1024xf32, #tpu.memory_space<vmem>>, vector<1x16xf32>,
        %get3A_452 = vector.shape_cast %get3A_451 : vector<1x16xf32> to vector<16xf32>
        %get3A_453 = arith.index_cast %scan3A_374 : i32 to index
        %get3A_454 = arith.index_cast %add3A_448 : i32 to index
        %get3A_455 = tpu.vector_load %arg23[%get3A_453, %get3A_454] {strides = array<i32>} : memref<16x1024xf32, #tpu.memory_space<vmem>>, vector<1x16xf32>,
        %get3A_456 = vector.shape_cast %get3A_455 : vector<1x16xf32> to vector<16xf32>
        %mul3A_457 = arith.mulf %gather3A_382, %get3A_452 : vector<16xf32>
        %mul3A_458 = arith.mulf %gather3A_392, %get3A_456 : vector<16xf32>
        %add3A_459 = arith.addf %mul3A_457, %mul3A_458 : vector<16xf32>
        %add3A_460 = arith.addi %mul3A_394, %add3A_448 : i32
        %swap3A_461 = arith.index_cast %add3A_460 : i32 to index
        %swap3A_462 = tpu.vector_load %arg24[%swap3A_461] {strides = array<i32>} : memref<16384xf32, #tpu.memory_space<vmem>>, vector<16xf32>,
        %swap3A_463 = vector.shape_cast %swap3A_462 : vector<16xf32> to vector<16xf32>
        %swap3A_464 = vector.shape_cast %add3A_459 : vector<16xf32> to vector<16xf32>
        tpu.vector_store %arg24[%swap3A_461], %swap3A_464 {strides = array<i32>} : memref<16384xf32, #tpu.memory_space<vmem>>, vector<16xf32>,
        %mul3A_465 = arith.constant 64 : i32
        %mul3A_466 = arith.muli %scan3A_403, %mul3A_465 : i32
        %add3A_467 = arith.constant 48 : i32
        %add3A_468 = arith.addi %mul3A_466, %add3A_467 : i32
        %get3A_469 = arith.index_cast %scan3A_374 : i32 to index
        %get3A_470 = arith.index_cast %add3A_468 : i32 to index
        %get3A_471 = tpu.vector_load %arg20[%get3A_469, %get3A_470] {strides = array<i32>} : memref<16x1024xf32, #tpu.memory_space<vmem>>, vector<1x16xf32>,
        %get3A_472 = vector.shape_cast %get3A_471 : vector<1x16xf32> to vector<16xf32>
        %get3A_473 = arith.index_cast %scan3A_374 : i32 to index
        %get3A_474 = arith.index_cast %add3A_468 : i32 to index
        %get3A_475 = tpu.vector_load %arg23[%get3A_473, %get3A_474] {strides = array<i32>} : memref<16x1024xf32, #tpu.memory_space<vmem>>, vector<1x16xf32>,
        %get3A_476 = vector.shape_cast %get3A_475 : vector<1x16xf32> to vector<16xf32>
        %mul3A_477 = arith.mulf %gather3A_382, %get3A_472 : vector<16xf32>
        %mul3A_478 = arith.mulf %gather3A_392, %get3A_476 : vector<16xf32>
        %add3A_479 = arith.addf %mul3A_477, %mul3A_478 : vector<16xf32>
        %add3A_480 = arith.addi %mul3A_394, %add3A_468 : i32
        %swap3A_481 = arith.index_cast %add3A_480 : i32 to index
        %swap3A_482 = tpu.vector_load %arg24[%swap3A_481] {strides = array<i32>} : memref<16384xf32, #tpu.memory_space<vmem>>, vector<16xf32>,
        %swap3A_483 = vector.shape_cast %swap3A_482 : vector<16xf32> to vector<16xf32>
        %swap3A_484 = vector.shape_cast %add3A_479 : vector<16xf32> to vector<16xf32>
        tpu.vector_store %arg24[%swap3A_481], %swap3A_484 {strides = array<i32>} : memref<16384xf32, #tpu.memory_space<vmem>>, vector<16xf32>,
        %scan3A_485 = arith.constant 0 : i32
        scf.yield %scan3A_485 : i32
      }
      %scan3A_401 = arith.constant 16 : i32
      %scan3A_402 = arith.constant 0 : i32
      scf.yield %scan3A_402 : i32
    }
    %scan3A_170 = arith.constant 16 : i32
    %add3A_171 = arith.constant 32 : i32
    %add3A_172 = arith.addi %mul3A_2, %add3A_171 : i32
    %mul3A_173 = arith.constant 1024 : i32
    %mul3A_174 = arith.muli %add3A_172, %mul3A_173 : i32
    %dma_start3A_175 = tpu.memref_slice %arg7[%mul3A_174] : memref<4194304xf32, #tpu.memory_space<hbm>> -> memref<16384xf32, #tpu.memory_space<hbm>>
    %dma_start3A_176 = tpu.memref_slice %arg7[%mul3A_174] : memref<4194304xf32, #tpu.memory_space<hbm>> -> memref<16384xf32, #tpu.memory_space<hbm>>
    tpu.enqueue_dma source(%arg24 : memref<16384xf32, #tpu.memory_space<vmem>>) target(%dma_start3A_176 : memref<16384xf32, #tpu.memory_space<hbm>>) target_semaphore(%arg28 : memref<!tpu.dma_semaphore, #tpu.memory_space<semaphore_mem>>)
    %dma_wait3A_177 = arith.constant 0 : i32
    %dma_wait3A_178 = arith.constant 0 : i32
    %dma_wait3A_179 = tpu.memref_slice %arg2[%dma_wait3A_177, %dma_wait3A_178] : memref<10240x1024xf32, #tpu.memory_space<hbm>> -> memref<10240x1024xf32, #tpu.memory_space<hbm>>
    tpu.wait_indirect_dma semaphore(%arg25 : memref<!tpu.dma_semaphore, #tpu.memory_space<semaphore_mem>>) src(%dma_wait3A_179 : memref<10240x1024xf32, #tpu.memory_space<hbm>>) dst(%arg18 : memref<16x1024xf32, #tpu.memory_space<vmem>>)
    %dma_wait3A_180 = arith.constant 0 : i32
    %dma_wait3A_181 = arith.constant 0 : i32
    %dma_wait3A_182 = tpu.memref_slice %arg2[%dma_wait3A_180, %dma_wait3A_181] : memref<10240x1024xf32, #tpu.memory_space<hbm>> -> memref<10240x1024xf32, #tpu.memory_space<hbm>>
    tpu.wait_indirect_dma semaphore(%arg25 : memref<!tpu.dma_semaphore, #tpu.memory_space<semaphore_mem>>) src(%dma_wait3A_182 : memref<10240x1024xf32, #tpu.memory_space<hbm>>) dst(%arg21 : memref<16x1024xf32, #tpu.memory_space<vmem>>)
    %get3A_183 = arith.constant 80 : index
    %get3A_184 = tpu.vector_load %arg8[%get3A_183] {strides = array<i32>} : memref<128xi32, #tpu.memory_space<vmem>>, vector<16xi32>,
    %get3A_185 = vector.shape_cast %get3A_184 : vector<16xi32> to vector<16xi32>
    %swap3A_186 = arith.constant 0 : index
    %swap3A_187 = tpu.vector_load %arg14[%swap3A_186] {strides = array<i32>} : memref<16xi32, #tpu.memory_space<vmem>>, vector<16xi32>,
    %swap3A_188 = vector.shape_cast %swap3A_187 : vector<16xi32> to vector<16xi32>
    %swap3A_189 = vector.shape_cast %get3A_185 : vector<16xi32> to vector<16xi32>
    tpu.vector_store %arg14[%swap3A_186], %swap3A_189 {strides = array<i32>} : memref<16xi32, #tpu.memory_space<vmem>>, vector<16xi32>,
    %get3A_190 = arith.constant 80 : index
    %get3A_191 = tpu.vector_load %arg9[%get3A_190] {strides = array<i32>} : memref<128xi32, #tpu.memory_space<vmem>>, vector<16xi32>,
    %get3A_192 = vector.shape_cast %get3A_191 : vector<16xi32> to vector<16xi32>
    %swap3A_193 = arith.constant 0 : index
    %swap3A_194 = tpu.vector_load %arg17[%swap3A_193] {strides = array<i32>} : memref<16xi32, #tpu.memory_space<vmem>>, vector<16xi32>,
    %swap3A_195 = vector.shape_cast %swap3A_194 : vector<16xi32> to vector<16xi32>
    %swap3A_196 = vector.shape_cast %get3A_192 : vector<16xi32> to vector<16xi32>
    tpu.vector_store %arg17[%swap3A_193], %swap3A_196 {strides = array<i32>} : memref<16xi32, #tpu.memory_space<vmem>>, vector<16xi32>,
    %dma_start3A_197 = arith.constant 0 : i32
    %dma_start3A_198 = arith.constant 0 : i32
    %dma_start3A_199 = tpu.memref_slice %arg2[%dma_start3A_197, %dma_start3A_198] : memref<10240x1024xf32, #tpu.memory_space<hbm>> -> memref<10240x1024xf32, #tpu.memory_space<hbm>>
    tpu.enqueue_indirect_dma source(%dma_start3A_199 : memref<10240x1024xf32, #tpu.memory_space<hbm>>) target(%arg20 : memref<16x1024xf32, #tpu.memory_space<vmem>>) offsets(%arg14 : memref<16xi32, #tpu.memory_space<vmem>>) semaphore(%arg27 : memref<!tpu.dma_semaphore, #tpu.memory_space<semaphore_mem>>)
    %dma_start3A_200 = arith.constant 0 : i32
    %dma_start3A_201 = arith.constant 0 : i32
    %dma_start3A_202 = tpu.memref_slice %arg2[%dma_start3A_200, %dma_start3A_201] : memref<10240x1024xf32, #tpu.memory_space<hbm>> -> memref<10240x1024xf32, #tpu.memory_space<hbm>>
    tpu.enqueue_indirect_dma source(%dma_start3A_202 : memref<10240x1024xf32, #tpu.memory_space<hbm>>) target(%arg23 : memref<16x1024xf32, #tpu.memory_space<vmem>>) offsets(%arg17 : memref<16xi32, #tpu.memory_space<vmem>>) semaphore(%arg27 : memref<!tpu.dma_semaphore, #tpu.memory_space<semaphore_mem>>)
    %dma_wait3A_203 = tpu.memref_slice %arg7[%mul3A_174] : memref<4194304xf32, #tpu.memory_space<hbm>> -> memref<16384xf32, #tpu.memory_space<hbm>>
    %dma_wait3A_204 = tpu.memref_slice %arg7[%mul3A_174] : memref<4194304xf32, #tpu.memory_space<hbm>> -> memref<16384xf32, #tpu.memory_space<hbm>>
    tpu.wait_dma2 semaphore(%arg28 : memref<!tpu.dma_semaphore, #tpu.memory_space<semaphore_mem>>) src(%arg24 : memref<16384xf32, #tpu.memory_space<vmem>>) dst(%dma_wait3A_204 : memref<16384xf32, #tpu.memory_space<hbm>>)
    %get3A_205 = arith.constant 48 : index
    %get3A_206 = tpu.vector_load %arg10[%get3A_205] {strides = array<i32>} : memref<128xf32, #tpu.memory_space<vmem>>, vector<16xf32>,
    %get3A_207 = vector.shape_cast %get3A_206 : vector<16xf32> to vector<16xf32>
    %get3A_208 = arith.constant 48 : index
    %get3A_209 = tpu.vector_load %arg11[%get3A_208] {strides = array<i32>} : memref<128xf32, #tpu.memory_space<vmem>>, vector<16xf32>,
    %get3A_210 = vector.shape_cast %get3A_209 : vector<16xf32> to vector<16xf32>
    %scan3A_211 = arith.constant 0 : i32
    %scan3A_212 = arith.constant 0 : i32
    %scan3A_213 = arith.constant 16 : i32
    %scan3A_214 = arith.addi %scan3A_212, %scan3A_213 : i32
    %scan3A_215 = arith.constant 1 : i32
    %scan3A_216 = scf.for %scan3A_374 = %scan3A_212 to %scan3A_214 step %scan3A_215 iter_args(%scan3A_375 = %scan3A_211) -> (i32)  : i32 {
      %broadcast_in_dim3A = vector.broadcast %scan3A_374 : i32 to vector<16xi32>
      %lt3A = arith.constant 0 : i32
      %lt3A_376 = vector.broadcast %lt3A : i32 to vector<16xi32>
      %lt3A_377 = arith.cmpi slt, %broadcast_in_dim3A, %lt3A_376 : vector<16xi32>
      %add3A_378 = arith.constant 16 : i32
      %add3A_379 = vector.broadcast %add3A_378 : i32 to vector<16xi32>
      %add3A_380 = arith.addi %broadcast_in_dim3A, %add3A_379 : vector<16xi32>
      %select_n3A = arith.select %lt3A_377, %add3A_380, %broadcast_in_dim3A : vector<16xi1>, vector<16xi32>
      %broadcast_in_dim3A_381 = vector.shape_cast %select_n3A : vector<16xi32> to vector<16x1xi32>
      %gather3A = vector.shape_cast %broadcast_in_dim3A_381 : vector<16x1xi32> to vector<16xi32>
      %gather3A_382 = tpu.dynamic_gather %get3A_207[%gather3A] in [0] : vector<16xf32>, vector<16xi32> -> vector<16xf32>
      %lt3A_383 = arith.constant 0 : i32
      %lt3A_384 = vector.broadcast %lt3A_383 : i32 to vector<16xi32>
      %lt3A_385 = arith.cmpi slt, %broadcast_in_dim3A, %lt3A_384 : vector<16xi32>
      %add3A_386 = arith.constant 16 : i32
      %add3A_387 = vector.broadcast %add3A_386 : i32 to vector<16xi32>
      %add3A_388 = arith.addi %broadcast_in_dim3A, %add3A_387 : vector<16xi32>
      %select_n3A_389 = arith.select %lt3A_385, %add3A_388, %broadcast_in_dim3A : vector<16xi1>, vector<16xi32>
      %broadcast_in_dim3A_390 = vector.shape_cast %select_n3A_389 : vector<16xi32> to vector<16x1xi32>
      %gather3A_391 = vector.shape_cast %broadcast_in_dim3A_390 : vector<16x1xi32> to vector<16xi32>
      %gather3A_392 = tpu.dynamic_gather %get3A_210[%gather3A_391] in [0] : vector<16xf32>, vector<16xi32> -> vector<16xf32>
      %mul3A_393 = arith.constant 1024 : i32
      %mul3A_394 = arith.muli %scan3A_374, %mul3A_393 : i32
      %scan3A_395 = arith.constant 0 : i32
      %scan3A_396 = arith.constant 0 : i32
      %scan3A_397 = arith.constant 16 : i32
      %scan3A_398 = arith.addi %scan3A_396, %scan3A_397 : i32
      %scan3A_399 = arith.constant 1 : i32
      %scan3A_400 = scf.for %scan3A_403 = %scan3A_396 to %scan3A_398 step %scan3A_399 iter_args(%scan3A_404 = %scan3A_395) -> (i32)  : i32 {
        %mul3A_405 = arith.constant 64 : i32
        %mul3A_406 = arith.muli %scan3A_403, %mul3A_405 : i32
        %add3A_407 = arith.constant 0 : i32
        %add3A_408 = arith.addi %mul3A_406, %add3A_407 : i32
        %get3A_409 = arith.index_cast %scan3A_374 : i32 to index
        %get3A_410 = arith.index_cast %add3A_408 : i32 to index
        %get3A_411 = tpu.vector_load %arg18[%get3A_409, %get3A_410] {strides = array<i32>} : memref<16x1024xf32, #tpu.memory_space<vmem>>, vector<1x16xf32>,
        %get3A_412 = vector.shape_cast %get3A_411 : vector<1x16xf32> to vector<16xf32>
        %get3A_413 = arith.index_cast %scan3A_374 : i32 to index
        %get3A_414 = arith.index_cast %add3A_408 : i32 to index
        %get3A_415 = tpu.vector_load %arg21[%get3A_413, %get3A_414] {strides = array<i32>} : memref<16x1024xf32, #tpu.memory_space<vmem>>, vector<1x16xf32>,
        %get3A_416 = vector.shape_cast %get3A_415 : vector<1x16xf32> to vector<16xf32>
        %mul3A_417 = arith.mulf %gather3A_382, %get3A_412 : vector<16xf32>
        %mul3A_418 = arith.mulf %gather3A_392, %get3A_416 : vector<16xf32>
        %add3A_419 = arith.addf %mul3A_417, %mul3A_418 : vector<16xf32>
        %add3A_420 = arith.addi %mul3A_394, %add3A_408 : i32
        %swap3A_421 = arith.index_cast %add3A_420 : i32 to index
        %swap3A_422 = tpu.vector_load %arg24[%swap3A_421] {strides = array<i32>} : memref<16384xf32, #tpu.memory_space<vmem>>, vector<16xf32>,
        %swap3A_423 = vector.shape_cast %swap3A_422 : vector<16xf32> to vector<16xf32>
        %swap3A_424 = vector.shape_cast %add3A_419 : vector<16xf32> to vector<16xf32>
        tpu.vector_store %arg24[%swap3A_421], %swap3A_424 {strides = array<i32>} : memref<16384xf32, #tpu.memory_space<vmem>>, vector<16xf32>,
        %mul3A_425 = arith.constant 64 : i32
        %mul3A_426 = arith.muli %scan3A_403, %mul3A_425 : i32
        %add3A_427 = arith.constant 16 : i32
        %add3A_428 = arith.addi %mul3A_426, %add3A_427 : i32
        %get3A_429 = arith.index_cast %scan3A_374 : i32 to index
        %get3A_430 = arith.index_cast %add3A_428 : i32 to index
        %get3A_431 = tpu.vector_load %arg18[%get3A_429, %get3A_430] {strides = array<i32>} : memref<16x1024xf32, #tpu.memory_space<vmem>>, vector<1x16xf32>,
        %get3A_432 = vector.shape_cast %get3A_431 : vector<1x16xf32> to vector<16xf32>
        %get3A_433 = arith.index_cast %scan3A_374 : i32 to index
        %get3A_434 = arith.index_cast %add3A_428 : i32 to index
        %get3A_435 = tpu.vector_load %arg21[%get3A_433, %get3A_434] {strides = array<i32>} : memref<16x1024xf32, #tpu.memory_space<vmem>>, vector<1x16xf32>,
        %get3A_436 = vector.shape_cast %get3A_435 : vector<1x16xf32> to vector<16xf32>
        %mul3A_437 = arith.mulf %gather3A_382, %get3A_432 : vector<16xf32>
        %mul3A_438 = arith.mulf %gather3A_392, %get3A_436 : vector<16xf32>
        %add3A_439 = arith.addf %mul3A_437, %mul3A_438 : vector<16xf32>
        %add3A_440 = arith.addi %mul3A_394, %add3A_428 : i32
        %swap3A_441 = arith.index_cast %add3A_440 : i32 to index
        %swap3A_442 = tpu.vector_load %arg24[%swap3A_441] {strides = array<i32>} : memref<16384xf32, #tpu.memory_space<vmem>>, vector<16xf32>,
        %swap3A_443 = vector.shape_cast %swap3A_442 : vector<16xf32> to vector<16xf32>
        %swap3A_444 = vector.shape_cast %add3A_439 : vector<16xf32> to vector<16xf32>
        tpu.vector_store %arg24[%swap3A_441], %swap3A_444 {strides = array<i32>} : memref<16384xf32, #tpu.memory_space<vmem>>, vector<16xf32>,
        %mul3A_445 = arith.constant 64 : i32
        %mul3A_446 = arith.muli %scan3A_403, %mul3A_445 : i32
        %add3A_447 = arith.constant 32 : i32
        %add3A_448 = arith.addi %mul3A_446, %add3A_447 : i32
        %get3A_449 = arith.index_cast %scan3A_374 : i32 to index
        %get3A_450 = arith.index_cast %add3A_448 : i32 to index
        %get3A_451 = tpu.vector_load %arg18[%get3A_449, %get3A_450] {strides = array<i32>} : memref<16x1024xf32, #tpu.memory_space<vmem>>, vector<1x16xf32>,
        %get3A_452 = vector.shape_cast %get3A_451 : vector<1x16xf32> to vector<16xf32>
        %get3A_453 = arith.index_cast %scan3A_374 : i32 to index
        %get3A_454 = arith.index_cast %add3A_448 : i32 to index
        %get3A_455 = tpu.vector_load %arg21[%get3A_453, %get3A_454] {strides = array<i32>} : memref<16x1024xf32, #tpu.memory_space<vmem>>, vector<1x16xf32>,
        %get3A_456 = vector.shape_cast %get3A_455 : vector<1x16xf32> to vector<16xf32>
        %mul3A_457 = arith.mulf %gather3A_382, %get3A_452 : vector<16xf32>
        %mul3A_458 = arith.mulf %gather3A_392, %get3A_456 : vector<16xf32>
        %add3A_459 = arith.addf %mul3A_457, %mul3A_458 : vector<16xf32>
        %add3A_460 = arith.addi %mul3A_394, %add3A_448 : i32
        %swap3A_461 = arith.index_cast %add3A_460 : i32 to index
        %swap3A_462 = tpu.vector_load %arg24[%swap3A_461] {strides = array<i32>} : memref<16384xf32, #tpu.memory_space<vmem>>, vector<16xf32>,
        %swap3A_463 = vector.shape_cast %swap3A_462 : vector<16xf32> to vector<16xf32>
        %swap3A_464 = vector.shape_cast %add3A_459 : vector<16xf32> to vector<16xf32>
        tpu.vector_store %arg24[%swap3A_461], %swap3A_464 {strides = array<i32>} : memref<16384xf32, #tpu.memory_space<vmem>>, vector<16xf32>,
        %mul3A_465 = arith.constant 64 : i32
        %mul3A_466 = arith.muli %scan3A_403, %mul3A_465 : i32
        %add3A_467 = arith.constant 48 : i32
        %add3A_468 = arith.addi %mul3A_466, %add3A_467 : i32
        %get3A_469 = arith.index_cast %scan3A_374 : i32 to index
        %get3A_470 = arith.index_cast %add3A_468 : i32 to index
        %get3A_471 = tpu.vector_load %arg18[%get3A_469, %get3A_470] {strides = array<i32>} : memref<16x1024xf32, #tpu.memory_space<vmem>>, vector<1x16xf32>,
        %get3A_472 = vector.shape_cast %get3A_471 : vector<1x16xf32> to vector<16xf32>
        %get3A_473 = arith.index_cast %scan3A_374 : i32 to index
        %get3A_474 = arith.index_cast %add3A_468 : i32 to index
        %get3A_475 = tpu.vector_load %arg21[%get3A_473, %get3A_474] {strides = array<i32>} : memref<16x1024xf32, #tpu.memory_space<vmem>>, vector<1x16xf32>,
        %get3A_476 = vector.shape_cast %get3A_475 : vector<1x16xf32> to vector<16xf32>
        %mul3A_477 = arith.mulf %gather3A_382, %get3A_472 : vector<16xf32>
        %mul3A_478 = arith.mulf %gather3A_392, %get3A_476 : vector<16xf32>
        %add3A_479 = arith.addf %mul3A_477, %mul3A_478 : vector<16xf32>
        %add3A_480 = arith.addi %mul3A_394, %add3A_468 : i32
        %swap3A_481 = arith.index_cast %add3A_480 : i32 to index
        %swap3A_482 = tpu.vector_load %arg24[%swap3A_481] {strides = array<i32>} : memref<16384xf32, #tpu.memory_space<vmem>>, vector<16xf32>,
        %swap3A_483 = vector.shape_cast %swap3A_482 : vector<16xf32> to vector<16xf32>
        %swap3A_484 = vector.shape_cast %add3A_479 : vector<16xf32> to vector<16xf32>
        tpu.vector_store %arg24[%swap3A_481], %swap3A_484 {strides = array<i32>} : memref<16384xf32, #tpu.memory_space<vmem>>, vector<16xf32>,
        %scan3A_485 = arith.constant 0 : i32
        scf.yield %scan3A_485 : i32
      }
      %scan3A_401 = arith.constant 16 : i32
      %scan3A_402 = arith.constant 0 : i32
      scf.yield %scan3A_402 : i32
    }
    %scan3A_217 = arith.constant 16 : i32
    %add3A_218 = arith.constant 48 : i32
    %add3A_219 = arith.addi %mul3A_2, %add3A_218 : i32
    %mul3A_220 = arith.constant 1024 : i32
    %mul3A_221 = arith.muli %add3A_219, %mul3A_220 : i32
    %dma_start3A_222 = tpu.memref_slice %arg7[%mul3A_221] : memref<4194304xf32, #tpu.memory_space<hbm>> -> memref<16384xf32, #tpu.memory_space<hbm>>
    %dma_start3A_223 = tpu.memref_slice %arg7[%mul3A_221] : memref<4194304xf32, #tpu.memory_space<hbm>> -> memref<16384xf32, #tpu.memory_space<hbm>>
    tpu.enqueue_dma source(%arg24 : memref<16384xf32, #tpu.memory_space<vmem>>) target(%dma_start3A_223 : memref<16384xf32, #tpu.memory_space<hbm>>) target_semaphore(%arg28 : memref<!tpu.dma_semaphore, #tpu.memory_space<semaphore_mem>>)
    %dma_wait3A_224 = arith.constant 0 : i32
    %dma_wait3A_225 = arith.constant 0 : i32
    %dma_wait3A_226 = tpu.memref_slice %arg2[%dma_wait3A_224, %dma_wait3A_225] : memref<10240x1024xf32, #tpu.memory_space<hbm>> -> memref<10240x1024xf32, #tpu.memory_space<hbm>>
    tpu.wait_indirect_dma semaphore(%arg26 : memref<!tpu.dma_semaphore, #tpu.memory_space<semaphore_mem>>) src(%dma_wait3A_226 : memref<10240x1024xf32, #tpu.memory_space<hbm>>) dst(%arg19 : memref<16x1024xf32, #tpu.memory_space<vmem>>)
    %dma_wait3A_227 = arith.constant 0 : i32
    %dma_wait3A_228 = arith.constant 0 : i32
    %dma_wait3A_229 = tpu.memref_slice %arg2[%dma_wait3A_227, %dma_wait3A_228] : memref<10240x1024xf32, #tpu.memory_space<hbm>> -> memref<10240x1024xf32, #tpu.memory_space<hbm>>
    tpu.wait_indirect_dma semaphore(%arg26 : memref<!tpu.dma_semaphore, #tpu.memory_space<semaphore_mem>>) src(%dma_wait3A_229 : memref<10240x1024xf32, #tpu.memory_space<hbm>>) dst(%arg22 : memref<16x1024xf32, #tpu.memory_space<vmem>>)
    %get3A_230 = arith.constant 96 : index
    %get3A_231 = tpu.vector_load %arg8[%get3A_230] {strides = array<i32>} : memref<128xi32, #tpu.memory_space<vmem>>, vector<16xi32>,
    %get3A_232 = vector.shape_cast %get3A_231 : vector<16xi32> to vector<16xi32>
    %swap3A_233 = arith.constant 0 : index
    %swap3A_234 = tpu.vector_load %arg12[%swap3A_233] {strides = array<i32>} : memref<16xi32, #tpu.memory_space<vmem>>, vector<16xi32>,
    %swap3A_235 = vector.shape_cast %swap3A_234 : vector<16xi32> to vector<16xi32>
    %swap3A_236 = vector.shape_cast %get3A_232 : vector<16xi32> to vector<16xi32>
    tpu.vector_store %arg12[%swap3A_233], %swap3A_236 {strides = array<i32>} : memref<16xi32, #tpu.memory_space<vmem>>, vector<16xi32>,
    %get3A_237 = arith.constant 96 : index
    %get3A_238 = tpu.vector_load %arg9[%get3A_237] {strides = array<i32>} : memref<128xi32, #tpu.memory_space<vmem>>, vector<16xi32>,
    %get3A_239 = vector.shape_cast %get3A_238 : vector<16xi32> to vector<16xi32>
    %swap3A_240 = arith.constant 0 : index
    %swap3A_241 = tpu.vector_load %arg15[%swap3A_240] {strides = array<i32>} : memref<16xi32, #tpu.memory_space<vmem>>, vector<16xi32>,
    %swap3A_242 = vector.shape_cast %swap3A_241 : vector<16xi32> to vector<16xi32>
    %swap3A_243 = vector.shape_cast %get3A_239 : vector<16xi32> to vector<16xi32>
    tpu.vector_store %arg15[%swap3A_240], %swap3A_243 {strides = array<i32>} : memref<16xi32, #tpu.memory_space<vmem>>, vector<16xi32>,
    %dma_start3A_244 = arith.constant 0 : i32
    %dma_start3A_245 = arith.constant 0 : i32
    %dma_start3A_246 = tpu.memref_slice %arg2[%dma_start3A_244, %dma_start3A_245] : memref<10240x1024xf32, #tpu.memory_space<hbm>> -> memref<10240x1024xf32, #tpu.memory_space<hbm>>
    tpu.enqueue_indirect_dma source(%dma_start3A_246 : memref<10240x1024xf32, #tpu.memory_space<hbm>>) target(%arg18 : memref<16x1024xf32, #tpu.memory_space<vmem>>) offsets(%arg12 : memref<16xi32, #tpu.memory_space<vmem>>) semaphore(%arg25 : memref<!tpu.dma_semaphore, #tpu.memory_space<semaphore_mem>>)
    %dma_start3A_247 = arith.constant 0 : i32
    %dma_start3A_248 = arith.constant 0 : i32
    %dma_start3A_249 = tpu.memref_slice %arg2[%dma_start3A_247, %dma_start3A_248] : memref<10240x1024xf32, #tpu.memory_space<hbm>> -> memref<10240x1024xf32, #tpu.memory_space<hbm>>
    tpu.enqueue_indirect_dma source(%dma_start3A_249 : memref<10240x1024xf32, #tpu.memory_space<hbm>>) target(%arg21 : memref<16x1024xf32, #tpu.memory_space<vmem>>) offsets(%arg15 : memref<16xi32, #tpu.memory_space<vmem>>) semaphore(%arg25 : memref<!tpu.dma_semaphore, #tpu.memory_space<semaphore_mem>>)
    %dma_wait3A_250 = tpu.memref_slice %arg7[%mul3A_221] : memref<4194304xf32, #tpu.memory_space<hbm>> -> memref<16384xf32, #tpu.memory_space<hbm>>
    %dma_wait3A_251 = tpu.memref_slice %arg7[%mul3A_221] : memref<4194304xf32, #tpu.memory_space<hbm>> -> memref<16384xf32, #tpu.memory_space<hbm>>
    tpu.wait_dma2 semaphore(%arg28 : memref<!tpu.dma_semaphore, #tpu.memory_space<semaphore_mem>>) src(%arg24 : memref<16384xf32, #tpu.memory_space<vmem>>) dst(%dma_wait3A_251 : memref<16384xf32, #tpu.memory_space<hbm>>)
    %get3A_252 = arith.constant 64 : index
    %get3A_253 = tpu.vector_load %arg10[%get3A_252] {strides = array<i32>} : memref<128xf32, #tpu.memory_space<vmem>>, vector<16xf32>,
    %get3A_254 = vector.shape_cast %get3A_253 : vector<16xf32> to vector<16xf32>
    %get3A_255 = arith.constant 64 : index
    %get3A_256 = tpu.vector_load %arg11[%get3A_255] {strides = array<i32>} : memref<128xf32, #tpu.memory_space<vmem>>, vector<16xf32>,
    %get3A_257 = vector.shape_cast %get3A_256 : vector<16xf32> to vector<16xf32>
    %scan3A_258 = arith.constant 0 : i32
    %scan3A_259 = arith.constant 0 : i32
    %scan3A_260 = arith.constant 16 : i32
    %scan3A_261 = arith.addi %scan3A_259, %scan3A_260 : i32
    %scan3A_262 = arith.constant 1 : i32
    %scan3A_263 = scf.for %scan3A_374 = %scan3A_259 to %scan3A_261 step %scan3A_262 iter_args(%scan3A_375 = %scan3A_258) -> (i32)  : i32 {
      %broadcast_in_dim3A = vector.broadcast %scan3A_374 : i32 to vector<16xi32>
      %lt3A = arith.constant 0 : i32
      %lt3A_376 = vector.broadcast %lt3A : i32 to vector<16xi32>
      %lt3A_377 = arith.cmpi slt, %broadcast_in_dim3A, %lt3A_376 : vector<16xi32>
      %add3A_378 = arith.constant 16 : i32
      %add3A_379 = vector.broadcast %add3A_378 : i32 to vector<16xi32>
      %add3A_380 = arith.addi %broadcast_in_dim3A, %add3A_379 : vector<16xi32>
      %select_n3A = arith.select %lt3A_377, %add3A_380, %broadcast_in_dim3A : vector<16xi1>, vector<16xi32>
      %broadcast_in_dim3A_381 = vector.shape_cast %select_n3A : vector<16xi32> to vector<16x1xi32>
      %gather3A = vector.shape_cast %broadcast_in_dim3A_381 : vector<16x1xi32> to vector<16xi32>
      %gather3A_382 = tpu.dynamic_gather %get3A_254[%gather3A] in [0] : vector<16xf32>, vector<16xi32> -> vector<16xf32>
      %lt3A_383 = arith.constant 0 : i32
      %lt3A_384 = vector.broadcast %lt3A_383 : i32 to vector<16xi32>
      %lt3A_385 = arith.cmpi slt, %broadcast_in_dim3A, %lt3A_384 : vector<16xi32>
      %add3A_386 = arith.constant 16 : i32
      %add3A_387 = vector.broadcast %add3A_386 : i32 to vector<16xi32>
      %add3A_388 = arith.addi %broadcast_in_dim3A, %add3A_387 : vector<16xi32>
      %select_n3A_389 = arith.select %lt3A_385, %add3A_388, %broadcast_in_dim3A : vector<16xi1>, vector<16xi32>
      %broadcast_in_dim3A_390 = vector.shape_cast %select_n3A_389 : vector<16xi32> to vector<16x1xi32>
      %gather3A_391 = vector.shape_cast %broadcast_in_dim3A_390 : vector<16x1xi32> to vector<16xi32>
      %gather3A_392 = tpu.dynamic_gather %get3A_257[%gather3A_391] in [0] : vector<16xf32>, vector<16xi32> -> vector<16xf32>
      %mul3A_393 = arith.constant 1024 : i32
      %mul3A_394 = arith.muli %scan3A_374, %mul3A_393 : i32
      %scan3A_395 = arith.constant 0 : i32
      %scan3A_396 = arith.constant 0 : i32
      %scan3A_397 = arith.constant 16 : i32
      %scan3A_398 = arith.addi %scan3A_396, %scan3A_397 : i32
      %scan3A_399 = arith.constant 1 : i32
      %scan3A_400 = scf.for %scan3A_403 = %scan3A_396 to %scan3A_398 step %scan3A_399 iter_args(%scan3A_404 = %scan3A_395) -> (i32)  : i32 {
        %mul3A_405 = arith.constant 64 : i32
        %mul3A_406 = arith.muli %scan3A_403, %mul3A_405 : i32
        %add3A_407 = arith.constant 0 : i32
        %add3A_408 = arith.addi %mul3A_406, %add3A_407 : i32
        %get3A_409 = arith.index_cast %scan3A_374 : i32 to index
        %get3A_410 = arith.index_cast %add3A_408 : i32 to index
        %get3A_411 = tpu.vector_load %arg19[%get3A_409, %get3A_410] {strides = array<i32>} : memref<16x1024xf32, #tpu.memory_space<vmem>>, vector<1x16xf32>,
        %get3A_412 = vector.shape_cast %get3A_411 : vector<1x16xf32> to vector<16xf32>
        %get3A_413 = arith.index_cast %scan3A_374 : i32 to index
        %get3A_414 = arith.index_cast %add3A_408 : i32 to index
        %get3A_415 = tpu.vector_load %arg22[%get3A_413, %get3A_414] {strides = array<i32>} : memref<16x1024xf32, #tpu.memory_space<vmem>>, vector<1x16xf32>,
        %get3A_416 = vector.shape_cast %get3A_415 : vector<1x16xf32> to vector<16xf32>
        %mul3A_417 = arith.mulf %gather3A_382, %get3A_412 : vector<16xf32>
        %mul3A_418 = arith.mulf %gather3A_392, %get3A_416 : vector<16xf32>
        %add3A_419 = arith.addf %mul3A_417, %mul3A_418 : vector<16xf32>
        %add3A_420 = arith.addi %mul3A_394, %add3A_408 : i32
        %swap3A_421 = arith.index_cast %add3A_420 : i32 to index
        %swap3A_422 = tpu.vector_load %arg24[%swap3A_421] {strides = array<i32>} : memref<16384xf32, #tpu.memory_space<vmem>>, vector<16xf32>,
        %swap3A_423 = vector.shape_cast %swap3A_422 : vector<16xf32> to vector<16xf32>
        %swap3A_424 = vector.shape_cast %add3A_419 : vector<16xf32> to vector<16xf32>
        tpu.vector_store %arg24[%swap3A_421], %swap3A_424 {strides = array<i32>} : memref<16384xf32, #tpu.memory_space<vmem>>, vector<16xf32>,
        %mul3A_425 = arith.constant 64 : i32
        %mul3A_426 = arith.muli %scan3A_403, %mul3A_425 : i32
        %add3A_427 = arith.constant 16 : i32
        %add3A_428 = arith.addi %mul3A_426, %add3A_427 : i32
        %get3A_429 = arith.index_cast %scan3A_374 : i32 to index
        %get3A_430 = arith.index_cast %add3A_428 : i32 to index
        %get3A_431 = tpu.vector_load %arg19[%get3A_429, %get3A_430] {strides = array<i32>} : memref<16x1024xf32, #tpu.memory_space<vmem>>, vector<1x16xf32>,
        %get3A_432 = vector.shape_cast %get3A_431 : vector<1x16xf32> to vector<16xf32>
        %get3A_433 = arith.index_cast %scan3A_374 : i32 to index
        %get3A_434 = arith.index_cast %add3A_428 : i32 to index
        %get3A_435 = tpu.vector_load %arg22[%get3A_433, %get3A_434] {strides = array<i32>} : memref<16x1024xf32, #tpu.memory_space<vmem>>, vector<1x16xf32>,
        %get3A_436 = vector.shape_cast %get3A_435 : vector<1x16xf32> to vector<16xf32>
        %mul3A_437 = arith.mulf %gather3A_382, %get3A_432 : vector<16xf32>
        %mul3A_438 = arith.mulf %gather3A_392, %get3A_436 : vector<16xf32>
        %add3A_439 = arith.addf %mul3A_437, %mul3A_438 : vector<16xf32>
        %add3A_440 = arith.addi %mul3A_394, %add3A_428 : i32
        %swap3A_441 = arith.index_cast %add3A_440 : i32 to index
        %swap3A_442 = tpu.vector_load %arg24[%swap3A_441] {strides = array<i32>} : memref<16384xf32, #tpu.memory_space<vmem>>, vector<16xf32>,
        %swap3A_443 = vector.shape_cast %swap3A_442 : vector<16xf32> to vector<16xf32>
        %swap3A_444 = vector.shape_cast %add3A_439 : vector<16xf32> to vector<16xf32>
        tpu.vector_store %arg24[%swap3A_441], %swap3A_444 {strides = array<i32>} : memref<16384xf32, #tpu.memory_space<vmem>>, vector<16xf32>,
        %mul3A_445 = arith.constant 64 : i32
        %mul3A_446 = arith.muli %scan3A_403, %mul3A_445 : i32
        %add3A_447 = arith.constant 32 : i32
        %add3A_448 = arith.addi %mul3A_446, %add3A_447 : i32
        %get3A_449 = arith.index_cast %scan3A_374 : i32 to index
        %get3A_450 = arith.index_cast %add3A_448 : i32 to index
        %get3A_451 = tpu.vector_load %arg19[%get3A_449, %get3A_450] {strides = array<i32>} : memref<16x1024xf32, #tpu.memory_space<vmem>>, vector<1x16xf32>,
        %get3A_452 = vector.shape_cast %get3A_451 : vector<1x16xf32> to vector<16xf32>
        %get3A_453 = arith.index_cast %scan3A_374 : i32 to index
        %get3A_454 = arith.index_cast %add3A_448 : i32 to index
        %get3A_455 = tpu.vector_load %arg22[%get3A_453, %get3A_454] {strides = array<i32>} : memref<16x1024xf32, #tpu.memory_space<vmem>>, vector<1x16xf32>,
        %get3A_456 = vector.shape_cast %get3A_455 : vector<1x16xf32> to vector<16xf32>
        %mul3A_457 = arith.mulf %gather3A_382, %get3A_452 : vector<16xf32>
        %mul3A_458 = arith.mulf %gather3A_392, %get3A_456 : vector<16xf32>
        %add3A_459 = arith.addf %mul3A_457, %mul3A_458 : vector<16xf32>
        %add3A_460 = arith.addi %mul3A_394, %add3A_448 : i32
        %swap3A_461 = arith.index_cast %add3A_460 : i32 to index
        %swap3A_462 = tpu.vector_load %arg24[%swap3A_461] {strides = array<i32>} : memref<16384xf32, #tpu.memory_space<vmem>>, vector<16xf32>,
        %swap3A_463 = vector.shape_cast %swap3A_462 : vector<16xf32> to vector<16xf32>
        %swap3A_464 = vector.shape_cast %add3A_459 : vector<16xf32> to vector<16xf32>
        tpu.vector_store %arg24[%swap3A_461], %swap3A_464 {strides = array<i32>} : memref<16384xf32, #tpu.memory_space<vmem>>, vector<16xf32>,
        %mul3A_465 = arith.constant 64 : i32
        %mul3A_466 = arith.muli %scan3A_403, %mul3A_465 : i32
        %add3A_467 = arith.constant 48 : i32
        %add3A_468 = arith.addi %mul3A_466, %add3A_467 : i32
        %get3A_469 = arith.index_cast %scan3A_374 : i32 to index
        %get3A_470 = arith.index_cast %add3A_468 : i32 to index
        %get3A_471 = tpu.vector_load %arg19[%get3A_469, %get3A_470] {strides = array<i32>} : memref<16x1024xf32, #tpu.memory_space<vmem>>, vector<1x16xf32>,
        %get3A_472 = vector.shape_cast %get3A_471 : vector<1x16xf32> to vector<16xf32>
        %get3A_473 = arith.index_cast %scan3A_374 : i32 to index
        %get3A_474 = arith.index_cast %add3A_468 : i32 to index
        %get3A_475 = tpu.vector_load %arg22[%get3A_473, %get3A_474] {strides = array<i32>} : memref<16x1024xf32, #tpu.memory_space<vmem>>, vector<1x16xf32>,
        %get3A_476 = vector.shape_cast %get3A_475 : vector<1x16xf32> to vector<16xf32>
        %mul3A_477 = arith.mulf %gather3A_382, %get3A_472 : vector<16xf32>
        %mul3A_478 = arith.mulf %gather3A_392, %get3A_476 : vector<16xf32>
        %add3A_479 = arith.addf %mul3A_477, %mul3A_478 : vector<16xf32>
        %add3A_480 = arith.addi %mul3A_394, %add3A_468 : i32
        %swap3A_481 = arith.index_cast %add3A_480 : i32 to index
        %swap3A_482 = tpu.vector_load %arg24[%swap3A_481] {strides = array<i32>} : memref<16384xf32, #tpu.memory_space<vmem>>, vector<16xf32>,
        %swap3A_483 = vector.shape_cast %swap3A_482 : vector<16xf32> to vector<16xf32>
        %swap3A_484 = vector.shape_cast %add3A_479 : vector<16xf32> to vector<16xf32>
        tpu.vector_store %arg24[%swap3A_481], %swap3A_484 {strides = array<i32>} : memref<16384xf32, #tpu.memory_space<vmem>>, vector<16xf32>,
        %scan3A_485 = arith.constant 0 : i32
        scf.yield %scan3A_485 : i32
      }
      %scan3A_401 = arith.constant 16 : i32
      %scan3A_402 = arith.constant 0 : i32
      scf.yield %scan3A_402 : i32
    }
    %scan3A_264 = arith.constant 16 : i32
    %add3A_265 = arith.constant 64 : i32
    %add3A_266 = arith.addi %mul3A_2, %add3A_265 : i32
    %mul3A_267 = arith.constant 1024 : i32
    %mul3A_268 = arith.muli %add3A_266, %mul3A_267 : i32
    %dma_start3A_269 = tpu.memref_slice %arg7[%mul3A_268] : memref<4194304xf32, #tpu.memory_space<hbm>> -> memref<16384xf32, #tpu.memory_space<hbm>>
    %dma_start3A_270 = tpu.memref_slice %arg7[%mul3A_268] : memref<4194304xf32, #tpu.memory_space<hbm>> -> memref<16384xf32, #tpu.memory_space<hbm>>
    tpu.enqueue_dma source(%arg24 : memref<16384xf32, #tpu.memory_space<vmem>>) target(%dma_start3A_270 : memref<16384xf32, #tpu.memory_space<hbm>>) target_semaphore(%arg28 : memref<!tpu.dma_semaphore, #tpu.memory_space<semaphore_mem>>)
    %dma_wait3A_271 = arith.constant 0 : i32
    %dma_wait3A_272 = arith.constant 0 : i32
    %dma_wait3A_273 = tpu.memref_slice %arg2[%dma_wait3A_271, %dma_wait3A_272] : memref<10240x1024xf32, #tpu.memory_space<hbm>> -> memref<10240x1024xf32, #tpu.memory_space<hbm>>
    tpu.wait_indirect_dma semaphore(%arg27 : memref<!tpu.dma_semaphore, #tpu.memory_space<semaphore_mem>>) src(%dma_wait3A_273 : memref<10240x1024xf32, #tpu.memory_space<hbm>>) dst(%arg20 : memref<16x1024xf32, #tpu.memory_space<vmem>>)
    %dma_wait3A_274 = arith.constant 0 : i32
    %dma_wait3A_275 = arith.constant 0 : i32
    %dma_wait3A_276 = tpu.memref_slice %arg2[%dma_wait3A_274, %dma_wait3A_275] : memref<10240x1024xf32, #tpu.memory_space<hbm>> -> memref<10240x1024xf32, #tpu.memory_space<hbm>>
    tpu.wait_indirect_dma semaphore(%arg27 : memref<!tpu.dma_semaphore, #tpu.memory_space<semaphore_mem>>) src(%dma_wait3A_276 : memref<10240x1024xf32, #tpu.memory_space<hbm>>) dst(%arg23 : memref<16x1024xf32, #tpu.memory_space<vmem>>)
    %get3A_277 = arith.constant 112 : index
    %get3A_278 = tpu.vector_load %arg8[%get3A_277] {strides = array<i32>} : memref<128xi32, #tpu.memory_space<vmem>>, vector<16xi32>,
    %get3A_279 = vector.shape_cast %get3A_278 : vector<16xi32> to vector<16xi32>
    %swap3A_280 = arith.constant 0 : index
    %swap3A_281 = tpu.vector_load %arg13[%swap3A_280] {strides = array<i32>} : memref<16xi32, #tpu.memory_space<vmem>>, vector<16xi32>,
    %swap3A_282 = vector.shape_cast %swap3A_281 : vector<16xi32> to vector<16xi32>
    %swap3A_283 = vector.shape_cast %get3A_279 : vector<16xi32> to vector<16xi32>
    tpu.vector_store %arg13[%swap3A_280], %swap3A_283 {strides = array<i32>} : memref<16xi32, #tpu.memory_space<vmem>>, vector<16xi32>,
    %get3A_284 = arith.constant 112 : index
    %get3A_285 = tpu.vector_load %arg9[%get3A_284] {strides = array<i32>} : memref<128xi32, #tpu.memory_space<vmem>>, vector<16xi32>,
    %get3A_286 = vector.shape_cast %get3A_285 : vector<16xi32> to vector<16xi32>
    %swap3A_287 = arith.constant 0 : index
    %swap3A_288 = tpu.vector_load %arg16[%swap3A_287] {strides = array<i32>} : memref<16xi32, #tpu.memory_space<vmem>>, vector<16xi32>,
    %swap3A_289 = vector.shape_cast %swap3A_288 : vector<16xi32> to vector<16xi32>
    %swap3A_290 = vector.shape_cast %get3A_286 : vector<16xi32> to vector<16xi32>
    tpu.vector_store %arg16[%swap3A_287], %swap3A_290 {strides = array<i32>} : memref<16xi32, #tpu.memory_space<vmem>>, vector<16xi32>,
    %dma_start3A_291 = arith.constant 0 : i32
    %dma_start3A_292 = arith.constant 0 : i32
    %dma_start3A_293 = tpu.memref_slice %arg2[%dma_start3A_291, %dma_start3A_292] : memref<10240x1024xf32, #tpu.memory_space<hbm>> -> memref<10240x1024xf32, #tpu.memory_space<hbm>>
    tpu.enqueue_indirect_dma source(%dma_start3A_293 : memref<10240x1024xf32, #tpu.memory_space<hbm>>) target(%arg19 : memref<16x1024xf32, #tpu.memory_space<vmem>>) offsets(%arg13 : memref<16xi32, #tpu.memory_space<vmem>>) semaphore(%arg26 : memref<!tpu.dma_semaphore, #tpu.memory_space<semaphore_mem>>)
    %dma_start3A_294 = arith.constant 0 : i32
    %dma_start3A_295 = arith.constant 0 : i32
    %dma_start3A_296 = tpu.memref_slice %arg2[%dma_start3A_294, %dma_start3A_295] : memref<10240x1024xf32, #tpu.memory_space<hbm>> -> memref<10240x1024xf32, #tpu.memory_space<hbm>>
    tpu.enqueue_indirect_dma source(%dma_start3A_296 : memref<10240x1024xf32, #tpu.memory_space<hbm>>) target(%arg22 : memref<16x1024xf32, #tpu.memory_space<vmem>>) offsets(%arg16 : memref<16xi32, #tpu.memory_space<vmem>>) semaphore(%arg26 : memref<!tpu.dma_semaphore, #tpu.memory_space<semaphore_mem>>)
    %dma_wait3A_297 = tpu.memref_slice %arg7[%mul3A_268] : memref<4194304xf32, #tpu.memory_space<hbm>> -> memref<16384xf32, #tpu.memory_space<hbm>>
    %dma_wait3A_298 = tpu.memref_slice %arg7[%mul3A_268] : memref<4194304xf32, #tpu.memory_space<hbm>> -> memref<16384xf32, #tpu.memory_space<hbm>>
    tpu.wait_dma2 semaphore(%arg28 : memref<!tpu.dma_semaphore, #tpu.memory_space<semaphore_mem>>) src(%arg24 : memref<16384xf32, #tpu.memory_space<vmem>>) dst(%dma_wait3A_298 : memref<16384xf32, #tpu.memory_space<hbm>>)
    %get3A_299 = arith.constant 80 : index
    %get3A_300 = tpu.vector_load %arg10[%get3A_299] {strides = array<i32>} : memref<128xf32, #tpu.memory_space<vmem>>, vector<16xf32>,
    %get3A_301 = vector.shape_cast %get3A_300 : vector<16xf32> to vector<16xf32>
    %get3A_302 = arith.constant 80 : index
    %get3A_303 = tpu.vector_load %arg11[%get3A_302] {strides = array<i32>} : memref<128xf32, #tpu.memory_space<vmem>>, vector<16xf32>,
    %get3A_304 = vector.shape_cast %get3A_303 : vector<16xf32> to vector<16xf32>
    %scan3A_305 = arith.constant 0 : i32
    %scan3A_306 = arith.constant 0 : i32
    %scan3A_307 = arith.constant 16 : i32
    %scan3A_308 = arith.addi %scan3A_306, %scan3A_307 : i32
    %scan3A_309 = arith.constant 1 : i32
    %scan3A_310 = scf.for %scan3A_374 = %scan3A_306 to %scan3A_308 step %scan3A_309 iter_args(%scan3A_375 = %scan3A_305) -> (i32)  : i32 {
      %broadcast_in_dim3A = vector.broadcast %scan3A_374 : i32 to vector<16xi32>
      %lt3A = arith.constant 0 : i32
      %lt3A_376 = vector.broadcast %lt3A : i32 to vector<16xi32>
      %lt3A_377 = arith.cmpi slt, %broadcast_in_dim3A, %lt3A_376 : vector<16xi32>
      %add3A_378 = arith.constant 16 : i32
      %add3A_379 = vector.broadcast %add3A_378 : i32 to vector<16xi32>
      %add3A_380 = arith.addi %broadcast_in_dim3A, %add3A_379 : vector<16xi32>
      %select_n3A = arith.select %lt3A_377, %add3A_380, %broadcast_in_dim3A : vector<16xi1>, vector<16xi32>
      %broadcast_in_dim3A_381 = vector.shape_cast %select_n3A : vector<16xi32> to vector<16x1xi32>
      %gather3A = vector.shape_cast %broadcast_in_dim3A_381 : vector<16x1xi32> to vector<16xi32>
      %gather3A_382 = tpu.dynamic_gather %get3A_301[%gather3A] in [0] : vector<16xf32>, vector<16xi32> -> vector<16xf32>
      %lt3A_383 = arith.constant 0 : i32
      %lt3A_384 = vector.broadcast %lt3A_383 : i32 to vector<16xi32>
      %lt3A_385 = arith.cmpi slt, %broadcast_in_dim3A, %lt3A_384 : vector<16xi32>
      %add3A_386 = arith.constant 16 : i32
      %add3A_387 = vector.broadcast %add3A_386 : i32 to vector<16xi32>
      %add3A_388 = arith.addi %broadcast_in_dim3A, %add3A_387 : vector<16xi32>
      %select_n3A_389 = arith.select %lt3A_385, %add3A_388, %broadcast_in_dim3A : vector<16xi1>, vector<16xi32>
      %broadcast_in_dim3A_390 = vector.shape_cast %select_n3A_389 : vector<16xi32> to vector<16x1xi32>
      %gather3A_391 = vector.shape_cast %broadcast_in_dim3A_390 : vector<16x1xi32> to vector<16xi32>
      %gather3A_392 = tpu.dynamic_gather %get3A_304[%gather3A_391] in [0] : vector<16xf32>, vector<16xi32> -> vector<16xf32>
      %mul3A_393 = arith.constant 1024 : i32
      %mul3A_394 = arith.muli %scan3A_374, %mul3A_393 : i32
      %scan3A_395 = arith.constant 0 : i32
      %scan3A_396 = arith.constant 0 : i32
      %scan3A_397 = arith.constant 16 : i32
      %scan3A_398 = arith.addi %scan3A_396, %scan3A_397 : i32
      %scan3A_399 = arith.constant 1 : i32
      %scan3A_400 = scf.for %scan3A_403 = %scan3A_396 to %scan3A_398 step %scan3A_399 iter_args(%scan3A_404 = %scan3A_395) -> (i32)  : i32 {
        %mul3A_405 = arith.constant 64 : i32
        %mul3A_406 = arith.muli %scan3A_403, %mul3A_405 : i32
        %add3A_407 = arith.constant 0 : i32
        %add3A_408 = arith.addi %mul3A_406, %add3A_407 : i32
        %get3A_409 = arith.index_cast %scan3A_374 : i32 to index
        %get3A_410 = arith.index_cast %add3A_408 : i32 to index
        %get3A_411 = tpu.vector_load %arg20[%get3A_409, %get3A_410] {strides = array<i32>} : memref<16x1024xf32, #tpu.memory_space<vmem>>, vector<1x16xf32>,
        %get3A_412 = vector.shape_cast %get3A_411 : vector<1x16xf32> to vector<16xf32>
        %get3A_413 = arith.index_cast %scan3A_374 : i32 to index
        %get3A_414 = arith.index_cast %add3A_408 : i32 to index
        %get3A_415 = tpu.vector_load %arg23[%get3A_413, %get3A_414] {strides = array<i32>} : memref<16x1024xf32, #tpu.memory_space<vmem>>, vector<1x16xf32>,
        %get3A_416 = vector.shape_cast %get3A_415 : vector<1x16xf32> to vector<16xf32>
        %mul3A_417 = arith.mulf %gather3A_382, %get3A_412 : vector<16xf32>
        %mul3A_418 = arith.mulf %gather3A_392, %get3A_416 : vector<16xf32>
        %add3A_419 = arith.addf %mul3A_417, %mul3A_418 : vector<16xf32>
        %add3A_420 = arith.addi %mul3A_394, %add3A_408 : i32
        %swap3A_421 = arith.index_cast %add3A_420 : i32 to index
        %swap3A_422 = tpu.vector_load %arg24[%swap3A_421] {strides = array<i32>} : memref<16384xf32, #tpu.memory_space<vmem>>, vector<16xf32>,
        %swap3A_423 = vector.shape_cast %swap3A_422 : vector<16xf32> to vector<16xf32>
        %swap3A_424 = vector.shape_cast %add3A_419 : vector<16xf32> to vector<16xf32>
        tpu.vector_store %arg24[%swap3A_421], %swap3A_424 {strides = array<i32>} : memref<16384xf32, #tpu.memory_space<vmem>>, vector<16xf32>,
        %mul3A_425 = arith.constant 64 : i32
        %mul3A_426 = arith.muli %scan3A_403, %mul3A_425 : i32
        %add3A_427 = arith.constant 16 : i32
        %add3A_428 = arith.addi %mul3A_426, %add3A_427 : i32
        %get3A_429 = arith.index_cast %scan3A_374 : i32 to index
        %get3A_430 = arith.index_cast %add3A_428 : i32 to index
        %get3A_431 = tpu.vector_load %arg20[%get3A_429, %get3A_430] {strides = array<i32>} : memref<16x1024xf32, #tpu.memory_space<vmem>>, vector<1x16xf32>,
        %get3A_432 = vector.shape_cast %get3A_431 : vector<1x16xf32> to vector<16xf32>
        %get3A_433 = arith.index_cast %scan3A_374 : i32 to index
        %get3A_434 = arith.index_cast %add3A_428 : i32 to index
        %get3A_435 = tpu.vector_load %arg23[%get3A_433, %get3A_434] {strides = array<i32>} : memref<16x1024xf32, #tpu.memory_space<vmem>>, vector<1x16xf32>,
        %get3A_436 = vector.shape_cast %get3A_435 : vector<1x16xf32> to vector<16xf32>
        %mul3A_437 = arith.mulf %gather3A_382, %get3A_432 : vector<16xf32>
        %mul3A_438 = arith.mulf %gather3A_392, %get3A_436 : vector<16xf32>
        %add3A_439 = arith.addf %mul3A_437, %mul3A_438 : vector<16xf32>
        %add3A_440 = arith.addi %mul3A_394, %add3A_428 : i32
        %swap3A_441 = arith.index_cast %add3A_440 : i32 to index
        %swap3A_442 = tpu.vector_load %arg24[%swap3A_441] {strides = array<i32>} : memref<16384xf32, #tpu.memory_space<vmem>>, vector<16xf32>,
        %swap3A_443 = vector.shape_cast %swap3A_442 : vector<16xf32> to vector<16xf32>
        %swap3A_444 = vector.shape_cast %add3A_439 : vector<16xf32> to vector<16xf32>
        tpu.vector_store %arg24[%swap3A_441], %swap3A_444 {strides = array<i32>} : memref<16384xf32, #tpu.memory_space<vmem>>, vector<16xf32>,
        %mul3A_445 = arith.constant 64 : i32
        %mul3A_446 = arith.muli %scan3A_403, %mul3A_445 : i32
        %add3A_447 = arith.constant 32 : i32
        %add3A_448 = arith.addi %mul3A_446, %add3A_447 : i32
        %get3A_449 = arith.index_cast %scan3A_374 : i32 to index
        %get3A_450 = arith.index_cast %add3A_448 : i32 to index
        %get3A_451 = tpu.vector_load %arg20[%get3A_449, %get3A_450] {strides = array<i32>} : memref<16x1024xf32, #tpu.memory_space<vmem>>, vector<1x16xf32>,
        %get3A_452 = vector.shape_cast %get3A_451 : vector<1x16xf32> to vector<16xf32>
        %get3A_453 = arith.index_cast %scan3A_374 : i32 to index
        %get3A_454 = arith.index_cast %add3A_448 : i32 to index
        %get3A_455 = tpu.vector_load %arg23[%get3A_453, %get3A_454] {strides = array<i32>} : memref<16x1024xf32, #tpu.memory_space<vmem>>, vector<1x16xf32>,
        %get3A_456 = vector.shape_cast %get3A_455 : vector<1x16xf32> to vector<16xf32>
        %mul3A_457 = arith.mulf %gather3A_382, %get3A_452 : vector<16xf32>
        %mul3A_458 = arith.mulf %gather3A_392, %get3A_456 : vector<16xf32>
        %add3A_459 = arith.addf %mul3A_457, %mul3A_458 : vector<16xf32>
        %add3A_460 = arith.addi %mul3A_394, %add3A_448 : i32
        %swap3A_461 = arith.index_cast %add3A_460 : i32 to index
        %swap3A_462 = tpu.vector_load %arg24[%swap3A_461] {strides = array<i32>} : memref<16384xf32, #tpu.memory_space<vmem>>, vector<16xf32>,
        %swap3A_463 = vector.shape_cast %swap3A_462 : vector<16xf32> to vector<16xf32>
        %swap3A_464 = vector.shape_cast %add3A_459 : vector<16xf32> to vector<16xf32>
        tpu.vector_store %arg24[%swap3A_461], %swap3A_464 {strides = array<i32>} : memref<16384xf32, #tpu.memory_space<vmem>>, vector<16xf32>,
        %mul3A_465 = arith.constant 64 : i32
        %mul3A_466 = arith.muli %scan3A_403, %mul3A_465 : i32
        %add3A_467 = arith.constant 48 : i32
        %add3A_468 = arith.addi %mul3A_466, %add3A_467 : i32
        %get3A_469 = arith.index_cast %scan3A_374 : i32 to index
        %get3A_470 = arith.index_cast %add3A_468 : i32 to index
        %get3A_471 = tpu.vector_load %arg20[%get3A_469, %get3A_470] {strides = array<i32>} : memref<16x1024xf32, #tpu.memory_space<vmem>>, vector<1x16xf32>,
        %get3A_472 = vector.shape_cast %get3A_471 : vector<1x16xf32> to vector<16xf32>
        %get3A_473 = arith.index_cast %scan3A_374 : i32 to index
        %get3A_474 = arith.index_cast %add3A_468 : i32 to index
        %get3A_475 = tpu.vector_load %arg23[%get3A_473, %get3A_474] {strides = array<i32>} : memref<16x1024xf32, #tpu.memory_space<vmem>>, vector<1x16xf32>,
        %get3A_476 = vector.shape_cast %get3A_475 : vector<1x16xf32> to vector<16xf32>
        %mul3A_477 = arith.mulf %gather3A_382, %get3A_472 : vector<16xf32>
        %mul3A_478 = arith.mulf %gather3A_392, %get3A_476 : vector<16xf32>
        %add3A_479 = arith.addf %mul3A_477, %mul3A_478 : vector<16xf32>
        %add3A_480 = arith.addi %mul3A_394, %add3A_468 : i32
        %swap3A_481 = arith.index_cast %add3A_480 : i32 to index
        %swap3A_482 = tpu.vector_load %arg24[%swap3A_481] {strides = array<i32>} : memref<16384xf32, #tpu.memory_space<vmem>>, vector<16xf32>,
        %swap3A_483 = vector.shape_cast %swap3A_482 : vector<16xf32> to vector<16xf32>
        %swap3A_484 = vector.shape_cast %add3A_479 : vector<16xf32> to vector<16xf32>
        tpu.vector_store %arg24[%swap3A_481], %swap3A_484 {strides = array<i32>} : memref<16384xf32, #tpu.memory_space<vmem>>, vector<16xf32>,
        %scan3A_485 = arith.constant 0 : i32
        scf.yield %scan3A_485 : i32
      }
      %scan3A_401 = arith.constant 16 : i32
      %scan3A_402 = arith.constant 0 : i32
      scf.yield %scan3A_402 : i32
    }
    %scan3A_311 = arith.constant 16 : i32
    %add3A_312 = arith.constant 80 : i32
    %add3A_313 = arith.addi %mul3A_2, %add3A_312 : i32
    %mul3A_314 = arith.constant 1024 : i32
    %mul3A_315 = arith.muli %add3A_313, %mul3A_314 : i32
    %dma_start3A_316 = tpu.memref_slice %arg7[%mul3A_315] : memref<4194304xf32, #tpu.memory_space<hbm>> -> memref<16384xf32, #tpu.memory_space<hbm>>
    %dma_start3A_317 = tpu.memref_slice %arg7[%mul3A_315] : memref<4194304xf32, #tpu.memory_space<hbm>> -> memref<16384xf32, #tpu.memory_space<hbm>>
    tpu.enqueue_dma source(%arg24 : memref<16384xf32, #tpu.memory_space<vmem>>) target(%dma_start3A_317 : memref<16384xf32, #tpu.memory_space<hbm>>) target_semaphore(%arg28 : memref<!tpu.dma_semaphore, #tpu.memory_space<semaphore_mem>>)
    %dma_wait3A_318 = arith.constant 0 : i32
    %dma_wait3A_319 = arith.constant 0 : i32
    %dma_wait3A_320 = tpu.memref_slice %arg2[%dma_wait3A_318, %dma_wait3A_319] : memref<10240x1024xf32, #tpu.memory_space<hbm>> -> memref<10240x1024xf32, #tpu.memory_space<hbm>>
    tpu.wait_indirect_dma semaphore(%arg25 : memref<!tpu.dma_semaphore, #tpu.memory_space<semaphore_mem>>) src(%dma_wait3A_320 : memref<10240x1024xf32, #tpu.memory_space<hbm>>) dst(%arg18 : memref<16x1024xf32, #tpu.memory_space<vmem>>)
    %dma_wait3A_321 = arith.constant 0 : i32
    %dma_wait3A_322 = arith.constant 0 : i32
    %dma_wait3A_323 = tpu.memref_slice %arg2[%dma_wait3A_321, %dma_wait3A_322] : memref<10240x1024xf32, #tpu.memory_space<hbm>> -> memref<10240x1024xf32, #tpu.memory_space<hbm>>
    tpu.wait_indirect_dma semaphore(%arg25 : memref<!tpu.dma_semaphore, #tpu.memory_space<semaphore_mem>>) src(%dma_wait3A_323 : memref<10240x1024xf32, #tpu.memory_space<hbm>>) dst(%arg21 : memref<16x1024xf32, #tpu.memory_space<vmem>>)
    %dma_wait3A_324 = tpu.memref_slice %arg7[%mul3A_315] : memref<4194304xf32, #tpu.memory_space<hbm>> -> memref<16384xf32, #tpu.memory_space<hbm>>
    %dma_wait3A_325 = tpu.memref_slice %arg7[%mul3A_315] : memref<4194304xf32, #tpu.memory_space<hbm>> -> memref<16384xf32, #tpu.memory_space<hbm>>
    tpu.wait_dma2 semaphore(%arg28 : memref<!tpu.dma_semaphore, #tpu.memory_space<semaphore_mem>>) src(%arg24 : memref<16384xf32, #tpu.memory_space<vmem>>) dst(%dma_wait3A_325 : memref<16384xf32, #tpu.memory_space<hbm>>)
    %get3A_326 = arith.constant 96 : index
    %get3A_327 = tpu.vector_load %arg10[%get3A_326] {strides = array<i32>} : memref<128xf32, #tpu.memory_space<vmem>>, vector<16xf32>,
    %get3A_328 = vector.shape_cast %get3A_327 : vector<16xf32> to vector<16xf32>
    %get3A_329 = arith.constant 96 : index
    %get3A_330 = tpu.vector_load %arg11[%get3A_329] {strides = array<i32>} : memref<128xf32, #tpu.memory_space<vmem>>, vector<16xf32>,
    %get3A_331 = vector.shape_cast %get3A_330 : vector<16xf32> to vector<16xf32>
    %scan3A_332 = arith.constant 0 : i32
    %scan3A_333 = arith.constant 0 : i32
    %scan3A_334 = arith.constant 16 : i32
    %scan3A_335 = arith.addi %scan3A_333, %scan3A_334 : i32
    %scan3A_336 = arith.constant 1 : i32
    %scan3A_337 = scf.for %scan3A_374 = %scan3A_333 to %scan3A_335 step %scan3A_336 iter_args(%scan3A_375 = %scan3A_332) -> (i32)  : i32 {
      %broadcast_in_dim3A = vector.broadcast %scan3A_374 : i32 to vector<16xi32>
      %lt3A = arith.constant 0 : i32
      %lt3A_376 = vector.broadcast %lt3A : i32 to vector<16xi32>
      %lt3A_377 = arith.cmpi slt, %broadcast_in_dim3A, %lt3A_376 : vector<16xi32>
      %add3A_378 = arith.constant 16 : i32
      %add3A_379 = vector.broadcast %add3A_378 : i32 to vector<16xi32>
      %add3A_380 = arith.addi %broadcast_in_dim3A, %add3A_379 : vector<16xi32>
      %select_n3A = arith.select %lt3A_377, %add3A_380, %broadcast_in_dim3A : vector<16xi1>, vector<16xi32>
      %broadcast_in_dim3A_381 = vector.shape_cast %select_n3A : vector<16xi32> to vector<16x1xi32>
      %gather3A = vector.shape_cast %broadcast_in_dim3A_381 : vector<16x1xi32> to vector<16xi32>
      %gather3A_382 = tpu.dynamic_gather %get3A_328[%gather3A] in [0] : vector<16xf32>, vector<16xi32> -> vector<16xf32>
      %lt3A_383 = arith.constant 0 : i32
      %lt3A_384 = vector.broadcast %lt3A_383 : i32 to vector<16xi32>
      %lt3A_385 = arith.cmpi slt, %broadcast_in_dim3A, %lt3A_384 : vector<16xi32>
      %add3A_386 = arith.constant 16 : i32
      %add3A_387 = vector.broadcast %add3A_386 : i32 to vector<16xi32>
      %add3A_388 = arith.addi %broadcast_in_dim3A, %add3A_387 : vector<16xi32>
      %select_n3A_389 = arith.select %lt3A_385, %add3A_388, %broadcast_in_dim3A : vector<16xi1>, vector<16xi32>
      %broadcast_in_dim3A_390 = vector.shape_cast %select_n3A_389 : vector<16xi32> to vector<16x1xi32>
      %gather3A_391 = vector.shape_cast %broadcast_in_dim3A_390 : vector<16x1xi32> to vector<16xi32>
      %gather3A_392 = tpu.dynamic_gather %get3A_331[%gather3A_391] in [0] : vector<16xf32>, vector<16xi32> -> vector<16xf32>
      %mul3A_393 = arith.constant 1024 : i32
      %mul3A_394 = arith.muli %scan3A_374, %mul3A_393 : i32
      %scan3A_395 = arith.constant 0 : i32
      %scan3A_396 = arith.constant 0 : i32
      %scan3A_397 = arith.constant 16 : i32
      %scan3A_398 = arith.addi %scan3A_396, %scan3A_397 : i32
      %scan3A_399 = arith.constant 1 : i32
      %scan3A_400 = scf.for %scan3A_403 = %scan3A_396 to %scan3A_398 step %scan3A_399 iter_args(%scan3A_404 = %scan3A_395) -> (i32)  : i32 {
        %mul3A_405 = arith.constant 64 : i32
        %mul3A_406 = arith.muli %scan3A_403, %mul3A_405 : i32
        %add3A_407 = arith.constant 0 : i32
        %add3A_408 = arith.addi %mul3A_406, %add3A_407 : i32
        %get3A_409 = arith.index_cast %scan3A_374 : i32 to index
        %get3A_410 = arith.index_cast %add3A_408 : i32 to index
        %get3A_411 = tpu.vector_load %arg18[%get3A_409, %get3A_410] {strides = array<i32>} : memref<16x1024xf32, #tpu.memory_space<vmem>>, vector<1x16xf32>,
        %get3A_412 = vector.shape_cast %get3A_411 : vector<1x16xf32> to vector<16xf32>
        %get3A_413 = arith.index_cast %scan3A_374 : i32 to index
        %get3A_414 = arith.index_cast %add3A_408 : i32 to index
        %get3A_415 = tpu.vector_load %arg21[%get3A_413, %get3A_414] {strides = array<i32>} : memref<16x1024xf32, #tpu.memory_space<vmem>>, vector<1x16xf32>,
        %get3A_416 = vector.shape_cast %get3A_415 : vector<1x16xf32> to vector<16xf32>
        %mul3A_417 = arith.mulf %gather3A_382, %get3A_412 : vector<16xf32>
        %mul3A_418 = arith.mulf %gather3A_392, %get3A_416 : vector<16xf32>
        %add3A_419 = arith.addf %mul3A_417, %mul3A_418 : vector<16xf32>
        %add3A_420 = arith.addi %mul3A_394, %add3A_408 : i32
        %swap3A_421 = arith.index_cast %add3A_420 : i32 to index
        %swap3A_422 = tpu.vector_load %arg24[%swap3A_421] {strides = array<i32>} : memref<16384xf32, #tpu.memory_space<vmem>>, vector<16xf32>,
        %swap3A_423 = vector.shape_cast %swap3A_422 : vector<16xf32> to vector<16xf32>
        %swap3A_424 = vector.shape_cast %add3A_419 : vector<16xf32> to vector<16xf32>
        tpu.vector_store %arg24[%swap3A_421], %swap3A_424 {strides = array<i32>} : memref<16384xf32, #tpu.memory_space<vmem>>, vector<16xf32>,
        %mul3A_425 = arith.constant 64 : i32
        %mul3A_426 = arith.muli %scan3A_403, %mul3A_425 : i32
        %add3A_427 = arith.constant 16 : i32
        %add3A_428 = arith.addi %mul3A_426, %add3A_427 : i32
        %get3A_429 = arith.index_cast %scan3A_374 : i32 to index
        %get3A_430 = arith.index_cast %add3A_428 : i32 to index
        %get3A_431 = tpu.vector_load %arg18[%get3A_429, %get3A_430] {strides = array<i32>} : memref<16x1024xf32, #tpu.memory_space<vmem>>, vector<1x16xf32>,
        %get3A_432 = vector.shape_cast %get3A_431 : vector<1x16xf32> to vector<16xf32>
        %get3A_433 = arith.index_cast %scan3A_374 : i32 to index
        %get3A_434 = arith.index_cast %add3A_428 : i32 to index
        %get3A_435 = tpu.vector_load %arg21[%get3A_433, %get3A_434] {strides = array<i32>} : memref<16x1024xf32, #tpu.memory_space<vmem>>, vector<1x16xf32>,
        %get3A_436 = vector.shape_cast %get3A_435 : vector<1x16xf32> to vector<16xf32>
        %mul3A_437 = arith.mulf %gather3A_382, %get3A_432 : vector<16xf32>
        %mul3A_438 = arith.mulf %gather3A_392, %get3A_436 : vector<16xf32>
        %add3A_439 = arith.addf %mul3A_437, %mul3A_438 : vector<16xf32>
        %add3A_440 = arith.addi %mul3A_394, %add3A_428 : i32
        %swap3A_441 = arith.index_cast %add3A_440 : i32 to index
        %swap3A_442 = tpu.vector_load %arg24[%swap3A_441] {strides = array<i32>} : memref<16384xf32, #tpu.memory_space<vmem>>, vector<16xf32>,
        %swap3A_443 = vector.shape_cast %swap3A_442 : vector<16xf32> to vector<16xf32>
        %swap3A_444 = vector.shape_cast %add3A_439 : vector<16xf32> to vector<16xf32>
        tpu.vector_store %arg24[%swap3A_441], %swap3A_444 {strides = array<i32>} : memref<16384xf32, #tpu.memory_space<vmem>>, vector<16xf32>,
        %mul3A_445 = arith.constant 64 : i32
        %mul3A_446 = arith.muli %scan3A_403, %mul3A_445 : i32
        %add3A_447 = arith.constant 32 : i32
        %add3A_448 = arith.addi %mul3A_446, %add3A_447 : i32
        %get3A_449 = arith.index_cast %scan3A_374 : i32 to index
        %get3A_450 = arith.index_cast %add3A_448 : i32 to index
        %get3A_451 = tpu.vector_load %arg18[%get3A_449, %get3A_450] {strides = array<i32>} : memref<16x1024xf32, #tpu.memory_space<vmem>>, vector<1x16xf32>,
        %get3A_452 = vector.shape_cast %get3A_451 : vector<1x16xf32> to vector<16xf32>
        %get3A_453 = arith.index_cast %scan3A_374 : i32 to index
        %get3A_454 = arith.index_cast %add3A_448 : i32 to index
        %get3A_455 = tpu.vector_load %arg21[%get3A_453, %get3A_454] {strides = array<i32>} : memref<16x1024xf32, #tpu.memory_space<vmem>>, vector<1x16xf32>,
        %get3A_456 = vector.shape_cast %get3A_455 : vector<1x16xf32> to vector<16xf32>
        %mul3A_457 = arith.mulf %gather3A_382, %get3A_452 : vector<16xf32>
        %mul3A_458 = arith.mulf %gather3A_392, %get3A_456 : vector<16xf32>
        %add3A_459 = arith.addf %mul3A_457, %mul3A_458 : vector<16xf32>
        %add3A_460 = arith.addi %mul3A_394, %add3A_448 : i32
        %swap3A_461 = arith.index_cast %add3A_460 : i32 to index
        %swap3A_462 = tpu.vector_load %arg24[%swap3A_461] {strides = array<i32>} : memref<16384xf32, #tpu.memory_space<vmem>>, vector<16xf32>,
        %swap3A_463 = vector.shape_cast %swap3A_462 : vector<16xf32> to vector<16xf32>
        %swap3A_464 = vector.shape_cast %add3A_459 : vector<16xf32> to vector<16xf32>
        tpu.vector_store %arg24[%swap3A_461], %swap3A_464 {strides = array<i32>} : memref<16384xf32, #tpu.memory_space<vmem>>, vector<16xf32>,
        %mul3A_465 = arith.constant 64 : i32
        %mul3A_466 = arith.muli %scan3A_403, %mul3A_465 : i32
        %add3A_467 = arith.constant 48 : i32
        %add3A_468 = arith.addi %mul3A_466, %add3A_467 : i32
        %get3A_469 = arith.index_cast %scan3A_374 : i32 to index
        %get3A_470 = arith.index_cast %add3A_468 : i32 to index
        %get3A_471 = tpu.vector_load %arg18[%get3A_469, %get3A_470] {strides = array<i32>} : memref<16x1024xf32, #tpu.memory_space<vmem>>, vector<1x16xf32>,
        %get3A_472 = vector.shape_cast %get3A_471 : vector<1x16xf32> to vector<16xf32>
        %get3A_473 = arith.index_cast %scan3A_374 : i32 to index
        %get3A_474 = arith.index_cast %add3A_468 : i32 to index
        %get3A_475 = tpu.vector_load %arg21[%get3A_473, %get3A_474] {strides = array<i32>} : memref<16x1024xf32, #tpu.memory_space<vmem>>, vector<1x16xf32>,
        %get3A_476 = vector.shape_cast %get3A_475 : vector<1x16xf32> to vector<16xf32>
        %mul3A_477 = arith.mulf %gather3A_382, %get3A_472 : vector<16xf32>
        %mul3A_478 = arith.mulf %gather3A_392, %get3A_476 : vector<16xf32>
        %add3A_479 = arith.addf %mul3A_477, %mul3A_478 : vector<16xf32>
        %add3A_480 = arith.addi %mul3A_394, %add3A_468 : i32
        %swap3A_481 = arith.index_cast %add3A_480 : i32 to index
        %swap3A_482 = tpu.vector_load %arg24[%swap3A_481] {strides = array<i32>} : memref<16384xf32, #tpu.memory_space<vmem>>, vector<16xf32>,
        %swap3A_483 = vector.shape_cast %swap3A_482 : vector<16xf32> to vector<16xf32>
        %swap3A_484 = vector.shape_cast %add3A_479 : vector<16xf32> to vector<16xf32>
        tpu.vector_store %arg24[%swap3A_481], %swap3A_484 {strides = array<i32>} : memref<16384xf32, #tpu.memory_space<vmem>>, vector<16xf32>,
        %scan3A_485 = arith.constant 0 : i32
        scf.yield %scan3A_485 : i32
      }
      %scan3A_401 = arith.constant 16 : i32
      %scan3A_402 = arith.constant 0 : i32
      scf.yield %scan3A_402 : i32
    }
    %scan3A_338 = arith.constant 16 : i32
    %add3A_339 = arith.constant 96 : i32
    %add3A_340 = arith.addi %mul3A_2, %add3A_339 : i32
    %mul3A_341 = arith.constant 1024 : i32
    %mul3A_342 = arith.muli %add3A_340, %mul3A_341 : i32
    %dma_start3A_343 = tpu.memref_slice %arg7[%mul3A_342] : memref<4194304xf32, #tpu.memory_space<hbm>> -> memref<16384xf32, #tpu.memory_space<hbm>>
    %dma_start3A_344 = tpu.memref_slice %arg7[%mul3A_342] : memref<4194304xf32, #tpu.memory_space<hbm>> -> memref<16384xf32, #tpu.memory_space<hbm>>
    tpu.enqueue_dma source(%arg24 : memref<16384xf32, #tpu.memory_space<vmem>>) target(%dma_start3A_344 : memref<16384xf32, #tpu.memory_space<hbm>>) target_semaphore(%arg28 : memref<!tpu.dma_semaphore, #tpu.memory_space<semaphore_mem>>)
    %dma_wait3A_345 = arith.constant 0 : i32
    %dma_wait3A_346 = arith.constant 0 : i32
    %dma_wait3A_347 = tpu.memref_slice %arg2[%dma_wait3A_345, %dma_wait3A_346] : memref<10240x1024xf32, #tpu.memory_space<hbm>> -> memref<10240x1024xf32, #tpu.memory_space<hbm>>
    tpu.wait_indirect_dma semaphore(%arg26 : memref<!tpu.dma_semaphore, #tpu.memory_space<semaphore_mem>>) src(%dma_wait3A_347 : memref<10240x1024xf32, #tpu.memory_space<hbm>>) dst(%arg19 : memref<16x1024xf32, #tpu.memory_space<vmem>>)
    %dma_wait3A_348 = arith.constant 0 : i32
    %dma_wait3A_349 = arith.constant 0 : i32
    %dma_wait3A_350 = tpu.memref_slice %arg2[%dma_wait3A_348, %dma_wait3A_349] : memref<10240x1024xf32, #tpu.memory_space<hbm>> -> memref<10240x1024xf32, #tpu.memory_space<hbm>>
    tpu.wait_indirect_dma semaphore(%arg26 : memref<!tpu.dma_semaphore, #tpu.memory_space<semaphore_mem>>) src(%dma_wait3A_350 : memref<10240x1024xf32, #tpu.memory_space<hbm>>) dst(%arg22 : memref<16x1024xf32, #tpu.memory_space<vmem>>)
    %dma_wait3A_351 = tpu.memref_slice %arg7[%mul3A_342] : memref<4194304xf32, #tpu.memory_space<hbm>> -> memref<16384xf32, #tpu.memory_space<hbm>>
    %dma_wait3A_352 = tpu.memref_slice %arg7[%mul3A_342] : memref<4194304xf32, #tpu.memory_space<hbm>> -> memref<16384xf32, #tpu.memory_space<hbm>>
    tpu.wait_dma2 semaphore(%arg28 : memref<!tpu.dma_semaphore, #tpu.memory_space<semaphore_mem>>) src(%arg24 : memref<16384xf32, #tpu.memory_space<vmem>>) dst(%dma_wait3A_352 : memref<16384xf32, #tpu.memory_space<hbm>>)
    %get3A_353 = arith.constant 112 : index
    %get3A_354 = tpu.vector_load %arg10[%get3A_353] {strides = array<i32>} : memref<128xf32, #tpu.memory_space<vmem>>, vector<16xf32>,
    %get3A_355 = vector.shape_cast %get3A_354 : vector<16xf32> to vector<16xf32>
    %get3A_356 = arith.constant 112 : index
    %get3A_357 = tpu.vector_load %arg11[%get3A_356] {strides = array<i32>} : memref<128xf32, #tpu.memory_space<vmem>>, vector<16xf32>,
    %get3A_358 = vector.shape_cast %get3A_357 : vector<16xf32> to vector<16xf32>
    %scan3A_359 = arith.constant 0 : i32
    %scan3A_360 = arith.constant 0 : i32
    %scan3A_361 = arith.constant 16 : i32
    %scan3A_362 = arith.addi %scan3A_360, %scan3A_361 : i32
    %scan3A_363 = arith.constant 1 : i32
    %scan3A_364 = scf.for %scan3A_374 = %scan3A_360 to %scan3A_362 step %scan3A_363 iter_args(%scan3A_375 = %scan3A_359) -> (i32)  : i32 {
      %broadcast_in_dim3A = vector.broadcast %scan3A_374 : i32 to vector<16xi32>
      %lt3A = arith.constant 0 : i32
      %lt3A_376 = vector.broadcast %lt3A : i32 to vector<16xi32>
      %lt3A_377 = arith.cmpi slt, %broadcast_in_dim3A, %lt3A_376 : vector<16xi32>
      %add3A_378 = arith.constant 16 : i32
      %add3A_379 = vector.broadcast %add3A_378 : i32 to vector<16xi32>
      %add3A_380 = arith.addi %broadcast_in_dim3A, %add3A_379 : vector<16xi32>
      %select_n3A = arith.select %lt3A_377, %add3A_380, %broadcast_in_dim3A : vector<16xi1>, vector<16xi32>
      %broadcast_in_dim3A_381 = vector.shape_cast %select_n3A : vector<16xi32> to vector<16x1xi32>
      %gather3A = vector.shape_cast %broadcast_in_dim3A_381 : vector<16x1xi32> to vector<16xi32>
      %gather3A_382 = tpu.dynamic_gather %get3A_355[%gather3A] in [0] : vector<16xf32>, vector<16xi32> -> vector<16xf32>
      %lt3A_383 = arith.constant 0 : i32
      %lt3A_384 = vector.broadcast %lt3A_383 : i32 to vector<16xi32>
      %lt3A_385 = arith.cmpi slt, %broadcast_in_dim3A, %lt3A_384 : vector<16xi32>
      %add3A_386 = arith.constant 16 : i32
      %add3A_387 = vector.broadcast %add3A_386 : i32 to vector<16xi32>
      %add3A_388 = arith.addi %broadcast_in_dim3A, %add3A_387 : vector<16xi32>
      %select_n3A_389 = arith.select %lt3A_385, %add3A_388, %broadcast_in_dim3A : vector<16xi1>, vector<16xi32>
      %broadcast_in_dim3A_390 = vector.shape_cast %select_n3A_389 : vector<16xi32> to vector<16x1xi32>
      %gather3A_391 = vector.shape_cast %broadcast_in_dim3A_390 : vector<16x1xi32> to vector<16xi32>
      %gather3A_392 = tpu.dynamic_gather %get3A_358[%gather3A_391] in [0] : vector<16xf32>, vector<16xi32> -> vector<16xf32>
      %mul3A_393 = arith.constant 1024 : i32
      %mul3A_394 = arith.muli %scan3A_374, %mul3A_393 : i32
      %scan3A_395 = arith.constant 0 : i32
      %scan3A_396 = arith.constant 0 : i32
      %scan3A_397 = arith.constant 16 : i32
      %scan3A_398 = arith.addi %scan3A_396, %scan3A_397 : i32
      %scan3A_399 = arith.constant 1 : i32
      %scan3A_400 = scf.for %scan3A_403 = %scan3A_396 to %scan3A_398 step %scan3A_399 iter_args(%scan3A_404 = %scan3A_395) -> (i32)  : i32 {
        %mul3A_405 = arith.constant 64 : i32
        %mul3A_406 = arith.muli %scan3A_403, %mul3A_405 : i32
        %add3A_407 = arith.constant 0 : i32
        %add3A_408 = arith.addi %mul3A_406, %add3A_407 : i32
        %get3A_409 = arith.index_cast %scan3A_374 : i32 to index
        %get3A_410 = arith.index_cast %add3A_408 : i32 to index
        %get3A_411 = tpu.vector_load %arg19[%get3A_409, %get3A_410] {strides = array<i32>} : memref<16x1024xf32, #tpu.memory_space<vmem>>, vector<1x16xf32>,
        %get3A_412 = vector.shape_cast %get3A_411 : vector<1x16xf32> to vector<16xf32>
        %get3A_413 = arith.index_cast %scan3A_374 : i32 to index
        %get3A_414 = arith.index_cast %add3A_408 : i32 to index
        %get3A_415 = tpu.vector_load %arg22[%get3A_413, %get3A_414] {strides = array<i32>} : memref<16x1024xf32, #tpu.memory_space<vmem>>, vector<1x16xf32>,
        %get3A_416 = vector.shape_cast %get3A_415 : vector<1x16xf32> to vector<16xf32>
        %mul3A_417 = arith.mulf %gather3A_382, %get3A_412 : vector<16xf32>
        %mul3A_418 = arith.mulf %gather3A_392, %get3A_416 : vector<16xf32>
        %add3A_419 = arith.addf %mul3A_417, %mul3A_418 : vector<16xf32>
        %add3A_420 = arith.addi %mul3A_394, %add3A_408 : i32
        %swap3A_421 = arith.index_cast %add3A_420 : i32 to index
        %swap3A_422 = tpu.vector_load %arg24[%swap3A_421] {strides = array<i32>} : memref<16384xf32, #tpu.memory_space<vmem>>, vector<16xf32>,
        %swap3A_423 = vector.shape_cast %swap3A_422 : vector<16xf32> to vector<16xf32>
        %swap3A_424 = vector.shape_cast %add3A_419 : vector<16xf32> to vector<16xf32>
        tpu.vector_store %arg24[%swap3A_421], %swap3A_424 {strides = array<i32>} : memref<16384xf32, #tpu.memory_space<vmem>>, vector<16xf32>,
        %mul3A_425 = arith.constant 64 : i32
        %mul3A_426 = arith.muli %scan3A_403, %mul3A_425 : i32
        %add3A_427 = arith.constant 16 : i32
        %add3A_428 = arith.addi %mul3A_426, %add3A_427 : i32
        %get3A_429 = arith.index_cast %scan3A_374 : i32 to index
        %get3A_430 = arith.index_cast %add3A_428 : i32 to index
        %get3A_431 = tpu.vector_load %arg19[%get3A_429, %get3A_430] {strides = array<i32>} : memref<16x1024xf32, #tpu.memory_space<vmem>>, vector<1x16xf32>,
        %get3A_432 = vector.shape_cast %get3A_431 : vector<1x16xf32> to vector<16xf32>
        %get3A_433 = arith.index_cast %scan3A_374 : i32 to index
        %get3A_434 = arith.index_cast %add3A_428 : i32 to index
        %get3A_435 = tpu.vector_load %arg22[%get3A_433, %get3A_434] {strides = array<i32>} : memref<16x1024xf32, #tpu.memory_space<vmem>>, vector<1x16xf32>,
        %get3A_436 = vector.shape_cast %get3A_435 : vector<1x16xf32> to vector<16xf32>
        %mul3A_437 = arith.mulf %gather3A_382, %get3A_432 : vector<16xf32>
        %mul3A_438 = arith.mulf %gather3A_392, %get3A_436 : vector<16xf32>
        %add3A_439 = arith.addf %mul3A_437, %mul3A_438 : vector<16xf32>
        %add3A_440 = arith.addi %mul3A_394, %add3A_428 : i32
        %swap3A_441 = arith.index_cast %add3A_440 : i32 to index
        %swap3A_442 = tpu.vector_load %arg24[%swap3A_441] {strides = array<i32>} : memref<16384xf32, #tpu.memory_space<vmem>>, vector<16xf32>,
        %swap3A_443 = vector.shape_cast %swap3A_442 : vector<16xf32> to vector<16xf32>
        %swap3A_444 = vector.shape_cast %add3A_439 : vector<16xf32> to vector<16xf32>
        tpu.vector_store %arg24[%swap3A_441], %swap3A_444 {strides = array<i32>} : memref<16384xf32, #tpu.memory_space<vmem>>, vector<16xf32>,
        %mul3A_445 = arith.constant 64 : i32
        %mul3A_446 = arith.muli %scan3A_403, %mul3A_445 : i32
        %add3A_447 = arith.constant 32 : i32
        %add3A_448 = arith.addi %mul3A_446, %add3A_447 : i32
        %get3A_449 = arith.index_cast %scan3A_374 : i32 to index
        %get3A_450 = arith.index_cast %add3A_448 : i32 to index
        %get3A_451 = tpu.vector_load %arg19[%get3A_449, %get3A_450] {strides = array<i32>} : memref<16x1024xf32, #tpu.memory_space<vmem>>, vector<1x16xf32>,
        %get3A_452 = vector.shape_cast %get3A_451 : vector<1x16xf32> to vector<16xf32>
        %get3A_453 = arith.index_cast %scan3A_374 : i32 to index
        %get3A_454 = arith.index_cast %add3A_448 : i32 to index
        %get3A_455 = tpu.vector_load %arg22[%get3A_453, %get3A_454] {strides = array<i32>} : memref<16x1024xf32, #tpu.memory_space<vmem>>, vector<1x16xf32>,
        %get3A_456 = vector.shape_cast %get3A_455 : vector<1x16xf32> to vector<16xf32>
        %mul3A_457 = arith.mulf %gather3A_382, %get3A_452 : vector<16xf32>
        %mul3A_458 = arith.mulf %gather3A_392, %get3A_456 : vector<16xf32>
        %add3A_459 = arith.addf %mul3A_457, %mul3A_458 : vector<16xf32>
        %add3A_460 = arith.addi %mul3A_394, %add3A_448 : i32
        %swap3A_461 = arith.index_cast %add3A_460 : i32 to index
        %swap3A_462 = tpu.vector_load %arg24[%swap3A_461] {strides = array<i32>} : memref<16384xf32, #tpu.memory_space<vmem>>, vector<16xf32>,
        %swap3A_463 = vector.shape_cast %swap3A_462 : vector<16xf32> to vector<16xf32>
        %swap3A_464 = vector.shape_cast %add3A_459 : vector<16xf32> to vector<16xf32>
        tpu.vector_store %arg24[%swap3A_461], %swap3A_464 {strides = array<i32>} : memref<16384xf32, #tpu.memory_space<vmem>>, vector<16xf32>,
        %mul3A_465 = arith.constant 64 : i32
        %mul3A_466 = arith.muli %scan3A_403, %mul3A_465 : i32
        %add3A_467 = arith.constant 48 : i32
        %add3A_468 = arith.addi %mul3A_466, %add3A_467 : i32
        %get3A_469 = arith.index_cast %scan3A_374 : i32 to index
        %get3A_470 = arith.index_cast %add3A_468 : i32 to index
        %get3A_471 = tpu.vector_load %arg19[%get3A_469, %get3A_470] {strides = array<i32>} : memref<16x1024xf32, #tpu.memory_space<vmem>>, vector<1x16xf32>,
        %get3A_472 = vector.shape_cast %get3A_471 : vector<1x16xf32> to vector<16xf32>
        %get3A_473 = arith.index_cast %scan3A_374 : i32 to index
        %get3A_474 = arith.index_cast %add3A_468 : i32 to index
        %get3A_475 = tpu.vector_load %arg22[%get3A_473, %get3A_474] {strides = array<i32>} : memref<16x1024xf32, #tpu.memory_space<vmem>>, vector<1x16xf32>,
        %get3A_476 = vector.shape_cast %get3A_475 : vector<1x16xf32> to vector<16xf32>
        %mul3A_477 = arith.mulf %gather3A_382, %get3A_472 : vector<16xf32>
        %mul3A_478 = arith.mulf %gather3A_392, %get3A_476 : vector<16xf32>
        %add3A_479 = arith.addf %mul3A_477, %mul3A_478 : vector<16xf32>
        %add3A_480 = arith.addi %mul3A_394, %add3A_468 : i32
        %swap3A_481 = arith.index_cast %add3A_480 : i32 to index
        %swap3A_482 = tpu.vector_load %arg24[%swap3A_481] {strides = array<i32>} : memref<16384xf32, #tpu.memory_space<vmem>>, vector<16xf32>,
        %swap3A_483 = vector.shape_cast %swap3A_482 : vector<16xf32> to vector<16xf32>
        %swap3A_484 = vector.shape_cast %add3A_479 : vector<16xf32> to vector<16xf32>
        tpu.vector_store %arg24[%swap3A_481], %swap3A_484 {strides = array<i32>} : memref<16384xf32, #tpu.memory_space<vmem>>, vector<16xf32>,
        %scan3A_485 = arith.constant 0 : i32
        scf.yield %scan3A_485 : i32
      }
      %scan3A_401 = arith.constant 16 : i32
      %scan3A_402 = arith.constant 0 : i32
      scf.yield %scan3A_402 : i32
    }
    %scan3A_365 = arith.constant 16 : i32
    %add3A_366 = arith.constant 112 : i32
    %add3A_367 = arith.addi %mul3A_2, %add3A_366 : i32
    %mul3A_368 = arith.constant 1024 : i32
    %mul3A_369 = arith.muli %add3A_367, %mul3A_368 : i32
    %dma_start3A_370 = tpu.memref_slice %arg7[%mul3A_369] : memref<4194304xf32, #tpu.memory_space<hbm>> -> memref<16384xf32, #tpu.memory_space<hbm>>
    %dma_start3A_371 = tpu.memref_slice %arg7[%mul3A_369] : memref<4194304xf32, #tpu.memory_space<hbm>> -> memref<16384xf32, #tpu.memory_space<hbm>>
    tpu.enqueue_dma source(%arg24 : memref<16384xf32, #tpu.memory_space<vmem>>) target(%dma_start3A_371 : memref<16384xf32, #tpu.memory_space<hbm>>) target_semaphore(%arg28 : memref<!tpu.dma_semaphore, #tpu.memory_space<semaphore_mem>>)
    %dma_wait3A_372 = tpu.memref_slice %arg7[%mul3A_369] : memref<4194304xf32, #tpu.memory_space<hbm>> -> memref<16384xf32, #tpu.memory_space<hbm>>
    %dma_wait3A_373 = tpu.memref_slice %arg7[%mul3A_369] : memref<4194304xf32, #tpu.memory_space<hbm>> -> memref<16384xf32, #tpu.memory_space<hbm>>
    tpu.wait_dma2 semaphore(%arg28 : memref<!tpu.dma_semaphore, #tpu.memory_space<semaphore_mem>>) src(%arg24 : memref<16384xf32, #tpu.memory_space<vmem>>) dst(%dma_wait3A_373 : memref<16384xf32, #tpu.memory_space<hbm>>)
    return
  }
}

#map = affine_map<(d0, d1) -> (0, 0)>
#map1 = affine_map<(d0, d1) -> (0)>
module attributes {stable_mosaic.version = 14 : i64} {
  func.func @_scatter_k(%arg0: i32, %arg1: i32, %arg2: memref<4096x1024xf32, #tpu.memory_space<hbm>>, %arg3: memref<4096xi32, #tpu.memory_space<hbm>>, %arg4: memref<4096xi32, #tpu.memory_space<hbm>>, %arg5: memref<4096xi32, #tpu.memory_space<hbm>>, %arg6: memref<4096xi32, #tpu.memory_space<hbm>>, %arg7: memref<16xi32, #tpu.memory_space<hbm>>, %arg8: memref<10240x1024xf32, #tpu.memory_space<hbm>>, %arg9: memref<4096xi32, #tpu.memory_space<hbm>>, %arg10: memref<4096xi32, #tpu.memory_space<hbm>>, %arg11: memref<128xi32, #tpu.memory_space<vmem>>, %arg12: memref<128xi32, #tpu.memory_space<vmem>>, %arg13: memref<128xi32, #tpu.memory_space<vmem>>, %arg14: memref<128xi32, #tpu.memory_space<vmem>>, %arg15: memref<128xi32, #tpu.memory_space<vmem>>, %arg16: memref<128xi32, #tpu.memory_space<vmem>>, %arg17: memref<16xi32, #tpu.memory_space<vmem>>, %arg18: memref<64xi32, #tpu.memory_space<vmem>>, %arg19: memref<64xi32, #tpu.memory_space<vmem>>, %arg20: memref<64xi32, #tpu.memory_space<vmem>>, %arg21: memref<64xi32, #tpu.memory_space<vmem>>, %arg22: memref<64x1024xf32, #tpu.memory_space<vmem>>, %arg23: memref<!tpu.dma_semaphore, #tpu.memory_space<semaphore_mem>>, %arg24: memref<!tpu.dma_semaphore, #tpu.memory_space<semaphore_mem>>) attributes {dimension_semantics = [#tpu.dimension_semantics<core_parallel>, #tpu.dimension_semantics<subcore_parallel>], iteration_bounds = array<i64: 2, 16>, scalar_prefetch = 0 : i64, scratch_operands = 14 : i64, tpu.core_type = #tpu.core_type<sc_vector_subcore>, window_params = [{transform_indices = #map}, {transform_indices = #map1}, {transform_indices = #map1}, {transform_indices = #map1}, {transform_indices = #map1}, {transform_indices = #map1}, {transform_indices = #map}, {transform_indices = #map1}, {transform_indices = #map1}]} {
    %mul3A = arith.constant 2 : i32
    %mul3A_0 = arith.muli %arg1, %mul3A : i32
    %add3A = arith.addi %mul3A_0, %arg0 : i32
    %mul3A_1 = arith.constant 128 : i32
    %mul3A_2 = arith.muli %add3A, %mul3A_1 : i32
    "tpu.region"() ({
      %run_scoped3A = tpu.sem_alloc : memref<!tpu.dma_semaphore, #tpu.memory_space<semaphore_mem>>
      %dma_start3A_426 = tpu.memref_slice %arg3[%mul3A_2] : memref<4096xi32, #tpu.memory_space<hbm>> -> memref<128xi32, #tpu.memory_space<hbm>>
      %dma_start3A_427 = tpu.memref_slice %arg3[%mul3A_2] : memref<4096xi32, #tpu.memory_space<hbm>> -> memref<128xi32, #tpu.memory_space<hbm>>
      tpu.enqueue_dma source(%dma_start3A_427 : memref<128xi32, #tpu.memory_space<hbm>>) target(%arg11 : memref<128xi32, #tpu.memory_space<vmem>>) target_semaphore(%run_scoped3A : memref<!tpu.dma_semaphore, #tpu.memory_space<semaphore_mem>>)
      %dma_wait3A_428 = tpu.memref_slice %arg3[%mul3A_2] : memref<4096xi32, #tpu.memory_space<hbm>> -> memref<128xi32, #tpu.memory_space<hbm>>
      %dma_wait3A_429 = tpu.memref_slice %arg3[%mul3A_2] : memref<4096xi32, #tpu.memory_space<hbm>> -> memref<128xi32, #tpu.memory_space<hbm>>
      tpu.wait_dma2 semaphore(%run_scoped3A : memref<!tpu.dma_semaphore, #tpu.memory_space<semaphore_mem>>) src(%dma_wait3A_429 : memref<128xi32, #tpu.memory_space<hbm>>) dst(%arg11 : memref<128xi32, #tpu.memory_space<vmem>>)
      tpu.yield
    }) : () -> ()
    "tpu.region"() ({
      %run_scoped3A = tpu.sem_alloc : memref<!tpu.dma_semaphore, #tpu.memory_space<semaphore_mem>>
      %dma_start3A_426 = tpu.memref_slice %arg4[%mul3A_2] : memref<4096xi32, #tpu.memory_space<hbm>> -> memref<128xi32, #tpu.memory_space<hbm>>
      %dma_start3A_427 = tpu.memref_slice %arg4[%mul3A_2] : memref<4096xi32, #tpu.memory_space<hbm>> -> memref<128xi32, #tpu.memory_space<hbm>>
      tpu.enqueue_dma source(%dma_start3A_427 : memref<128xi32, #tpu.memory_space<hbm>>) target(%arg12 : memref<128xi32, #tpu.memory_space<vmem>>) target_semaphore(%run_scoped3A : memref<!tpu.dma_semaphore, #tpu.memory_space<semaphore_mem>>)
      %dma_wait3A_428 = tpu.memref_slice %arg4[%mul3A_2] : memref<4096xi32, #tpu.memory_space<hbm>> -> memref<128xi32, #tpu.memory_space<hbm>>
      %dma_wait3A_429 = tpu.memref_slice %arg4[%mul3A_2] : memref<4096xi32, #tpu.memory_space<hbm>> -> memref<128xi32, #tpu.memory_space<hbm>>
      tpu.wait_dma2 semaphore(%run_scoped3A : memref<!tpu.dma_semaphore, #tpu.memory_space<semaphore_mem>>) src(%dma_wait3A_429 : memref<128xi32, #tpu.memory_space<hbm>>) dst(%arg12 : memref<128xi32, #tpu.memory_space<vmem>>)
      tpu.yield
    }) : () -> ()
    "tpu.region"() ({
      %run_scoped3A = tpu.sem_alloc : memref<!tpu.dma_semaphore, #tpu.memory_space<semaphore_mem>>
      %dma_start3A_426 = tpu.memref_slice %arg5[%mul3A_2] : memref<4096xi32, #tpu.memory_space<hbm>> -> memref<128xi32, #tpu.memory_space<hbm>>
      %dma_start3A_427 = tpu.memref_slice %arg5[%mul3A_2] : memref<4096xi32, #tpu.memory_space<hbm>> -> memref<128xi32, #tpu.memory_space<hbm>>
      tpu.enqueue_dma source(%dma_start3A_427 : memref<128xi32, #tpu.memory_space<hbm>>) target(%arg13 : memref<128xi32, #tpu.memory_space<vmem>>) target_semaphore(%run_scoped3A : memref<!tpu.dma_semaphore, #tpu.memory_space<semaphore_mem>>)
      %dma_wait3A_428 = tpu.memref_slice %arg5[%mul3A_2] : memref<4096xi32, #tpu.memory_space<hbm>> -> memref<128xi32, #tpu.memory_space<hbm>>
      %dma_wait3A_429 = tpu.memref_slice %arg5[%mul3A_2] : memref<4096xi32, #tpu.memory_space<hbm>> -> memref<128xi32, #tpu.memory_space<hbm>>
      tpu.wait_dma2 semaphore(%run_scoped3A : memref<!tpu.dma_semaphore, #tpu.memory_space<semaphore_mem>>) src(%dma_wait3A_429 : memref<128xi32, #tpu.memory_space<hbm>>) dst(%arg13 : memref<128xi32, #tpu.memory_space<vmem>>)
      tpu.yield
    }) : () -> ()
    "tpu.region"() ({
      %run_scoped3A = tpu.sem_alloc : memref<!tpu.dma_semaphore, #tpu.memory_space<semaphore_mem>>
      %dma_start3A_426 = tpu.memref_slice %arg6[%mul3A_2] : memref<4096xi32, #tpu.memory_space<hbm>> -> memref<128xi32, #tpu.memory_space<hbm>>
      %dma_start3A_427 = tpu.memref_slice %arg6[%mul3A_2] : memref<4096xi32, #tpu.memory_space<hbm>> -> memref<128xi32, #tpu.memory_space<hbm>>
      tpu.enqueue_dma source(%dma_start3A_427 : memref<128xi32, #tpu.memory_space<hbm>>) target(%arg14 : memref<128xi32, #tpu.memory_space<vmem>>) target_semaphore(%run_scoped3A : memref<!tpu.dma_semaphore, #tpu.memory_space<semaphore_mem>>)
      %dma_wait3A_428 = tpu.memref_slice %arg6[%mul3A_2] : memref<4096xi32, #tpu.memory_space<hbm>> -> memref<128xi32, #tpu.memory_space<hbm>>
      %dma_wait3A_429 = tpu.memref_slice %arg6[%mul3A_2] : memref<4096xi32, #tpu.memory_space<hbm>> -> memref<128xi32, #tpu.memory_space<hbm>>
      tpu.wait_dma2 semaphore(%run_scoped3A : memref<!tpu.dma_semaphore, #tpu.memory_space<semaphore_mem>>) src(%dma_wait3A_429 : memref<128xi32, #tpu.memory_space<hbm>>) dst(%arg14 : memref<128xi32, #tpu.memory_space<vmem>>)
      tpu.yield
    }) : () -> ()
    "tpu.region"() ({
      %run_scoped3A = tpu.sem_alloc : memref<!tpu.dma_semaphore, #tpu.memory_space<semaphore_mem>>
      tpu.enqueue_dma source(%arg7 : memref<16xi32, #tpu.memory_space<hbm>>) target(%arg17 : memref<16xi32, #tpu.memory_space<vmem>>) target_semaphore(%run_scoped3A : memref<!tpu.dma_semaphore, #tpu.memory_space<semaphore_mem>>)
      tpu.wait_dma2 semaphore(%run_scoped3A : memref<!tpu.dma_semaphore, #tpu.memory_space<semaphore_mem>>) src(%arg7 : memref<16xi32, #tpu.memory_space<hbm>>) dst(%arg17 : memref<16xi32, #tpu.memory_space<vmem>>)
      tpu.yield
    }) : () -> ()
    %get3A = arith.constant 0 : index
    %get3A_3 = tpu.vector_load %arg17[%get3A] {strides = array<i32>} : memref<16xi32, #tpu.memory_space<vmem>>, vector<16xi32>,
    %get3A_4 = vector.shape_cast %get3A_3 : vector<16xi32> to vector<16xi32>
    %get3A_5 = arith.constant 0 : index
    %get3A_6 = tpu.vector_load %arg11[%get3A_5] {strides = array<i32>} : memref<128xi32, #tpu.memory_space<vmem>>, vector<16xi32>,
    %get3A_7 = vector.shape_cast %get3A_6 : vector<16xi32> to vector<16xi32>
    %get3A_8 = arith.constant 0 : index
    %get3A_9 = tpu.vector_load %arg13[%get3A_8] {strides = array<i32>} : memref<128xi32, #tpu.memory_space<vmem>>, vector<16xi32>,
    %get3A_10 = vector.shape_cast %get3A_9 : vector<16xi32> to vector<16xi32>
    %lt3A = arith.constant 0 : i32
    %lt3A_11 = vector.broadcast %lt3A : i32 to vector<16xi32>
    %lt3A_12 = arith.cmpi slt, %get3A_7, %lt3A_11 : vector<16xi32>
    %add3A_13 = arith.constant 16 : i32
    %add3A_14 = vector.broadcast %add3A_13 : i32 to vector<16xi32>
    %add3A_15 = arith.addi %get3A_7, %add3A_14 : vector<16xi32>
    %select_n3A = arith.select %lt3A_12, %add3A_15, %get3A_7 : vector<16xi1>, vector<16xi32>
    %broadcast_in_dim3A = vector.shape_cast %select_n3A : vector<16xi32> to vector<16x1xi32>
    %gather3A = vector.shape_cast %broadcast_in_dim3A : vector<16x1xi32> to vector<16xi32>
    %gather3A_16 = tpu.dynamic_gather %get3A_4[%gather3A] in [0] : vector<16xi32>, vector<16xi32> -> vector<16xi32>
    %add3A_17 = arith.addi %get3A_10, %gather3A_16 : vector<16xi32>
    %swap3A = arith.constant 0 : index
    %swap3A_18 = tpu.vector_load %arg15[%swap3A] {strides = array<i32>} : memref<128xi32, #tpu.memory_space<vmem>>, vector<16xi32>,
    %swap3A_19 = vector.shape_cast %swap3A_18 : vector<16xi32> to vector<16xi32>
    %swap3A_20 = vector.shape_cast %add3A_17 : vector<16xi32> to vector<16xi32>
    tpu.vector_store %arg15[%swap3A], %swap3A_20 {strides = array<i32>} : memref<128xi32, #tpu.memory_space<vmem>>, vector<16xi32>,
    %swap3A_21 = arith.constant 0 : index
    %swap3A_22 = tpu.vector_load %arg18[%swap3A_21] {strides = array<i32>} : memref<64xi32, #tpu.memory_space<vmem>>, vector<16xi32>,
    %swap3A_23 = vector.shape_cast %swap3A_22 : vector<16xi32> to vector<16xi32>
    %swap3A_24 = vector.shape_cast %add3A_17 : vector<16xi32> to vector<16xi32>
    tpu.vector_store %arg18[%swap3A_21], %swap3A_24 {strides = array<i32>} : memref<64xi32, #tpu.memory_space<vmem>>, vector<16xi32>,
    %get3A_25 = arith.constant 0 : index
    %get3A_26 = tpu.vector_load %arg12[%get3A_25] {strides = array<i32>} : memref<128xi32, #tpu.memory_space<vmem>>, vector<16xi32>,
    %get3A_27 = vector.shape_cast %get3A_26 : vector<16xi32> to vector<16xi32>
    %get3A_28 = arith.constant 0 : index
    %get3A_29 = tpu.vector_load %arg14[%get3A_28] {strides = array<i32>} : memref<128xi32, #tpu.memory_space<vmem>>, vector<16xi32>,
    %get3A_30 = vector.shape_cast %get3A_29 : vector<16xi32> to vector<16xi32>
    %lt3A_31 = arith.constant 0 : i32
    %lt3A_32 = vector.broadcast %lt3A_31 : i32 to vector<16xi32>
    %lt3A_33 = arith.cmpi slt, %get3A_27, %lt3A_32 : vector<16xi32>
    %add3A_34 = arith.constant 16 : i32
    %add3A_35 = vector.broadcast %add3A_34 : i32 to vector<16xi32>
    %add3A_36 = arith.addi %get3A_27, %add3A_35 : vector<16xi32>
    %select_n3A_37 = arith.select %lt3A_33, %add3A_36, %get3A_27 : vector<16xi1>, vector<16xi32>
    %broadcast_in_dim3A_38 = vector.shape_cast %select_n3A_37 : vector<16xi32> to vector<16x1xi32>
    %gather3A_39 = vector.shape_cast %broadcast_in_dim3A_38 : vector<16x1xi32> to vector<16xi32>
    %gather3A_40 = tpu.dynamic_gather %get3A_4[%gather3A_39] in [0] : vector<16xi32>, vector<16xi32> -> vector<16xi32>
    %add3A_41 = arith.addi %get3A_30, %gather3A_40 : vector<16xi32>
    %swap3A_42 = arith.constant 0 : index
    %swap3A_43 = tpu.vector_load %arg16[%swap3A_42] {strides = array<i32>} : memref<128xi32, #tpu.memory_space<vmem>>, vector<16xi32>,
    %swap3A_44 = vector.shape_cast %swap3A_43 : vector<16xi32> to vector<16xi32>
    %swap3A_45 = vector.shape_cast %add3A_41 : vector<16xi32> to vector<16xi32>
    tpu.vector_store %arg16[%swap3A_42], %swap3A_45 {strides = array<i32>} : memref<128xi32, #tpu.memory_space<vmem>>, vector<16xi32>,
    %swap3A_46 = arith.constant 0 : index
    %swap3A_47 = tpu.vector_load %arg20[%swap3A_46] {strides = array<i32>} : memref<64xi32, #tpu.memory_space<vmem>>, vector<16xi32>,
    %swap3A_48 = vector.shape_cast %swap3A_47 : vector<16xi32> to vector<16xi32>
    %swap3A_49 = vector.shape_cast %add3A_41 : vector<16xi32> to vector<16xi32>
    tpu.vector_store %arg20[%swap3A_46], %swap3A_49 {strides = array<i32>} : memref<64xi32, #tpu.memory_space<vmem>>, vector<16xi32>,
    %get3A_50 = arith.constant 16 : index
    %get3A_51 = tpu.vector_load %arg11[%get3A_50] {strides = array<i32>} : memref<128xi32, #tpu.memory_space<vmem>>, vector<16xi32>,
    %get3A_52 = vector.shape_cast %get3A_51 : vector<16xi32> to vector<16xi32>
    %get3A_53 = arith.constant 16 : index
    %get3A_54 = tpu.vector_load %arg13[%get3A_53] {strides = array<i32>} : memref<128xi32, #tpu.memory_space<vmem>>, vector<16xi32>,
    %get3A_55 = vector.shape_cast %get3A_54 : vector<16xi32> to vector<16xi32>
    %lt3A_56 = arith.constant 0 : i32
    %lt3A_57 = vector.broadcast %lt3A_56 : i32 to vector<16xi32>
    %lt3A_58 = arith.cmpi slt, %get3A_52, %lt3A_57 : vector<16xi32>
    %add3A_59 = arith.constant 16 : i32
    %add3A_60 = vector.broadcast %add3A_59 : i32 to vector<16xi32>
    %add3A_61 = arith.addi %get3A_52, %add3A_60 : vector<16xi32>
    %select_n3A_62 = arith.select %lt3A_58, %add3A_61, %get3A_52 : vector<16xi1>, vector<16xi32>
    %broadcast_in_dim3A_63 = vector.shape_cast %select_n3A_62 : vector<16xi32> to vector<16x1xi32>
    %gather3A_64 = vector.shape_cast %broadcast_in_dim3A_63 : vector<16x1xi32> to vector<16xi32>
    %gather3A_65 = tpu.dynamic_gather %get3A_4[%gather3A_64] in [0] : vector<16xi32>, vector<16xi32> -> vector<16xi32>
    %add3A_66 = arith.addi %get3A_55, %gather3A_65 : vector<16xi32>
    %swap3A_67 = arith.constant 16 : index
    %swap3A_68 = tpu.vector_load %arg15[%swap3A_67] {strides = array<i32>} : memref<128xi32, #tpu.memory_space<vmem>>, vector<16xi32>,
    %swap3A_69 = vector.shape_cast %swap3A_68 : vector<16xi32> to vector<16xi32>
    %swap3A_70 = vector.shape_cast %add3A_66 : vector<16xi32> to vector<16xi32>
    tpu.vector_store %arg15[%swap3A_67], %swap3A_70 {strides = array<i32>} : memref<128xi32, #tpu.memory_space<vmem>>, vector<16xi32>,
    %swap3A_71 = arith.constant 16 : index
    %swap3A_72 = tpu.vector_load %arg18[%swap3A_71] {strides = array<i32>} : memref<64xi32, #tpu.memory_space<vmem>>, vector<16xi32>,
    %swap3A_73 = vector.shape_cast %swap3A_72 : vector<16xi32> to vector<16xi32>
    %swap3A_74 = vector.shape_cast %add3A_66 : vector<16xi32> to vector<16xi32>
    tpu.vector_store %arg18[%swap3A_71], %swap3A_74 {strides = array<i32>} : memref<64xi32, #tpu.memory_space<vmem>>, vector<16xi32>,
    %get3A_75 = arith.constant 16 : index
    %get3A_76 = tpu.vector_load %arg12[%get3A_75] {strides = array<i32>} : memref<128xi32, #tpu.memory_space<vmem>>, vector<16xi32>,
    %get3A_77 = vector.shape_cast %get3A_76 : vector<16xi32> to vector<16xi32>
    %get3A_78 = arith.constant 16 : index
    %get3A_79 = tpu.vector_load %arg14[%get3A_78] {strides = array<i32>} : memref<128xi32, #tpu.memory_space<vmem>>, vector<16xi32>,
    %get3A_80 = vector.shape_cast %get3A_79 : vector<16xi32> to vector<16xi32>
    %lt3A_81 = arith.constant 0 : i32
    %lt3A_82 = vector.broadcast %lt3A_81 : i32 to vector<16xi32>
    %lt3A_83 = arith.cmpi slt, %get3A_77, %lt3A_82 : vector<16xi32>
    %add3A_84 = arith.constant 16 : i32
    %add3A_85 = vector.broadcast %add3A_84 : i32 to vector<16xi32>
    %add3A_86 = arith.addi %get3A_77, %add3A_85 : vector<16xi32>
    %select_n3A_87 = arith.select %lt3A_83, %add3A_86, %get3A_77 : vector<16xi1>, vector<16xi32>
    %broadcast_in_dim3A_88 = vector.shape_cast %select_n3A_87 : vector<16xi32> to vector<16x1xi32>
    %gather3A_89 = vector.shape_cast %broadcast_in_dim3A_88 : vector<16x1xi32> to vector<16xi32>
    %gather3A_90 = tpu.dynamic_gather %get3A_4[%gather3A_89] in [0] : vector<16xi32>, vector<16xi32> -> vector<16xi32>
    %add3A_91 = arith.addi %get3A_80, %gather3A_90 : vector<16xi32>
    %swap3A_92 = arith.constant 16 : index
    %swap3A_93 = tpu.vector_load %arg16[%swap3A_92] {strides = array<i32>} : memref<128xi32, #tpu.memory_space<vmem>>, vector<16xi32>,
    %swap3A_94 = vector.shape_cast %swap3A_93 : vector<16xi32> to vector<16xi32>
    %swap3A_95 = vector.shape_cast %add3A_91 : vector<16xi32> to vector<16xi32>
    tpu.vector_store %arg16[%swap3A_92], %swap3A_95 {strides = array<i32>} : memref<128xi32, #tpu.memory_space<vmem>>, vector<16xi32>,
    %swap3A_96 = arith.constant 16 : index
    %swap3A_97 = tpu.vector_load %arg20[%swap3A_96] {strides = array<i32>} : memref<64xi32, #tpu.memory_space<vmem>>, vector<16xi32>,
    %swap3A_98 = vector.shape_cast %swap3A_97 : vector<16xi32> to vector<16xi32>
    %swap3A_99 = vector.shape_cast %add3A_91 : vector<16xi32> to vector<16xi32>
    tpu.vector_store %arg20[%swap3A_96], %swap3A_99 {strides = array<i32>} : memref<64xi32, #tpu.memory_space<vmem>>, vector<16xi32>,
    %get3A_100 = arith.constant 32 : index
    %get3A_101 = tpu.vector_load %arg11[%get3A_100] {strides = array<i32>} : memref<128xi32, #tpu.memory_space<vmem>>, vector<16xi32>,
    %get3A_102 = vector.shape_cast %get3A_101 : vector<16xi32> to vector<16xi32>
    %get3A_103 = arith.constant 32 : index
    %get3A_104 = tpu.vector_load %arg13[%get3A_103] {strides = array<i32>} : memref<128xi32, #tpu.memory_space<vmem>>, vector<16xi32>,
    %get3A_105 = vector.shape_cast %get3A_104 : vector<16xi32> to vector<16xi32>
    %lt3A_106 = arith.constant 0 : i32
    %lt3A_107 = vector.broadcast %lt3A_106 : i32 to vector<16xi32>
    %lt3A_108 = arith.cmpi slt, %get3A_102, %lt3A_107 : vector<16xi32>
    %add3A_109 = arith.constant 16 : i32
    %add3A_110 = vector.broadcast %add3A_109 : i32 to vector<16xi32>
    %add3A_111 = arith.addi %get3A_102, %add3A_110 : vector<16xi32>
    %select_n3A_112 = arith.select %lt3A_108, %add3A_111, %get3A_102 : vector<16xi1>, vector<16xi32>
    %broadcast_in_dim3A_113 = vector.shape_cast %select_n3A_112 : vector<16xi32> to vector<16x1xi32>
    %gather3A_114 = vector.shape_cast %broadcast_in_dim3A_113 : vector<16x1xi32> to vector<16xi32>
    %gather3A_115 = tpu.dynamic_gather %get3A_4[%gather3A_114] in [0] : vector<16xi32>, vector<16xi32> -> vector<16xi32>
    %add3A_116 = arith.addi %get3A_105, %gather3A_115 : vector<16xi32>
    %swap3A_117 = arith.constant 32 : index
    %swap3A_118 = tpu.vector_load %arg15[%swap3A_117] {strides = array<i32>} : memref<128xi32, #tpu.memory_space<vmem>>, vector<16xi32>,
    %swap3A_119 = vector.shape_cast %swap3A_118 : vector<16xi32> to vector<16xi32>
    %swap3A_120 = vector.shape_cast %add3A_116 : vector<16xi32> to vector<16xi32>
    tpu.vector_store %arg15[%swap3A_117], %swap3A_120 {strides = array<i32>} : memref<128xi32, #tpu.memory_space<vmem>>, vector<16xi32>,
    %swap3A_121 = arith.constant 32 : index
    %swap3A_122 = tpu.vector_load %arg18[%swap3A_121] {strides = array<i32>} : memref<64xi32, #tpu.memory_space<vmem>>, vector<16xi32>,
    %swap3A_123 = vector.shape_cast %swap3A_122 : vector<16xi32> to vector<16xi32>
    %swap3A_124 = vector.shape_cast %add3A_116 : vector<16xi32> to vector<16xi32>
    tpu.vector_store %arg18[%swap3A_121], %swap3A_124 {strides = array<i32>} : memref<64xi32, #tpu.memory_space<vmem>>, vector<16xi32>,
    %get3A_125 = arith.constant 32 : index
    %get3A_126 = tpu.vector_load %arg12[%get3A_125] {strides = array<i32>} : memref<128xi32, #tpu.memory_space<vmem>>, vector<16xi32>,
    %get3A_127 = vector.shape_cast %get3A_126 : vector<16xi32> to vector<16xi32>
    %get3A_128 = arith.constant 32 : index
    %get3A_129 = tpu.vector_load %arg14[%get3A_128] {strides = array<i32>} : memref<128xi32, #tpu.memory_space<vmem>>, vector<16xi32>,
    %get3A_130 = vector.shape_cast %get3A_129 : vector<16xi32> to vector<16xi32>
    %lt3A_131 = arith.constant 0 : i32
    %lt3A_132 = vector.broadcast %lt3A_131 : i32 to vector<16xi32>
    %lt3A_133 = arith.cmpi slt, %get3A_127, %lt3A_132 : vector<16xi32>
    %add3A_134 = arith.constant 16 : i32
    %add3A_135 = vector.broadcast %add3A_134 : i32 to vector<16xi32>
    %add3A_136 = arith.addi %get3A_127, %add3A_135 : vector<16xi32>
    %select_n3A_137 = arith.select %lt3A_133, %add3A_136, %get3A_127 : vector<16xi1>, vector<16xi32>
    %broadcast_in_dim3A_138 = vector.shape_cast %select_n3A_137 : vector<16xi32> to vector<16x1xi32>
    %gather3A_139 = vector.shape_cast %broadcast_in_dim3A_138 : vector<16x1xi32> to vector<16xi32>
    %gather3A_140 = tpu.dynamic_gather %get3A_4[%gather3A_139] in [0] : vector<16xi32>, vector<16xi32> -> vector<16xi32>
    %add3A_141 = arith.addi %get3A_130, %gather3A_140 : vector<16xi32>
    %swap3A_142 = arith.constant 32 : index
    %swap3A_143 = tpu.vector_load %arg16[%swap3A_142] {strides = array<i32>} : memref<128xi32, #tpu.memory_space<vmem>>, vector<16xi32>,
    %swap3A_144 = vector.shape_cast %swap3A_143 : vector<16xi32> to vector<16xi32>
    %swap3A_145 = vector.shape_cast %add3A_141 : vector<16xi32> to vector<16xi32>
    tpu.vector_store %arg16[%swap3A_142], %swap3A_145 {strides = array<i32>} : memref<128xi32, #tpu.memory_space<vmem>>, vector<16xi32>,
    %swap3A_146 = arith.constant 32 : index
    %swap3A_147 = tpu.vector_load %arg20[%swap3A_146] {strides = array<i32>} : memref<64xi32, #tpu.memory_space<vmem>>, vector<16xi32>,
    %swap3A_148 = vector.shape_cast %swap3A_147 : vector<16xi32> to vector<16xi32>
    %swap3A_149 = vector.shape_cast %add3A_141 : vector<16xi32> to vector<16xi32>
    tpu.vector_store %arg20[%swap3A_146], %swap3A_149 {strides = array<i32>} : memref<64xi32, #tpu.memory_space<vmem>>, vector<16xi32>,
    %get3A_150 = arith.constant 48 : index
    %get3A_151 = tpu.vector_load %arg11[%get3A_150] {strides = array<i32>} : memref<128xi32, #tpu.memory_space<vmem>>, vector<16xi32>,
    %get3A_152 = vector.shape_cast %get3A_151 : vector<16xi32> to vector<16xi32>
    %get3A_153 = arith.constant 48 : index
    %get3A_154 = tpu.vector_load %arg13[%get3A_153] {strides = array<i32>} : memref<128xi32, #tpu.memory_space<vmem>>, vector<16xi32>,
    %get3A_155 = vector.shape_cast %get3A_154 : vector<16xi32> to vector<16xi32>
    %lt3A_156 = arith.constant 0 : i32
    %lt3A_157 = vector.broadcast %lt3A_156 : i32 to vector<16xi32>
    %lt3A_158 = arith.cmpi slt, %get3A_152, %lt3A_157 : vector<16xi32>
    %add3A_159 = arith.constant 16 : i32
    %add3A_160 = vector.broadcast %add3A_159 : i32 to vector<16xi32>
    %add3A_161 = arith.addi %get3A_152, %add3A_160 : vector<16xi32>
    %select_n3A_162 = arith.select %lt3A_158, %add3A_161, %get3A_152 : vector<16xi1>, vector<16xi32>
    %broadcast_in_dim3A_163 = vector.shape_cast %select_n3A_162 : vector<16xi32> to vector<16x1xi32>
    %gather3A_164 = vector.shape_cast %broadcast_in_dim3A_163 : vector<16x1xi32> to vector<16xi32>
    %gather3A_165 = tpu.dynamic_gather %get3A_4[%gather3A_164] in [0] : vector<16xi32>, vector<16xi32> -> vector<16xi32>
    %add3A_166 = arith.addi %get3A_155, %gather3A_165 : vector<16xi32>
    %swap3A_167 = arith.constant 48 : index
    %swap3A_168 = tpu.vector_load %arg15[%swap3A_167] {strides = array<i32>} : memref<128xi32, #tpu.memory_space<vmem>>, vector<16xi32>,
    %swap3A_169 = vector.shape_cast %swap3A_168 : vector<16xi32> to vector<16xi32>
    %swap3A_170 = vector.shape_cast %add3A_166 : vector<16xi32> to vector<16xi32>
    tpu.vector_store %arg15[%swap3A_167], %swap3A_170 {strides = array<i32>} : memref<128xi32, #tpu.memory_space<vmem>>, vector<16xi32>,
    %swap3A_171 = arith.constant 48 : index
    %swap3A_172 = tpu.vector_load %arg18[%swap3A_171] {strides = array<i32>} : memref<64xi32, #tpu.memory_space<vmem>>, vector<16xi32>,
    %swap3A_173 = vector.shape_cast %swap3A_172 : vector<16xi32> to vector<16xi32>
    %swap3A_174 = vector.shape_cast %add3A_166 : vector<16xi32> to vector<16xi32>
    tpu.vector_store %arg18[%swap3A_171], %swap3A_174 {strides = array<i32>} : memref<64xi32, #tpu.memory_space<vmem>>, vector<16xi32>,
    %get3A_175 = arith.constant 48 : index
    %get3A_176 = tpu.vector_load %arg12[%get3A_175] {strides = array<i32>} : memref<128xi32, #tpu.memory_space<vmem>>, vector<16xi32>,
    %get3A_177 = vector.shape_cast %get3A_176 : vector<16xi32> to vector<16xi32>
    %get3A_178 = arith.constant 48 : index
    %get3A_179 = tpu.vector_load %arg14[%get3A_178] {strides = array<i32>} : memref<128xi32, #tpu.memory_space<vmem>>, vector<16xi32>,
    %get3A_180 = vector.shape_cast %get3A_179 : vector<16xi32> to vector<16xi32>
    %lt3A_181 = arith.constant 0 : i32
    %lt3A_182 = vector.broadcast %lt3A_181 : i32 to vector<16xi32>
    %lt3A_183 = arith.cmpi slt, %get3A_177, %lt3A_182 : vector<16xi32>
    %add3A_184 = arith.constant 16 : i32
    %add3A_185 = vector.broadcast %add3A_184 : i32 to vector<16xi32>
    %add3A_186 = arith.addi %get3A_177, %add3A_185 : vector<16xi32>
    %select_n3A_187 = arith.select %lt3A_183, %add3A_186, %get3A_177 : vector<16xi1>, vector<16xi32>
    %broadcast_in_dim3A_188 = vector.shape_cast %select_n3A_187 : vector<16xi32> to vector<16x1xi32>
    %gather3A_189 = vector.shape_cast %broadcast_in_dim3A_188 : vector<16x1xi32> to vector<16xi32>
    %gather3A_190 = tpu.dynamic_gather %get3A_4[%gather3A_189] in [0] : vector<16xi32>, vector<16xi32> -> vector<16xi32>
    %add3A_191 = arith.addi %get3A_180, %gather3A_190 : vector<16xi32>
    %swap3A_192 = arith.constant 48 : index
    %swap3A_193 = tpu.vector_load %arg16[%swap3A_192] {strides = array<i32>} : memref<128xi32, #tpu.memory_space<vmem>>, vector<16xi32>,
    %swap3A_194 = vector.shape_cast %swap3A_193 : vector<16xi32> to vector<16xi32>
    %swap3A_195 = vector.shape_cast %add3A_191 : vector<16xi32> to vector<16xi32>
    tpu.vector_store %arg16[%swap3A_192], %swap3A_195 {strides = array<i32>} : memref<128xi32, #tpu.memory_space<vmem>>, vector<16xi32>,
    %swap3A_196 = arith.constant 48 : index
    %swap3A_197 = tpu.vector_load %arg20[%swap3A_196] {strides = array<i32>} : memref<64xi32, #tpu.memory_space<vmem>>, vector<16xi32>,
    %swap3A_198 = vector.shape_cast %swap3A_197 : vector<16xi32> to vector<16xi32>
    %swap3A_199 = vector.shape_cast %add3A_191 : vector<16xi32> to vector<16xi32>
    tpu.vector_store %arg20[%swap3A_196], %swap3A_199 {strides = array<i32>} : memref<64xi32, #tpu.memory_space<vmem>>, vector<16xi32>,
    %get3A_200 = arith.constant 64 : index
    %get3A_201 = tpu.vector_load %arg11[%get3A_200] {strides = array<i32>} : memref<128xi32, #tpu.memory_space<vmem>>, vector<16xi32>,
    %get3A_202 = vector.shape_cast %get3A_201 : vector<16xi32> to vector<16xi32>
    %get3A_203 = arith.constant 64 : index
    %get3A_204 = tpu.vector_load %arg13[%get3A_203] {strides = array<i32>} : memref<128xi32, #tpu.memory_space<vmem>>, vector<16xi32>,
    %get3A_205 = vector.shape_cast %get3A_204 : vector<16xi32> to vector<16xi32>
    %lt3A_206 = arith.constant 0 : i32
    %lt3A_207 = vector.broadcast %lt3A_206 : i32 to vector<16xi32>
    %lt3A_208 = arith.cmpi slt, %get3A_202, %lt3A_207 : vector<16xi32>
    %add3A_209 = arith.constant 16 : i32
    %add3A_210 = vector.broadcast %add3A_209 : i32 to vector<16xi32>
    %add3A_211 = arith.addi %get3A_202, %add3A_210 : vector<16xi32>
    %select_n3A_212 = arith.select %lt3A_208, %add3A_211, %get3A_202 : vector<16xi1>, vector<16xi32>
    %broadcast_in_dim3A_213 = vector.shape_cast %select_n3A_212 : vector<16xi32> to vector<16x1xi32>
    %gather3A_214 = vector.shape_cast %broadcast_in_dim3A_213 : vector<16x1xi32> to vector<16xi32>
    %gather3A_215 = tpu.dynamic_gather %get3A_4[%gather3A_214] in [0] : vector<16xi32>, vector<16xi32> -> vector<16xi32>
    %add3A_216 = arith.addi %get3A_205, %gather3A_215 : vector<16xi32>
    %swap3A_217 = arith.constant 64 : index
    %swap3A_218 = tpu.vector_load %arg15[%swap3A_217] {strides = array<i32>} : memref<128xi32, #tpu.memory_space<vmem>>, vector<16xi32>,
    %swap3A_219 = vector.shape_cast %swap3A_218 : vector<16xi32> to vector<16xi32>
    %swap3A_220 = vector.shape_cast %add3A_216 : vector<16xi32> to vector<16xi32>
    tpu.vector_store %arg15[%swap3A_217], %swap3A_220 {strides = array<i32>} : memref<128xi32, #tpu.memory_space<vmem>>, vector<16xi32>,
    %swap3A_221 = arith.constant 0 : index
    %swap3A_222 = tpu.vector_load %arg19[%swap3A_221] {strides = array<i32>} : memref<64xi32, #tpu.memory_space<vmem>>, vector<16xi32>,
    %swap3A_223 = vector.shape_cast %swap3A_222 : vector<16xi32> to vector<16xi32>
    %swap3A_224 = vector.shape_cast %add3A_216 : vector<16xi32> to vector<16xi32>
    tpu.vector_store %arg19[%swap3A_221], %swap3A_224 {strides = array<i32>} : memref<64xi32, #tpu.memory_space<vmem>>, vector<16xi32>,
    %get3A_225 = arith.constant 64 : index
    %get3A_226 = tpu.vector_load %arg12[%get3A_225] {strides = array<i32>} : memref<128xi32, #tpu.memory_space<vmem>>, vector<16xi32>,
    %get3A_227 = vector.shape_cast %get3A_226 : vector<16xi32> to vector<16xi32>
    %get3A_228 = arith.constant 64 : index
    %get3A_229 = tpu.vector_load %arg14[%get3A_228] {strides = array<i32>} : memref<128xi32, #tpu.memory_space<vmem>>, vector<16xi32>,
    %get3A_230 = vector.shape_cast %get3A_229 : vector<16xi32> to vector<16xi32>
    %lt3A_231 = arith.constant 0 : i32
    %lt3A_232 = vector.broadcast %lt3A_231 : i32 to vector<16xi32>
    %lt3A_233 = arith.cmpi slt, %get3A_227, %lt3A_232 : vector<16xi32>
    %add3A_234 = arith.constant 16 : i32
    %add3A_235 = vector.broadcast %add3A_234 : i32 to vector<16xi32>
    %add3A_236 = arith.addi %get3A_227, %add3A_235 : vector<16xi32>
    %select_n3A_237 = arith.select %lt3A_233, %add3A_236, %get3A_227 : vector<16xi1>, vector<16xi32>
    %broadcast_in_dim3A_238 = vector.shape_cast %select_n3A_237 : vector<16xi32> to vector<16x1xi32>
    %gather3A_239 = vector.shape_cast %broadcast_in_dim3A_238 : vector<16x1xi32> to vector<16xi32>
    %gather3A_240 = tpu.dynamic_gather %get3A_4[%gather3A_239] in [0] : vector<16xi32>, vector<16xi32> -> vector<16xi32>
    %add3A_241 = arith.addi %get3A_230, %gather3A_240 : vector<16xi32>
    %swap3A_242 = arith.constant 64 : index
    %swap3A_243 = tpu.vector_load %arg16[%swap3A_242] {strides = array<i32>} : memref<128xi32, #tpu.memory_space<vmem>>, vector<16xi32>,
    %swap3A_244 = vector.shape_cast %swap3A_243 : vector<16xi32> to vector<16xi32>
    %swap3A_245 = vector.shape_cast %add3A_241 : vector<16xi32> to vector<16xi32>
    tpu.vector_store %arg16[%swap3A_242], %swap3A_245 {strides = array<i32>} : memref<128xi32, #tpu.memory_space<vmem>>, vector<16xi32>,
    %swap3A_246 = arith.constant 0 : index
    %swap3A_247 = tpu.vector_load %arg21[%swap3A_246] {strides = array<i32>} : memref<64xi32, #tpu.memory_space<vmem>>, vector<16xi32>,
    %swap3A_248 = vector.shape_cast %swap3A_247 : vector<16xi32> to vector<16xi32>
    %swap3A_249 = vector.shape_cast %add3A_241 : vector<16xi32> to vector<16xi32>
    tpu.vector_store %arg21[%swap3A_246], %swap3A_249 {strides = array<i32>} : memref<64xi32, #tpu.memory_space<vmem>>, vector<16xi32>,
    %get3A_250 = arith.constant 80 : index
    %get3A_251 = tpu.vector_load %arg11[%get3A_250] {strides = array<i32>} : memref<128xi32, #tpu.memory_space<vmem>>, vector<16xi32>,
    %get3A_252 = vector.shape_cast %get3A_251 : vector<16xi32> to vector<16xi32>
    %get3A_253 = arith.constant 80 : index
    %get3A_254 = tpu.vector_load %arg13[%get3A_253] {strides = array<i32>} : memref<128xi32, #tpu.memory_space<vmem>>, vector<16xi32>,
    %get3A_255 = vector.shape_cast %get3A_254 : vector<16xi32> to vector<16xi32>
    %lt3A_256 = arith.constant 0 : i32
    %lt3A_257 = vector.broadcast %lt3A_256 : i32 to vector<16xi32>
    %lt3A_258 = arith.cmpi slt, %get3A_252, %lt3A_257 : vector<16xi32>
    %add3A_259 = arith.constant 16 : i32
    %add3A_260 = vector.broadcast %add3A_259 : i32 to vector<16xi32>
    %add3A_261 = arith.addi %get3A_252, %add3A_260 : vector<16xi32>
    %select_n3A_262 = arith.select %lt3A_258, %add3A_261, %get3A_252 : vector<16xi1>, vector<16xi32>
    %broadcast_in_dim3A_263 = vector.shape_cast %select_n3A_262 : vector<16xi32> to vector<16x1xi32>
    %gather3A_264 = vector.shape_cast %broadcast_in_dim3A_263 : vector<16x1xi32> to vector<16xi32>
    %gather3A_265 = tpu.dynamic_gather %get3A_4[%gather3A_264] in [0] : vector<16xi32>, vector<16xi32> -> vector<16xi32>
    %add3A_266 = arith.addi %get3A_255, %gather3A_265 : vector<16xi32>
    %swap3A_267 = arith.constant 80 : index
    %swap3A_268 = tpu.vector_load %arg15[%swap3A_267] {strides = array<i32>} : memref<128xi32, #tpu.memory_space<vmem>>, vector<16xi32>,
    %swap3A_269 = vector.shape_cast %swap3A_268 : vector<16xi32> to vector<16xi32>
    %swap3A_270 = vector.shape_cast %add3A_266 : vector<16xi32> to vector<16xi32>
    tpu.vector_store %arg15[%swap3A_267], %swap3A_270 {strides = array<i32>} : memref<128xi32, #tpu.memory_space<vmem>>, vector<16xi32>,
    %swap3A_271 = arith.constant 16 : index
    %swap3A_272 = tpu.vector_load %arg19[%swap3A_271] {strides = array<i32>} : memref<64xi32, #tpu.memory_space<vmem>>, vector<16xi32>,
    %swap3A_273 = vector.shape_cast %swap3A_272 : vector<16xi32> to vector<16xi32>
    %swap3A_274 = vector.shape_cast %add3A_266 : vector<16xi32> to vector<16xi32>
    tpu.vector_store %arg19[%swap3A_271], %swap3A_274 {strides = array<i32>} : memref<64xi32, #tpu.memory_space<vmem>>, vector<16xi32>,
    %get3A_275 = arith.constant 80 : index
    %get3A_276 = tpu.vector_load %arg12[%get3A_275] {strides = array<i32>} : memref<128xi32, #tpu.memory_space<vmem>>, vector<16xi32>,
    %get3A_277 = vector.shape_cast %get3A_276 : vector<16xi32> to vector<16xi32>
    %get3A_278 = arith.constant 80 : index
    %get3A_279 = tpu.vector_load %arg14[%get3A_278] {strides = array<i32>} : memref<128xi32, #tpu.memory_space<vmem>>, vector<16xi32>,
    %get3A_280 = vector.shape_cast %get3A_279 : vector<16xi32> to vector<16xi32>
    %lt3A_281 = arith.constant 0 : i32
    %lt3A_282 = vector.broadcast %lt3A_281 : i32 to vector<16xi32>
    %lt3A_283 = arith.cmpi slt, %get3A_277, %lt3A_282 : vector<16xi32>
    %add3A_284 = arith.constant 16 : i32
    %add3A_285 = vector.broadcast %add3A_284 : i32 to vector<16xi32>
    %add3A_286 = arith.addi %get3A_277, %add3A_285 : vector<16xi32>
    %select_n3A_287 = arith.select %lt3A_283, %add3A_286, %get3A_277 : vector<16xi1>, vector<16xi32>
    %broadcast_in_dim3A_288 = vector.shape_cast %select_n3A_287 : vector<16xi32> to vector<16x1xi32>
    %gather3A_289 = vector.shape_cast %broadcast_in_dim3A_288 : vector<16x1xi32> to vector<16xi32>
    %gather3A_290 = tpu.dynamic_gather %get3A_4[%gather3A_289] in [0] : vector<16xi32>, vector<16xi32> -> vector<16xi32>
    %add3A_291 = arith.addi %get3A_280, %gather3A_290 : vector<16xi32>
    %swap3A_292 = arith.constant 80 : index
    %swap3A_293 = tpu.vector_load %arg16[%swap3A_292] {strides = array<i32>} : memref<128xi32, #tpu.memory_space<vmem>>, vector<16xi32>,
    %swap3A_294 = vector.shape_cast %swap3A_293 : vector<16xi32> to vector<16xi32>
    %swap3A_295 = vector.shape_cast %add3A_291 : vector<16xi32> to vector<16xi32>
    tpu.vector_store %arg16[%swap3A_292], %swap3A_295 {strides = array<i32>} : memref<128xi32, #tpu.memory_space<vmem>>, vector<16xi32>,
    %swap3A_296 = arith.constant 16 : index
    %swap3A_297 = tpu.vector_load %arg21[%swap3A_296] {strides = array<i32>} : memref<64xi32, #tpu.memory_space<vmem>>, vector<16xi32>,
    %swap3A_298 = vector.shape_cast %swap3A_297 : vector<16xi32> to vector<16xi32>
    %swap3A_299 = vector.shape_cast %add3A_291 : vector<16xi32> to vector<16xi32>
    tpu.vector_store %arg21[%swap3A_296], %swap3A_299 {strides = array<i32>} : memref<64xi32, #tpu.memory_space<vmem>>, vector<16xi32>,
    %get3A_300 = arith.constant 96 : index
    %get3A_301 = tpu.vector_load %arg11[%get3A_300] {strides = array<i32>} : memref<128xi32, #tpu.memory_space<vmem>>, vector<16xi32>,
    %get3A_302 = vector.shape_cast %get3A_301 : vector<16xi32> to vector<16xi32>
    %get3A_303 = arith.constant 96 : index
    %get3A_304 = tpu.vector_load %arg13[%get3A_303] {strides = array<i32>} : memref<128xi32, #tpu.memory_space<vmem>>, vector<16xi32>,
    %get3A_305 = vector.shape_cast %get3A_304 : vector<16xi32> to vector<16xi32>
    %lt3A_306 = arith.constant 0 : i32
    %lt3A_307 = vector.broadcast %lt3A_306 : i32 to vector<16xi32>
    %lt3A_308 = arith.cmpi slt, %get3A_302, %lt3A_307 : vector<16xi32>
    %add3A_309 = arith.constant 16 : i32
    %add3A_310 = vector.broadcast %add3A_309 : i32 to vector<16xi32>
    %add3A_311 = arith.addi %get3A_302, %add3A_310 : vector<16xi32>
    %select_n3A_312 = arith.select %lt3A_308, %add3A_311, %get3A_302 : vector<16xi1>, vector<16xi32>
    %broadcast_in_dim3A_313 = vector.shape_cast %select_n3A_312 : vector<16xi32> to vector<16x1xi32>
    %gather3A_314 = vector.shape_cast %broadcast_in_dim3A_313 : vector<16x1xi32> to vector<16xi32>
    %gather3A_315 = tpu.dynamic_gather %get3A_4[%gather3A_314] in [0] : vector<16xi32>, vector<16xi32> -> vector<16xi32>
    %add3A_316 = arith.addi %get3A_305, %gather3A_315 : vector<16xi32>
    %swap3A_317 = arith.constant 96 : index
    %swap3A_318 = tpu.vector_load %arg15[%swap3A_317] {strides = array<i32>} : memref<128xi32, #tpu.memory_space<vmem>>, vector<16xi32>,
    %swap3A_319 = vector.shape_cast %swap3A_318 : vector<16xi32> to vector<16xi32>
    %swap3A_320 = vector.shape_cast %add3A_316 : vector<16xi32> to vector<16xi32>
    tpu.vector_store %arg15[%swap3A_317], %swap3A_320 {strides = array<i32>} : memref<128xi32, #tpu.memory_space<vmem>>, vector<16xi32>,
    %swap3A_321 = arith.constant 32 : index
    %swap3A_322 = tpu.vector_load %arg19[%swap3A_321] {strides = array<i32>} : memref<64xi32, #tpu.memory_space<vmem>>, vector<16xi32>,
    %swap3A_323 = vector.shape_cast %swap3A_322 : vector<16xi32> to vector<16xi32>
    %swap3A_324 = vector.shape_cast %add3A_316 : vector<16xi32> to vector<16xi32>
    tpu.vector_store %arg19[%swap3A_321], %swap3A_324 {strides = array<i32>} : memref<64xi32, #tpu.memory_space<vmem>>, vector<16xi32>,
    %get3A_325 = arith.constant 96 : index
    %get3A_326 = tpu.vector_load %arg12[%get3A_325] {strides = array<i32>} : memref<128xi32, #tpu.memory_space<vmem>>, vector<16xi32>,
    %get3A_327 = vector.shape_cast %get3A_326 : vector<16xi32> to vector<16xi32>
    %get3A_328 = arith.constant 96 : index
    %get3A_329 = tpu.vector_load %arg14[%get3A_328] {strides = array<i32>} : memref<128xi32, #tpu.memory_space<vmem>>, vector<16xi32>,
    %get3A_330 = vector.shape_cast %get3A_329 : vector<16xi32> to vector<16xi32>
    %lt3A_331 = arith.constant 0 : i32
    %lt3A_332 = vector.broadcast %lt3A_331 : i32 to vector<16xi32>
    %lt3A_333 = arith.cmpi slt, %get3A_327, %lt3A_332 : vector<16xi32>
    %add3A_334 = arith.constant 16 : i32
    %add3A_335 = vector.broadcast %add3A_334 : i32 to vector<16xi32>
    %add3A_336 = arith.addi %get3A_327, %add3A_335 : vector<16xi32>
    %select_n3A_337 = arith.select %lt3A_333, %add3A_336, %get3A_327 : vector<16xi1>, vector<16xi32>
    %broadcast_in_dim3A_338 = vector.shape_cast %select_n3A_337 : vector<16xi32> to vector<16x1xi32>
    %gather3A_339 = vector.shape_cast %broadcast_in_dim3A_338 : vector<16x1xi32> to vector<16xi32>
    %gather3A_340 = tpu.dynamic_gather %get3A_4[%gather3A_339] in [0] : vector<16xi32>, vector<16xi32> -> vector<16xi32>
    %add3A_341 = arith.addi %get3A_330, %gather3A_340 : vector<16xi32>
    %swap3A_342 = arith.constant 96 : index
    %swap3A_343 = tpu.vector_load %arg16[%swap3A_342] {strides = array<i32>} : memref<128xi32, #tpu.memory_space<vmem>>, vector<16xi32>,
    %swap3A_344 = vector.shape_cast %swap3A_343 : vector<16xi32> to vector<16xi32>
    %swap3A_345 = vector.shape_cast %add3A_341 : vector<16xi32> to vector<16xi32>
    tpu.vector_store %arg16[%swap3A_342], %swap3A_345 {strides = array<i32>} : memref<128xi32, #tpu.memory_space<vmem>>, vector<16xi32>,
    %swap3A_346 = arith.constant 32 : index
    %swap3A_347 = tpu.vector_load %arg21[%swap3A_346] {strides = array<i32>} : memref<64xi32, #tpu.memory_space<vmem>>, vector<16xi32>,
    %swap3A_348 = vector.shape_cast %swap3A_347 : vector<16xi32> to vector<16xi32>
    %swap3A_349 = vector.shape_cast %add3A_341 : vector<16xi32> to vector<16xi32>
    tpu.vector_store %arg21[%swap3A_346], %swap3A_349 {strides = array<i32>} : memref<64xi32, #tpu.memory_space<vmem>>, vector<16xi32>,
    %get3A_350 = arith.constant 112 : index
    %get3A_351 = tpu.vector_load %arg11[%get3A_350] {strides = array<i32>} : memref<128xi32, #tpu.memory_space<vmem>>, vector<16xi32>,
    %get3A_352 = vector.shape_cast %get3A_351 : vector<16xi32> to vector<16xi32>
    %get3A_353 = arith.constant 112 : index
    %get3A_354 = tpu.vector_load %arg13[%get3A_353] {strides = array<i32>} : memref<128xi32, #tpu.memory_space<vmem>>, vector<16xi32>,
    %get3A_355 = vector.shape_cast %get3A_354 : vector<16xi32> to vector<16xi32>
    %lt3A_356 = arith.constant 0 : i32
    %lt3A_357 = vector.broadcast %lt3A_356 : i32 to vector<16xi32>
    %lt3A_358 = arith.cmpi slt, %get3A_352, %lt3A_357 : vector<16xi32>
    %add3A_359 = arith.constant 16 : i32
    %add3A_360 = vector.broadcast %add3A_359 : i32 to vector<16xi32>
    %add3A_361 = arith.addi %get3A_352, %add3A_360 : vector<16xi32>
    %select_n3A_362 = arith.select %lt3A_358, %add3A_361, %get3A_352 : vector<16xi1>, vector<16xi32>
    %broadcast_in_dim3A_363 = vector.shape_cast %select_n3A_362 : vector<16xi32> to vector<16x1xi32>
    %gather3A_364 = vector.shape_cast %broadcast_in_dim3A_363 : vector<16x1xi32> to vector<16xi32>
    %gather3A_365 = tpu.dynamic_gather %get3A_4[%gather3A_364] in [0] : vector<16xi32>, vector<16xi32> -> vector<16xi32>
    %add3A_366 = arith.addi %get3A_355, %gather3A_365 : vector<16xi32>
    %swap3A_367 = arith.constant 112 : index
    %swap3A_368 = tpu.vector_load %arg15[%swap3A_367] {strides = array<i32>} : memref<128xi32, #tpu.memory_space<vmem>>, vector<16xi32>,
    %swap3A_369 = vector.shape_cast %swap3A_368 : vector<16xi32> to vector<16xi32>
    %swap3A_370 = vector.shape_cast %add3A_366 : vector<16xi32> to vector<16xi32>
    tpu.vector_store %arg15[%swap3A_367], %swap3A_370 {strides = array<i32>} : memref<128xi32, #tpu.memory_space<vmem>>, vector<16xi32>,
    %swap3A_371 = arith.constant 48 : index
    %swap3A_372 = tpu.vector_load %arg19[%swap3A_371] {strides = array<i32>} : memref<64xi32, #tpu.memory_space<vmem>>, vector<16xi32>,
    %swap3A_373 = vector.shape_cast %swap3A_372 : vector<16xi32> to vector<16xi32>
    %swap3A_374 = vector.shape_cast %add3A_366 : vector<16xi32> to vector<16xi32>
    tpu.vector_store %arg19[%swap3A_371], %swap3A_374 {strides = array<i32>} : memref<64xi32, #tpu.memory_space<vmem>>, vector<16xi32>,
    %get3A_375 = arith.constant 112 : index
    %get3A_376 = tpu.vector_load %arg12[%get3A_375] {strides = array<i32>} : memref<128xi32, #tpu.memory_space<vmem>>, vector<16xi32>,
    %get3A_377 = vector.shape_cast %get3A_376 : vector<16xi32> to vector<16xi32>
    %get3A_378 = arith.constant 112 : index
    %get3A_379 = tpu.vector_load %arg14[%get3A_378] {strides = array<i32>} : memref<128xi32, #tpu.memory_space<vmem>>, vector<16xi32>,
    %get3A_380 = vector.shape_cast %get3A_379 : vector<16xi32> to vector<16xi32>
    %lt3A_381 = arith.constant 0 : i32
    %lt3A_382 = vector.broadcast %lt3A_381 : i32 to vector<16xi32>
    %lt3A_383 = arith.cmpi slt, %get3A_377, %lt3A_382 : vector<16xi32>
    %add3A_384 = arith.constant 16 : i32
    %add3A_385 = vector.broadcast %add3A_384 : i32 to vector<16xi32>
    %add3A_386 = arith.addi %get3A_377, %add3A_385 : vector<16xi32>
    %select_n3A_387 = arith.select %lt3A_383, %add3A_386, %get3A_377 : vector<16xi1>, vector<16xi32>
    %broadcast_in_dim3A_388 = vector.shape_cast %select_n3A_387 : vector<16xi32> to vector<16x1xi32>
    %gather3A_389 = vector.shape_cast %broadcast_in_dim3A_388 : vector<16x1xi32> to vector<16xi32>
    %gather3A_390 = tpu.dynamic_gather %get3A_4[%gather3A_389] in [0] : vector<16xi32>, vector<16xi32> -> vector<16xi32>
    %add3A_391 = arith.addi %get3A_380, %gather3A_390 : vector<16xi32>
    %swap3A_392 = arith.constant 112 : index
    %swap3A_393 = tpu.vector_load %arg16[%swap3A_392] {strides = array<i32>} : memref<128xi32, #tpu.memory_space<vmem>>, vector<16xi32>,
    %swap3A_394 = vector.shape_cast %swap3A_393 : vector<16xi32> to vector<16xi32>
    %swap3A_395 = vector.shape_cast %add3A_391 : vector<16xi32> to vector<16xi32>
    tpu.vector_store %arg16[%swap3A_392], %swap3A_395 {strides = array<i32>} : memref<128xi32, #tpu.memory_space<vmem>>, vector<16xi32>,
    %swap3A_396 = arith.constant 48 : index
    %swap3A_397 = tpu.vector_load %arg21[%swap3A_396] {strides = array<i32>} : memref<64xi32, #tpu.memory_space<vmem>>, vector<16xi32>,
    %swap3A_398 = vector.shape_cast %swap3A_397 : vector<16xi32> to vector<16xi32>
    %swap3A_399 = vector.shape_cast %add3A_391 : vector<16xi32> to vector<16xi32>
    tpu.vector_store %arg21[%swap3A_396], %swap3A_399 {strides = array<i32>} : memref<64xi32, #tpu.memory_space<vmem>>, vector<16xi32>,
    "tpu.region"() ({
      %run_scoped3A = tpu.sem_alloc : memref<!tpu.dma_semaphore, #tpu.memory_space<semaphore_mem>>
      %dma_start3A_426 = tpu.memref_slice %arg9[%mul3A_2] : memref<4096xi32, #tpu.memory_space<hbm>> -> memref<128xi32, #tpu.memory_space<hbm>>
      %dma_start3A_427 = tpu.memref_slice %arg9[%mul3A_2] : memref<4096xi32, #tpu.memory_space<hbm>> -> memref<128xi32, #tpu.memory_space<hbm>>
      tpu.enqueue_dma source(%arg15 : memref<128xi32, #tpu.memory_space<vmem>>) target(%dma_start3A_427 : memref<128xi32, #tpu.memory_space<hbm>>) target_semaphore(%run_scoped3A : memref<!tpu.dma_semaphore, #tpu.memory_space<semaphore_mem>>)
      %dma_wait3A_428 = tpu.memref_slice %arg9[%mul3A_2] : memref<4096xi32, #tpu.memory_space<hbm>> -> memref<128xi32, #tpu.memory_space<hbm>>
      %dma_wait3A_429 = tpu.memref_slice %arg9[%mul3A_2] : memref<4096xi32, #tpu.memory_space<hbm>> -> memref<128xi32, #tpu.memory_space<hbm>>
      tpu.wait_dma2 semaphore(%run_scoped3A : memref<!tpu.dma_semaphore, #tpu.memory_space<semaphore_mem>>) src(%arg15 : memref<128xi32, #tpu.memory_space<vmem>>) dst(%dma_wait3A_429 : memref<128xi32, #tpu.memory_space<hbm>>)
      tpu.yield
    }) : () -> ()
    "tpu.region"() ({
      %run_scoped3A = tpu.sem_alloc : memref<!tpu.dma_semaphore, #tpu.memory_space<semaphore_mem>>
      %dma_start3A_426 = tpu.memref_slice %arg10[%mul3A_2] : memref<4096xi32, #tpu.memory_space<hbm>> -> memref<128xi32, #tpu.memory_space<hbm>>
      %dma_start3A_427 = tpu.memref_slice %arg10[%mul3A_2] : memref<4096xi32, #tpu.memory_space<hbm>> -> memref<128xi32, #tpu.memory_space<hbm>>
      tpu.enqueue_dma source(%arg16 : memref<128xi32, #tpu.memory_space<vmem>>) target(%dma_start3A_427 : memref<128xi32, #tpu.memory_space<hbm>>) target_semaphore(%run_scoped3A : memref<!tpu.dma_semaphore, #tpu.memory_space<semaphore_mem>>)
      %dma_wait3A_428 = tpu.memref_slice %arg10[%mul3A_2] : memref<4096xi32, #tpu.memory_space<hbm>> -> memref<128xi32, #tpu.memory_space<hbm>>
      %dma_wait3A_429 = tpu.memref_slice %arg10[%mul3A_2] : memref<4096xi32, #tpu.memory_space<hbm>> -> memref<128xi32, #tpu.memory_space<hbm>>
      tpu.wait_dma2 semaphore(%run_scoped3A : memref<!tpu.dma_semaphore, #tpu.memory_space<semaphore_mem>>) src(%arg16 : memref<128xi32, #tpu.memory_space<vmem>>) dst(%dma_wait3A_429 : memref<128xi32, #tpu.memory_space<hbm>>)
      tpu.yield
    }) : () -> ()
    %add3A_400 = arith.constant 0 : i32
    %add3A_401 = arith.addi %mul3A_2, %add3A_400 : i32
    "tpu.region"() ({
      %run_scoped3A = tpu.sem_alloc : memref<!tpu.dma_semaphore, #tpu.memory_space<semaphore_mem>>
      %dma_start3A_426 = arith.constant 0 : i32
      %dma_start3A_427 = tpu.memref_slice %arg2[%add3A_401, %dma_start3A_426] : memref<4096x1024xf32, #tpu.memory_space<hbm>> -> memref<64x1024xf32, #tpu.memory_space<hbm>>
      %dma_start3A_428 = arith.constant 0 : i32
      %dma_start3A_429 = tpu.memref_slice %arg2[%add3A_401, %dma_start3A_428] : memref<4096x1024xf32, #tpu.memory_space<hbm>> -> memref<64x1024xf32, #tpu.memory_space<hbm>>
      tpu.enqueue_dma source(%dma_start3A_429 : memref<64x1024xf32, #tpu.memory_space<hbm>>) target(%arg22 : memref<64x1024xf32, #tpu.memory_space<vmem>>) target_semaphore(%run_scoped3A : memref<!tpu.dma_semaphore, #tpu.memory_space<semaphore_mem>>)
      %dma_wait3A_430 = arith.constant 0 : i32
      %dma_wait3A_431 = tpu.memref_slice %arg2[%add3A_401, %dma_wait3A_430] : memref<4096x1024xf32, #tpu.memory_space<hbm>> -> memref<64x1024xf32, #tpu.memory_space<hbm>>
      %dma_wait3A_432 = arith.constant 0 : i32
      %dma_wait3A_433 = tpu.memref_slice %arg2[%add3A_401, %dma_wait3A_432] : memref<4096x1024xf32, #tpu.memory_space<hbm>> -> memref<64x1024xf32, #tpu.memory_space<hbm>>
      tpu.wait_dma2 semaphore(%run_scoped3A : memref<!tpu.dma_semaphore, #tpu.memory_space<semaphore_mem>>) src(%dma_wait3A_433 : memref<64x1024xf32, #tpu.memory_space<hbm>>) dst(%arg22 : memref<64x1024xf32, #tpu.memory_space<vmem>>)
      tpu.yield
    }) : () -> ()
    %dma_start3A = arith.constant 0 : i32
    %dma_start3A_402 = arith.constant 0 : i32
    %dma_start3A_403 = tpu.memref_slice %arg8[%dma_start3A, %dma_start3A_402] : memref<10240x1024xf32, #tpu.memory_space<hbm>> -> memref<10240x1024xf32, #tpu.memory_space<hbm>>
    tpu.enqueue_indirect_dma source(%arg22 : memref<64x1024xf32, #tpu.memory_space<vmem>>) target(%dma_start3A_403 : memref<10240x1024xf32, #tpu.memory_space<hbm>>) offsets(%arg18 : memref<64xi32, #tpu.memory_space<vmem>>) semaphore(%arg23 : memref<!tpu.dma_semaphore, #tpu.memory_space<semaphore_mem>>)
    %dma_start3A_404 = arith.constant 0 : i32
    %dma_start3A_405 = arith.constant 0 : i32
    %dma_start3A_406 = tpu.memref_slice %arg8[%dma_start3A_404, %dma_start3A_405] : memref<10240x1024xf32, #tpu.memory_space<hbm>> -> memref<10240x1024xf32, #tpu.memory_space<hbm>>
    tpu.enqueue_indirect_dma source(%arg22 : memref<64x1024xf32, #tpu.memory_space<vmem>>) target(%dma_start3A_406 : memref<10240x1024xf32, #tpu.memory_space<hbm>>) offsets(%arg20 : memref<64xi32, #tpu.memory_space<vmem>>) semaphore(%arg24 : memref<!tpu.dma_semaphore, #tpu.memory_space<semaphore_mem>>)
    %dma_wait3A = arith.constant 0 : i32
    %dma_wait3A_407 = arith.constant 0 : i32
    %dma_wait3A_408 = tpu.memref_slice %arg8[%dma_wait3A, %dma_wait3A_407] : memref<10240x1024xf32, #tpu.memory_space<hbm>> -> memref<10240x1024xf32, #tpu.memory_space<hbm>>
    tpu.wait_indirect_dma semaphore(%arg23 : memref<!tpu.dma_semaphore, #tpu.memory_space<semaphore_mem>>) src(%arg22 : memref<64x1024xf32, #tpu.memory_space<vmem>>) dst(%dma_wait3A_408 : memref<10240x1024xf32, #tpu.memory_space<hbm>>)
    %dma_wait3A_409 = arith.constant 0 : i32
    %dma_wait3A_410 = arith.constant 0 : i32
    %dma_wait3A_411 = tpu.memref_slice %arg8[%dma_wait3A_409, %dma_wait3A_410] : memref<10240x1024xf32, #tpu.memory_space<hbm>> -> memref<10240x1024xf32, #tpu.memory_space<hbm>>
    tpu.wait_indirect_dma semaphore(%arg24 : memref<!tpu.dma_semaphore, #tpu.memory_space<semaphore_mem>>) src(%arg22 : memref<64x1024xf32, #tpu.memory_space<vmem>>) dst(%dma_wait3A_411 : memref<10240x1024xf32, #tpu.memory_space<hbm>>)
    %add3A_412 = arith.constant 64 : i32
    %add3A_413 = arith.addi %mul3A_2, %add3A_412 : i32
    "tpu.region"() ({
      %run_scoped3A = tpu.sem_alloc : memref<!tpu.dma_semaphore, #tpu.memory_space<semaphore_mem>>
      %dma_start3A_426 = arith.constant 0 : i32
      %dma_start3A_427 = tpu.memref_slice %arg2[%add3A_413, %dma_start3A_426] : memref<4096x1024xf32, #tpu.memory_space<hbm>> -> memref<64x1024xf32, #tpu.memory_space<hbm>>
      %dma_start3A_428 = arith.constant 0 : i32
      %dma_start3A_429 = tpu.memref_slice %arg2[%add3A_413, %dma_start3A_428] : memref<4096x1024xf32, #tpu.memory_space<hbm>> -> memref<64x1024xf32, #tpu.memory_space<hbm>>
      tpu.enqueue_dma source(%dma_start3A_429 : memref<64x1024xf32, #tpu.memory_space<hbm>>) target(%arg22 : memref<64x1024xf32, #tpu.memory_space<vmem>>) target_semaphore(%run_scoped3A : memref<!tpu.dma_semaphore, #tpu.memory_space<semaphore_mem>>)
      %dma_wait3A_430 = arith.constant 0 : i32
      %dma_wait3A_431 = tpu.memref_slice %arg2[%add3A_413, %dma_wait3A_430] : memref<4096x1024xf32, #tpu.memory_space<hbm>> -> memref<64x1024xf32, #tpu.memory_space<hbm>>
      %dma_wait3A_432 = arith.constant 0 : i32
      %dma_wait3A_433 = tpu.memref_slice %arg2[%add3A_413, %dma_wait3A_432] : memref<4096x1024xf32, #tpu.memory_space<hbm>> -> memref<64x1024xf32, #tpu.memory_space<hbm>>
      tpu.wait_dma2 semaphore(%run_scoped3A : memref<!tpu.dma_semaphore, #tpu.memory_space<semaphore_mem>>) src(%dma_wait3A_433 : memref<64x1024xf32, #tpu.memory_space<hbm>>) dst(%arg22 : memref<64x1024xf32, #tpu.memory_space<vmem>>)
      tpu.yield
    }) : () -> ()
    %dma_start3A_414 = arith.constant 0 : i32
    %dma_start3A_415 = arith.constant 0 : i32
    %dma_start3A_416 = tpu.memref_slice %arg8[%dma_start3A_414, %dma_start3A_415] : memref<10240x1024xf32, #tpu.memory_space<hbm>> -> memref<10240x1024xf32, #tpu.memory_space<hbm>>
    tpu.enqueue_indirect_dma source(%arg22 : memref<64x1024xf32, #tpu.memory_space<vmem>>) target(%dma_start3A_416 : memref<10240x1024xf32, #tpu.memory_space<hbm>>) offsets(%arg19 : memref<64xi32, #tpu.memory_space<vmem>>) semaphore(%arg23 : memref<!tpu.dma_semaphore, #tpu.memory_space<semaphore_mem>>)
    %dma_start3A_417 = arith.constant 0 : i32
    %dma_start3A_418 = arith.constant 0 : i32
    %dma_start3A_419 = tpu.memref_slice %arg8[%dma_start3A_417, %dma_start3A_418] : memref<10240x1024xf32, #tpu.memory_space<hbm>> -> memref<10240x1024xf32, #tpu.memory_space<hbm>>
    tpu.enqueue_indirect_dma source(%arg22 : memref<64x1024xf32, #tpu.memory_space<vmem>>) target(%dma_start3A_419 : memref<10240x1024xf32, #tpu.memory_space<hbm>>) offsets(%arg21 : memref<64xi32, #tpu.memory_space<vmem>>) semaphore(%arg24 : memref<!tpu.dma_semaphore, #tpu.memory_space<semaphore_mem>>)
    %dma_wait3A_420 = arith.constant 0 : i32
    %dma_wait3A_421 = arith.constant 0 : i32
    %dma_wait3A_422 = tpu.memref_slice %arg8[%dma_wait3A_420, %dma_wait3A_421] : memref<10240x1024xf32, #tpu.memory_space<hbm>> -> memref<10240x1024xf32, #tpu.memory_space<hbm>>
    tpu.wait_indirect_dma semaphore(%arg23 : memref<!tpu.dma_semaphore, #tpu.memory_space<semaphore_mem>>) src(%arg22 : memref<64x1024xf32, #tpu.memory_space<vmem>>) dst(%dma_wait3A_422 : memref<10240x1024xf32, #tpu.memory_space<hbm>>)
    %dma_wait3A_423 = arith.constant 0 : i32
    %dma_wait3A_424 = arith.constant 0 : i32
    %dma_wait3A_425 = tpu.memref_slice %arg8[%dma_wait3A_423, %dma_wait3A_424] : memref<10240x1024xf32, #tpu.memory_space<hbm>> -> memref<10240x1024xf32, #tpu.memory_space<hbm>>
    tpu.wait_indirect_dma semaphore(%arg24 : memref<!tpu.dma_semaphore, #tpu.memory_space<semaphore_mem>>) src(%arg22 : memref<64x1024xf32, #tpu.memory_space<vmem>>) dst(%dma_wait3A_425 : memref<10240x1024xf32, #tpu.memory_space<hbm>>)
    return
  }
}

module attributes {stable_mosaic.version = 14 : i64} {
  func.func @_router_body(%arg0: i32, %arg1: memref<512x1024xf32, #tpu.memory_space<vmem>>, %arg2: memref<1024x8xbf16, #tpu.memory_space<vmem>>, %arg3: memref<1x8xf32, #tpu.memory_space<vmem>>, %arg4: memref<512x512xbf16, #tpu.memory_space<vmem>>, %arg5: memref<512x1xi32, #tpu.memory_space<vmem>>, %arg6: memref<512x1xi32, #tpu.memory_space<vmem>>, %arg7: memref<512x1xi32, #tpu.memory_space<vmem>>, %arg8: memref<512x1xi32, #tpu.memory_space<vmem>>, %arg9: memref<512x1xf32, #tpu.memory_space<vmem>>, %arg10: memref<512x1xf32, #tpu.memory_space<vmem>>, %arg11: memref<1x128xi32, #tpu.memory_space<vmem>>, %arg12: memref<1x16xi32, #tpu.memory_space<vmem>>, %arg13: memref<1x8xf32, #tpu.memory_space<vmem>>) attributes {dimension_semantics = [#tpu.dimension_semantics<arbitrary>], iteration_bounds = array<i64: 8>, scalar_prefetch = 0 : i64, scratch_operands = 1 : i64, tpu.core_type = #tpu.core_type<tc>, window_params = [{transform_indices = @transform_0, window_bounds = array<i64: 512, 1024>}, {pipeline_mode = #tpu.pipeline_mode<synchronous>, transform_indices = @transform_1, window_bounds = array<i64: 1024, 8>}, {pipeline_mode = #tpu.pipeline_mode<synchronous>, transform_indices = @transform_2, window_bounds = array<i64: 1, 8>}, {pipeline_mode = #tpu.pipeline_mode<synchronous>, transform_indices = @transform_3, window_bounds = array<i64: 512, 512>}, {transform_indices = @transform_4, window_bounds = array<i64: 512, 1>}, {transform_indices = @transform_5, window_bounds = array<i64: 512, 1>}, {transform_indices = @transform_6, window_bounds = array<i64: 512, 1>}, {transform_indices = @transform_7, window_bounds = array<i64: 512, 1>}, {transform_indices = @transform_8, window_bounds = array<i64: 512, 1>}, {transform_indices = @transform_9, window_bounds = array<i64: 512, 1>}, {pipeline_mode = #tpu.pipeline_mode<synchronous>, transform_indices = @transform_10, window_bounds = array<i64: 1, 128>}, {pipeline_mode = #tpu.pipeline_mode<synchronous>, transform_indices = @transform_11, window_bounds = array<i64: 1, 16>}]} {
    %eq3A = arith.constant 0 : i32
    %eq3A_0 = arith.cmpi eq, %arg0, %eq3A : i32
    %convert_element_type3A = arith.extui %eq3A_0 : i1 to i32
    %cond3A = arith.constant 0 : i32
    %cond3A_1 = arith.cmpi ne, %convert_element_type3A, %cond3A : i32
    scf.if %cond3A_1 {
      %broadcast_in_dim3A_100 = arith.constant 0.000000e+00 : f32
      %broadcast_in_dim3A_101 = vector.broadcast %broadcast_in_dim3A_100 : f32 to vector<1x8xf32>
      %swap3A_102 = arith.constant 0 : index
      %swap3A_103 = arith.constant 0 : index
      %swap3A_104 = vector.load %arg13[%swap3A_102, %swap3A_103] : memref<1x8xf32, #tpu.memory_space<vmem>>, vector<1x8xf32>
      tpu.vector_store %arg13[%swap3A_102, %swap3A_103], %broadcast_in_dim3A_101 {strides = array<i32>} : memref<1x8xf32, #tpu.memory_space<vmem>>, vector<1x8xf32>,
    } else {
    }
    %get3A = arith.constant 0 : index
    %get3A_2 = arith.constant 0 : index
    %get3A_3 = vector.load %arg1[%get3A, %get3A_2] : memref<512x1024xf32, #tpu.memory_space<vmem>>, vector<512x1024xf32>
    %convert_element_type3A_4 = arith.truncf %get3A_3 : vector<512x1024xf32> to vector<512x1024xbf16>
    %get3A_5 = arith.constant 0 : index
    %get3A_6 = arith.constant 0 : index
    %get3A_7 = vector.load %arg2[%get3A_5, %get3A_6] : memref<1024x8xbf16, #tpu.memory_space<vmem>>, vector<1024x8xbf16>
    %dot_general3A = arith.constant dense<0.000000e+00> : vector<512x8xf32>
    %dot_general3A_8 = tpu.matmul %convert_element_type3A_4, %get3A_7, %dot_general3A {dimension_numbers = #tpu.dot_dimension_numbers<[1], [0], [0], [1], [0, 0, 1, 1], [], []>, transpose_lhs_hint = false} : vector<512x1024xbf16>, vector<1024x8xbf16>, vector<512x8xf32> -> vector<512x8xf32>
    %get3A_9 = arith.constant 0 : index
    %get3A_10 = arith.constant 0 : index
    %get3A_11 = vector.load %arg3[%get3A_9, %get3A_10] : memref<1x8xf32, #tpu.memory_space<vmem>>, vector<1x8xf32>
    %add3A = vector.broadcast %get3A_11 : vector<1x8xf32> to vector<512x8xf32>
    %add3A_12 = arith.addf %dot_general3A_8, %add3A : vector<512x8xf32>
    %iota3A = tpu.iota {dimensions = array<i32: 1>} : vector<512x8xi32>
    %reduce_max3A = arith.constant dense<0xFF800000> : vector<512xf32>
    %reduce_max3A_13 = vector.multi_reduction <maximumf>, %add3A_12, %reduce_max3A [1] : vector<512x8xf32> to vector<512xf32>
    %broadcast_in_dim3A = vector.shape_cast %reduce_max3A_13 : vector<512xf32> to vector<512x1xf32>
    %eq3A_14 = vector.broadcast %broadcast_in_dim3A : vector<512x1xf32> to vector<512x8xf32>
    %eq3A_15 = arith.cmpf oeq, %add3A_12, %eq3A_14 : vector<512x8xf32>
    %jit3A = arith.constant 8 : i32
    %broadcast_in_dim3A_16 = vector.broadcast %jit3A : i32 to vector<512x8xi32>
    %select_n3A = arith.select %eq3A_15, %iota3A, %broadcast_in_dim3A_16 : vector<512x8xi1>, vector<512x8xi32>
    %reduce_min3A = arith.constant dense<2147483647> : vector<512xi32>
    %reduce_min3A_17 = vector.multi_reduction <minsi>, %select_n3A, %reduce_min3A [1] : vector<512x8xi32> to vector<512xi32>
    %broadcast_in_dim3A_18 = vector.shape_cast %reduce_min3A_17 : vector<512xi32> to vector<512x1xi32>
    %eq3A_19 = vector.broadcast %broadcast_in_dim3A_18 : vector<512x1xi32> to vector<512x8xi32>
    %eq3A_20 = arith.cmpi eq, %iota3A, %eq3A_19 : vector<512x8xi32>
    %jit3A_21 = arith.constant 0xFF800000 : f32
    %broadcast_in_dim3A_22 = vector.broadcast %jit3A_21 : f32 to vector<512x8xf32>
    %select_n3A_23 = arith.select %eq3A_20, %broadcast_in_dim3A_22, %add3A_12 : vector<512x8xi1>, vector<512x8xf32>
    %reduce_max3A_24 = arith.constant dense<0xFF800000> : vector<512xf32>
    %reduce_max3A_25 = vector.multi_reduction <maximumf>, %select_n3A_23, %reduce_max3A_24 [1] : vector<512x8xf32> to vector<512xf32>
    %broadcast_in_dim3A_26 = vector.shape_cast %reduce_max3A_25 : vector<512xf32> to vector<512x1xf32>
    %eq3A_27 = vector.broadcast %broadcast_in_dim3A_26 : vector<512x1xf32> to vector<512x8xf32>
    %eq3A_28 = arith.cmpf oeq, %select_n3A_23, %eq3A_27 : vector<512x8xf32>
    %jit3A_29 = arith.constant 8 : i32
    %broadcast_in_dim3A_30 = vector.broadcast %jit3A_29 : i32 to vector<512x8xi32>
    %select_n3A_31 = arith.select %eq3A_28, %iota3A, %broadcast_in_dim3A_30 : vector<512x8xi1>, vector<512x8xi32>
    %reduce_min3A_32 = arith.constant dense<2147483647> : vector<512xi32>
    %reduce_min3A_33 = vector.multi_reduction <minsi>, %select_n3A_31, %reduce_min3A_32 [1] : vector<512x8xi32> to vector<512xi32>
    %broadcast_in_dim3A_34 = vector.shape_cast %reduce_min3A_33 : vector<512xi32> to vector<512x1xi32>
    %sub3A = arith.subf %broadcast_in_dim3A_26, %broadcast_in_dim3A : vector<512x1xf32>
    %exp3A = math.exp %sub3A : vector<512x1xf32>
    %add3A_35 = arith.constant 1.000000e+00 : f32
    %add3A_36 = vector.broadcast %add3A_35 : f32 to vector<512x1xf32>
    %add3A_37 = arith.addf %add3A_36, %exp3A : vector<512x1xf32>
    %div3A = arith.constant 1.000000e+00 : f32
    %div3A_38 = vector.broadcast %div3A : f32 to vector<512x1xf32>
    %div3A_39 = arith.divf %div3A_38, %add3A_37 : vector<512x1xf32>
    %eq3A_40 = vector.broadcast %broadcast_in_dim3A_18 : vector<512x1xi32> to vector<512x8xi32>
    %eq3A_41 = arith.cmpi eq, %iota3A, %eq3A_40 : vector<512x8xi32>
    %convert_element_type3A_42 = arith.extui %eq3A_41 : vector<512x8xi1> to vector<512x8xi32>
    %convert_element_type3A_43 = arith.sitofp %convert_element_type3A_42 : vector<512x8xi32> to vector<512x8xf32>
    %eq3A_44 = vector.broadcast %broadcast_in_dim3A_34 : vector<512x1xi32> to vector<512x8xi32>
    %eq3A_45 = arith.cmpi eq, %iota3A, %eq3A_44 : vector<512x8xi32>
    %convert_element_type3A_46 = arith.extui %eq3A_45 : vector<512x8xi1> to vector<512x8xi32>
    %convert_element_type3A_47 = arith.sitofp %convert_element_type3A_46 : vector<512x8xi32> to vector<512x8xf32>
    %add3A_48 = arith.addf %convert_element_type3A_43, %convert_element_type3A_47 : vector<512x8xf32>
    %get3A_49 = arith.constant 0 : index
    %get3A_50 = arith.constant 0 : index
    %get3A_51 = vector.load %arg4[%get3A_49, %get3A_50] : memref<512x512xbf16, #tpu.memory_space<vmem>>, vector<512x512xbf16>
    %convert_element_type3A_52 = arith.truncf %add3A_48 : vector<512x8xf32> to vector<512x8xbf16>
    %dot_general3A_53 = arith.constant dense<0.000000e+00> : vector<512x8xf32>
    %dot_general3A_54 = tpu.matmul %get3A_51, %convert_element_type3A_52, %dot_general3A_53 {dimension_numbers = #tpu.dot_dimension_numbers<[1], [0], [0], [1], [0, 0, 1, 1], [], []>, transpose_lhs_hint = false} : vector<512x512xbf16>, vector<512x8xbf16>, vector<512x8xf32> -> vector<512x8xf32>
    %get3A_55 = arith.constant 0 : index
    %get3A_56 = arith.constant 0 : index
    %get3A_57 = vector.load %arg13[%get3A_55, %get3A_56] : memref<1x8xf32, #tpu.memory_space<vmem>>, vector<1x8xf32>
    %add3A_58 = vector.broadcast %get3A_57 : vector<1x8xf32> to vector<512x8xf32>
    %add3A_59 = arith.addf %dot_general3A_54, %add3A_58 : vector<512x8xf32>
    %mul3A = arith.mulf %convert_element_type3A_43, %add3A_59 : vector<512x8xf32>
    %reduce_sum3A = arith.constant dense<0.000000e+00> : vector<512xf32>
    %reduce_sum3A_60 = vector.multi_reduction <add>, %mul3A, %reduce_sum3A [1] : vector<512x8xf32> to vector<512xf32>
    %broadcast_in_dim3A_61 = vector.shape_cast %reduce_sum3A_60 : vector<512xf32> to vector<512x1xf32>
    %mul3A_62 = arith.mulf %convert_element_type3A_47, %add3A_59 : vector<512x8xf32>
    %reduce_sum3A_63 = arith.constant dense<0.000000e+00> : vector<512xf32>
    %reduce_sum3A_64 = vector.multi_reduction <add>, %mul3A_62, %reduce_sum3A_63 [1] : vector<512x8xf32> to vector<512xf32>
    %broadcast_in_dim3A_65 = vector.shape_cast %reduce_sum3A_64 : vector<512xf32> to vector<512x1xf32>
    %swap3A = arith.constant 0 : index
    %swap3A_66 = arith.constant 0 : index
    %swap3A_67 = vector.load %arg5[%swap3A, %swap3A_66] : memref<512x1xi32, #tpu.memory_space<vmem>>, vector<512x1xi32>
    tpu.vector_store %arg5[%swap3A, %swap3A_66], %broadcast_in_dim3A_18 {strides = array<i32>} : memref<512x1xi32, #tpu.memory_space<vmem>>, vector<512x1xi32>,
    %swap3A_68 = arith.constant 0 : index
    %swap3A_69 = arith.constant 0 : index
    %swap3A_70 = vector.load %arg6[%swap3A_68, %swap3A_69] : memref<512x1xi32, #tpu.memory_space<vmem>>, vector<512x1xi32>
    tpu.vector_store %arg6[%swap3A_68, %swap3A_69], %broadcast_in_dim3A_34 {strides = array<i32>} : memref<512x1xi32, #tpu.memory_space<vmem>>, vector<512x1xi32>,
    %convert_element_type3A_71 = arith.fptosi %broadcast_in_dim3A_61 : vector<512x1xf32> to vector<512x1xi32>
    %swap3A_72 = arith.constant 0 : index
    %swap3A_73 = arith.constant 0 : index
    %swap3A_74 = vector.load %arg7[%swap3A_72, %swap3A_73] : memref<512x1xi32, #tpu.memory_space<vmem>>, vector<512x1xi32>
    tpu.vector_store %arg7[%swap3A_72, %swap3A_73], %convert_element_type3A_71 {strides = array<i32>} : memref<512x1xi32, #tpu.memory_space<vmem>>, vector<512x1xi32>,
    %convert_element_type3A_75 = arith.fptosi %broadcast_in_dim3A_65 : vector<512x1xf32> to vector<512x1xi32>
    %swap3A_76 = arith.constant 0 : index
    %swap3A_77 = arith.constant 0 : index
    %swap3A_78 = vector.load %arg8[%swap3A_76, %swap3A_77] : memref<512x1xi32, #tpu.memory_space<vmem>>, vector<512x1xi32>
    tpu.vector_store %arg8[%swap3A_76, %swap3A_77], %convert_element_type3A_75 {strides = array<i32>} : memref<512x1xi32, #tpu.memory_space<vmem>>, vector<512x1xi32>,
    %swap3A_79 = arith.constant 0 : index
    %swap3A_80 = arith.constant 0 : index
    %swap3A_81 = vector.load %arg9[%swap3A_79, %swap3A_80] : memref<512x1xf32, #tpu.memory_space<vmem>>, vector<512x1xf32>
    tpu.vector_store %arg9[%swap3A_79, %swap3A_80], %div3A_39 {strides = array<i32>} : memref<512x1xf32, #tpu.memory_space<vmem>>, vector<512x1xf32>,
    %sub3A_82 = arith.constant 1.000000e+00 : f32
    %sub3A_83 = vector.broadcast %sub3A_82 : f32 to vector<512x1xf32>
    %sub3A_84 = arith.subf %sub3A_83, %div3A_39 : vector<512x1xf32>
    %swap3A_85 = arith.constant 0 : index
    %swap3A_86 = arith.constant 0 : index
    %swap3A_87 = vector.load %arg10[%swap3A_85, %swap3A_86] : memref<512x1xf32, #tpu.memory_space<vmem>>, vector<512x1xf32>
    tpu.vector_store %arg10[%swap3A_85, %swap3A_86], %sub3A_84 {strides = array<i32>} : memref<512x1xf32, #tpu.memory_space<vmem>>, vector<512x1xf32>,
    %reduce_sum3A_88 = arith.constant dense<0.000000e+00> : vector<8xf32>
    %reduce_sum3A_89 = vector.multi_reduction <add>, %add3A_48, %reduce_sum3A_88 [0] : vector<512x8xf32> to vector<8xf32>
    %broadcast_in_dim3A_90 = vector.shape_cast %reduce_sum3A_89 : vector<8xf32> to vector<1x8xf32>
    %add3A_91 = arith.addf %get3A_57, %broadcast_in_dim3A_90 : vector<1x8xf32>
    %swap3A_92 = arith.constant 0 : index
    %swap3A_93 = arith.constant 0 : index
    %swap3A_94 = vector.load %arg13[%swap3A_92, %swap3A_93] : memref<1x8xf32, #tpu.memory_space<vmem>>, vector<1x8xf32>
    tpu.vector_store %arg13[%swap3A_92, %swap3A_93], %add3A_91 {strides = array<i32>} : memref<1x8xf32, #tpu.memory_space<vmem>>, vector<1x8xf32>,
    %eq3A_95 = arith.constant 7 : i32
    %eq3A_96 = arith.cmpi eq, %arg0, %eq3A_95 : i32
    %convert_element_type3A_97 = arith.extui %eq3A_96 : i1 to i32
    %cond3A_98 = arith.constant 0 : i32
    %cond3A_99 = arith.cmpi ne, %convert_element_type3A_97, %cond3A_98 : i32
    scf.if %cond3A_99 {
      %iota3A_100 = tpu.iota {dimensions = array<i32: 1>} : vector<1x128xi32>
      %convert_element_type3A_101 = arith.sitofp %iota3A_100 : vector<1x128xi32> to vector<1x128xf32>
      %broadcast_in_dim3A_102 = arith.constant 0.000000e+00 : f32
      %broadcast_in_dim3A_103 = vector.broadcast %broadcast_in_dim3A_102 : f32 to vector<1x128xf32>
      %broadcast_in_dim3A_104 = arith.constant 0.000000e+00 : f32
      %broadcast_in_dim3A_105 = vector.broadcast %broadcast_in_dim3A_104 : f32 to vector<1x1xf32>
      %slice3A = vector.extract_strided_slice %add3A_91 {offsets = [0, 0], sizes = [1, 1], strides = [1, 1]} : vector<1x8xf32> to vector<1x1xf32>
      %add3A_106 = arith.constant 2.550000e+02 : f32
      %add3A_107 = vector.broadcast %add3A_106 : f32 to vector<1x1xf32>
      %add3A_108 = arith.addf %slice3A, %add3A_107 : vector<1x1xf32>
      %div3A_109 = arith.constant 2.560000e+02 : f32
      %div3A_110 = vector.broadcast %div3A_109 : f32 to vector<1x1xf32>
      %div3A_111 = arith.divf %add3A_108, %div3A_110 : vector<1x1xf32>
      %floor3A = math.floor %div3A_111 : vector<1x1xf32>
      %mul3A_112 = arith.constant 2.560000e+02 : f32
      %mul3A_113 = vector.broadcast %mul3A_112 : f32 to vector<1x1xf32>
      %mul3A_114 = arith.mulf %floor3A, %mul3A_113 : vector<1x1xf32>
      %div3A_115 = arith.constant 2.560000e+02 : f32
      %div3A_116 = vector.broadcast %div3A_115 : f32 to vector<1x1xf32>
      %div3A_117 = arith.divf %broadcast_in_dim3A_105, %div3A_116 : vector<1x1xf32>
      %div3A_118 = arith.constant 2.560000e+02 : f32
      %div3A_119 = vector.broadcast %div3A_118 : f32 to vector<1x1xf32>
      %div3A_120 = arith.divf %mul3A_114, %div3A_119 : vector<1x1xf32>
      %ge3A = vector.broadcast %div3A_117 : vector<1x1xf32> to vector<1x128xf32>
      %ge3A_121 = arith.cmpf oge, %convert_element_type3A_101, %ge3A : vector<1x128xf32>
      %add3A_122 = arith.addf %div3A_117, %div3A_120 : vector<1x1xf32>
      %lt3A = vector.broadcast %add3A_122 : vector<1x1xf32> to vector<1x128xf32>
      %lt3A_123 = arith.cmpf olt, %convert_element_type3A_101, %lt3A : vector<1x128xf32>
      %and3A = arith.andi %ge3A_121, %lt3A_123 : vector<1x128xi1>
      %jit3A_124 = arith.constant 0.000000e+00 : f32
      %jit3A_125 = arith.constant 0.000000e+00 : f32
      %broadcast_in_dim3A_126 = vector.broadcast %jit3A_124 : f32 to vector<1x128xf32>
      %broadcast_in_dim3A_127 = vector.broadcast %jit3A_125 : f32 to vector<1x128xf32>
      %select_n3A_128 = arith.select %and3A, %broadcast_in_dim3A_126, %broadcast_in_dim3A_127 : vector<1x128xi1>, vector<1x128xf32>
      %add3A_129 = arith.addf %broadcast_in_dim3A_103, %select_n3A_128 : vector<1x128xf32>
      %add3A_130 = arith.addf %broadcast_in_dim3A_105, %mul3A_114 : vector<1x1xf32>
      %slice3A_131 = vector.extract_strided_slice %add3A_91 {offsets = [0, 1], sizes = [1, 1], strides = [1, 1]} : vector<1x8xf32> to vector<1x1xf32>
      %add3A_132 = arith.constant 2.550000e+02 : f32
      %add3A_133 = vector.broadcast %add3A_132 : f32 to vector<1x1xf32>
      %add3A_134 = arith.addf %slice3A_131, %add3A_133 : vector<1x1xf32>
      %div3A_135 = arith.constant 2.560000e+02 : f32
      %div3A_136 = vector.broadcast %div3A_135 : f32 to vector<1x1xf32>
      %div3A_137 = arith.divf %add3A_134, %div3A_136 : vector<1x1xf32>
      %floor3A_138 = math.floor %div3A_137 : vector<1x1xf32>
      %mul3A_139 = arith.constant 2.560000e+02 : f32
      %mul3A_140 = vector.broadcast %mul3A_139 : f32 to vector<1x1xf32>
      %mul3A_141 = arith.mulf %floor3A_138, %mul3A_140 : vector<1x1xf32>
      %div3A_142 = arith.constant 2.560000e+02 : f32
      %div3A_143 = vector.broadcast %div3A_142 : f32 to vector<1x1xf32>
      %div3A_144 = arith.divf %add3A_130, %div3A_143 : vector<1x1xf32>
      %div3A_145 = arith.constant 2.560000e+02 : f32
      %div3A_146 = vector.broadcast %div3A_145 : f32 to vector<1x1xf32>
      %div3A_147 = arith.divf %mul3A_141, %div3A_146 : vector<1x1xf32>
      %ge3A_148 = vector.broadcast %div3A_144 : vector<1x1xf32> to vector<1x128xf32>
      %ge3A_149 = arith.cmpf oge, %convert_element_type3A_101, %ge3A_148 : vector<1x128xf32>
      %add3A_150 = arith.addf %div3A_144, %div3A_147 : vector<1x1xf32>
      %lt3A_151 = vector.broadcast %add3A_150 : vector<1x1xf32> to vector<1x128xf32>
      %lt3A_152 = arith.cmpf olt, %convert_element_type3A_101, %lt3A_151 : vector<1x128xf32>
      %and3A_153 = arith.andi %ge3A_149, %lt3A_152 : vector<1x128xi1>
      %jit3A_154 = arith.constant 1.000000e+00 : f32
      %jit3A_155 = arith.constant 0.000000e+00 : f32
      %broadcast_in_dim3A_156 = vector.broadcast %jit3A_154 : f32 to vector<1x128xf32>
      %broadcast_in_dim3A_157 = vector.broadcast %jit3A_155 : f32 to vector<1x128xf32>
      %select_n3A_158 = arith.select %and3A_153, %broadcast_in_dim3A_156, %broadcast_in_dim3A_157 : vector<1x128xi1>, vector<1x128xf32>
      %add3A_159 = arith.addf %add3A_129, %select_n3A_158 : vector<1x128xf32>
      %add3A_160 = arith.addf %add3A_130, %mul3A_141 : vector<1x1xf32>
      %slice3A_161 = vector.extract_strided_slice %add3A_91 {offsets = [0, 2], sizes = [1, 1], strides = [1, 1]} : vector<1x8xf32> to vector<1x1xf32>
      %add3A_162 = arith.constant 2.550000e+02 : f32
      %add3A_163 = vector.broadcast %add3A_162 : f32 to vector<1x1xf32>
      %add3A_164 = arith.addf %slice3A_161, %add3A_163 : vector<1x1xf32>
      %div3A_165 = arith.constant 2.560000e+02 : f32
      %div3A_166 = vector.broadcast %div3A_165 : f32 to vector<1x1xf32>
      %div3A_167 = arith.divf %add3A_164, %div3A_166 : vector<1x1xf32>
      %floor3A_168 = math.floor %div3A_167 : vector<1x1xf32>
      %mul3A_169 = arith.constant 2.560000e+02 : f32
      %mul3A_170 = vector.broadcast %mul3A_169 : f32 to vector<1x1xf32>
      %mul3A_171 = arith.mulf %floor3A_168, %mul3A_170 : vector<1x1xf32>
      %div3A_172 = arith.constant 2.560000e+02 : f32
      %div3A_173 = vector.broadcast %div3A_172 : f32 to vector<1x1xf32>
      %div3A_174 = arith.divf %add3A_160, %div3A_173 : vector<1x1xf32>
      %div3A_175 = arith.constant 2.560000e+02 : f32
      %div3A_176 = vector.broadcast %div3A_175 : f32 to vector<1x1xf32>
      %div3A_177 = arith.divf %mul3A_171, %div3A_176 : vector<1x1xf32>
      %ge3A_178 = vector.broadcast %div3A_174 : vector<1x1xf32> to vector<1x128xf32>
      %ge3A_179 = arith.cmpf oge, %convert_element_type3A_101, %ge3A_178 : vector<1x128xf32>
      %add3A_180 = arith.addf %div3A_174, %div3A_177 : vector<1x1xf32>
      %lt3A_181 = vector.broadcast %add3A_180 : vector<1x1xf32> to vector<1x128xf32>
      %lt3A_182 = arith.cmpf olt, %convert_element_type3A_101, %lt3A_181 : vector<1x128xf32>
      %and3A_183 = arith.andi %ge3A_179, %lt3A_182 : vector<1x128xi1>
      %jit3A_184 = arith.constant 2.000000e+00 : f32
      %jit3A_185 = arith.constant 0.000000e+00 : f32
      %broadcast_in_dim3A_186 = vector.broadcast %jit3A_184 : f32 to vector<1x128xf32>
      %broadcast_in_dim3A_187 = vector.broadcast %jit3A_185 : f32 to vector<1x128xf32>
      %select_n3A_188 = arith.select %and3A_183, %broadcast_in_dim3A_186, %broadcast_in_dim3A_187 : vector<1x128xi1>, vector<1x128xf32>
      %add3A_189 = arith.addf %add3A_159, %select_n3A_188 : vector<1x128xf32>
      %add3A_190 = arith.addf %add3A_160, %mul3A_171 : vector<1x1xf32>
      %slice3A_191 = vector.extract_strided_slice %add3A_91 {offsets = [0, 3], sizes = [1, 1], strides = [1, 1]} : vector<1x8xf32> to vector<1x1xf32>
      %add3A_192 = arith.constant 2.550000e+02 : f32
      %add3A_193 = vector.broadcast %add3A_192 : f32 to vector<1x1xf32>
      %add3A_194 = arith.addf %slice3A_191, %add3A_193 : vector<1x1xf32>
      %div3A_195 = arith.constant 2.560000e+02 : f32
      %div3A_196 = vector.broadcast %div3A_195 : f32 to vector<1x1xf32>
      %div3A_197 = arith.divf %add3A_194, %div3A_196 : vector<1x1xf32>
      %floor3A_198 = math.floor %div3A_197 : vector<1x1xf32>
      %mul3A_199 = arith.constant 2.560000e+02 : f32
      %mul3A_200 = vector.broadcast %mul3A_199 : f32 to vector<1x1xf32>
      %mul3A_201 = arith.mulf %floor3A_198, %mul3A_200 : vector<1x1xf32>
      %div3A_202 = arith.constant 2.560000e+02 : f32
      %div3A_203 = vector.broadcast %div3A_202 : f32 to vector<1x1xf32>
      %div3A_204 = arith.divf %add3A_190, %div3A_203 : vector<1x1xf32>
      %div3A_205 = arith.constant 2.560000e+02 : f32
      %div3A_206 = vector.broadcast %div3A_205 : f32 to vector<1x1xf32>
      %div3A_207 = arith.divf %mul3A_201, %div3A_206 : vector<1x1xf32>
      %ge3A_208 = vector.broadcast %div3A_204 : vector<1x1xf32> to vector<1x128xf32>
      %ge3A_209 = arith.cmpf oge, %convert_element_type3A_101, %ge3A_208 : vector<1x128xf32>
      %add3A_210 = arith.addf %div3A_204, %div3A_207 : vector<1x1xf32>
      %lt3A_211 = vector.broadcast %add3A_210 : vector<1x1xf32> to vector<1x128xf32>
      %lt3A_212 = arith.cmpf olt, %convert_element_type3A_101, %lt3A_211 : vector<1x128xf32>
      %and3A_213 = arith.andi %ge3A_209, %lt3A_212 : vector<1x128xi1>
      %jit3A_214 = arith.constant 3.000000e+00 : f32
      %jit3A_215 = arith.constant 0.000000e+00 : f32
      %broadcast_in_dim3A_216 = vector.broadcast %jit3A_214 : f32 to vector<1x128xf32>
      %broadcast_in_dim3A_217 = vector.broadcast %jit3A_215 : f32 to vector<1x128xf32>
      %select_n3A_218 = arith.select %and3A_213, %broadcast_in_dim3A_216, %broadcast_in_dim3A_217 : vector<1x128xi1>, vector<1x128xf32>
      %add3A_219 = arith.addf %add3A_189, %select_n3A_218 : vector<1x128xf32>
      %add3A_220 = arith.addf %add3A_190, %mul3A_201 : vector<1x1xf32>
      %slice3A_221 = vector.extract_strided_slice %add3A_91 {offsets = [0, 4], sizes = [1, 1], strides = [1, 1]} : vector<1x8xf32> to vector<1x1xf32>
      %add3A_222 = arith.constant 2.550000e+02 : f32
      %add3A_223 = vector.broadcast %add3A_222 : f32 to vector<1x1xf32>
      %add3A_224 = arith.addf %slice3A_221, %add3A_223 : vector<1x1xf32>
      %div3A_225 = arith.constant 2.560000e+02 : f32
      %div3A_226 = vector.broadcast %div3A_225 : f32 to vector<1x1xf32>
      %div3A_227 = arith.divf %add3A_224, %div3A_226 : vector<1x1xf32>
      %floor3A_228 = math.floor %div3A_227 : vector<1x1xf32>
      %mul3A_229 = arith.constant 2.560000e+02 : f32
      %mul3A_230 = vector.broadcast %mul3A_229 : f32 to vector<1x1xf32>
      %mul3A_231 = arith.mulf %floor3A_228, %mul3A_230 : vector<1x1xf32>
      %div3A_232 = arith.constant 2.560000e+02 : f32
      %div3A_233 = vector.broadcast %div3A_232 : f32 to vector<1x1xf32>
      %div3A_234 = arith.divf %add3A_220, %div3A_233 : vector<1x1xf32>
      %div3A_235 = arith.constant 2.560000e+02 : f32
      %div3A_236 = vector.broadcast %div3A_235 : f32 to vector<1x1xf32>
      %div3A_237 = arith.divf %mul3A_231, %div3A_236 : vector<1x1xf32>
      %ge3A_238 = vector.broadcast %div3A_234 : vector<1x1xf32> to vector<1x128xf32>
      %ge3A_239 = arith.cmpf oge, %convert_element_type3A_101, %ge3A_238 : vector<1x128xf32>
      %add3A_240 = arith.addf %div3A_234, %div3A_237 : vector<1x1xf32>
      %lt3A_241 = vector.broadcast %add3A_240 : vector<1x1xf32> to vector<1x128xf32>
      %lt3A_242 = arith.cmpf olt, %convert_element_type3A_101, %lt3A_241 : vector<1x128xf32>
      %and3A_243 = arith.andi %ge3A_239, %lt3A_242 : vector<1x128xi1>
      %jit3A_244 = arith.constant 4.000000e+00 : f32
      %jit3A_245 = arith.constant 0.000000e+00 : f32
      %broadcast_in_dim3A_246 = vector.broadcast %jit3A_244 : f32 to vector<1x128xf32>
      %broadcast_in_dim3A_247 = vector.broadcast %jit3A_245 : f32 to vector<1x128xf32>
      %select_n3A_248 = arith.select %and3A_243, %broadcast_in_dim3A_246, %broadcast_in_dim3A_247 : vector<1x128xi1>, vector<1x128xf32>
      %add3A_249 = arith.addf %add3A_219, %select_n3A_248 : vector<1x128xf32>
      %add3A_250 = arith.addf %add3A_220, %mul3A_231 : vector<1x1xf32>
      %slice3A_251 = vector.extract_strided_slice %add3A_91 {offsets = [0, 5], sizes = [1, 1], strides = [1, 1]} : vector<1x8xf32> to vector<1x1xf32>
      %add3A_252 = arith.constant 2.550000e+02 : f32
      %add3A_253 = vector.broadcast %add3A_252 : f32 to vector<1x1xf32>
      %add3A_254 = arith.addf %slice3A_251, %add3A_253 : vector<1x1xf32>
      %div3A_255 = arith.constant 2.560000e+02 : f32
      %div3A_256 = vector.broadcast %div3A_255 : f32 to vector<1x1xf32>
      %div3A_257 = arith.divf %add3A_254, %div3A_256 : vector<1x1xf32>
      %floor3A_258 = math.floor %div3A_257 : vector<1x1xf32>
      %mul3A_259 = arith.constant 2.560000e+02 : f32
      %mul3A_260 = vector.broadcast %mul3A_259 : f32 to vector<1x1xf32>
      %mul3A_261 = arith.mulf %floor3A_258, %mul3A_260 : vector<1x1xf32>
      %div3A_262 = arith.constant 2.560000e+02 : f32
      %div3A_263 = vector.broadcast %div3A_262 : f32 to vector<1x1xf32>
      %div3A_264 = arith.divf %add3A_250, %div3A_263 : vector<1x1xf32>
      %div3A_265 = arith.constant 2.560000e+02 : f32
      %div3A_266 = vector.broadcast %div3A_265 : f32 to vector<1x1xf32>
      %div3A_267 = arith.divf %mul3A_261, %div3A_266 : vector<1x1xf32>
      %ge3A_268 = vector.broadcast %div3A_264 : vector<1x1xf32> to vector<1x128xf32>
      %ge3A_269 = arith.cmpf oge, %convert_element_type3A_101, %ge3A_268 : vector<1x128xf32>
      %add3A_270 = arith.addf %div3A_264, %div3A_267 : vector<1x1xf32>
      %lt3A_271 = vector.broadcast %add3A_270 : vector<1x1xf32> to vector<1x128xf32>
      %lt3A_272 = arith.cmpf olt, %convert_element_type3A_101, %lt3A_271 : vector<1x128xf32>
      %and3A_273 = arith.andi %ge3A_269, %lt3A_272 : vector<1x128xi1>
      %jit3A_274 = arith.constant 5.000000e+00 : f32
      %jit3A_275 = arith.constant 0.000000e+00 : f32
      %broadcast_in_dim3A_276 = vector.broadcast %jit3A_274 : f32 to vector<1x128xf32>
      %broadcast_in_dim3A_277 = vector.broadcast %jit3A_275 : f32 to vector<1x128xf32>
      %select_n3A_278 = arith.select %and3A_273, %broadcast_in_dim3A_276, %broadcast_in_dim3A_277 : vector<1x128xi1>, vector<1x128xf32>
      %add3A_279 = arith.addf %add3A_249, %select_n3A_278 : vector<1x128xf32>
      %add3A_280 = arith.addf %add3A_250, %mul3A_261 : vector<1x1xf32>
      %slice3A_281 = vector.extract_strided_slice %add3A_91 {offsets = [0, 6], sizes = [1, 1], strides = [1, 1]} : vector<1x8xf32> to vector<1x1xf32>
      %add3A_282 = arith.constant 2.550000e+02 : f32
      %add3A_283 = vector.broadcast %add3A_282 : f32 to vector<1x1xf32>
      %add3A_284 = arith.addf %slice3A_281, %add3A_283 : vector<1x1xf32>
      %div3A_285 = arith.constant 2.560000e+02 : f32
      %div3A_286 = vector.broadcast %div3A_285 : f32 to vector<1x1xf32>
      %div3A_287 = arith.divf %add3A_284, %div3A_286 : vector<1x1xf32>
      %floor3A_288 = math.floor %div3A_287 : vector<1x1xf32>
      %mul3A_289 = arith.constant 2.560000e+02 : f32
      %mul3A_290 = vector.broadcast %mul3A_289 : f32 to vector<1x1xf32>
      %mul3A_291 = arith.mulf %floor3A_288, %mul3A_290 : vector<1x1xf32>
      %div3A_292 = arith.constant 2.560000e+02 : f32
      %div3A_293 = vector.broadcast %div3A_292 : f32 to vector<1x1xf32>
      %div3A_294 = arith.divf %add3A_280, %div3A_293 : vector<1x1xf32>
      %div3A_295 = arith.constant 2.560000e+02 : f32
      %div3A_296 = vector.broadcast %div3A_295 : f32 to vector<1x1xf32>
      %div3A_297 = arith.divf %mul3A_291, %div3A_296 : vector<1x1xf32>
      %ge3A_298 = vector.broadcast %div3A_294 : vector<1x1xf32> to vector<1x128xf32>
      %ge3A_299 = arith.cmpf oge, %convert_element_type3A_101, %ge3A_298 : vector<1x128xf32>
      %add3A_300 = arith.addf %div3A_294, %div3A_297 : vector<1x1xf32>
      %lt3A_301 = vector.broadcast %add3A_300 : vector<1x1xf32> to vector<1x128xf32>
      %lt3A_302 = arith.cmpf olt, %convert_element_type3A_101, %lt3A_301 : vector<1x128xf32>
      %and3A_303 = arith.andi %ge3A_299, %lt3A_302 : vector<1x128xi1>
      %jit3A_304 = arith.constant 6.000000e+00 : f32
      %jit3A_305 = arith.constant 0.000000e+00 : f32
      %broadcast_in_dim3A_306 = vector.broadcast %jit3A_304 : f32 to vector<1x128xf32>
      %broadcast_in_dim3A_307 = vector.broadcast %jit3A_305 : f32 to vector<1x128xf32>
      %select_n3A_308 = arith.select %and3A_303, %broadcast_in_dim3A_306, %broadcast_in_dim3A_307 : vector<1x128xi1>, vector<1x128xf32>
      %add3A_309 = arith.addf %add3A_279, %select_n3A_308 : vector<1x128xf32>
      %add3A_310 = arith.addf %add3A_280, %mul3A_291 : vector<1x1xf32>
      %slice3A_311 = vector.extract_strided_slice %add3A_91 {offsets = [0, 7], sizes = [1, 1], strides = [1, 1]} : vector<1x8xf32> to vector<1x1xf32>
      %add3A_312 = arith.constant 2.550000e+02 : f32
      %add3A_313 = vector.broadcast %add3A_312 : f32 to vector<1x1xf32>
      %add3A_314 = arith.addf %slice3A_311, %add3A_313 : vector<1x1xf32>
      %div3A_315 = arith.constant 2.560000e+02 : f32
      %div3A_316 = vector.broadcast %div3A_315 : f32 to vector<1x1xf32>
      %div3A_317 = arith.divf %add3A_314, %div3A_316 : vector<1x1xf32>
      %floor3A_318 = math.floor %div3A_317 : vector<1x1xf32>
      %mul3A_319 = arith.constant 2.560000e+02 : f32
      %mul3A_320 = vector.broadcast %mul3A_319 : f32 to vector<1x1xf32>
      %mul3A_321 = arith.mulf %floor3A_318, %mul3A_320 : vector<1x1xf32>
      %div3A_322 = arith.constant 2.560000e+02 : f32
      %div3A_323 = vector.broadcast %div3A_322 : f32 to vector<1x1xf32>
      %div3A_324 = arith.divf %add3A_310, %div3A_323 : vector<1x1xf32>
      %div3A_325 = arith.constant 2.560000e+02 : f32
      %div3A_326 = vector.broadcast %div3A_325 : f32 to vector<1x1xf32>
      %div3A_327 = arith.divf %mul3A_321, %div3A_326 : vector<1x1xf32>
      %ge3A_328 = vector.broadcast %div3A_324 : vector<1x1xf32> to vector<1x128xf32>
      %ge3A_329 = arith.cmpf oge, %convert_element_type3A_101, %ge3A_328 : vector<1x128xf32>
      %add3A_330 = arith.addf %div3A_324, %div3A_327 : vector<1x1xf32>
      %lt3A_331 = vector.broadcast %add3A_330 : vector<1x1xf32> to vector<1x128xf32>
      %lt3A_332 = arith.cmpf olt, %convert_element_type3A_101, %lt3A_331 : vector<1x128xf32>
      %and3A_333 = arith.andi %ge3A_329, %lt3A_332 : vector<1x128xi1>
      %jit3A_334 = arith.constant 7.000000e+00 : f32
      %jit3A_335 = arith.constant 0.000000e+00 : f32
      %broadcast_in_dim3A_336 = vector.broadcast %jit3A_334 : f32 to vector<1x128xf32>
      %broadcast_in_dim3A_337 = vector.broadcast %jit3A_335 : f32 to vector<1x128xf32>
      %select_n3A_338 = arith.select %and3A_333, %broadcast_in_dim3A_336, %broadcast_in_dim3A_337 : vector<1x128xi1>, vector<1x128xf32>
      %add3A_339 = arith.addf %add3A_309, %select_n3A_338 : vector<1x128xf32>
      %convert_element_type3A_340 = arith.fptosi %add3A_339 : vector<1x128xf32> to vector<1x128xi32>
      %swap3A_341 = arith.constant 0 : index
      %swap3A_342 = arith.constant 0 : index
      %swap3A_343 = vector.load %arg11[%swap3A_341, %swap3A_342] : memref<1x128xi32, #tpu.memory_space<vmem>>, vector<1x128xi32>
      tpu.vector_store %arg11[%swap3A_341, %swap3A_342], %convert_element_type3A_340 {strides = array<i32>} : memref<1x128xi32, #tpu.memory_space<vmem>>, vector<1x128xi32>,
      %broadcast_in_dim3A_344 = arith.constant 0.000000e+00 : f32
      %broadcast_in_dim3A_345 = vector.broadcast %broadcast_in_dim3A_344 : f32 to vector<1x8xf32>
      %concatenate3A = tpu.concatenate %broadcast_in_dim3A_105, %add3A_130, %add3A_160, %add3A_190, %add3A_220, %add3A_250, %add3A_280, %add3A_310, %broadcast_in_dim3A_345 in 1 : vector<1x1xf32>, vector<1x1xf32>, vector<1x1xf32>, vector<1x1xf32>, vector<1x1xf32>, vector<1x1xf32>, vector<1x1xf32>, vector<1x1xf32>, vector<1x8xf32> -> vector<1x16xf32>
      %convert_element_type3A_346 = arith.fptosi %concatenate3A : vector<1x16xf32> to vector<1x16xi32>
      %swap3A_347 = arith.constant 0 : index
      %swap3A_348 = arith.constant 0 : index
      %swap3A_349 = vector.load %arg12[%swap3A_347, %swap3A_348] : memref<1x16xi32, #tpu.memory_space<vmem>>, vector<1x16xi32>
      tpu.vector_store %arg12[%swap3A_347, %swap3A_348], %convert_element_type3A_346 {strides = array<i32>} : memref<1x16xi32, #tpu.memory_space<vmem>>, vector<1x16xi32>,
    } else {
    }
    return
  }
  func.func @transform_0(%arg0: i32) -> (i32, i32) {
    %c0_i32 = arith.constant 0 : i32
    %c0_i32_0 = arith.constant 0 : i32
    return %arg0, %c0_i32 : i32, i32
  }
  func.func @transform_1(%arg0: i32) -> (i32, i32) {
    %c0_i32 = arith.constant 0 : i32
    %c0_i32_0 = arith.constant 0 : i32
    %c0_i32_1 = arith.constant 0 : i32
    return %c0_i32, %c0_i32_0 : i32, i32
  }
  func.func @transform_2(%arg0: i32) -> (i32, i32) {
    %c0_i32 = arith.constant 0 : i32
    %c0_i32_0 = arith.constant 0 : i32
    %c0_i32_1 = arith.constant 0 : i32
    return %c0_i32, %c0_i32_0 : i32, i32
  }
  func.func @transform_3(%arg0: i32) -> (i32, i32) {
    %c0_i32 = arith.constant 0 : i32
    %c0_i32_0 = arith.constant 0 : i32
    %c0_i32_1 = arith.constant 0 : i32
    return %c0_i32, %c0_i32_0 : i32, i32
  }
  func.func @transform_4(%arg0: i32) -> (i32, i32) {
    %c0_i32 = arith.constant 0 : i32
    %c0_i32_0 = arith.constant 0 : i32
    return %arg0, %c0_i32 : i32, i32
  }
  func.func @transform_5(%arg0: i32) -> (i32, i32) {
    %c0_i32 = arith.constant 0 : i32
    %c0_i32_0 = arith.constant 0 : i32
    return %arg0, %c0_i32 : i32, i32
  }
  func.func @transform_6(%arg0: i32) -> (i32, i32) {
    %c0_i32 = arith.constant 0 : i32
    %c0_i32_0 = arith.constant 0 : i32
    return %arg0, %c0_i32 : i32, i32
  }
  func.func @transform_7(%arg0: i32) -> (i32, i32) {
    %c0_i32 = arith.constant 0 : i32
    %c0_i32_0 = arith.constant 0 : i32
    return %arg0, %c0_i32 : i32, i32
  }
  func.func @transform_8(%arg0: i32) -> (i32, i32) {
    %c0_i32 = arith.constant 0 : i32
    %c0_i32_0 = arith.constant 0 : i32
    return %arg0, %c0_i32 : i32, i32
  }
  func.func @transform_9(%arg0: i32) -> (i32, i32) {
    %c0_i32 = arith.constant 0 : i32
    %c0_i32_0 = arith.constant 0 : i32
    return %arg0, %c0_i32 : i32, i32
  }
  func.func @transform_10(%arg0: i32) -> (i32, i32) {
    %c0_i32 = arith.constant 0 : i32
    %c0_i32_0 = arith.constant 0 : i32
    %c0_i32_1 = arith.constant 0 : i32
    return %c0_i32, %c0_i32_0 : i32, i32
  }
  func.func @transform_11(%arg0: i32) -> (i32, i32) {
    %c0_i32 = arith.constant 0 : i32
    %c0_i32_0 = arith.constant 0 : i32
    %c0_i32_1 = arith.constant 0 : i32
    return %c0_i32, %c0_i32_0 : i32, i32
  }
}

module attributes {stable_mosaic.version = 14 : i64} {
  func.func @_gmm_body(%arg0: i32, %arg1: memref<128xi32, #tpu.memory_space<smem>>, %arg2: memref<256x1024xf32, #tpu.memory_space<vmem>>, %arg3: memref<8x1024x1024xbf16, #tpu.memory_space<vmem>>, %arg4: memref<8x1x1024xf32, #tpu.memory_space<vmem>>, %arg5: memref<256x1024xf32, #tpu.memory_space<vmem>>) attributes {dimension_semantics = [#tpu.dimension_semantics<arbitrary>], iteration_bounds = array<i64: 40>, scalar_prefetch = 1 : i64, scratch_operands = 0 : i64, tpu.core_type = #tpu.core_type<tc>, window_params = [{transform_indices = @transform_0, window_bounds = array<i64: 256, 1024>}, {pipeline_mode = #tpu.pipeline_mode<synchronous>, transform_indices = @transform_1, window_bounds = array<i64: 8, 1024, 1024>}, {pipeline_mode = #tpu.pipeline_mode<synchronous>, transform_indices = @transform_2, window_bounds = array<i64: 8, 1, 1024>}, {transform_indices = @transform_3, window_bounds = array<i64: 256, 1024>}]} {
    %get3A = arith.index_cast %arg0 : i32 to index
    %get3A_0 = memref.load %arg1[%get3A] : memref<128xi32, #tpu.memory_space<smem>>
    %get3A_1 = arith.constant 0 : index
    %get3A_2 = arith.constant 0 : index
    %get3A_3 = vector.load %arg2[%get3A_1, %get3A_2] : memref<256x1024xf32, #tpu.memory_space<vmem>>, vector<256x1024xf32>
    %convert_element_type3A = arith.truncf %get3A_3 : vector<256x1024xf32> to vector<256x1024xbf16>
    %get3A_4 = arith.index_cast %get3A_0 : i32 to index
    %get3A_5 = arith.constant 0 : index
    %get3A_6 = arith.constant 0 : index
    %get3A_7 = vector.load %arg3[%get3A_4, %get3A_5, %get3A_6] : memref<8x1024x1024xbf16, #tpu.memory_space<vmem>>, vector<1x1024x1024xbf16>
    %get3A_8 = vector.shape_cast %get3A_7 : vector<1x1024x1024xbf16> to vector<1024x1024xbf16>
    %dot_general3A = arith.constant dense<0.000000e+00> : vector<256x1024xf32>
    %dot_general3A_9 = tpu.matmul %convert_element_type3A, %get3A_8, %dot_general3A {dimension_numbers = #tpu.dot_dimension_numbers<[1], [0], [0], [1], [0, 0, 1, 1], [], []>, transpose_lhs_hint = false} : vector<256x1024xbf16>, vector<1024x1024xbf16>, vector<256x1024xf32> -> vector<256x1024xf32>
    %get3A_10 = arith.index_cast %get3A_0 : i32 to index
    %get3A_11 = arith.constant 0 : index
    %get3A_12 = arith.constant 0 : index
    %get3A_13 = vector.load %arg4[%get3A_10, %get3A_11, %get3A_12] : memref<8x1x1024xf32, #tpu.memory_space<vmem>>, vector<1x1x1024xf32>
    %get3A_14 = vector.shape_cast %get3A_13 : vector<1x1x1024xf32> to vector<1x1024xf32>
    %add3A = vector.broadcast %get3A_14 : vector<1x1024xf32> to vector<256x1024xf32>
    %add3A_15 = arith.addf %dot_general3A_9, %add3A : vector<256x1024xf32>
    %swap3A = arith.constant 0 : index
    %swap3A_16 = arith.constant 0 : index
    %swap3A_17 = vector.load %arg5[%swap3A, %swap3A_16] : memref<256x1024xf32, #tpu.memory_space<vmem>>, vector<256x1024xf32>
    tpu.vector_store %arg5[%swap3A, %swap3A_16], %add3A_15 {strides = array<i32>} : memref<256x1024xf32, #tpu.memory_space<vmem>>, vector<256x1024xf32>,
    return
  }
  func.func @transform_0(%arg0: i32, %arg1: memref<128xi32, #tpu.memory_space<smem>>) -> (i32, i32) {
    %c0_i32 = arith.constant 0 : i32
    %c0_i32_0 = arith.constant 0 : i32
    return %arg0, %c0_i32 : i32, i32
  }
  func.func @transform_1(%arg0: i32, %arg1: memref<128xi32, #tpu.memory_space<smem>>) -> (i32, i32, i32) {
    %c0_i32 = arith.constant 0 : i32
    %c0_i32_0 = arith.constant 0 : i32
    %c0_i32_1 = arith.constant 0 : i32
    %c0_i32_2 = arith.constant 0 : i32
    return %c0_i32, %c0_i32_0, %c0_i32_1 : i32, i32, i32
  }
  func.func @transform_2(%arg0: i32, %arg1: memref<128xi32, #tpu.memory_space<smem>>) -> (i32, i32, i32) {
    %c0_i32 = arith.constant 0 : i32
    %c0_i32_0 = arith.constant 0 : i32
    %c0_i32_1 = arith.constant 0 : i32
    %c0_i32_2 = arith.constant 0 : i32
    return %c0_i32, %c0_i32_0, %c0_i32_1 : i32, i32, i32
  }
  func.func @transform_3(%arg0: i32, %arg1: memref<128xi32, #tpu.memory_space<smem>>) -> (i32, i32) {
    %c0_i32 = arith.constant 0 : i32
    %c0_i32_0 = arith.constant 0 : i32
    return %arg0, %c0_i32 : i32, i32
  }
}

</mosaic_0001>

<sc_bundles>
// kernel: kernel.6.cloned.1.call-start
scs
__scs_entry_jumppad:
0x0: {  	(pc) =	sbr.rel $0x88, $3  }
0x1: {  	(tag) =	ssettag $0x0;
	lr =	simm.s32 $0x1  }
0x2: {  	[smem:$0x3F9C] =	sst lr;
	_ =	strace $0xD0000000  }
0x3: {  	_ = 	snop  }
0x4: {  	_ = 	snop  }
0x5: {  	_ = 	snop  }
0x6: {  	_ = 	snop  }
0x7: {  	_ = 	snop  }
__scs_overlays_trampoline_lowered:
0x8: {  	[smem:$0x3FAB] =	sst s0  }
0x9: {  	[smem:$0x3FAC] =	sst s1  }
0xa: {  	[smem:$0x3FAD] =	sst s2  }
0xb: {  	[smem:$0x3FAE] =	sst s3  }
0xc: {  	[smem:$0x3FAF] =	sst s4  }
0xd: {  	[smem:$0x3FB0] =	sst s5  }
0xe: {  	[smem:$0x3FB1] =	sst s6  }
0xf: {  	[smem:$0x3FB2] =	sst s7  }
0x10: {  	[smem:$0x3FB3] =	sst s8  }
0x11: {  	[smem:$0x3FB4] =	sst s9;
	s0 =	simm.s32 @!p0 $0x0  }
0x12: {  	s1 =	sld [smem:$0x3F9A];
	s0 =	simm.s32 @p0 $0x1  }
0x13: {  	[smem:$0x3FB5] =	sst s0;
	s0 =	simm.s32 @!p1 $0x0  }
0x14: {  	s2 =	sld [smem:$0x3F99];
	s0 =	simm.s32 @p1 $0x1  }
0x15: {  	[smem:$0x3FB6] =	sst s0;
	s0 =	simm.s32 @!p2 $0x0  }
0x16: {  	s3 =	sld [smem:$0x3FDB];
	s0 =	simm.s32 @p2 $0x1  }
0x17: {  	s4 =	simm.s32 $0x1BF5;
	[smem:$0x3FB8] =	sst s0  }
0x18: {  	s0 =	sld [smem:$0x3F9B];
	_ =	swait.ge [sflag:s4], $0x0  }
0x19: {  	s7 =	sld [smem:$0x3F9C]  }
0x1a: {  	s8 =	sadd.s32 $0xFFFFE003, lr  }
0x1b: {  	s9 =	sadd.s32 $0xFFFFFEF7, lr;
	s5 =	simm.s32 $0xFFFFFFFF;
	p2 =	slt.u32 s8, $0xFFFFF086  }
0x1c: {  	p1 =	slt.u32 s9, $0xF7A;
	s5 =	simm.s32 @!p2 $0x0  }
0x1d: {  	s5 =	simm.s32 @p1 $0x1;
	p0 =	seq.s32 s7, s2  }
0x1e: {  	s7 =	smul.u32 @!p0 $0xF7A, s2;
	p2 =	seq.s32 @!p0 s5, $0x0  }
0x1f: {  	s9 =	smul.u32 $0xF7A, s1;
	s8 =	simm.s32 @!p0 $0x1BF5;
	p2 =	por !p2, p0  }
0x20: {  	[sflag:s8] =	ssyncset.s32 @!p0 $0xFFFFF086;
	s6 =	sadd.s32 @!p0 s3, s7;
	s7 =	simm.s32 @!p0 $0x108  }
0x21: {  	s3 =	sadd.s32 s3, s9;
	s6 =	sadd.s32 @!p0 $0x88, s6;
	s7 =	simm.s32 @p2 $0x1082  }
0x22: {  	[simem:s7], [sflag:s8] =	dma.local @!p0 [hbm:s6], $0xF7A  }
0x23: {  	s9 =	sor.u32 $0xD0000000, s2;
	s6 =	simm.s32 $0x108;
	_ =	swait.ge @!p0 [sflag:s8], $0x0  }
0x24: {  	s3 =	sadd.s32 $0x88, s3;
	s6 =	simm.s32 @!p1 $0x1082;
	[sflag:s4] =	ssyncset.s32 $0xFFFFF086  }
0x25: {  	[simem:s6], [sflag:s4] =	dma.local [hbm:s3], $0xF7A  }
0x26: {  	[smem:$0x3F9C] =	sst s1;
	(tag) =	ssettag s2;
	_ =	strace s9  }
0x27: {  	s1 =	sld [smem:$0x3FAC]  }
0x28: {  	s2 =	sld [smem:$0x3FAD]  }
0x29: {  	s4 =	sld [smem:$0x3FAF]  }
0x2a: {  	p0 =	seq.s32 s5, $0x0;
	s5 =	sld [smem:$0x3FB0]  }
0x2b: {  	s6 =	sld [smem:$0x3FB1]  }
0x2c: {  	s7 =	sld [smem:$0x3FB2]  }
0x2d: {  	s3 =	simm.s32 $0x108;
	s8 =	sld [smem:$0x3FB3]  }
0x2e: {  	s3 =	simm.s32 @!p0 $0x1082;
	s9 =	sld [smem:$0x3FB4]  }
0x2f: {  	lr =	sadd.s32 s0, s3;
	s0 =	sld [smem:$0x3FAB]  }
0x30: {  	s3 =	sld [smem:$0x3FAE]  }
0x31: {  	[smem:$0x3FB7] =	sst s10  }
0x32: {  	s10 =	sld [smem:$0x3FB5];
	_ =	sdelay $0x3  }
0x33: {  	p0 =	seq.s32 s10, $0x1;
	s10 =	sld [smem:$0x3FB7];
	_ =	sdelay $0x3  }
0x34: {  	[smem:$0x3FB7] =	sst s10  }
0x35: {  	s10 =	sld [smem:$0x3FB6];
	_ =	sdelay $0x3  }
0x36: {  	p1 =	seq.s32 s10, $0x1;
	s10 =	sld [smem:$0x3FB7];
	_ =	sdelay $0x3  }
0x37: {  	[smem:$0x3FB7] =	sst s10  }
0x38: {  	s10 =	sld [smem:$0x3FB8]  }
0x39: {  	_ = 	snop;
	(pc) =	sbr.ind lr, $3  }
0x3a: {  	_ = 	snop  }
0x3b: {  	_ = 	snop  }
0x3c: {  	p2 =	seq.s32 s10, $0x1;
	s10 =	sld [smem:$0x3FB7]  }
0x3d: {  	_ =	shalt  }
0x3e: {  	_ =	shalt  }
0x3f: {  	_ =	shalt  }
0x40: {  	_ =	shalt  }
0x41: {  	_ =	shalt  }
0x42: {  	_ =	shalt  }
0x43: {  	_ =	shalt  }
0x44: {  	_ =	shalt  }
0x45: {  	_ =	shalt  }
0x46: {  	_ =	shalt  }
0x47: {  	_ =	shalt  }
0x48: {  	_ =	shalt  }
0x49: {  	_ =	shalt  }
0x4a: {  	_ =	shalt  }
0x4b: {  	_ =	shalt  }
0x4c: {  	_ =	shalt  }
0x4d: {  	_ =	shalt  }
0x4e: {  	_ =	shalt  }
0x4f: {  	_ =	shalt  }
0x50: {  	_ =	shalt  }
0x51: {  	_ =	shalt  }
0x52: {  	_ =	shalt  }
0x53: {  	_ =	shalt  }
0x54: {  	_ =	shalt  }
0x55: {  	_ =	shalt  }
0x56: {  	_ =	shalt  }
0x57: {  	_ =	shalt  }
0x58: {  	_ =	shalt  }
0x59: {  	_ =	shalt  }
0x5a: {  	_ =	shalt  }
0x5b: {  	_ =	shalt  }
0x5c: {  	_ =	shalt  }
0x5d: {  	_ =	shalt  }
0x5e: {  	_ =	shalt  }
0x5f: {  	_ =	shalt  }
0x60: {  	_ =	shalt  }
0x61: {  	_ =	shalt  }
0x62: {  	_ =	shalt  }
0x63: {  	_ =	shalt  }
0x64: {  	_ =	shalt  }
0x65: {  	_ =	shalt  }
0x66: {  	_ =	shalt  }
0x67: {  	_ =	shalt  }
0x68: {  	_ =	shalt  }
0x69: {  	_ =	shalt  }
0x6a: {  	_ =	shalt  }
0x6b: {  	_ =	shalt  }
0x6c: {  	_ =	shalt  }
0x6d: {  	_ =	shalt  }
0x6e: {  	_ =	shalt  }
0x6f: {  	_ =	shalt  }
0x70: {  	_ =	shalt  }
0x71: {  	_ =	shalt  }
0x72: {  	_ =	shalt  }
0x73: {  	_ =	shalt  }
0x74: {  	_ =	shalt  }
0x75: {  	_ =	shalt  }
0x76: {  	_ =	shalt  }
0x77: {  	_ =	shalt  }
0x78: {  	_ =	shalt  }
0x79: {  	_ =	shalt  }
0x7a: {  	_ =	shalt  }
0x7b: {  	_ =	shalt  }
0x7c: {  	_ =	shalt  }
0x7d: {  	_ =	shalt  }
0x7e: {  	_ =	shalt  }
0x7f: {  	_ =	shalt  }
0x80: {  	_ =	shalt  }
0x81: {  	_ =	shalt  }
0x82: {  	_ =	shalt  }
0x83: {  	_ =	shalt  }
0x84: {  	_ =	shalt  }
0x85: {  	_ =	shalt  }
0x86: {  	_ =	shalt  }
0x87: {  	_ =	shalt  }
.Lfunc_end0:
.L_simem_size_0:
called_computation_lowered:
.L_overlay_start_0:
0x88: {  	s2 =	sld [smem:$0x3FD9]  }
0x89: {  	s3 =	sld [smem:$0x3FFE];
	_ =	sdelay $0x1  }
0x8a: {  	s1 =	srdreg.scid  }
0x8b: {  	s0 =	sand.u32 $0x1, s1  }
0x8c: {  	s17 =	sshll.u32 s0, $0xA;
	s2 =	sadd.s32 s3, s2  }
0x8d: {  	s2 =	sadd.s32 s2, s17  }
0x8e: {  	[smem:$0x3FC3] =	sst s2  }
0x8f: {  	_ = 	snop  }
0x90: {  	s2 =	sld [smem:$0x3FC9]  }
0x91: {  	s18 =	sld [smem:$0x3FD0];
	(tm) =	ssettm $0x1  }
0x92: {  	s4 =	sld [smem:$0x3FFB];
	_ =	sdelay $0x3  }
0x93: {  	_ =	strace s4  }
0x94: {  	s4 =	sld [smem:$0x3FFC];
	_ =	sdelay $0x3  }
0x95: {  	_ =	strace s4  }
0x96: {  	s4 =	sld [smem:$0x3FFD];
	_ =	sdelay $0x3  }
0x97: {  	_ =	strace s4  }
0x98: {  	_ =	strace $0x8FFFFFFF  }
0x99: {  	s19 =	sld [smem:$0x3FDB];
	_ =	sdelay $0x1  }
0x9a: {  	s5 =	simm.s32 $_scs_section_size  }
0x9b: {  	s6 =	simm.s32 $_size__tile_overlayer_lowered;
	s7 =	simm.s32 $_tile_overlayer_lowered  }
0x9c: {  	s22 =	simm.s32 $0x1BFF;
	s21 =	sshll.u32 s7, $0x1;
	s4 =	sadd.s32 s5, s19  }
0x9d: {  	s8 =	simm.s32 $0x0;
	s20 =	sshll.u32 s6, $0x1;
	s6 =	sadd.s32 s21, s4  }
0x9e: {  	[timem:s8], [sflag:s22] =	dma.local [hbm:s6], s20  }
0x9f: {  	_ =	swait.ge [sflag:s22], s20  }
0xa0: {  	s5 =	ssub.s32 $0x0, s20;
	[sflag:s22] =	ssyncset.done $0x0  }
0xa1: {  	[sflag:s22] =	ssyncadd.s32 s5;
	_ =	sdelay $0x1  }
0xa2: {  	s23 =	simm.s32 $0x1B8B  }
0xa3: {  	_ =	swait.ge [sflag:s23], $0x1  }
0xa4: {  	[sflag:s23] =	ssyncset.done $0x0  }
0xa5: {  	s25 =	simm.s32 $0x1B8E;
	s24 =	sld [smem:$0x3FFE];
	[sflag:s23] =	ssyncadd.s32 $0xFFFFFFFF  }
0xa6: {  	s26 =	simm.s32 $execute0_lowered;
	[smem:$0x3FD2] =	sst s25  }
0xa7: {  	s6 =	sshll.u32 s26, $0x1;
	_ =	strace $0x80000046;
	[dreg:$0x1] =	wrdreg $0xFFFFFFFF  }
0xa8: {  	s28 =	simm.s32 $_size_execute0_lowered;
	s4 =	sadd.s32 s4, s6;
	[dreg:$0x0] =	wrdreg $0x0  }
0xa9: {  	s6 =	sshll.u32 s28, $0x1;
	[dreg:$0x2] =	wrdreg s4  }
0xaa: {  	[dreg:$0x3] =	wrdreg s6  }
0xab: {  	[dreg:$0x4] =	wrdreg $0xC0  }
0xac: {  	_ =	task [dreg:s8], $0x5FFFF  }
0xad: {  	[dreg:$0x1] =	wrdreg $0xFFFFFFFF  }
0xae: {  	[dreg:$0x0] =	wrdreg $0x60  }
0xaf: {  	[dreg:$0x2] =	wrdreg s2  }
0xb0: {  	[dreg:$0x3] =	wrdreg s18  }
0xb1: {  	[dreg:$0x4] =	wrdreg s24  }
0xb2: {  	[dreg:$0x5] =	wrdreg $0x9  }
0xb3: {  	_ =	task.clear_ibuf [dreg:s8], $0x6FFFF;
	_ =	strace $0x90000046  }
0xb4: {  	s29 =	simm.s32 $0x9;
	_ =	strace $0x80000048  }
0xb5: {  	_ =	swait.ge [sflag:s29], $0x1  }
0xb6: {  	[sflag:s29] =	ssyncadd.s32 $0xFFFFFFFF  }
0xb7: {  	_ =	strace $0x90000048  }
0xb8: {  	_ =	sfence  }
0xb9: {  	s30 =	sld [smem:$0x0];
	_ =	sdelay $0x2  }
0xba: {  	s31 =	sshll.u32 s1, $0xD;
	s1 =	sshrl.u32 s1, $0x2  }
0xbb: {  	s3 =	sand.u32 $0x4000, s31;
	s1 =	sadd.s32 s1, s30  }
0xbc: {  	s0 =	sor.u32 s3, s0;
	s1 =	sshll.u32 s1, $0x11  }
0xbd: {  	s0 =	sor.u32 s1, s0  }
0xbe: {  	s0 =	sadd.s32 $0x8F2B, s0  }
0xbf: {  	[sflag:s0] =	ssyncadd.remote.s32 $0x1  }
0xc0: {  	_ =	sfence.sel $0xFFFF  }
0xc1: {  	[dreg:$0x0] =	wrdreg $0xFFFFFFFF;
	(pc) =	sbr.abs _section_cstart, $3  }
0xc2: {  	[dreg:$0x1] =	wrdreg $0xFFFFFFFF  }
0xc3: {  	_ =	task.clear_ibuf [dreg:s8], $0x2FFFF;
	_ =	strace $0x9FFFFFFF  }
0xc4: {  	(tm) =	ssettm $0x7FFFFFFF  }
0xc5: {  	_ =	shalt  }
tec
execute0_lowered:
.L_overlay_start_1:
0x0: {  	(tag) =	ssettag $0x1  }
0x1: {  	s0 =	rddreg [dreg:$0x0];
	s1 =	srdreg.scid  }
0x2: {  	s2 =	rddreg [dreg:$0x1];
	s3 =	stileid.u32  }
0x3: {  	s8 =	rddreg [dreg:$0x2];
	s4 =	sshll.u32 s3, $0x8;
	s3 =	simm.s32 $0x0  }
0x4: {  	s24 =	simm.s32 $0x80;
	s25 =	simm.s32 $0x100;
	[smem:$0x7FF] =	sst s3  }
0x5: {  	s26 =	simm.s32 $0x180;
	_ =	strace $0x80000047;
	[dreg:$0xb] =	wrdreg s24  }
0x6: {  	s28 =	simm.s32 $0x300;
	s1 =	sand.u32 $0x1, s1;
	[dreg:$0xc] =	wrdreg s25  }
0x7: {  	s29 =	simm.s32 $0x200;
	s5 =	sshll.u32 s1, $0x7;
	[dreg:$0xd] =	wrdreg s26  }
0x8: {  	s31 =	simm.s32 $0x280;
	s5 =	sor.u32 s5, s4;
	[dreg:$0xe] =	wrdreg s28  }
0x9: {  	s10 =	simm.s32 $0x3;
	[dreg:$0xf] =	wrdreg s29;
	s4 =	sshrl.u32 s5, $0x3  }
0xa: {  	[dreg:$0x10] =	wrdreg s31;
	s5 =	sshll.u32 s5, $0x7;
	s2 =	sadd.s32 s2, s4  }
0xb: {  	s6 =	sadd.s32 s4, s8;
	s5 =	sadd.s32 s0, s5;
	[dreg:$0x4] =	wrdreg s2  }
0xc: {  	s7 =	sadd.s32 $0xA00, s8;
	s16 =	sadd.s32 $0x200, s6;
	[dreg:$0x11] =	wrdreg s5  }
0xd: {  	s21 =	ssub.s32 $0x2, s1;
	s17 =	sadd.s32 $0x400, s6;
	[dreg:$0x5] =	wrdreg s16  }
0xe: {  	s23 =	sshrl.u32 s21, $0x1;
	s18 =	sadd.s32 $0x600, s6;
	[dreg:$0x6] =	wrdreg s17  }
0xf: {  	s4 =	sadd.s32 $0x800, s8;
	s19 =	sadd.s32 $0x140800, s6;
	[dreg:$0x7] =	wrdreg s18  }
0x10: {  	v2 =	vlaneseq.u32;
	s0 =	ssub.s32 s21, s23;
	s20 =	sadd.s32 $0x140A00, s6;
	[dreg:$0x8] =	wrdreg s19  }
0x11: {  	vm0 =	vmmov $0xffff;
	v1 =	vshrl.u32 v2, $0x3;
	s22 =	sadd.s32 $0x2000, s5;
	s6 =	sadd.s32 $0x900, s8;
	[dreg:$0x9] =	wrdreg s20  }
0x12: {  	v0 =	vand.u32 $0x7, v2;
	v2 =	vor.u32 $0x8, v2;
	v1 =	vmul.u32 $0x8, v1;
	s8 =	sadd.s32 $0xB00, s8;
	s30 =	smax.u32 s0, $0x1;
	[dreg:$0xa] =	wrdreg s22  }
.LBB2_1:
0x13: {  	s22 =	rddreg [dreg:$0x4]  }
0x14: {  	[tilespmem:s3], [sflag:$0x3] =	stream.linear.gather [hbm4b:s22+s3], $0x80, $0x38;
	[tilespmem:$0x10580] =	vst v63  }
0x15: {  	_ =	swait.ge [sflag:s10], $0x80  }
0x16: {  	s29 =	rddreg [dreg:$0x5];
	[sflag:s10] =	ssyncset.done $0x0  }
0x17: {  	s23 =	rddreg [dreg:$0xb];
	[sflag:s10] =	ssyncadd.s32 $0xFFFFFF80  }
0x18: {  	[tilespmem:s23], [sflag:$0x3] =	stream.linear.gather [hbm4b:s29+s3], $0x80, $0x38;
	[tilespmem:$0x10580] =	vst v63  }
0x19: {  	_ =	swait.ge [sflag:s10], $0x80  }
0x1a: {  	s31 =	rddreg [dreg:$0x6];
	[sflag:s10] =	ssyncset.done $0x0  }
0x1b: {  	s0 =	rddreg [dreg:$0xc];
	[sflag:s10] =	ssyncadd.s32 $0xFFFFFF80  }
0x1c: {  	[tilespmem:s0], [sflag:$0x3] =	stream.linear.gather [hbm4b:s31+s3], $0x80, $0x38;
	[tilespmem:$0x10580] =	vst v63  }
0x1d: {  	_ =	swait.ge [sflag:s10], $0x80  }
0x1e: {  	s1 =	rddreg [dreg:$0x7];
	[sflag:s10] =	ssyncset.done $0x0  }
0x1f: {  	s2 =	rddreg [dreg:$0xd];
	[sflag:s10] =	ssyncadd.s32 $0xFFFFFF80  }
0x20: {  	[tilespmem:s2], [sflag:$0x3] =	stream.linear.gather [hbm4b:s1+s3], $0x80, $0x38;
	[tilespmem:$0x10580] =	vst v63  }
0x21: {  	_ =	swait.ge [sflag:s10], $0x80  }
0x22: {  	[sflag:s10] =	ssyncset.done $0x0  }
0x23: {  	s5 =	rddreg [dreg:$0xe];
	[sflag:s10] =	ssyncadd.s32 $0xFFFFFF80  }
0x24: {  	s9 =	rddreg [dreg:$0x2]  }
0x25: {  	[tilespmem:s5], [sflag:$0x3] =	stream.linear.gather [hbm4b:s9+s3], $0x80, $0x38;
	[tilespmem:$0x10580] =	vst v63  }
0x26: {  	_ =	swait.ge [sflag:s10], $0x80  }
0x27: {  	[sflag:s10] =	ssyncset.done $0x0  }
0x28: {  	[sflag:s10] =	ssyncadd.s32 $0xFFFFFF80  }
0x29: {  	v3 =	vld [tilespmem:$0x300]  }
0x2a: {  	v4 =	vld [tilespmem:$0x0]  }
0x2b: {  	v5 =	vld [tilespmem:$0x100]  }
0x2c: {  	v6 =	vld [tilespmem:$0x80]  }
0x2d: {  	v7 =	vld [tilespmem:$0x180]  }
0x2e: {  	v8 =	vld [tilespmem:$0x10]  }
0x2f: {  	v9 =	vld [tilespmem:$0x110];
	v4 =	vperm.xlane v3, v4  }
0x30: {  	v10 =	vld [tilespmem:$0x90]  }
0x31: {  	v49 =	vld [tilespmem:$0x190];
	v48 =	vperm.xlane v3, v6;
	v4 =	vadd.s32 v5, v4  }
0x32: {  	v11 =	vld [tilespmem:$0x20];
	[tilespmem:$0x200] =	vst v4  }
0x33: {  	v52 =	vld [tilespmem:$0x120];
	v51 =	vperm.xlane v3, v8;
	v50 =	vadd.s32 v7, v48;
	[tilespmem:$0x380] =	vst v4  }
0x34: {  	v53 =	vld [tilespmem:$0xA0];
	[tilespmem:$0x280] =	vst v50  }
0x35: {  	v56 =	vld [tilespmem:$0x1A0];
	v55 =	vperm.xlane v3, v10;
	v54 =	vadd.s32 v9, v51;
	[tilespmem:$0x480] =	vst v50  }
0x36: {  	v57 =	vld [tilespmem:$0x30];
	[tilespmem:$0x210] =	vst v54  }
0x37: {  	v60 =	vld [tilespmem:$0x130];
	v59 =	vperm.xlane v3, v11;
	v58 =	vadd.s32 v49, v55;
	[tilespmem:$0x390] =	vst v54  }
0x38: {  	v61 =	vld [tilespmem:$0xB0];
	[tilespmem:$0x290] =	vst v58  }
0x39: {  	v12 =	vld [tilespmem:$0x1B0];
	v63 =	vperm.xlane v3, v53;
	v62 =	vadd.s32 v52, v59;
	[tilespmem:$0x490] =	vst v58  }
0x3a: {  	v13 =	vld [tilespmem:$0x40];
	[tilespmem:$0x220] =	vst v62  }
0x3b: {  	v16 =	vld [tilespmem:$0x140];
	v15 =	vperm.xlane v3, v57;
	v14 =	vadd.s32 v56, v63;
	[tilespmem:$0x3A0] =	vst v62  }
0x3c: {  	v17 =	vld [tilespmem:$0xC0];
	[tilespmem:$0x2A0] =	vst v14  }
0x3d: {  	v20 =	vld [tilespmem:$0x1C0];
	v19 =	vperm.xlane v3, v61;
	v18 =	vadd.s32 v60, v15;
	[tilespmem:$0x4A0] =	vst v14  }
0x3e: {  	v21 =	vld [tilespmem:$0x50];
	[tilespmem:$0x230] =	vst v18  }
0x3f: {  	v24 =	vld [tilespmem:$0x150];
	v23 =	vperm.xlane v3, v13;
	v22 =	vadd.s32 v12, v19;
	[tilespmem:$0x3B0] =	vst v18  }
0x40: {  	v25 =	vld [tilespmem:$0xD0];
	[tilespmem:$0x2B0] =	vst v22  }
0x41: {  	v28 =	vld [tilespmem:$0x1D0];
	v27 =	vperm.xlane v3, v17;
	v26 =	vadd.s32 v16, v23;
	[tilespmem:$0x4B0] =	vst v22  }
0x42: {  	v29 =	vld [tilespmem:$0x60];
	[tilespmem:$0x240] =	vst v26  }
0x43: {  	v32 =	vld [tilespmem:$0x160];
	v31 =	vperm.xlane v3, v21;
	v30 =	vadd.s32 v20, v27;
	[tilespmem:$0x400] =	vst v26  }
0x44: {  	v33 =	vld [tilespmem:$0xE0];
	[tilespmem:$0x2C0] =	vst v30  }
0x45: {  	v36 =	vld [tilespmem:$0x1E0];
	v35 =	vperm.xlane v3, v25;
	v34 =	vadd.s32 v24, v31;
	[tilespmem:$0x500] =	vst v30  }
0x46: {  	v37 =	vld [tilespmem:$0x70];
	[tilespmem:$0x250] =	vst v34  }
0x47: {  	v40 =	vld [tilespmem:$0x170];
	v39 =	vperm.xlane v3, v29;
	v38 =	vadd.s32 v28, v35;
	[tilespmem:$0x410] =	vst v34  }
0x48: {  	v41 =	vld [tilespmem:$0xF0];
	[tilespmem:$0x2D0] =	vst v38  }
0x49: {  	v43 =	vperm.xlane v3, v33;
	v42 =	vadd.s32 v32, v39;
	[tilespmem:$0x510] =	vst v38  }
0x4a: {  	v44 =	vld [tilespmem:$0x1F0];
	[tilespmem:$0x260] =	vst v42  }
0x4b: {  	v46 =	vperm.xlane v3, v37;
	v45 =	vadd.s32 v36, v43;
	[tilespmem:$0x420] =	vst v42  }
0x4c: {  	[tilespmem:$0x2E0] =	vst v45  }
0x4d: {  	v3 =	vperm.xlane v3, v41;
	v47 =	vadd.s32 v40, v46;
	[tilespmem:$0x520] =	vst v45  }
0x4e: {  	[tilespmem:$0x270] =	vst v47  }
0x4f: {  	v3 =	vadd.s32 v44, v3;
	[tilespmem:$0x430] =	vst v47  }
0x50: {  	s11 =	rddreg [dreg:$0x8];
	[tilespmem:$0x2F0] =	vst v3  }
0x51: {  	s12 =	rddreg [dreg:$0xf];
	[tilespmem:$0x530] =	vst v3  }
0x52: {  	[hbm4b:s11+s3] =	stream.linear.scatter [tilespmem:s12], [sflag:$0x3], $0x80, $0x38;
	[tilespmem:$0x10580] =	vst v63  }
0x53: {  	_ =	swait.ge [sflag:s10], $0x80  }
0x54: {  	s13 =	rddreg [dreg:$0x9];
	[sflag:s10] =	ssyncset.done $0x0  }
0x55: {  	s14 =	rddreg [dreg:$0x10];
	[sflag:s10] =	ssyncadd.s32 $0xFFFFFF80  }
0x56: {  	[hbm4b:s13+s3] =	stream.linear.scatter [tilespmem:s14], [sflag:$0x3], $0x80, $0x38;
	[tilespmem:$0x10580] =	vst v63  }
0x57: {  	_ =	swait.ge [sflag:s10], $0x80  }
0x58: {  	[sflag:s10] =	ssyncset.done $0x0  }
0x59: {  	s20 =	simm.s32 $0x580;
	s15 =	rddreg [dreg:$0x11];
	[sflag:s10] =	ssyncadd.s32 $0xFFFFFF80  }
0x5a: {  	[tilespmem:s20], [sflag:$0x3] =	stream.linear.gather [hbm4b:s15+s3], $0x10000, $0x38;
	[tilespmem:$0x10580] =	vst v63  }
0x5b: {  	_ =	swait.ge [sflag:s10], $0x10000  }
0x5c: {  	[sflag:s10] =	ssyncset.done $0x0  }
0x5d: {  	[sflag:s10] =	ssyncadd.s32 $0xFFFF0000  }
0x5e: {  	v3 =	vld [tilespmem:$0x380];
	_ =	sdelay $0x4  }
0x5f: {  	v48 =	vshll.u32 v3, $0x3  }
0x60: {  	v3 =	vand.u32 $0x7, v3;
	v4 =	vand.u32 $0xFFFFFFC0, v48  }
0x61: {  	v3 =	vor.u32 v3, v4  }
0x62: {  	v4 =	vperm.xlane v3, v0;
	_ =	sdelay $0x1  }
0x63: {  	v4 =	vadd.s32 v1, v4;
	_ =	sdelay $0x4  }
0x64: {  	[hbm4b:s4+s3] =	stream.indirect_vreg.scatter [tilespmem:s20], [sflag:$0x1], $0x80, v4, vm0, $0xb8;
	[tilespmem:$0x10580] =	vst v63  }
0x65: {  	s0 =	simm.s32 $0xD80;
	v3 =	vperm.xlane v3, v2  }
0x66: {  	[hbm4b:s6+s3] =	stream.indirect_vreg.scatter [tilespmem:s0], [sflag:$0x1], $0x80, v4, vm0, $0xb8;
	[tilespmem:$0x10580] =	vst v63  }
0x67: {  	s16 =	simm.s32 $0x1580;
	v3 =	vadd.s32 v1, v3  }
0x68: {  	[hbm4b:s7+s3] =	stream.indirect_vreg.scatter [tilespmem:s16], [sflag:$0x1], $0x80, v4, vm0, $0xb8;
	[tilespmem:$0x10580] =	vst v63  }
0x69: {  	s17 =	simm.s32 $0x1D80  }
0x6a: {  	[hbm4b:s8+s3] =	stream.indirect_vreg.scatter [tilespmem:s17], [sflag:$0x1], $0x80, v4, vm0, $0xb8;
	[tilespmem:$0x10580] =	vst v63  }
0x6b: {  	s18 =	simm.s32 $0x2580  }
0x6c: {  	[hbm4b:s4+s3] =	stream.indirect_vreg.scatter [tilespmem:s18], [sflag:$0x1], $0x80, v3, vm0, $0xb8;
	[tilespmem:$0x10580] =	vst v63  }
0x6d: {  	s19 =	simm.s32 $0x2D80  }
0x6e: {  	[hbm4b:s6+s3] =	stream.indirect_vreg.scatter [tilespmem:s19], [sflag:$0x1], $0x80, v3, vm0, $0xb8;
	[tilespmem:$0x10580] =	vst v63  }
0x6f: {  	s21 =	simm.s32 $0x3580  }
0x70: {  	[hbm4b:s7+s3] =	stream.indirect_vreg.scatter [tilespmem:s21], [sflag:$0x1], $0x80, v3, vm0, $0xb8;
	[tilespmem:$0x10580] =	vst v63  }
0x71: {  	s22 =	simm.s32 $0x3D80  }
0x72: {  	[hbm4b:s8+s3] =	stream.indirect_vreg.scatter [tilespmem:s22], [sflag:$0x1], $0x80, v3, vm0, $0xb8;
	[tilespmem:$0x10580] =	vst v63  }
0x73: {  	v3 =	vld [tilespmem:$0x390];
	_ =	sdelay $0x4  }
0x74: {  	v49 =	vshll.u32 v3, $0x3  }
0x75: {  	v3 =	vand.u32 $0x7, v3;
	v4 =	vand.u32 $0xFFFFFFC0, v49  }
0x76: {  	v3 =	vor.u32 v3, v4  }
0x77: {  	v4 =	vperm.xlane v3, v0;
	_ =	sdelay $0x1  }
0x78: {  	v4 =	vadd.s32 v1, v4;
	_ =	sdelay $0x3  }
0x79: {  	s23 =	simm.s32 $0x4580  }
0x7a: {  	[hbm4b:s4+s3] =	stream.indirect_vreg.scatter [tilespmem:s23], [sflag:$0x1], $0x80, v4, vm0, $0xb8;
	[tilespmem:$0x10580] =	vst v63  }
0x7b: {  	s24 =	simm.s32 $0x4D80;
	v3 =	vperm.xlane v3, v2  }
0x7c: {  	[hbm4b:s6+s3] =	stream.indirect_vreg.scatter [tilespmem:s24], [sflag:$0x1], $0x80, v4, vm0, $0xb8;
	[tilespmem:$0x10580] =	vst v63  }
0x7d: {  	s31 =	simm.s32 $0x5580;
	v3 =	vadd.s32 v1, v3  }
0x7e: {  	[hbm4b:s7+s3] =	stream.indirect_vreg.scatter [tilespmem:s31], [sflag:$0x1], $0x80, v4, vm0, $0xb8;
	[tilespmem:$0x10580] =	vst v63  }
0x7f: {  	s2 =	simm.s32 $0x5D80  }
0x80: {  	[hbm4b:s8+s3] =	stream.indirect_vreg.scatter [tilespmem:s2], [sflag:$0x1], $0x80, v4, vm0, $0xb8;
	[tilespmem:$0x10580] =	vst v63  }
0x81: {  	s5 =	simm.s32 $0x6580  }
0x82: {  	[hbm4b:s4+s3] =	stream.indirect_vreg.scatter [tilespmem:s5], [sflag:$0x1], $0x80, v3, vm0, $0xb8;
	[tilespmem:$0x10580] =	vst v63  }
0x83: {  	s11 =	simm.s32 $0x6D80  }
0x84: {  	[hbm4b:s6+s3] =	stream.indirect_vreg.scatter [tilespmem:s11], [sflag:$0x1], $0x80, v3, vm0, $0xb8;
	[tilespmem:$0x10580] =	vst v63  }
0x85: {  	s12 =	simm.s32 $0x7580  }
0x86: {  	[hbm4b:s7+s3] =	stream.indirect_vreg.scatter [tilespmem:s12], [sflag:$0x1], $0x80, v3, vm0, $0xb8;
	[tilespmem:$0x10580] =	vst v63  }
0x87: {  	s13 =	simm.s32 $0x7D80  }
0x88: {  	[hbm4b:s8+s3] =	stream.indirect_vreg.scatter [tilespmem:s13], [sflag:$0x1], $0x80, v3, vm0, $0xb8;
	[tilespmem:$0x10580] =	vst v63  }
0x89: {  	v3 =	vld [tilespmem:$0x3A0];
	_ =	sdelay $0x4  }
0x8a: {  	v50 =	vshll.u32 v3, $0x3  }
0x8b: {  	v3 =	vand.u32 $0x7, v3;
	v4 =	vand.u32 $0xFFFFFFC0, v50  }
0x8c: {  	v3 =	vor.u32 v3, v4  }
0x8d: {  	v4 =	vperm.xlane v3, v0;
	_ =	sdelay $0x1  }
0x8e: {  	v4 =	vadd.s32 v1, v4;
	_ =	sdelay $0x3  }
0x8f: {  	s14 =	simm.s32 $0x8580  }
0x90: {  	[hbm4b:s4+s3] =	stream.indirect_vreg.scatter [tilespmem:s14], [sflag:$0x1], $0x80, v4, vm0, $0xb8;
	[tilespmem:$0x10580] =	vst v63  }
0x91: {  	s18 =	simm.s32 $0x8D80;
	v3 =	vperm.xlane v3, v2  }
0x92: {  	[hbm4b:s6+s3] =	stream.indirect_vreg.scatter [tilespmem:s18], [sflag:$0x1], $0x80, v4, vm0, $0xb8;
	[tilespmem:$0x10580] =	vst v63  }
0x93: {  	s19 =	simm.s32 $0x9580;
	v3 =	vadd.s32 v1, v3  }
0x94: {  	[hbm4b:s7+s3] =	stream.indirect_vreg.scatter [tilespmem:s19], [sflag:$0x1], $0x80, v4, vm0, $0xb8;
	[tilespmem:$0x10580] =	vst v63  }
0x95: {  	s21 =	simm.s32 $0x9D80  }
0x96: {  	[hbm4b:s8+s3] =	stream.indirect_vreg.scatter [tilespmem:s21], [sflag:$0x1], $0x80, v4, vm0, $0xb8;
	[tilespmem:$0x10580] =	vst v63  }
0x97: {  	s22 =	simm.s32 $0xA580  }
0x98: {  	[hbm4b:s4+s3] =	stream.indirect_vreg.scatter [tilespmem:s22], [sflag:$0x1], $0x80, v3, vm0, $0xb8;
	[tilespmem:$0x10580] =	vst v63  }
0x99: {  	s23 =	simm.s32 $0xAD80  }
0x9a: {  	[hbm4b:s6+s3] =	stream.indirect_vreg.scatter [tilespmem:s23], [sflag:$0x1], $0x80, v3, vm0, $0xb8;
	[tilespmem:$0x10580] =	vst v63  }
0x9b: {  	s31 =	simm.s32 $0xB580  }
0x9c: {  	[hbm4b:s7+s3] =	stream.indirect_vreg.scatter [tilespmem:s31], [sflag:$0x1], $0x80, v3, vm0, $0xb8;
	[tilespmem:$0x10580] =	vst v63  }
0x9d: {  	s2 =	simm.s32 $0xBD80  }
0x9e: {  	[hbm4b:s8+s3] =	stream.indirect_vreg.scatter [tilespmem:s2], [sflag:$0x1], $0x80, v3, vm0, $0xb8;
	[tilespmem:$0x10580] =	vst v63  }
0x9f: {  	v3 =	vld [tilespmem:$0x3B0];
	_ =	sdelay $0x4  }
0xa0: {  	v51 =	vshll.u32 v3, $0x3  }
0xa1: {  	v3 =	vand.u32 $0x7, v3;
	v4 =	vand.u32 $0xFFFFFFC0, v51  }
0xa2: {  	v3 =	vor.u32 v3, v4  }
0xa3: {  	v4 =	vperm.xlane v3, v0;
	_ =	sdelay $0x1  }
0xa4: {  	v4 =	vadd.s32 v1, v4;
	_ =	sdelay $0x3  }
0xa5: {  	s5 =	simm.s32 $0xC580  }
0xa6: {  	[hbm4b:s4+s3] =	stream.indirect_vreg.scatter [tilespmem:s5], [sflag:$0x1], $0x80, v4, vm0, $0xb8;
	[tilespmem:$0x10580] =	vst v63  }
0xa7: {  	s11 =	simm.s32 $0xCD80;
	v3 =	vperm.xlane v3, v2  }
0xa8: {  	[hbm4b:s6+s3] =	stream.indirect_vreg.scatter [tilespmem:s11], [sflag:$0x1], $0x80, v4, vm0, $0xb8;
	[tilespmem:$0x10580] =	vst v63  }
0xa9: {  	s22 =	simm.s32 $0xD580;
	v3 =	vadd.s32 v1, v3  }
0xaa: {  	[hbm4b:s7+s3] =	stream.indirect_vreg.scatter [tilespmem:s22], [sflag:$0x1], $0x80, v4, vm0, $0xb8;
	[tilespmem:$0x10580] =	vst v63  }
0xab: {  	s31 =	simm.s32 $0xDD80  }
0xac: {  	[hbm4b:s8+s3] =	stream.indirect_vreg.scatter [tilespmem:s31], [sflag:$0x1], $0x80, v4, vm0, $0xb8;
	[tilespmem:$0x10580] =	vst v63  }
0xad: {  	s0 =	simm.s32 $0xE580  }
0xae: {  	[hbm4b:s4+s3] =	stream.indirect_vreg.scatter [tilespmem:s0], [sflag:$0x1], $0x80, v3, vm0, $0xb8;
	[tilespmem:$0x10580] =	vst v63  }
0xaf: {  	s0 =	simm.s32 $0xED80  }
0xb0: {  	[hbm4b:s6+s3] =	stream.indirect_vreg.scatter [tilespmem:s0], [sflag:$0x1], $0x80, v3, vm0, $0xb8;
	[tilespmem:$0x10580] =	vst v63  }
0xb1: {  	s0 =	simm.s32 $0xF580  }
0xb2: {  	[hbm4b:s7+s3] =	stream.indirect_vreg.scatter [tilespmem:s0], [sflag:$0x1], $0x80, v3, vm0, $0xb8;
	[tilespmem:$0x10580] =	vst v63  }
0xb3: {  	s0 =	simm.s32 $0xFD80  }
0xb4: {  	[hbm4b:s8+s3] =	stream.indirect_vreg.scatter [tilespmem:s0], [sflag:$0x1], $0x80, v3, vm0, $0xb8;
	[tilespmem:$0x10580] =	vst v63  }
0xb5: {  	v3 =	vld [tilespmem:$0x480];
	_ =	sdelay $0x4  }
0xb6: {  	v52 =	vshll.u32 v3, $0x3  }
0xb7: {  	v3 =	vand.u32 $0x7, v3;
	v4 =	vand.u32 $0xFFFFFFC0, v52  }
0xb8: {  	v3 =	vor.u32 v3, v4  }
0xb9: {  	v4 =	vperm.xlane v3, v0;
	_ =	sdelay $0x1  }
0xba: {  	v4 =	vadd.s32 v1, v4;
	_ =	sdelay $0x4  }
0xbb: {  	[hbm4b:s4+s3] =	stream.indirect_vreg.scatter [tilespmem:s20], [sflag:$0x2], $0x80, v4, vm0, $0xb8;
	[tilespmem:$0x10580] =	vst v63  }
0xbc: {  	s15 =	simm.s32 $0xD80;
	v3 =	vperm.xlane v3, v2  }
0xbd: {  	[hbm4b:s6+s3] =	stream.indirect_vreg.scatter [tilespmem:s15], [sflag:$0x2], $0x80, v4, vm0, $0xb8;
	[tilespmem:$0x10580] =	vst v63  }
0xbe: {  	s25 =	simm.s32 $0x1580;
	v3 =	vadd.s32 v1, v3  }
0xbf: {  	[hbm4b:s7+s3] =	stream.indirect_vreg.scatter [tilespmem:s25], [sflag:$0x2], $0x80, v4, vm0, $0xb8;
	[tilespmem:$0x10580] =	vst v63  }
0xc0: {  	s26 =	simm.s32 $0x1D80  }
0xc1: {  	[hbm4b:s8+s3] =	stream.indirect_vreg.scatter [tilespmem:s26], [sflag:$0x2], $0x80, v4, vm0, $0xb8;
	[tilespmem:$0x10580] =	vst v63  }
0xc2: {  	s28 =	simm.s32 $0x2580  }
0xc3: {  	[hbm4b:s4+s3] =	stream.indirect_vreg.scatter [tilespmem:s28], [sflag:$0x2], $0x80, v3, vm0, $0xb8;
	[tilespmem:$0x10580] =	vst v63  }
0xc4: {  	s29 =	simm.s32 $0x2D80  }
0xc5: {  	[hbm4b:s6+s3] =	stream.indirect_vreg.scatter [tilespmem:s29], [sflag:$0x2], $0x80, v3, vm0, $0xb8;
	[tilespmem:$0x10580] =	vst v63  }
0xc6: {  	s9 =	simm.s32 $0x3580  }
0xc7: {  	[hbm4b:s7+s3] =	stream.indirect_vreg.scatter [tilespmem:s9], [sflag:$0x2], $0x80, v3, vm0, $0xb8;
	[tilespmem:$0x10580] =	vst v63  }
0xc8: {  	s16 =	simm.s32 $0x3D80  }
0xc9: {  	[hbm4b:s8+s3] =	stream.indirect_vreg.scatter [tilespmem:s16], [sflag:$0x2], $0x80, v3, vm0, $0xb8;
	[tilespmem:$0x10580] =	vst v63  }
0xca: {  	v3 =	vld [tilespmem:$0x490];
	_ =	sdelay $0x4  }
0xcb: {  	v53 =	vshll.u32 v3, $0x3  }
0xcc: {  	v3 =	vand.u32 $0x7, v3;
	v4 =	vand.u32 $0xFFFFFFC0, v53  }
0xcd: {  	v3 =	vor.u32 v3, v4  }
0xce: {  	v4 =	vperm.xlane v3, v0;
	_ =	sdelay $0x1  }
0xcf: {  	v4 =	vadd.s32 v1, v4;
	_ =	sdelay $0x3  }
0xd0: {  	s17 =	simm.s32 $0x4580  }
0xd1: {  	[hbm4b:s4+s3] =	stream.indirect_vreg.scatter [tilespmem:s17], [sflag:$0x2], $0x80, v4, vm0, $0xb8;
	[tilespmem:$0x10580] =	vst v63  }
0xd2: {  	s1 =	simm.s32 $0x4D80;
	v3 =	vperm.xlane v3, v2  }
0xd3: {  	[hbm4b:s6+s3] =	stream.indirect_vreg.scatter [tilespmem:s1], [sflag:$0x2], $0x80, v4, vm0, $0xb8;
	[tilespmem:$0x10580] =	vst v63  }
0xd4: {  	s24 =	simm.s32 $0x5580;
	v3 =	vadd.s32 v1, v3  }
0xd5: {  	[hbm4b:s7+s3] =	stream.indirect_vreg.scatter [tilespmem:s24], [sflag:$0x2], $0x80, v4, vm0, $0xb8;
	[tilespmem:$0x10580] =	vst v63  }
0xd6: {  	s17 =	simm.s32 $0x5D80  }
0xd7: {  	[hbm4b:s8+s3] =	stream.indirect_vreg.scatter [tilespmem:s17], [sflag:$0x2], $0x80, v4, vm0, $0xb8;
	[tilespmem:$0x10580] =	vst v63  }
0xd8: {  	s24 =	simm.s32 $0x6580  }
0xd9: {  	[hbm4b:s4+s3] =	stream.indirect_vreg.scatter [tilespmem:s24], [sflag:$0x2], $0x80, v3, vm0, $0xb8;
	[tilespmem:$0x10580] =	vst v63  }
0xda: {  	s26 =	simm.s32 $0x6D80  }
0xdb: {  	[hbm4b:s6+s3] =	stream.indirect_vreg.scatter [tilespmem:s26], [sflag:$0x2], $0x80, v3, vm0, $0xb8;
	[tilespmem:$0x10580] =	vst v63  }
0xdc: {  	s28 =	simm.s32 $0x7580  }
0xdd: {  	[hbm4b:s7+s3] =	stream.indirect_vreg.scatter [tilespmem:s28], [sflag:$0x2], $0x80, v3, vm0, $0xb8;
	[tilespmem:$0x10580] =	vst v63  }
0xde: {  	s12 =	simm.s32 $0x7D80  }
0xdf: {  	[hbm4b:s8+s3] =	stream.indirect_vreg.scatter [tilespmem:s12], [sflag:$0x2], $0x80, v3, vm0, $0xb8;
	[tilespmem:$0x10580] =	vst v63  }
0xe0: {  	v3 =	vld [tilespmem:$0x4A0];
	_ =	sdelay $0x4  }
0xe1: {  	v54 =	vshll.u32 v3, $0x3  }
0xe2: {  	v3 =	vand.u32 $0x7, v3;
	v4 =	vand.u32 $0xFFFFFFC0, v54  }
0xe3: {  	v3 =	vor.u32 v3, v4  }
0xe4: {  	v4 =	vperm.xlane v3, v0;
	_ =	sdelay $0x1  }
0xe5: {  	v4 =	vadd.s32 v1, v4;
	_ =	sdelay $0x3  }
0xe6: {  	s13 =	simm.s32 $0x8580  }
0xe7: {  	[hbm4b:s4+s3] =	stream.indirect_vreg.scatter [tilespmem:s13], [sflag:$0x2], $0x80, v4, vm0, $0xb8;
	[tilespmem:$0x10580] =	vst v63  }
0xe8: {  	s14 =	simm.s32 $0x8D80;
	v3 =	vperm.xlane v3, v2  }
0xe9: {  	[hbm4b:s6+s3] =	stream.indirect_vreg.scatter [tilespmem:s14], [sflag:$0x2], $0x80, v4, vm0, $0xb8;
	[tilespmem:$0x10580] =	vst v63  }
0xea: {  	s18 =	simm.s32 $0x9580;
	v3 =	vadd.s32 v1, v3  }
0xeb: {  	[hbm4b:s7+s3] =	stream.indirect_vreg.scatter [tilespmem:s18], [sflag:$0x2], $0x80, v4, vm0, $0xb8;
	[tilespmem:$0x10580] =	vst v63  }
0xec: {  	s19 =	simm.s32 $0x9D80  }
0xed: {  	[hbm4b:s8+s3] =	stream.indirect_vreg.scatter [tilespmem:s19], [sflag:$0x2], $0x80, v4, vm0, $0xb8;
	[tilespmem:$0x10580] =	vst v63  }
0xee: {  	s21 =	simm.s32 $0xA580  }
0xef: {  	[hbm4b:s4+s3] =	stream.indirect_vreg.scatter [tilespmem:s21], [sflag:$0x2], $0x80, v3, vm0, $0xb8;
	[tilespmem:$0x10580] =	vst v63  }
0xf0: {  	s29 =	simm.s32 $0xAD80  }
0xf1: {  	[hbm4b:s6+s3] =	stream.indirect_vreg.scatter [tilespmem:s29], [sflag:$0x2], $0x80, v3, vm0, $0xb8;
	[tilespmem:$0x10580] =	vst v63  }
0xf2: {  	s23 =	simm.s32 $0xB580  }
0xf3: {  	[hbm4b:s7+s3] =	stream.indirect_vreg.scatter [tilespmem:s23], [sflag:$0x2], $0x80, v3, vm0, $0xb8;
	[tilespmem:$0x10580] =	vst v63  }
0xf4: {  	s2 =	simm.s32 $0xBD80  }
0xf5: {  	[hbm4b:s8+s3] =	stream.indirect_vreg.scatter [tilespmem:s2], [sflag:$0x2], $0x80, v3, vm0, $0xb8;
	[tilespmem:$0x10580] =	vst v63  }
0xf6: {  	v3 =	vld [tilespmem:$0x4B0];
	_ =	sdelay $0x4  }
0xf7: {  	v55 =	vshll.u32 v3, $0x3  }
0xf8: {  	v3 =	vand.u32 $0x7, v3;
	v4 =	vand.u32 $0xFFFFFFC0, v55  }
0xf9: {  	v3 =	vor.u32 v3, v4  }
0xfa: {  	v4 =	vperm.xlane v3, v0;
	_ =	sdelay $0x1  }
0xfb: {  	v4 =	vadd.s32 v1, v4;
	_ =	sdelay $0x3  }
0xfc: {  	s5 =	simm.s32 $0xC580  }
0xfd: {  	[hbm4b:s4+s3] =	stream.indirect_vreg.scatter [tilespmem:s5], [sflag:$0x2], $0x80, v4, vm0, $0xb8;
	[tilespmem:$0x10580] =	vst v63  }
0xfe: {  	s11 =	simm.s32 $0xCD80;
	v3 =	vperm.xlane v3, v2  }
0xff: {  	[hbm4b:s6+s3] =	stream.indirect_vreg.scatter [tilespmem:s11], [sflag:$0x2], $0x80, v4, vm0, $0xb8;
	[tilespmem:$0x10580] =	vst v63  }
0x100: {  	s22 =	simm.s32 $0xD580;
	v3 =	vadd.s32 v1, v3  }
0x101: {  	[hbm4b:s7+s3] =	stream.indirect_vreg.scatter [tilespmem:s22], [sflag:$0x2], $0x80, v4, vm0, $0xb8;
	[tilespmem:$0x10580] =	vst v63  }
0x102: {  	s31 =	simm.s32 $0xDD80  }
0x103: {  	[hbm4b:s8+s3] =	stream.indirect_vreg.scatter [tilespmem:s31], [sflag:$0x2], $0x80, v4, vm0, $0xb8;
	[tilespmem:$0x10580] =	vst v63  }
0x104: {  	s2 =	simm.s32 $0xE580  }
0x105: {  	[hbm4b:s4+s3] =	stream.indirect_vreg.scatter [tilespmem:s2], [sflag:$0x2], $0x80, v3, vm0, $0xb8;
	[tilespmem:$0x10580] =	vst v63  }
0x106: {  	s5 =	simm.s32 $0xED80  }
0x107: {  	[hbm4b:s6+s3] =	stream.indirect_vreg.scatter [tilespmem:s5], [sflag:$0x2], $0x80, v3, vm0, $0xb8;
	[tilespmem:$0x10580] =	vst v63  }
0x108: {  	s9 =	simm.s32 $0xF580  }
0x109: {  	[hbm4b:s7+s3] =	stream.indirect_vreg.scatter [tilespmem:s9], [sflag:$0x2], $0x80, v3, vm0, $0xb8;
	[tilespmem:$0x10580] =	vst v63  }
0x10a: {  	s0 =	simm.s32 $0xFD80  }
0x10b: {  	[hbm4b:s8+s3] =	stream.indirect_vreg.scatter [tilespmem:s0], [sflag:$0x2], $0x80, v3, vm0, $0xb8;
	[tilespmem:$0x10580] =	vst v63  }
0x10c: {  	s0 =	simm.s32 $0x1  }
0x10d: {  	_ =	swait.ge [sflag:s0], $0x10000  }
0x10e: {  	[sflag:s0] =	ssyncset.done $0x0  }
0x10f: {  	s1 =	simm.s32 $0x2;
	[sflag:s0] =	ssyncadd.s32 $0xFFFF0000  }
0x110: {  	_ =	swait.ge [sflag:s1], $0x10000  }
0x111: {  	[sflag:s1] =	ssyncset.done $0x0  }
0x112: {  	s11 =	rddreg [dreg:$0xa];
	[sflag:s1] =	ssyncadd.s32 $0xFFFF0000  }
0x113: {  	[tilespmem:s20], [sflag:$0x3] =	stream.linear.gather [hbm4b:s11+s3], $0x10000, $0x38;
	[tilespmem:$0x10580] =	vst v63  }
0x114: {  	_ =	swait.ge [sflag:s10], $0x10000  }
0x115: {  	[sflag:s10] =	ssyncset.done $0x0  }
0x116: {  	[sflag:s10] =	ssyncadd.s32 $0xFFFF0000  }
0x117: {  	v3 =	vld [tilespmem:$0x400];
	_ =	sdelay $0x4  }
0x118: {  	v56 =	vshll.u32 v3, $0x3  }
0x119: {  	v3 =	vand.u32 $0x7, v3;
	v4 =	vand.u32 $0xFFFFFFC0, v56  }
0x11a: {  	v3 =	vor.u32 v3, v4  }
0x11b: {  	v4 =	vperm.xlane v3, v0;
	_ =	sdelay $0x1  }
0x11c: {  	v4 =	vadd.s32 v1, v4;
	_ =	sdelay $0x4  }
0x11d: {  	[hbm4b:s4+s3] =	stream.indirect_vreg.scatter [tilespmem:s20], [sflag:$0x1], $0x80, v4, vm0, $0xb8;
	[tilespmem:$0x10580] =	vst v63  }
0x11e: {  	s22 =	simm.s32 $0xD80;
	v3 =	vperm.xlane v3, v2  }
0x11f: {  	[hbm4b:s6+s3] =	stream.indirect_vreg.scatter [tilespmem:s22], [sflag:$0x1], $0x80, v4, vm0, $0xb8;
	[tilespmem:$0x10580] =	vst v63  }
0x120: {  	s26 =	simm.s32 $0x1580;
	v3 =	vadd.s32 v1, v3  }
0x121: {  	[hbm4b:s7+s3] =	stream.indirect_vreg.scatter [tilespmem:s26], [sflag:$0x1], $0x80, v4, vm0, $0xb8;
	[tilespmem:$0x10580] =	vst v63  }
0x122: {  	s2 =	simm.s32 $0x1D80  }
0x123: {  	[hbm4b:s8+s3] =	stream.indirect_vreg.scatter [tilespmem:s2], [sflag:$0x1], $0x80, v4, vm0, $0xb8;
	[tilespmem:$0x10580] =	vst v63  }
0x124: {  	s5 =	simm.s32 $0x2580  }
0x125: {  	[hbm4b:s4+s3] =	stream.indirect_vreg.scatter [tilespmem:s5], [sflag:$0x1], $0x80, v3, vm0, $0xb8;
	[tilespmem:$0x10580] =	vst v63  }
0x126: {  	s9 =	simm.s32 $0x2D80  }
0x127: {  	[hbm4b:s6+s3] =	stream.indirect_vreg.scatter [tilespmem:s9], [sflag:$0x1], $0x80, v3, vm0, $0xb8;
	[tilespmem:$0x10580] =	vst v63  }
0x128: {  	s11 =	simm.s32 $0x3580  }
0x129: {  	[hbm4b:s7+s3] =	stream.indirect_vreg.scatter [tilespmem:s11], [sflag:$0x1], $0x80, v3, vm0, $0xb8;
	[tilespmem:$0x10580] =	vst v63  }
0x12a: {  	s31 =	simm.s32 $0x3D80  }
0x12b: {  	[hbm4b:s8+s3] =	stream.indirect_vreg.scatter [tilespmem:s31], [sflag:$0x1], $0x80, v3, vm0, $0xb8;
	[tilespmem:$0x10580] =	vst v63  }
0x12c: {  	v3 =	vld [tilespmem:$0x410];
	_ =	sdelay $0x4  }
0x12d: {  	v57 =	vshll.u32 v3, $0x3  }
0x12e: {  	v3 =	vand.u32 $0x7, v3;
	v4 =	vand.u32 $0xFFFFFFC0, v57  }
0x12f: {  	v3 =	vor.u32 v3, v4  }
0x130: {  	v4 =	vperm.xlane v3, v0;
	_ =	sdelay $0x1  }
0x131: {  	v4 =	vadd.s32 v1, v4;
	_ =	sdelay $0x3  }
0x132: {  	s31 =	simm.s32 $0x4580  }
0x133: {  	[hbm4b:s4+s3] =	stream.indirect_vreg.scatter [tilespmem:s31], [sflag:$0x1], $0x80, v4, vm0, $0xb8;
	[tilespmem:$0x10580] =	vst v63  }
0x134: {  	s25 =	simm.s32 $0x4D80;
	v3 =	vperm.xlane v3, v2  }
0x135: {  	[hbm4b:s6+s3] =	stream.indirect_vreg.scatter [tilespmem:s25], [sflag:$0x1], $0x80, v4, vm0, $0xb8;
	[tilespmem:$0x10580] =	vst v63  }
0x136: {  	s22 =	simm.s32 $0x5580;
	v3 =	vadd.s32 v1, v3  }
0x137: {  	[hbm4b:s7+s3] =	stream.indirect_vreg.scatter [tilespmem:s22], [sflag:$0x1], $0x80, v4, vm0, $0xb8;
	[tilespmem:$0x10580] =	vst v63  }
0x138: {  	s15 =	simm.s32 $0x5D80  }
0x139: {  	[hbm4b:s8+s3] =	stream.indirect_vreg.scatter [tilespmem:s15], [sflag:$0x1], $0x80, v4, vm0, $0xb8;
	[tilespmem:$0x10580] =	vst v63  }
0x13a: {  	s16 =	simm.s32 $0x6580  }
0x13b: {  	[hbm4b:s4+s3] =	stream.indirect_vreg.scatter [tilespmem:s16], [sflag:$0x1], $0x80, v3, vm0, $0xb8;
	[tilespmem:$0x10580] =	vst v63  }
0x13c: {  	s17 =	simm.s32 $0x6D80  }
0x13d: {  	[hbm4b:s6+s3] =	stream.indirect_vreg.scatter [tilespmem:s17], [sflag:$0x1], $0x80, v3, vm0, $0xb8;
	[tilespmem:$0x10580] =	vst v63  }
0x13e: {  	s24 =	simm.s32 $0x7580  }
0x13f: {  	[hbm4b:s7+s3] =	stream.indirect_vreg.scatter [tilespmem:s24], [sflag:$0x1], $0x80, v3, vm0, $0xb8;
	[tilespmem:$0x10580] =	vst v63  }
0x140: {  	s31 =	simm.s32 $0x7D80  }
0x141: {  	[hbm4b:s8+s3] =	stream.indirect_vreg.scatter [tilespmem:s31], [sflag:$0x1], $0x80, v3, vm0, $0xb8;
	[tilespmem:$0x10580] =	vst v63  }
0x142: {  	v3 =	vld [tilespmem:$0x420];
	_ =	sdelay $0x4  }
0x143: {  	v58 =	vshll.u32 v3, $0x3  }
0x144: {  	v3 =	vand.u32 $0x7, v3;
	v4 =	vand.u32 $0xFFFFFFC0, v58  }
0x145: {  	v3 =	vor.u32 v3, v4  }
0x146: {  	v4 =	vperm.xlane v3, v0;
	_ =	sdelay $0x1  }
0x147: {  	v4 =	vadd.s32 v1, v4;
	_ =	sdelay $0x3  }
0x148: {  	s31 =	simm.s32 $0x8580  }
0x149: {  	[hbm4b:s4+s3] =	stream.indirect_vreg.scatter [tilespmem:s31], [sflag:$0x1], $0x80, v4, vm0, $0xb8;
	[tilespmem:$0x10580] =	vst v63  }
0x14a: {  	v3 =	vperm.xlane v3, v2;
	s31 =	simm.s32 $0x8D80  }
0x14b: {  	[hbm4b:s6+s3] =	stream.indirect_vreg.scatter [tilespmem:s31], [sflag:$0x1], $0x80, v4, vm0, $0xb8;
	[tilespmem:$0x10580] =	vst v63  }
0x14c: {  	s18 =	simm.s32 $0x9580;
	v3 =	vadd.s32 v1, v3  }
0x14d: {  	[hbm4b:s7+s3] =	stream.indirect_vreg.scatter [tilespmem:s18], [sflag:$0x1], $0x80, v4, vm0, $0xb8;
	[tilespmem:$0x10580] =	vst v63  }
0x14e: {  	s19 =	simm.s32 $0x9D80  }
0x14f: {  	[hbm4b:s8+s3] =	stream.indirect_vreg.scatter [tilespmem:s19], [sflag:$0x1], $0x80, v4, vm0, $0xb8;
	[tilespmem:$0x10580] =	vst v63  }
0x150: {  	s21 =	simm.s32 $0xA580  }
0x151: {  	[hbm4b:s4+s3] =	stream.indirect_vreg.scatter [tilespmem:s21], [sflag:$0x1], $0x80, v3, vm0, $0xb8;
	[tilespmem:$0x10580] =	vst v63  }
0x152: {  	s14 =	simm.s32 $0xAD80  }
0x153: {  	[hbm4b:s6+s3] =	stream.indirect_vreg.scatter [tilespmem:s14], [sflag:$0x1], $0x80, v3, vm0, $0xb8;
	[tilespmem:$0x10580] =	vst v63  }
0x154: {  	s23 =	simm.s32 $0xB580  }
0x155: {  	[hbm4b:s7+s3] =	stream.indirect_vreg.scatter [tilespmem:s23], [sflag:$0x1], $0x80, v3, vm0, $0xb8;
	[tilespmem:$0x10580] =	vst v63  }
0x156: {  	s31 =	simm.s32 $0xBD80  }
0x157: {  	[hbm4b:s8+s3] =	stream.indirect_vreg.scatter [tilespmem:s31], [sflag:$0x1], $0x80, v3, vm0, $0xb8;
	[tilespmem:$0x10580] =	vst v63  }
0x158: {  	v3 =	vld [tilespmem:$0x430];
	_ =	sdelay $0x4  }
0x159: {  	v59 =	vshll.u32 v3, $0x3  }
0x15a: {  	v3 =	vand.u32 $0x7, v3;
	v4 =	vand.u32 $0xFFFFFFC0, v59  }
0x15b: {  	v3 =	vor.u32 v3, v4  }
0x15c: {  	v4 =	vperm.xlane v3, v0;
	_ =	sdelay $0x1  }
0x15d: {  	v4 =	vadd.s32 v1, v4;
	_ =	sdelay $0x3  }
0x15e: {  	s31 =	simm.s32 $0xC580  }
0x15f: {  	[hbm4b:s4+s3] =	stream.indirect_vreg.scatter [tilespmem:s31], [sflag:$0x1], $0x80, v4, vm0, $0xb8;
	[tilespmem:$0x10580] =	vst v63  }
0x160: {  	v3 =	vperm.xlane v3, v2;
	s31 =	simm.s32 $0xCD80  }
0x161: {  	[hbm4b:s6+s3] =	stream.indirect_vreg.scatter [tilespmem:s31], [sflag:$0x1], $0x80, v4, vm0, $0xb8;
	[tilespmem:$0x10580] =	vst v63  }
0x162: {  	s28 =	simm.s32 $0xD580;
	v3 =	vadd.s32 v1, v3  }
0x163: {  	[hbm4b:s7+s3] =	stream.indirect_vreg.scatter [tilespmem:s28], [sflag:$0x1], $0x80, v4, vm0, $0xb8;
	[tilespmem:$0x10580] =	vst v63  }
0x164: {  	s29 =	simm.s32 $0xDD80  }
0x165: {  	[hbm4b:s8+s3] =	stream.indirect_vreg.scatter [tilespmem:s29], [sflag:$0x1], $0x80, v4, vm0, $0xb8;
	[tilespmem:$0x10580] =	vst v63  }
0x166: {  	s29 =	simm.s32 $0xE580  }
0x167: {  	[hbm4b:s4+s3] =	stream.indirect_vreg.scatter [tilespmem:s29], [sflag:$0x1], $0x80, v3, vm0, $0xb8;
	[tilespmem:$0x10580] =	vst v63  }
0x168: {  	s12 =	simm.s32 $0xED80  }
0x169: {  	[hbm4b:s6+s3] =	stream.indirect_vreg.scatter [tilespmem:s12], [sflag:$0x1], $0x80, v3, vm0, $0xb8;
	[tilespmem:$0x10580] =	vst v63  }
0x16a: {  	s13 =	simm.s32 $0xF580  }
0x16b: {  	[hbm4b:s7+s3] =	stream.indirect_vreg.scatter [tilespmem:s13], [sflag:$0x1], $0x80, v3, vm0, $0xb8;
	[tilespmem:$0x10580] =	vst v63  }
0x16c: {  	s31 =	simm.s32 $0xFD80  }
0x16d: {  	[hbm4b:s8+s3] =	stream.indirect_vreg.scatter [tilespmem:s31], [sflag:$0x1], $0x80, v3, vm0, $0xb8;
	[tilespmem:$0x10580] =	vst v63  }
0x16e: {  	v3 =	vld [tilespmem:$0x500];
	_ =	sdelay $0x4  }
0x16f: {  	v60 =	vshll.u32 v3, $0x3  }
0x170: {  	v3 =	vand.u32 $0x7, v3;
	v4 =	vand.u32 $0xFFFFFFC0, v60  }
0x171: {  	v3 =	vor.u32 v3, v4  }
0x172: {  	v4 =	vperm.xlane v3, v0;
	_ =	sdelay $0x1  }
0x173: {  	v4 =	vadd.s32 v1, v4;
	_ =	sdelay $0x4  }
0x174: {  	[hbm4b:s4+s3] =	stream.indirect_vreg.scatter [tilespmem:s20], [sflag:$0x2], $0x80, v4, vm0, $0xb8;
	[tilespmem:$0x10580] =	vst v63  }
0x175: {  	v3 =	vperm.xlane v3, v2;
	s20 =	simm.s32 $0xD80  }
0x176: {  	[hbm4b:s6+s3] =	stream.indirect_vreg.scatter [tilespmem:s20], [sflag:$0x2], $0x80, v4, vm0, $0xb8;
	[tilespmem:$0x10580] =	vst v63  }
0x177: {  	s26 =	simm.s32 $0x1580;
	v3 =	vadd.s32 v1, v3  }
0x178: {  	[hbm4b:s7+s3] =	stream.indirect_vreg.scatter [tilespmem:s26], [sflag:$0x2], $0x80, v4, vm0, $0xb8;
	[tilespmem:$0x10580] =	vst v63  }
0x179: {  	_ = 	snop  }
0x17a: {  	[hbm4b:s8+s3] =	stream.indirect_vreg.scatter [tilespmem:s2], [sflag:$0x2], $0x80, v4, vm0, $0xb8;
	[tilespmem:$0x10580] =	vst v63  }
0x17b: {  	_ = 	snop  }
0x17c: {  	[hbm4b:s4+s3] =	stream.indirect_vreg.scatter [tilespmem:s5], [sflag:$0x2], $0x80, v3, vm0, $0xb8;
	[tilespmem:$0x10580] =	vst v63  }
0x17d: {  	_ = 	snop  }
0x17e: {  	[hbm4b:s6+s3] =	stream.indirect_vreg.scatter [tilespmem:s9], [sflag:$0x2], $0x80, v3, vm0, $0xb8;
	[tilespmem:$0x10580] =	vst v63  }
0x17f: {  	_ = 	snop  }
0x180: {  	[hbm4b:s7+s3] =	stream.indirect_vreg.scatter [tilespmem:s11], [sflag:$0x2], $0x80, v3, vm0, $0xb8;
	[tilespmem:$0x10580] =	vst v63  }
0x181: {  	s9 =	simm.s32 $0x3D80  }
0x182: {  	[hbm4b:s8+s3] =	stream.indirect_vreg.scatter [tilespmem:s9], [sflag:$0x2], $0x80, v3, vm0, $0xb8;
	[tilespmem:$0x10580] =	vst v63  }
0x183: {  	v3 =	vld [tilespmem:$0x510];
	_ =	sdelay $0x4  }
0x184: {  	v61 =	vshll.u32 v3, $0x3  }
0x185: {  	v3 =	vand.u32 $0x7, v3;
	v4 =	vand.u32 $0xFFFFFFC0, v61  }
0x186: {  	v3 =	vor.u32 v3, v4  }
0x187: {  	v4 =	vperm.xlane v3, v0;
	_ =	sdelay $0x1  }
0x188: {  	v4 =	vadd.s32 v1, v4;
	_ =	sdelay $0x3  }
0x189: {  	s11 =	simm.s32 $0x4580  }
0x18a: {  	[hbm4b:s4+s3] =	stream.indirect_vreg.scatter [tilespmem:s11], [sflag:$0x2], $0x80, v4, vm0, $0xb8;
	[tilespmem:$0x10580] =	vst v63  }
0x18b: {  	s25 =	simm.s32 $0x4D80;
	v3 =	vperm.xlane v3, v2  }
0x18c: {  	[hbm4b:s6+s3] =	stream.indirect_vreg.scatter [tilespmem:s25], [sflag:$0x2], $0x80, v4, vm0, $0xb8;
	[tilespmem:$0x10580] =	vst v63  }
0x18d: {  	v3 =	vadd.s32 v1, v3  }
0x18e: {  	[hbm4b:s7+s3] =	stream.indirect_vreg.scatter [tilespmem:s22], [sflag:$0x2], $0x80, v4, vm0, $0xb8;
	[tilespmem:$0x10580] =	vst v63  }
0x18f: {  	s15 =	simm.s32 $0x5D80  }
0x190: {  	[hbm4b:s8+s3] =	stream.indirect_vreg.scatter [tilespmem:s15], [sflag:$0x2], $0x80, v4, vm0, $0xb8;
	[tilespmem:$0x10580] =	vst v63  }
0x191: {  	s16 =	simm.s32 $0x6580  }
0x192: {  	[hbm4b:s4+s3] =	stream.indirect_vreg.scatter [tilespmem:s16], [sflag:$0x2], $0x80, v3, vm0, $0xb8;
	[tilespmem:$0x10580] =	vst v63  }
0x193: {  	s17 =	simm.s32 $0x6D80  }
0x194: {  	[hbm4b:s6+s3] =	stream.indirect_vreg.scatter [tilespmem:s17], [sflag:$0x2], $0x80, v3, vm0, $0xb8;
	[tilespmem:$0x10580] =	vst v63  }
0x195: {  	s24 =	simm.s32 $0x7580  }
0x196: {  	[hbm4b:s7+s3] =	stream.indirect_vreg.scatter [tilespmem:s24], [sflag:$0x2], $0x80, v3, vm0, $0xb8;
	[tilespmem:$0x10580] =	vst v63  }
0x197: {  	s17 =	simm.s32 $0x7D80  }
0x198: {  	[hbm4b:s8+s3] =	stream.indirect_vreg.scatter [tilespmem:s17], [sflag:$0x2], $0x80, v3, vm0, $0xb8;
	[tilespmem:$0x10580] =	vst v63  }
0x199: {  	v3 =	vld [tilespmem:$0x520];
	_ =	sdelay $0x4  }
0x19a: {  	v62 =	vshll.u32 v3, $0x3  }
0x19b: {  	v3 =	vand.u32 $0x7, v3;
	v4 =	vand.u32 $0xFFFFFFC0, v62  }
0x19c: {  	v3 =	vor.u32 v3, v4  }
0x19d: {  	v4 =	vperm.xlane v3, v0;
	_ =	sdelay $0x1  }
0x19e: {  	v4 =	vadd.s32 v1, v4;
	_ =	sdelay $0x3  }
0x19f: {  	s20 =	simm.s32 $0x8580  }
0x1a0: {  	[hbm4b:s4+s3] =	stream.indirect_vreg.scatter [tilespmem:s20], [sflag:$0x2], $0x80, v4, vm0, $0xb8;
	[tilespmem:$0x10580] =	vst v63  }
0x1a1: {  	s22 =	simm.s32 $0x8D80;
	v3 =	vperm.xlane v3, v2  }
0x1a2: {  	[hbm4b:s6+s3] =	stream.indirect_vreg.scatter [tilespmem:s22], [sflag:$0x2], $0x80, v4, vm0, $0xb8;
	[tilespmem:$0x10580] =	vst v63  }
0x1a3: {  	s18 =	simm.s32 $0x9580;
	v3 =	vadd.s32 v1, v3  }
0x1a4: {  	[hbm4b:s7+s3] =	stream.indirect_vreg.scatter [tilespmem:s18], [sflag:$0x2], $0x80, v4, vm0, $0xb8;
	[tilespmem:$0x10580] =	vst v63  }
0x1a5: {  	s19 =	simm.s32 $0x9D80  }
0x1a6: {  	[hbm4b:s8+s3] =	stream.indirect_vreg.scatter [tilespmem:s19], [sflag:$0x2], $0x80, v4, vm0, $0xb8;
	[tilespmem:$0x10580] =	vst v63  }
0x1a7: {  	s21 =	simm.s32 $0xA580  }
0x1a8: {  	[hbm4b:s4+s3] =	stream.indirect_vreg.scatter [tilespmem:s21], [sflag:$0x2], $0x80, v3, vm0, $0xb8;
	[tilespmem:$0x10580] =	vst v63  }
0x1a9: {  	s14 =	simm.s32 $0xAD80  }
0x1aa: {  	[hbm4b:s6+s3] =	stream.indirect_vreg.scatter [tilespmem:s14], [sflag:$0x2], $0x80, v3, vm0, $0xb8;
	[tilespmem:$0x10580] =	vst v63  }
0x1ab: {  	s23 =	simm.s32 $0xB580  }
0x1ac: {  	[hbm4b:s7+s3] =	stream.indirect_vreg.scatter [tilespmem:s23], [sflag:$0x2], $0x80, v3, vm0, $0xb8;
	[tilespmem:$0x10580] =	vst v63  }
0x1ad: {  	s24 =	simm.s32 $0xBD80  }
0x1ae: {  	[hbm4b:s8+s3] =	stream.indirect_vreg.scatter [tilespmem:s24], [sflag:$0x2], $0x80, v3, vm0, $0xb8;
	[tilespmem:$0x10580] =	vst v63  }
0x1af: {  	v3 =	vld [tilespmem:$0x530];
	_ =	sdelay $0x4  }
0x1b0: {  	v63 =	vshll.u32 v3, $0x3  }
0x1b1: {  	v3 =	vand.u32 $0x7, v3;
	v4 =	vand.u32 $0xFFFFFFC0, v63  }
0x1b2: {  	v3 =	vor.u32 v3, v4  }
0x1b3: {  	v4 =	vperm.xlane v3, v0;
	_ =	sdelay $0x1  }
0x1b4: {  	v4 =	vadd.s32 v1, v4;
	_ =	sdelay $0x3  }
0x1b5: {  	s25 =	simm.s32 $0xC580  }
0x1b6: {  	[hbm4b:s4+s3] =	stream.indirect_vreg.scatter [tilespmem:s25], [sflag:$0x2], $0x80, v4, vm0, $0xb8;
	[tilespmem:$0x10580] =	vst v63  }
0x1b7: {  	s26 =	simm.s32 $0xCD80;
	v3 =	vperm.xlane v3, v2  }
0x1b8: {  	[hbm4b:s6+s3] =	stream.indirect_vreg.scatter [tilespmem:s26], [sflag:$0x2], $0x80, v4, vm0, $0xb8;
	[tilespmem:$0x10580] =	vst v63  }
0x1b9: {  	s28 =	simm.s32 $0xD580;
	v3 =	vadd.s32 v1, v3  }
0x1ba: {  	[hbm4b:s7+s3] =	stream.indirect_vreg.scatter [tilespmem:s28], [sflag:$0x2], $0x80, v4, vm0, $0xb8;
	[tilespmem:$0x10580] =	vst v63  }
0x1bb: {  	s28 =	simm.s32 $0xDD80  }
0x1bc: {  	[hbm4b:s8+s3] =	stream.indirect_vreg.scatter [tilespmem:s28], [sflag:$0x2], $0x80, v4, vm0, $0xb8;
	[tilespmem:$0x10580] =	vst v63  }
0x1bd: {  	_ = 	snop  }
0x1be: {  	[hbm4b:s4+s3] =	stream.indirect_vreg.scatter [tilespmem:s29], [sflag:$0x2], $0x80, v3, vm0, $0xb8;
	[tilespmem:$0x10580] =	vst v63  }
0x1bf: {  	s12 =	simm.s32 $0xED80  }
0x1c0: {  	[hbm4b:s6+s3] =	stream.indirect_vreg.scatter [tilespmem:s12], [sflag:$0x2], $0x80, v3, vm0, $0xb8;
	[tilespmem:$0x10580] =	vst v63  }
0x1c1: {  	s13 =	simm.s32 $0xF580  }
0x1c2: {  	[hbm4b:s7+s3] =	stream.indirect_vreg.scatter [tilespmem:s13], [sflag:$0x2], $0x80, v3, vm0, $0xb8;
	[tilespmem:$0x10580] =	vst v63  }
0x1c3: {  	s31 =	simm.s32 $0xFD80  }
0x1c4: {  	[hbm4b:s8+s3] =	stream.indirect_vreg.scatter [tilespmem:s31], [sflag:$0x2], $0x80, v3, vm0, $0xb8;
	[tilespmem:$0x10580] =	vst v63  }
0x1c5: {  	p0 =	sne.s32 s30, $0x1;
	_ =	swait.ge [sflag:s0], $0x10000  }
.Ltmp0:
0x1c6: {  	[sflag:s0] =	ssyncset.done $0x0;
	(pc) =	sbr.rel @p0 .LBB2_1-.Ltmp0, $4  }
0x1c7: {  	[sflag:s0] =	ssyncadd.s32 $0xFFFF0000  }
0x1c8: {  	_ =	swait.ge [sflag:s1], $0x10000  }
0x1c9: {  	[sflag:s1] =	ssyncset.done $0x0  }
0x1ca: {  	s30 =	sadd.s32 $0xFFFFFFFF, s30;
	[sflag:s1] =	ssyncadd.s32 $0xFFFF0000  }
0x1cb: {  	_ =	sfence.sel $0x180000  }
0x1cc: {  	[bflag:$0x0] =	sbarrier.arrive $0xFFFF  }
0x1cd: {  	_ =	strace $0x90000047  }
0x1ce: {  	s0 =	stileid.u32;
	[bflag:$0x2] =	sbarrier.arrive $0xFFFF  }
0x1cf: {  	p0 =	sne.s32 s0, $0x0;
	s0 =	rddreg [dreg:$0x3]  }
0x1d0: {  	s0 =	sadd.s32 @!p0 $0x100000, s0  }
0x1d1: {  	[sflag:s0] =	ssyncadd.tile.s32 @!p0 $0x1;
	_ =	shalt  }
.Lfunc_end2:
_tile_overlayer_lowered:
.L_overlay_start_2:
0x1d2: {  	(tag) =	ssettag $0x2  }
0x1d3: {  	s0 =	rddreg [dreg:$0x0];
	s2 =	stileid.u32  }
0x1d4: {  	s1 =	rddreg [dreg:$0x1];
	p0 =	sne.s32 s2, $0x0  }
0x1d5: {  	s3 =	rddreg [dreg:$0x2];
	[bflag:$0x3] =	sbarrier.arrive $0xFFFF;
	s2 =	simm.s32 @!p0 $0x1C03  }
0x1d6: {  	[timem:s3], [sflag:s2] =	dma.local @!p0 [hbm:s0], s1  }
0x1d7: {  	s0 =	simm.s32 @!p0 $0x3  }
0x1d8: {  	_ =	swait.ge @!p0 [sflag:s0], s1  }
0x1d9: {  	s1 =	ssub.s32 @!p0 $0x0, s1;
	[sflag:s0] =	ssyncset.done @!p0 $0x0  }
0x1da: {  	[sflag:s0] =	ssyncadd.s32 @!p0 s1  }
0x1db: {  	[bflag:$0x3] =	sbarrier.arrive $0xFFFF  }
0x1dc: {  	_ =	shalt  }

// kernel: kernel.9.cloned.1.call-start
scs
__scs_entry_jumppad:
0x0: {  	(pc) =	sbr.rel $0x88, $3  }
0x1: {  	(tag) =	ssettag $0x0;
	lr =	simm.s32 $0x1  }
0x2: {  	[smem:$0x3F9C] =	sst lr;
	_ =	strace $0xD0000000  }
0x3: {  	_ = 	snop  }
0x4: {  	_ = 	snop  }
0x5: {  	_ = 	snop  }
0x6: {  	_ = 	snop  }
0x7: {  	_ = 	snop  }
__scs_overlays_trampoline_lowered:
0x8: {  	[smem:$0x3FAB] =	sst s0  }
0x9: {  	[smem:$0x3FAC] =	sst s1  }
0xa: {  	[smem:$0x3FAD] =	sst s2  }
0xb: {  	[smem:$0x3FAE] =	sst s3  }
0xc: {  	[smem:$0x3FAF] =	sst s4  }
0xd: {  	[smem:$0x3FB0] =	sst s5  }
0xe: {  	[smem:$0x3FB1] =	sst s6  }
0xf: {  	[smem:$0x3FB2] =	sst s7  }
0x10: {  	[smem:$0x3FB3] =	sst s8  }
0x11: {  	[smem:$0x3FB4] =	sst s9;
	s0 =	simm.s32 @!p0 $0x0  }
0x12: {  	s1 =	sld [smem:$0x3F9A];
	s0 =	simm.s32 @p0 $0x1  }
0x13: {  	[smem:$0x3FB5] =	sst s0;
	s0 =	simm.s32 @!p1 $0x0  }
0x14: {  	s2 =	sld [smem:$0x3F99];
	s0 =	simm.s32 @p1 $0x1  }
0x15: {  	[smem:$0x3FB6] =	sst s0;
	s0 =	simm.s32 @!p2 $0x0  }
0x16: {  	s3 =	sld [smem:$0x3FDB];
	s0 =	simm.s32 @p2 $0x1  }
0x17: {  	s4 =	simm.s32 $0x1BF5;
	[smem:$0x3FB8] =	sst s0  }
0x18: {  	s0 =	sld [smem:$0x3F9B];
	_ =	swait.ge [sflag:s4], $0x0  }
0x19: {  	s7 =	sld [smem:$0x3F9C]  }
0x1a: {  	s8 =	sadd.s32 $0xFFFFE003, lr  }
0x1b: {  	s9 =	sadd.s32 $0xFFFFFEF7, lr;
	s5 =	simm.s32 $0xFFFFFFFF;
	p2 =	slt.u32 s8, $0xFFFFF086  }
0x1c: {  	p1 =	slt.u32 s9, $0xF7A;
	s5 =	simm.s32 @!p2 $0x0  }
0x1d: {  	s5 =	simm.s32 @p1 $0x1;
	p0 =	seq.s32 s7, s2  }
0x1e: {  	s7 =	smul.u32 @!p0 $0xF7A, s2;
	p2 =	seq.s32 @!p0 s5, $0x0  }
0x1f: {  	s9 =	smul.u32 $0xF7A, s1;
	s8 =	simm.s32 @!p0 $0x1BF5;
	p2 =	por !p2, p0  }
0x20: {  	[sflag:s8] =	ssyncset.s32 @!p0 $0xFFFFF086;
	s6 =	sadd.s32 @!p0 s3, s7;
	s7 =	simm.s32 @!p0 $0x108  }
0x21: {  	s3 =	sadd.s32 s3, s9;
	s6 =	sadd.s32 @!p0 $0x88, s6;
	s7 =	simm.s32 @p2 $0x1082  }
0x22: {  	[simem:s7], [sflag:s8] =	dma.local @!p0 [hbm:s6], $0xF7A  }
0x23: {  	s9 =	sor.u32 $0xD0000000, s2;
	s6 =	simm.s32 $0x108;
	_ =	swait.ge @!p0 [sflag:s8], $0x0  }
0x24: {  	s3 =	sadd.s32 $0x88, s3;
	s6 =	simm.s32 @!p1 $0x1082;
	[sflag:s4] =	ssyncset.s32 $0xFFFFF086  }
0x25: {  	[simem:s6], [sflag:s4] =	dma.local [hbm:s3], $0xF7A  }
0x26: {  	[smem:$0x3F9C] =	sst s1;
	(tag) =	ssettag s2;
	_ =	strace s9  }
0x27: {  	s1 =	sld [smem:$0x3FAC]  }
0x28: {  	s2 =	sld [smem:$0x3FAD]  }
0x29: {  	s4 =	sld [smem:$0x3FAF]  }
0x2a: {  	p0 =	seq.s32 s5, $0x0;
	s5 =	sld [smem:$0x3FB0]  }
0x2b: {  	s6 =	sld [smem:$0x3FB1]  }
0x2c: {  	s7 =	sld [smem:$0x3FB2]  }
0x2d: {  	s3 =	simm.s32 $0x108;
	s8 =	sld [smem:$0x3FB3]  }
0x2e: {  	s3 =	simm.s32 @!p0 $0x1082;
	s9 =	sld [smem:$0x3FB4]  }
0x2f: {  	lr =	sadd.s32 s0, s3;
	s0 =	sld [smem:$0x3FAB]  }
0x30: {  	s3 =	sld [smem:$0x3FAE]  }
0x31: {  	[smem:$0x3FB7] =	sst s10  }
0x32: {  	s10 =	sld [smem:$0x3FB5];
	_ =	sdelay $0x3  }
0x33: {  	p0 =	seq.s32 s10, $0x1;
	s10 =	sld [smem:$0x3FB7];
	_ =	sdelay $0x3  }
0x34: {  	[smem:$0x3FB7] =	sst s10  }
0x35: {  	s10 =	sld [smem:$0x3FB6];
	_ =	sdelay $0x3  }
0x36: {  	p1 =	seq.s32 s10, $0x1;
	s10 =	sld [smem:$0x3FB7];
	_ =	sdelay $0x3  }
0x37: {  	[smem:$0x3FB7] =	sst s10  }
0x38: {  	s10 =	sld [smem:$0x3FB8]  }
0x39: {  	_ = 	snop;
	(pc) =	sbr.ind lr, $3  }
0x3a: {  	_ = 	snop  }
0x3b: {  	_ = 	snop  }
0x3c: {  	p2 =	seq.s32 s10, $0x1;
	s10 =	sld [smem:$0x3FB7]  }
0x3d: {  	_ =	shalt  }
0x3e: {  	_ =	shalt  }
0x3f: {  	_ =	shalt  }
0x40: {  	_ =	shalt  }
0x41: {  	_ =	shalt  }
0x42: {  	_ =	shalt  }
0x43: {  	_ =	shalt  }
0x44: {  	_ =	shalt  }
0x45: {  	_ =	shalt  }
0x46: {  	_ =	shalt  }
0x47: {  	_ =	shalt  }
0x48: {  	_ =	shalt  }
0x49: {  	_ =	shalt  }
0x4a: {  	_ =	shalt  }
0x4b: {  	_ =	shalt  }
0x4c: {  	_ =	shalt  }
0x4d: {  	_ =	shalt  }
0x4e: {  	_ =	shalt  }
0x4f: {  	_ =	shalt  }
0x50: {  	_ =	shalt  }
0x51: {  	_ =	shalt  }
0x52: {  	_ =	shalt  }
0x53: {  	_ =	shalt  }
0x54: {  	_ =	shalt  }
0x55: {  	_ =	shalt  }
0x56: {  	_ =	shalt  }
0x57: {  	_ =	shalt  }
0x58: {  	_ =	shalt  }
0x59: {  	_ =	shalt  }
0x5a: {  	_ =	shalt  }
0x5b: {  	_ =	shalt  }
0x5c: {  	_ =	shalt  }
0x5d: {  	_ =	shalt  }
0x5e: {  	_ =	shalt  }
0x5f: {  	_ =	shalt  }
0x60: {  	_ =	shalt  }
0x61: {  	_ =	shalt  }
0x62: {  	_ =	shalt  }
0x63: {  	_ =	shalt  }
0x64: {  	_ =	shalt  }
0x65: {  	_ =	shalt  }
0x66: {  	_ =	shalt  }
0x67: {  	_ =	shalt  }
0x68: {  	_ =	shalt  }
0x69: {  	_ =	shalt  }
0x6a: {  	_ =	shalt  }
0x6b: {  	_ =	shalt  }
0x6c: {  	_ =	shalt  }
0x6d: {  	_ =	shalt  }
0x6e: {  	_ =	shalt  }
0x6f: {  	_ =	shalt  }
0x70: {  	_ =	shalt  }
0x71: {  	_ =	shalt  }
0x72: {  	_ =	shalt  }
0x73: {  	_ =	shalt  }
0x74: {  	_ =	shalt  }
0x75: {  	_ =	shalt  }
0x76: {  	_ =	shalt  }
0x77: {  	_ =	shalt  }
0x78: {  	_ =	shalt  }
0x79: {  	_ =	shalt  }
0x7a: {  	_ =	shalt  }
0x7b: {  	_ =	shalt  }
0x7c: {  	_ =	shalt  }
0x7d: {  	_ =	shalt  }
0x7e: {  	_ =	shalt  }
0x7f: {  	_ =	shalt  }
0x80: {  	_ =	shalt  }
0x81: {  	_ =	shalt  }
0x82: {  	_ =	shalt  }
0x83: {  	_ =	shalt  }
0x84: {  	_ =	shalt  }
0x85: {  	_ =	shalt  }
0x86: {  	_ =	shalt  }
0x87: {  	_ =	shalt  }
.Lfunc_end0:
.L_simem_size_0:
called_computation.1_lowered:
.L_overlay_start_0:
0x88: {  	s2 =	sld [smem:$0x3FD9]  }
0x89: {  	s3 =	sld [smem:$0x3FFE];
	_ =	sdelay $0x1  }
0x8a: {  	s1 =	srdreg.scid  }
0x8b: {  	s0 =	sand.u32 $0x1, s1  }
0x8c: {  	s16 =	sshll.u32 s0, $0xA;
	s2 =	sadd.s32 s3, s2  }
0x8d: {  	s2 =	sadd.s32 s2, s16  }
0x8e: {  	[smem:$0x3FC3] =	sst s2  }
0x8f: {  	_ = 	snop  }
0x90: {  	(tm) =	ssettm $0x1  }
0x91: {  	s17 =	sld [smem:$0x3FFB];
	_ =	sdelay $0x3  }
0x92: {  	_ =	strace s17  }
0x93: {  	s2 =	sld [smem:$0x3FFC];
	_ =	sdelay $0x3  }
0x94: {  	_ =	strace s2  }
0x95: {  	s2 =	sld [smem:$0x3FFD];
	_ =	sdelay $0x3  }
0x96: {  	_ =	strace s2  }
0x97: {  	_ =	strace $0x8FFFFFFF  }
0x98: {  	s18 =	sld [smem:$0x3FDB];
	_ =	sdelay $0x1  }
0x99: {  	s19 =	simm.s32 $_scs_section_size  }
0x9a: {  	s4 =	simm.s32 $_size__tile_overlayer_lowered;
	s5 =	simm.s32 $_tile_overlayer_lowered  }
0x9b: {  	s22 =	simm.s32 $0x1BFF;
	s21 =	sshll.u32 s5, $0x1;
	s2 =	sadd.s32 s19, s18  }
0x9c: {  	s6 =	simm.s32 $0x0;
	s20 =	sshll.u32 s4, $0x1;
	s4 =	sadd.s32 s21, s2  }
0x9d: {  	[timem:s6], [sflag:s22] =	dma.local [hbm:s4], s20  }
0x9e: {  	_ =	swait.ge [sflag:s22], s20  }
0x9f: {  	s3 =	ssub.s32 $0x0, s20;
	[sflag:s22] =	ssyncset.done $0x0  }
0xa0: {  	[sflag:s22] =	ssyncadd.s32 s3;
	_ =	sdelay $0x1  }
0xa1: {  	s23 =	simm.s32 $0x1B8B  }
0xa2: {  	_ =	swait.ge [sflag:s23], $0x1  }
0xa3: {  	[sflag:s23] =	ssyncset.done $0x0  }
0xa4: {  	s25 =	simm.s32 $0x1B8E;
	s24 =	sld [smem:$0x3FFE];
	[sflag:s23] =	ssyncadd.s32 $0xFFFFFFFF  }
0xa5: {  	s26 =	simm.s32 $execute0_lowered;
	[smem:$0x3FD2] =	sst s25  }
0xa6: {  	s4 =	sshll.u32 s26, $0x1;
	_ =	strace $0x80000049;
	[dreg:$0x1] =	wrdreg $0xFFFFFFFF  }
0xa7: {  	s28 =	simm.s32 $_size_execute0_lowered;
	s2 =	sadd.s32 s2, s4;
	[dreg:$0x0] =	wrdreg $0x0  }
0xa8: {  	s4 =	sshll.u32 s28, $0x1;
	[dreg:$0x2] =	wrdreg s2  }
0xa9: {  	[dreg:$0x3] =	wrdreg s4  }
0xaa: {  	[dreg:$0x4] =	wrdreg $0xC0  }
0xab: {  	_ =	task [dreg:s6], $0x5FFFF  }
0xac: {  	[dreg:$0x1] =	wrdreg $0xFFFFFFFF  }
0xad: {  	[dreg:$0x0] =	wrdreg $0x60  }
0xae: {  	[dreg:$0x2] =	wrdreg s24  }
0xaf: {  	[dreg:$0x3] =	wrdreg $0x9  }
0xb0: {  	_ =	task.clear_ibuf [dreg:s6], $0x4FFFF;
	_ =	strace $0x90000049  }
0xb1: {  	s29 =	simm.s32 $0x9;
	_ =	strace $0x8000004B  }
0xb2: {  	_ =	swait.ge [sflag:s29], $0x1  }
0xb3: {  	[sflag:s29] =	ssyncadd.s32 $0xFFFFFFFF  }
0xb4: {  	_ =	strace $0x9000004B  }
0xb5: {  	_ =	sfence  }
0xb6: {  	s30 =	sld [smem:$0x0];
	_ =	sdelay $0x2  }
0xb7: {  	s31 =	sshll.u32 s1, $0xD;
	s1 =	sshrl.u32 s1, $0x2  }
0xb8: {  	s3 =	sand.u32 $0x4000, s31;
	s1 =	sadd.s32 s1, s30  }
0xb9: {  	s0 =	sor.u32 s3, s0;
	s1 =	sshll.u32 s1, $0x11  }
0xba: {  	s0 =	sor.u32 s1, s0  }
0xbb: {  	s0 =	sadd.s32 $0x8F2B, s0  }
0xbc: {  	[sflag:s0] =	ssyncadd.remote.s32 $0x1  }
0xbd: {  	_ =	sfence.sel $0xFFFF  }
0xbe: {  	[dreg:$0x0] =	wrdreg $0xFFFFFFFF;
	(pc) =	sbr.abs _section_cstart, $3  }
0xbf: {  	[dreg:$0x1] =	wrdreg $0xFFFFFFFF  }
0xc0: {  	_ =	task.clear_ibuf [dreg:s6], $0x2FFFF;
	_ =	strace $0x9FFFFFFF  }
0xc1: {  	(tm) =	ssettm $0x7FFFFFFF  }
tec
execute0_lowered:
.L_overlay_start_1:
0x0: {  	(tag) =	ssettag $0x1  }
0x1: {  	s0 =	srdreg.scid  }
0x2: {  	s2 =	stileid.u32;
	s1 =	rddreg [dreg:$0x0];
	s0 =	sand.u32 $0x1, s0  }
0x3: {  	s3 =	sshll.u32 s2, $0x1;
	s2 =	simm.s32 $0x0;
	s8 =	sadd.s32 $0x141100, s1  }
0x4: {  	s9 =	sadd.s32 $0x141200, s1;
	s10 =	sadd.s32 $0x141300, s1;
	s4 =	sor.u32 s0, s3  }
0x5: {  	[smem:$0x7FF] =	sst s2;
	s5 =	sshll.u32 s4, $0x4;
	s4 =	sshll.u32 s4, $0xE  }
0x6: {  	s3 =	sadd.s32 $0x141000, s1;
	s5 =	sadd.s32 s5, s1;
	s1 =	sadd.s32 s1, s4  }
0x7: {  	_ =	strace $0x8000004A;
	s6 =	sadd.s32 $0x140800, s5;
	[dreg:$0x6] =	wrdreg s1  }
0x8: {  	s20 =	sadd.s32 $0x140A00, s5;
	[dreg:$0x2] =	wrdreg s6  }
0x9: {  	s7 =	sadd.s32 $0x140C00, s5;
	[dreg:$0x3] =	wrdreg s20  }
0xa: {  	s5 =	sadd.s32 $0x140E00, s5;
	[dreg:$0x4] =	wrdreg s7  }
0xb: {  	s4 =	sadd.s32 $0x800, s1;
	[dreg:$0x5] =	wrdreg s5  }
0xc: {  	s22 =	sadd.s32 $0x1000, s1;
	[dreg:$0x7] =	wrdreg s4  }
0xd: {  	s28 =	simm.s32 $0x12500;
	s23 =	sadd.s32 $0x1800, s1;
	[dreg:$0x8] =	wrdreg s22  }
0xe: {  	s29 =	simm.s32 $0x12D00;
	s24 =	sadd.s32 $0x2000, s1;
	[dreg:$0x9] =	wrdreg s23  }
0xf: {  	s0 =	ssub.s32 $0x2, s0;
	s25 =	sadd.s32 $0x2800, s1;
	[dreg:$0xa] =	wrdreg s24  }
0x10: {  	s21 =	sshrl.u32 s0, $0x1;
	s26 =	sadd.s32 $0x3000, s1;
	[dreg:$0xb] =	wrdreg s25  }
0x11: {  	s0 =	ssub.s32 s0, s21;
	s1 =	sadd.s32 $0x3800, s1;
	[dreg:$0xc] =	wrdreg s26  }
0x12: {  	s30 =	simm.s32 $0x13500;
	s0 =	smax.u32 s0, $0x1;
	[dreg:$0xd] =	wrdreg s1  }
0x13: {  	s31 =	simm.s32 $0x13D00;
	s21 =	simm.s32 $0x2;
	[dreg:$0xe] =	wrdreg s0  }
0x14: {  	v2 =	vlaneseq.u32;
	s20 =	simm.s32 $0x5;
	s24 =	simm.s32 $0x10D00;
	s25 =	simm.s32 $0x11500  }
0x15: {  	vm0 =	vmmov $0xffff;
	v1 =	vshrl.u32 v2, $0x3;
	s26 =	simm.s32 $0x11D00;
	s1 =	simm.s32 $0x1;
	s0 =	simm.s32 $0x18500  }
0x16: {  	v0 =	vand.u32 $0x7, v2;
	v2 =	vor.u32 $0x8, v2;
	v1 =	vmul.u32 $0x8, v1;
	s22 =	simm.s32 $0x4;
	s23 =	simm.s32 $0x3;
	s4 =	simm.s32 $0x0  }
.LBB2_1:
0x17: {  	s5 =	rddreg [dreg:$0x2]  }
0x18: {  	[tilespmem:s2], [sflag:$0x5] =	stream.linear.gather [hbm4b:s5+s2], $0x80, $0x38;
	[tilespmem:$0x1C500] =	vst v63  }
0x19: {  	_ =	swait.ge [sflag:s20], $0x80  }
0x1a: {  	[sflag:s20] =	ssyncset.done $0x0  }
0x1b: {  	s6 =	simm.s32 $0x80;
	s17 =	rddreg [dreg:$0x3];
	[sflag:s20] =	ssyncadd.s32 $0xFFFFFF80  }
0x1c: {  	[tilespmem:s6], [sflag:$0x5] =	stream.linear.gather [hbm4b:s17+s2], $0x80, $0x38;
	[tilespmem:$0x1C500] =	vst v63  }
0x1d: {  	_ =	swait.ge [sflag:s20], $0x80  }
0x1e: {  	[sflag:s20] =	ssyncset.done $0x0  }
0x1f: {  	s19 =	simm.s32 $0x100;
	s18 =	rddreg [dreg:$0x4];
	[sflag:s20] =	ssyncadd.s32 $0xFFFFFF80  }
0x20: {  	[tilespmem:s19], [sflag:$0x5] =	stream.linear.gather [hbm4b:s18+s2], $0x80, $0x38;
	[tilespmem:$0x1C500] =	vst v63  }
0x21: {  	_ =	swait.ge [sflag:s20], $0x80  }
0x22: {  	[sflag:s20] =	ssyncset.done $0x0  }
0x23: {  	s11 =	simm.s32 $0x180;
	s7 =	rddreg [dreg:$0x5];
	[sflag:s20] =	ssyncadd.s32 $0xFFFFFF80  }
0x24: {  	[tilespmem:s11], [sflag:$0x5] =	stream.linear.gather [hbm4b:s7+s2], $0x80, $0x38;
	[tilespmem:$0x1C500] =	vst v63  }
0x25: {  	_ =	swait.ge [sflag:s20], $0x80  }
0x26: {  	[sflag:s20] =	ssyncset.done $0x0  }
0x27: {  	[sflag:s20] =	ssyncadd.s32 $0xFFFFFF80  }
0x28: {  	v3 =	vld [tilespmem:$0x0];
	_ =	sdelay $0x4  }
0x29: {  	[tilespmem:$0x200] =	vst v3  }
0x2a: {  	v3 =	vld [tilespmem:$0x200];
	_ =	sdelay $0x4  }
0x2b: {  	v4 =	vshll.u32 v3, $0x3  }
0x2c: {  	v3 =	vand.u32 $0x7, v3;
	v4 =	vand.u32 $0xFFFFFFC0, v4  }
0x2d: {  	v3 =	vor.u32 v3, v4  }
0x2e: {  	v4 =	vperm.xlane v3, v0  }
0x2f: {  	v5 =	vld [tilespmem:$0x80]  }
0x30: {  	v4 =	vadd.s32 v1, v4;
	_ =	sdelay $0x3  }
0x31: {  	s12 =	simm.s32 $0x500;
	[tilespmem:$0x380] =	vst v5  }
0x32: {  	[tilespmem:s12], [sflag:$0x1] =	stream.indirect_vreg.gather [hbm4b:s3+s2], $0x80, v4, vm0, $0xb8;
	[tilespmem:$0x1C500] =	vst v63  }
0x33: {  	s13 =	simm.s32 $0xD00;
	v3 =	vperm.xlane v3, v2  }
0x34: {  	[tilespmem:s13], [sflag:$0x1] =	stream.indirect_vreg.gather [hbm4b:s8+s2], $0x80, v4, vm0, $0xb8;
	[tilespmem:$0x1C500] =	vst v63  }
0x35: {  	s14 =	simm.s32 $0x1500;
	v3 =	vadd.s32 v1, v3  }
0x36: {  	[tilespmem:s14], [sflag:$0x1] =	stream.indirect_vreg.gather [hbm4b:s9+s2], $0x80, v4, vm0, $0xb8;
	[tilespmem:$0x1C500] =	vst v63  }
0x37: {  	s15 =	simm.s32 $0x1D00  }
0x38: {  	[tilespmem:s15], [sflag:$0x1] =	stream.indirect_vreg.gather [hbm4b:s10+s2], $0x80, v4, vm0, $0xb8;
	[tilespmem:$0x1C500] =	vst v63  }
0x39: {  	s16 =	simm.s32 $0x2500  }
0x3a: {  	[tilespmem:s16], [sflag:$0x1] =	stream.indirect_vreg.gather [hbm4b:s3+s2], $0x80, v3, vm0, $0xb8;
	[tilespmem:$0x1C500] =	vst v63  }
0x3b: {  	s17 =	simm.s32 $0x2D00  }
0x3c: {  	[tilespmem:s17], [sflag:$0x1] =	stream.indirect_vreg.gather [hbm4b:s8+s2], $0x80, v3, vm0, $0xb8;
	[tilespmem:$0x1C500] =	vst v63  }
0x3d: {  	s18 =	simm.s32 $0x3500  }
0x3e: {  	[tilespmem:s18], [sflag:$0x1] =	stream.indirect_vreg.gather [hbm4b:s9+s2], $0x80, v3, vm0, $0xb8;
	[tilespmem:$0x1C500] =	vst v63  }
0x3f: {  	s19 =	simm.s32 $0x3D00  }
0x40: {  	[tilespmem:s19], [sflag:$0x1] =	stream.indirect_vreg.gather [hbm4b:s10+s2], $0x80, v3, vm0, $0xb8;
	[tilespmem:$0x1C500] =	vst v63  }
0x41: {  	v3 =	vld [tilespmem:$0x380];
	_ =	sdelay $0x4  }
0x42: {  	v4 =	vshll.u32 v3, $0x3  }
0x43: {  	v3 =	vand.u32 $0x7, v3;
	v4 =	vand.u32 $0xFFFFFFC0, v4  }
0x44: {  	v3 =	vor.u32 v3, v4  }
0x45: {  	v4 =	vperm.xlane v3, v0;
	_ =	sdelay $0x1  }
0x46: {  	v4 =	vadd.s32 v1, v4;
	_ =	sdelay $0x3  }
0x47: {  	s6 =	simm.s32 $0xC500  }
0x48: {  	[tilespmem:s6], [sflag:$0x1] =	stream.indirect_vreg.gather [hbm4b:s3+s2], $0x80, v4, vm0, $0xb8;
	[tilespmem:$0x1C500] =	vst v63  }
0x49: {  	s7 =	simm.s32 $0xCD00;
	v3 =	vperm.xlane v3, v2  }
0x4a: {  	[tilespmem:s7], [sflag:$0x1] =	stream.indirect_vreg.gather [hbm4b:s8+s2], $0x80, v4, vm0, $0xb8;
	[tilespmem:$0x1C500] =	vst v63  }
0x4b: {  	s11 =	simm.s32 $0xD500;
	v3 =	vadd.s32 v1, v3  }
0x4c: {  	[tilespmem:s11], [sflag:$0x1] =	stream.indirect_vreg.gather [hbm4b:s9+s2], $0x80, v4, vm0, $0xb8;
	[tilespmem:$0x1C500] =	vst v63  }
0x4d: {  	s12 =	simm.s32 $0xDD00  }
0x4e: {  	[tilespmem:s12], [sflag:$0x1] =	stream.indirect_vreg.gather [hbm4b:s10+s2], $0x80, v4, vm0, $0xb8;
	[tilespmem:$0x1C500] =	vst v63  }
0x4f: {  	s13 =	simm.s32 $0xE500  }
0x50: {  	[tilespmem:s13], [sflag:$0x1] =	stream.indirect_vreg.gather [hbm4b:s3+s2], $0x80, v3, vm0, $0xb8;
	[tilespmem:$0x1C500] =	vst v63  }
0x51: {  	s14 =	simm.s32 $0xED00  }
0x52: {  	[tilespmem:s14], [sflag:$0x1] =	stream.indirect_vreg.gather [hbm4b:s8+s2], $0x80, v3, vm0, $0xb8;
	[tilespmem:$0x1C500] =	vst v63  }
0x53: {  	s15 =	simm.s32 $0xF500  }
0x54: {  	[tilespmem:s15], [sflag:$0x1] =	stream.indirect_vreg.gather [hbm4b:s9+s2], $0x80, v3, vm0, $0xb8;
	[tilespmem:$0x1C500] =	vst v63  }
0x55: {  	s16 =	simm.s32 $0xFD00  }
0x56: {  	[tilespmem:s16], [sflag:$0x1] =	stream.indirect_vreg.gather [hbm4b:s10+s2], $0x80, v3, vm0, $0xb8;
	[tilespmem:$0x1C500] =	vst v63  }
0x57: {  	v3 =	vld [tilespmem:$0x10];
	_ =	sdelay $0x4  }
0x58: {  	[tilespmem:$0x280] =	vst v3  }
0x59: {  	v3 =	vld [tilespmem:$0x280];
	_ =	sdelay $0x4  }
0x5a: {  	v4 =	vshll.u32 v3, $0x3  }
0x5b: {  	v3 =	vand.u32 $0x7, v3;
	v4 =	vand.u32 $0xFFFFFFC0, v4  }
0x5c: {  	v3 =	vor.u32 v3, v4  }
0x5d: {  	v4 =	vperm.xlane v3, v0  }
0x5e: {  	v5 =	vld [tilespmem:$0x90]  }
0x5f: {  	v4 =	vadd.s32 v1, v4;
	_ =	sdelay $0x3  }
0x60: {  	s17 =	simm.s32 $0x4500;
	[tilespmem:$0x400] =	vst v5  }
0x61: {  	[tilespmem:s17], [sflag:$0x2] =	stream.indirect_vreg.gather [hbm4b:s3+s2], $0x80, v4, vm0, $0xb8;
	[tilespmem:$0x1C500] =	vst v63  }
0x62: {  	s18 =	simm.s32 $0x4D00;
	v3 =	vperm.xlane v3, v2  }
0x63: {  	[tilespmem:s18], [sflag:$0x2] =	stream.indirect_vreg.gather [hbm4b:s8+s2], $0x80, v4, vm0, $0xb8;
	[tilespmem:$0x1C500] =	vst v63  }
0x64: {  	s19 =	simm.s32 $0x5500;
	v3 =	vadd.s32 v1, v3  }
0x65: {  	[tilespmem:s19], [sflag:$0x2] =	stream.indirect_vreg.gather [hbm4b:s9+s2], $0x80, v4, vm0, $0xb8;
	[tilespmem:$0x1C500] =	vst v63  }
0x66: {  	s6 =	simm.s32 $0x5D00  }
0x67: {  	[tilespmem:s6], [sflag:$0x2] =	stream.indirect_vreg.gather [hbm4b:s10+s2], $0x80, v4, vm0, $0xb8;
	[tilespmem:$0x1C500] =	vst v63  }
0x68: {  	s7 =	simm.s32 $0x6500  }
0x69: {  	[tilespmem:s7], [sflag:$0x2] =	stream.indirect_vreg.gather [hbm4b:s3+s2], $0x80, v3, vm0, $0xb8;
	[tilespmem:$0x1C500] =	vst v63  }
0x6a: {  	s11 =	simm.s32 $0x6D00  }
0x6b: {  	[tilespmem:s11], [sflag:$0x2] =	stream.indirect_vreg.gather [hbm4b:s8+s2], $0x80, v3, vm0, $0xb8;
	[tilespmem:$0x1C500] =	vst v63  }
0x6c: {  	s12 =	simm.s32 $0x7500  }
0x6d: {  	[tilespmem:s12], [sflag:$0x2] =	stream.indirect_vreg.gather [hbm4b:s9+s2], $0x80, v3, vm0, $0xb8;
	[tilespmem:$0x1C500] =	vst v63  }
0x6e: {  	s13 =	simm.s32 $0x7D00  }
0x6f: {  	[tilespmem:s13], [sflag:$0x2] =	stream.indirect_vreg.gather [hbm4b:s10+s2], $0x80, v3, vm0, $0xb8;
	[tilespmem:$0x1C500] =	vst v63  }
0x70: {  	v3 =	vld [tilespmem:$0x400];
	_ =	sdelay $0x4  }
0x71: {  	v4 =	vshll.u32 v3, $0x3  }
0x72: {  	v3 =	vand.u32 $0x7, v3;
	v4 =	vand.u32 $0xFFFFFFC0, v4  }
0x73: {  	v3 =	vor.u32 v3, v4  }
0x74: {  	v4 =	vperm.xlane v3, v0;
	_ =	sdelay $0x1  }
0x75: {  	v4 =	vadd.s32 v1, v4;
	_ =	sdelay $0x3  }
0x76: {  	s14 =	simm.s32 $0x10500  }
0x77: {  	[tilespmem:s14], [sflag:$0x2] =	stream.indirect_vreg.gather [hbm4b:s3+s2], $0x80, v4, vm0, $0xb8;
	[tilespmem:$0x1C500] =	vst v63  }
0x78: {  	v3 =	vperm.xlane v3, v2  }
0x79: {  	[tilespmem:s24], [sflag:$0x2] =	stream.indirect_vreg.gather [hbm4b:s8+s2], $0x80, v4, vm0, $0xb8;
	[tilespmem:$0x1C500] =	vst v63  }
0x7a: {  	v3 =	vadd.s32 v1, v3  }
0x7b: {  	[tilespmem:s25], [sflag:$0x2] =	stream.indirect_vreg.gather [hbm4b:s9+s2], $0x80, v4, vm0, $0xb8;
	[tilespmem:$0x1C500] =	vst v63  }
0x7c: {  	_ = 	snop  }
0x7d: {  	[tilespmem:s26], [sflag:$0x2] =	stream.indirect_vreg.gather [hbm4b:s10+s2], $0x80, v4, vm0, $0xb8;
	[tilespmem:$0x1C500] =	vst v63  }
0x7e: {  	_ = 	snop  }
0x7f: {  	[tilespmem:s28], [sflag:$0x2] =	stream.indirect_vreg.gather [hbm4b:s3+s2], $0x80, v3, vm0, $0xb8;
	[tilespmem:$0x1C500] =	vst v63  }
0x80: {  	_ = 	snop  }
0x81: {  	[tilespmem:s29], [sflag:$0x2] =	stream.indirect_vreg.gather [hbm4b:s8+s2], $0x80, v3, vm0, $0xb8;
	[tilespmem:$0x1C500] =	vst v63  }
0x82: {  	_ = 	snop  }
0x83: {  	[tilespmem:s30], [sflag:$0x2] =	stream.indirect_vreg.gather [hbm4b:s9+s2], $0x80, v3, vm0, $0xb8;
	[tilespmem:$0x1C500] =	vst v63  }
0x84: {  	_ = 	snop  }
0x85: {  	[tilespmem:s31], [sflag:$0x2] =	stream.indirect_vreg.gather [hbm4b:s10+s2], $0x80, v3, vm0, $0xb8;
	[tilespmem:$0x1C500] =	vst v63  }
0x86: {  	_ =	swait.ge [sflag:s1], $0x4000  }
0x87: {  	[sflag:s1] =	ssyncset.done $0x0  }
0x88: {  	[sflag:s1] =	ssyncadd.s32 $0xFFFFC000  }
0x89: {  	_ =	swait.ge [sflag:s1], $0x4000  }
0x8a: {  	[sflag:s1] =	ssyncset.done $0x0  }
0x8b: {  	[sflag:s1] =	ssyncadd.s32 $0xFFFFC000  }
0x8c: {  	v3 =	vld [tilespmem:$0x20];
	_ =	sdelay $0x4  }
0x8d: {  	[tilespmem:$0x300] =	vst v3  }
0x8e: {  	v3 =	vld [tilespmem:$0x300];
	_ =	sdelay $0x4  }
0x8f: {  	v4 =	vshll.u32 v3, $0x3  }
0x90: {  	v3 =	vand.u32 $0x7, v3;
	v4 =	vand.u32 $0xFFFFFFC0, v4  }
0x91: {  	v3 =	vor.u32 v3, v4  }
0x92: {  	v4 =	vperm.xlane v3, v0  }
0x93: {  	v5 =	vld [tilespmem:$0xA0]  }
0x94: {  	v4 =	vadd.s32 v1, v4;
	_ =	sdelay $0x3  }
0x95: {  	s15 =	simm.s32 $0x8500;
	[tilespmem:$0x480] =	vst v5  }
0x96: {  	[tilespmem:s15], [sflag:$0x3] =	stream.indirect_vreg.gather [hbm4b:s3+s2], $0x80, v4, vm0, $0xb8;
	[tilespmem:$0x1C500] =	vst v63  }
0x97: {  	s16 =	simm.s32 $0x8D00;
	v3 =	vperm.xlane v3, v2  }
0x98: {  	[tilespmem:s16], [sflag:$0x3] =	stream.indirect_vreg.gather [hbm4b:s8+s2], $0x80, v4, vm0, $0xb8;
	[tilespmem:$0x1C500] =	vst v63  }
0x99: {  	s17 =	simm.s32 $0x9500;
	v3 =	vadd.s32 v1, v3  }
0x9a: {  	[tilespmem:s17], [sflag:$0x3] =	stream.indirect_vreg.gather [hbm4b:s9+s2], $0x80, v4, vm0, $0xb8;
	[tilespmem:$0x1C500] =	vst v63  }
0x9b: {  	s18 =	simm.s32 $0x9D00  }
0x9c: {  	[tilespmem:s18], [sflag:$0x3] =	stream.indirect_vreg.gather [hbm4b:s10+s2], $0x80, v4, vm0, $0xb8;
	[tilespmem:$0x1C500] =	vst v63  }
0x9d: {  	s19 =	simm.s32 $0xA500  }
0x9e: {  	[tilespmem:s19], [sflag:$0x3] =	stream.indirect_vreg.gather [hbm4b:s3+s2], $0x80, v3, vm0, $0xb8;
	[tilespmem:$0x1C500] =	vst v63  }
0x9f: {  	s6 =	simm.s32 $0xAD00  }
0xa0: {  	[tilespmem:s6], [sflag:$0x3] =	stream.indirect_vreg.gather [hbm4b:s8+s2], $0x80, v3, vm0, $0xb8;
	[tilespmem:$0x1C500] =	vst v63  }
0xa1: {  	s7 =	simm.s32 $0xB500  }
0xa2: {  	[tilespmem:s7], [sflag:$0x3] =	stream.indirect_vreg.gather [hbm4b:s9+s2], $0x80, v3, vm0, $0xb8;
	[tilespmem:$0x1C500] =	vst v63  }
0xa3: {  	s11 =	simm.s32 $0xBD00  }
0xa4: {  	[tilespmem:s11], [sflag:$0x3] =	stream.indirect_vreg.gather [hbm4b:s10+s2], $0x80, v3, vm0, $0xb8;
	[tilespmem:$0x1C500] =	vst v63  }
0xa5: {  	v3 =	vld [tilespmem:$0x480];
	_ =	sdelay $0x4  }
0xa6: {  	v4 =	vshll.u32 v3, $0x3  }
0xa7: {  	v3 =	vand.u32 $0x7, v3;
	v4 =	vand.u32 $0xFFFFFFC0, v4  }
0xa8: {  	v3 =	vor.u32 v3, v4  }
0xa9: {  	v4 =	vperm.xlane v3, v0;
	_ =	sdelay $0x1  }
0xaa: {  	v4 =	vadd.s32 v1, v4;
	_ =	sdelay $0x3  }
0xab: {  	s12 =	simm.s32 $0x14500  }
0xac: {  	[tilespmem:s12], [sflag:$0x3] =	stream.indirect_vreg.gather [hbm4b:s3+s2], $0x80, v4, vm0, $0xb8;
	[tilespmem:$0x1C500] =	vst v63  }
0xad: {  	s13 =	simm.s32 $0x14D00;
	v3 =	vperm.xlane v3, v2  }
0xae: {  	[tilespmem:s13], [sflag:$0x3] =	stream.indirect_vreg.gather [hbm4b:s8+s2], $0x80, v4, vm0, $0xb8;
	[tilespmem:$0x1C500] =	vst v63  }
0xaf: {  	s14 =	simm.s32 $0x15500;
	v3 =	vadd.s32 v1, v3  }
0xb0: {  	[tilespmem:s14], [sflag:$0x3] =	stream.indirect_vreg.gather [hbm4b:s9+s2], $0x80, v4, vm0, $0xb8;
	[tilespmem:$0x1C500] =	vst v63  }
0xb1: {  	s15 =	simm.s32 $0x15D00  }
0xb2: {  	[tilespmem:s15], [sflag:$0x3] =	stream.indirect_vreg.gather [hbm4b:s10+s2], $0x80, v4, vm0, $0xb8;
	[tilespmem:$0x1C500] =	vst v63  }
0xb3: {  	s16 =	simm.s32 $0x16500  }
0xb4: {  	[tilespmem:s16], [sflag:$0x3] =	stream.indirect_vreg.gather [hbm4b:s3+s2], $0x80, v3, vm0, $0xb8;
	[tilespmem:$0x1C500] =	vst v63  }
0xb5: {  	s17 =	simm.s32 $0x16D00  }
0xb6: {  	[tilespmem:s17], [sflag:$0x3] =	stream.indirect_vreg.gather [hbm4b:s8+s2], $0x80, v3, vm0, $0xb8;
	[tilespmem:$0x1C500] =	vst v63  }
0xb7: {  	s18 =	simm.s32 $0x17500  }
0xb8: {  	[tilespmem:s18], [sflag:$0x3] =	stream.indirect_vreg.gather [hbm4b:s9+s2], $0x80, v3, vm0, $0xb8;
	[tilespmem:$0x1C500] =	vst v63  }
0xb9: {  	s19 =	simm.s32 $0x17D00  }
0xba: {  	[tilespmem:s19], [sflag:$0x3] =	stream.indirect_vreg.gather [hbm4b:s10+s2], $0x80, v3, vm0, $0xb8;
	[tilespmem:$0x1C500] =	vst v63  }
0xbb: {  	v3 =	vld [tilespmem:$0x100]  }
0xbc: {  	s5 =	simm.s32 $0x0;
	v4 =	vld [tilespmem:$0x180]  }
.LBB2_2:
0xbd: {  	s12 =	sshll.u32 s5, $0xA;
	s6 =	sshll.u32 s5, $0x7  }
0xbe: {  	s7 =	sand.u32 $0x2000, s12;
	s13 =	sand.u32 $0x380, s6;
	s6 =	simm.s32 $0x0  }
0xbf: {  	s7 =	sor.u32 s7, s13;
	s16 =	sand.u32 $0x1C00, s6  }
0xc0: {  	s14 =	sand.u32 $0x40, s6;
	s13 =	sor.u32 s16, s7  }
0xc1: {  	s15 =	sor.u32 s14, s13  }
0xc2: {  	v5 =	vmov s5;
	v7 =	vld [tilespmem:s15+$0x500]  }
0xc3: {  	v5 =	vand.u32 $0xF, v5;
	v8 =	vld [tilespmem:s15+$0xC500]  }
0xc4: {  	v5 =	vbroadcast v5, $0x0;
	_ =	sdelay $0x1  }
0xc5: {  	v6 =	vperm.xlane v3, v5;
	v5 =	vperm.xlane v4, v5;
	_ =	sdelay $0x1  }
0xc6: {  	v7 =	vmul.f32 v7, v6;
	v8 =	vmul.f32 v8, v5  }
0xc7: {  	s12 =	sadd.s32 $0x18500, s12;
	s17 =	sand.u32 $0x380, s6  }
0xc8: {  	s15 =	sadd.s32 s17, s12;
	v7 =	vadd.f32 v8, v7  }
0xc9: {  	s16 =	sor.u32 $0x10, s14;
	s17 =	sadd.s32 s14, s15  }
0xca: {  	s18 =	sor.u32 s16, s13;
	[tilespmem:s17+$0x0] =	vst v7  }
0xcb: {  	v7 =	vld [tilespmem:s18+$0x500]  }
0xcc: {  	v8 =	vld [tilespmem:s18+$0xC500];
	_ =	sdelay $0x4  }
0xcd: {  	v7 =	vmul.f32 v7, v6;
	v8 =	vmul.f32 v8, v5;
	_ =	sdelay $0x1  }
0xce: {  	v7 =	vadd.f32 v8, v7  }
0xcf: {  	s19 =	sor.u32 $0x20, s14;
	s16 =	sadd.s32 s16, s15  }
0xd0: {  	s11 =	sor.u32 s19, s13;
	[tilespmem:s16+$0x0] =	vst v7  }
0xd1: {  	v7 =	vld [tilespmem:s11+$0x500]  }
0xd2: {  	v8 =	vld [tilespmem:s11+$0xC500];
	_ =	sdelay $0x4  }
0xd3: {  	v7 =	vmul.f32 v7, v6;
	v8 =	vmul.f32 v8, v5;
	_ =	sdelay $0x1  }
0xd4: {  	v7 =	vadd.f32 v8, v7  }
0xd5: {  	s14 =	sor.u32 $0x30, s14;
	s18 =	sadd.s32 s19, s15  }
0xd6: {  	s19 =	sor.u32 s14, s13;
	[tilespmem:s18+$0x0] =	vst v7  }
0xd7: {  	v7 =	vld [tilespmem:s19+$0x500];
	_ =	sdelay $0x1  }
0xd8: {  	v8 =	vld [tilespmem:s19+$0xC500];
	_ =	sdelay $0x2  }
0xd9: {  	s13 =	simm.s32 $0x40;
	s16 =	sadd.s32 s14, s15;
	v7 =	vmul.f32 v7, v6  }
.LBB2_3:
0xda: {  	p0 =	sne.s32 s13, $0x3C0  }
0xdb: {  	v8 =	vmul.f32 v8, v5;
	s6 =	sadd.s32 $0x200, s6;
	s17 =	smov.u32 s13;
	s13 =	sadd.s32 $0x40, s13  }
0xdc: {  	_ = 	snop  }
0xdd: {  	s14 =	sand.u32 $0x1C00, s6;
	v7 =	vadd.f32 v8, v7  }
0xde: {  	s15 =	sand.u32 $0x40, s17;
	s14 =	sor.u32 s14, s7  }
0xdf: {  	s19 =	sor.u32 $0x10, s15;
	s18 =	sor.u32 s15, s14;
	[tilespmem:s16+$0x0] =	vst v7  }
0xe0: {  	v7 =	vld [tilespmem:s18+$0x500]  }
0xe1: {  	v8 =	vld [tilespmem:s18+$0xC500];
	_ =	sdelay $0x3  }
0xe2: {  	v7 =	vmul.f32 v7, v6  }
0xe3: {  	s16 =	sand.u32 $0x380, s17;
	v8 =	vmul.f32 v8, v5  }
0xe4: {  	s16 =	sadd.s32 s16, s12  }
0xe5: {  	s17 =	sadd.s32 s15, s16;
	s18 =	sadd.s32 s19, s16;
	v7 =	vadd.f32 v8, v7;
	_ =	sdelay $0x1  }
0xe6: {  	[tilespmem:s17+$0x0] =	vst v7;
	s17 =	sor.u32 s19, s14  }
0xe7: {  	v7 =	vld [tilespmem:s17+$0x500]  }
0xe8: {  	v8 =	vld [tilespmem:s17+$0xC500];
	_ =	sdelay $0x3  }
0xe9: {  	v7 =	vmul.f32 v7, v6  }
0xea: {  	v8 =	vmul.f32 v8, v5;
	_ =	sdelay $0x1  }
0xeb: {  	v7 =	vadd.f32 v8, v7  }
0xec: {  	s17 =	sor.u32 $0x20, s15  }
0xed: {  	[tilespmem:s18+$0x0] =	vst v7;
	s18 =	sor.u32 s17, s14  }
0xee: {  	v7 =	vld [tilespmem:s18+$0x500]  }
0xef: {  	v8 =	vld [tilespmem:s18+$0xC500];
	_ =	sdelay $0x3  }
0xf0: {  	v7 =	vmul.f32 v7, v6  }
0xf1: {  	s17 =	sadd.s32 s17, s16;
	v8 =	vmul.f32 v8, v5;
	_ =	sdelay $0x1  }
0xf2: {  	v7 =	vadd.f32 v8, v7  }
0xf3: {  	s15 =	sor.u32 $0x30, s15  }
0xf4: {  	s14 =	sor.u32 s15, s14;
	[tilespmem:s17+$0x0] =	vst v7  }
0xf5: {  	v7 =	vld [tilespmem:s14+$0x500]  }
.Ltmp0:
0xf6: {  	v8 =	vld [tilespmem:s14+$0xC500];
	(pc) =	sbr.rel @p0 .LBB2_3-.Ltmp0, $2  }
0xf7: {  	_ =	sdelay $0x2  }
0xf8: {  	s16 =	sadd.s32 s15, s16;
	v7 =	vmul.f32 v7, v6  }
0xf9: {  	s5 =	sadd.s32 $0x1, s5  }
0xfa: {  	p0 =	sne.s32 s5, $0x10  }
.Ltmp1:
0xfb: {  	v5 =	vmul.f32 v8, v5;
	(pc) =	sbr.rel @p0 .LBB2_2-.Ltmp1, $3  }
0xfc: {  	_ = 	snop  }
0xfd: {  	v5 =	vadd.f32 v5, v7;
	_ =	sdelay $0x1  }
0xfe: {  	[tilespmem:s16+$0x0] =	vst v5  }
0xff: {  	s5 =	simm.s32 $0x0;
	s6 =	rddreg [dreg:$0x6]  }
0x100: {  	[hbm4b:s6+s5] =	stream.linear.scatter [tilespmem:s0], [sflag:$0x4], $0x4000, $0x38;
	[tilespmem:$0x1C500] =	vst v63  }
0x101: {  	_ =	swait.ge [sflag:s21], $0x4000  }
0x102: {  	[sflag:s21] =	ssyncset.done $0x0  }
0x103: {  	[sflag:s21] =	ssyncadd.s32 $0xFFFFC000  }
0x104: {  	_ =	swait.ge [sflag:s21], $0x4000  }
0x105: {  	[sflag:s21] =	ssyncset.done $0x0  }
0x106: {  	[sflag:s21] =	ssyncadd.s32 $0xFFFFC000  }
0x107: {  	v3 =	vld [tilespmem:$0x30];
	_ =	sdelay $0x4  }
0x108: {  	[tilespmem:$0x200] =	vst v3  }
0x109: {  	v3 =	vld [tilespmem:$0x200];
	_ =	sdelay $0x4  }
0x10a: {  	v4 =	vshll.u32 v3, $0x3  }
0x10b: {  	v3 =	vand.u32 $0x7, v3;
	v4 =	vand.u32 $0xFFFFFFC0, v4  }
0x10c: {  	v3 =	vor.u32 v3, v4  }
0x10d: {  	v4 =	vperm.xlane v3, v0  }
0x10e: {  	v5 =	vld [tilespmem:$0xB0]  }
0x10f: {  	v4 =	vadd.s32 v1, v4;
	_ =	sdelay $0x3  }
0x110: {  	s14 =	simm.s32 $0x500;
	[tilespmem:$0x380] =	vst v5  }
0x111: {  	[tilespmem:s14], [sflag:$0x1] =	stream.indirect_vreg.gather [hbm4b:s3+s5], $0x80, v4, vm0, $0xb8;
	[tilespmem:$0x1C500] =	vst v63  }
0x112: {  	s15 =	simm.s32 $0xD00;
	v3 =	vperm.xlane v3, v2  }
0x113: {  	[tilespmem:s15], [sflag:$0x1] =	stream.indirect_vreg.gather [hbm4b:s8+s5], $0x80, v4, vm0, $0xb8;
	[tilespmem:$0x1C500] =	vst v63  }
0x114: {  	s16 =	simm.s32 $0x1500;
	v3 =	vadd.s32 v1, v3  }
0x115: {  	[tilespmem:s16], [sflag:$0x1] =	stream.indirect_vreg.gather [hbm4b:s9+s5], $0x80, v4, vm0, $0xb8;
	[tilespmem:$0x1C500] =	vst v63  }
0x116: {  	s17 =	simm.s32 $0x1D00  }
0x117: {  	[tilespmem:s17], [sflag:$0x1] =	stream.indirect_vreg.gather [hbm4b:s10+s5], $0x80, v4, vm0, $0xb8;
	[tilespmem:$0x1C500] =	vst v63  }
0x118: {  	s18 =	simm.s32 $0x2500  }
0x119: {  	[tilespmem:s18], [sflag:$0x1] =	stream.indirect_vreg.gather [hbm4b:s3+s5], $0x80, v3, vm0, $0xb8;
	[tilespmem:$0x1C500] =	vst v63  }
0x11a: {  	s19 =	simm.s32 $0x2D00  }
0x11b: {  	[tilespmem:s19], [sflag:$0x1] =	stream.indirect_vreg.gather [hbm4b:s8+s5], $0x80, v3, vm0, $0xb8;
	[tilespmem:$0x1C500] =	vst v63  }
0x11c: {  	s7 =	simm.s32 $0x3500  }
0x11d: {  	[tilespmem:s7], [sflag:$0x1] =	stream.indirect_vreg.gather [hbm4b:s9+s5], $0x80, v3, vm0, $0xb8;
	[tilespmem:$0x1C500] =	vst v63  }
0x11e: {  	s11 =	simm.s32 $0x3D00  }
0x11f: {  	[tilespmem:s11], [sflag:$0x1] =	stream.indirect_vreg.gather [hbm4b:s10+s5], $0x80, v3, vm0, $0xb8;
	[tilespmem:$0x1C500] =	vst v63  }
0x120: {  	v3 =	vld [tilespmem:$0x380];
	_ =	sdelay $0x4  }
0x121: {  	v4 =	vshll.u32 v3, $0x3  }
0x122: {  	v3 =	vand.u32 $0x7, v3;
	v4 =	vand.u32 $0xFFFFFFC0, v4  }
0x123: {  	v3 =	vor.u32 v3, v4  }
0x124: {  	v4 =	vperm.xlane v3, v0;
	_ =	sdelay $0x1  }
0x125: {  	v4 =	vadd.s32 v1, v4;
	_ =	sdelay $0x3  }
0x126: {  	s12 =	simm.s32 $0xC500  }
0x127: {  	[tilespmem:s12], [sflag:$0x1] =	stream.indirect_vreg.gather [hbm4b:s3+s5], $0x80, v4, vm0, $0xb8;
	[tilespmem:$0x1C500] =	vst v63  }
0x128: {  	s13 =	simm.s32 $0xCD00;
	v3 =	vperm.xlane v3, v2  }
0x129: {  	[tilespmem:s13], [sflag:$0x1] =	stream.indirect_vreg.gather [hbm4b:s8+s5], $0x80, v4, vm0, $0xb8;
	[tilespmem:$0x1C500] =	vst v63  }
0x12a: {  	s14 =	simm.s32 $0xD500;
	v3 =	vadd.s32 v1, v3  }
0x12b: {  	[tilespmem:s14], [sflag:$0x1] =	stream.indirect_vreg.gather [hbm4b:s9+s5], $0x80, v4, vm0, $0xb8;
	[tilespmem:$0x1C500] =	vst v63  }
0x12c: {  	s15 =	simm.s32 $0xDD00  }
0x12d: {  	[tilespmem:s15], [sflag:$0x1] =	stream.indirect_vreg.gather [hbm4b:s10+s5], $0x80, v4, vm0, $0xb8;
	[tilespmem:$0x1C500] =	vst v63  }
0x12e: {  	s16 =	simm.s32 $0xE500  }
0x12f: {  	[tilespmem:s16], [sflag:$0x1] =	stream.indirect_vreg.gather [hbm4b:s3+s5], $0x80, v3, vm0, $0xb8;
	[tilespmem:$0x1C500] =	vst v63  }
0x130: {  	s17 =	simm.s32 $0xED00  }
0x131: {  	[tilespmem:s17], [sflag:$0x1] =	stream.indirect_vreg.gather [hbm4b:s8+s5], $0x80, v3, vm0, $0xb8;
	[tilespmem:$0x1C500] =	vst v63  }
0x132: {  	s18 =	simm.s32 $0xF500  }
0x133: {  	[tilespmem:s18], [sflag:$0x1] =	stream.indirect_vreg.gather [hbm4b:s9+s5], $0x80, v3, vm0, $0xb8;
	[tilespmem:$0x1C500] =	vst v63  }
0x134: {  	s19 =	simm.s32 $0xFD00  }
0x135: {  	[tilespmem:s19], [sflag:$0x1] =	stream.indirect_vreg.gather [hbm4b:s10+s5], $0x80, v3, vm0, $0xb8;
	[tilespmem:$0x1C500] =	vst v63  }
0x136: {  	_ =	swait.ge [sflag:s22], $0x4000  }
0x137: {  	[sflag:s22] =	ssyncset.done $0x0  }
0x138: {  	[sflag:s22] =	ssyncadd.s32 $0xFFFFC000  }
0x139: {  	v3 =	vld [tilespmem:$0x110]  }
0x13a: {  	s6 =	simm.s32 $0x0;
	v4 =	vld [tilespmem:$0x190]  }
.LBB2_6:
0x13b: {  	s12 =	sshll.u32 s6, $0xA;
	s7 =	sshll.u32 s6, $0x7  }
0x13c: {  	s13 =	sand.u32 $0x2000, s12;
	s7 =	sand.u32 $0x380, s7  }
0x13d: {  	s16 =	sand.u32 $0x1C00, s5;
	s7 =	sor.u32 s13, s7  }
0x13e: {  	s14 =	sand.u32 $0x40, s5;
	s13 =	sor.u32 s16, s7  }
0x13f: {  	s15 =	sor.u32 s14, s13  }
0x140: {  	v5 =	vmov s6;
	v7 =	vld [tilespmem:s15+$0x4500]  }
0x141: {  	v5 =	vand.u32 $0xF, v5;
	v8 =	vld [tilespmem:s15+$0x10500]  }
0x142: {  	v5 =	vbroadcast v5, $0x0;
	_ =	sdelay $0x1  }
0x143: {  	v6 =	vperm.xlane v3, v5;
	v5 =	vperm.xlane v4, v5;
	_ =	sdelay $0x1  }
0x144: {  	v7 =	vmul.f32 v7, v6;
	v8 =	vmul.f32 v8, v5  }
0x145: {  	s17 =	sand.u32 $0x380, s5;
	s12 =	sadd.s32 $0x18500, s12  }
0x146: {  	s15 =	sadd.s32 s17, s12;
	v7 =	vadd.f32 v8, v7  }
0x147: {  	s16 =	sor.u32 $0x10, s14;
	s17 =	sadd.s32 s14, s15  }
0x148: {  	s18 =	sor.u32 s16, s13;
	[tilespmem:s17+$0x0] =	vst v7  }
0x149: {  	v7 =	vld [tilespmem:s18+$0x4500]  }
0x14a: {  	v8 =	vld [tilespmem:s18+$0x10500];
	_ =	sdelay $0x4  }
0x14b: {  	v7 =	vmul.f32 v7, v6;
	v8 =	vmul.f32 v8, v5;
	_ =	sdelay $0x1  }
0x14c: {  	v7 =	vadd.f32 v8, v7  }
0x14d: {  	s19 =	sor.u32 $0x20, s14;
	s16 =	sadd.s32 s16, s15  }
0x14e: {  	s11 =	sor.u32 s19, s13;
	[tilespmem:s16+$0x0] =	vst v7  }
0x14f: {  	v7 =	vld [tilespmem:s11+$0x4500]  }
0x150: {  	v8 =	vld [tilespmem:s11+$0x10500];
	_ =	sdelay $0x4  }
0x151: {  	v7 =	vmul.f32 v7, v6;
	v8 =	vmul.f32 v8, v5;
	_ =	sdelay $0x1  }
0x152: {  	v7 =	vadd.f32 v8, v7  }
0x153: {  	s14 =	sor.u32 $0x30, s14;
	s18 =	sadd.s32 s19, s15  }
0x154: {  	s19 =	sor.u32 s14, s13;
	[tilespmem:s18+$0x0] =	vst v7  }
0x155: {  	v7 =	vld [tilespmem:s19+$0x4500];
	_ =	sdelay $0x1  }
0x156: {  	v8 =	vld [tilespmem:s19+$0x10500];
	_ =	sdelay $0x2  }
0x157: {  	s17 =	sadd.s32 s14, s15;
	s13 =	simm.s32 $0x40;
	s14 =	simm.s32 $0x0;
	v7 =	vmul.f32 v7, v6  }
.LBB2_7:
0x158: {  	p0 =	sne.s32 s13, $0x3C0  }
0x159: {  	v8 =	vmul.f32 v8, v5;
	s14 =	sadd.s32 $0x200, s14;
	s18 =	smov.u32 s13;
	s13 =	sadd.s32 $0x40, s13  }
0x15a: {  	_ = 	snop  }
0x15b: {  	s15 =	sand.u32 $0x1C00, s14;
	v7 =	vadd.f32 v8, v7  }
0x15c: {  	s16 =	sand.u32 $0x40, s18;
	s15 =	sor.u32 s15, s7  }
0x15d: {  	s11 =	sor.u32 $0x10, s16;
	s19 =	sor.u32 s16, s15;
	[tilespmem:s17+$0x0] =	vst v7  }
0x15e: {  	v7 =	vld [tilespmem:s19+$0x4500]  }
0x15f: {  	v8 =	vld [tilespmem:s19+$0x10500];
	_ =	sdelay $0x3  }
0x160: {  	v7 =	vmul.f32 v7, v6  }
0x161: {  	s17 =	sand.u32 $0x380, s18;
	v8 =	vmul.f32 v8, v5  }
0x162: {  	s17 =	sadd.s32 s17, s12  }
0x163: {  	s18 =	sadd.s32 s16, s17;
	s19 =	sadd.s32 s11, s17;
	v7 =	vadd.f32 v8, v7;
	_ =	sdelay $0x1  }
0x164: {  	s11 =	sor.u32 s11, s15;
	[tilespmem:s18+$0x0] =	vst v7  }
0x165: {  	v7 =	vld [tilespmem:s11+$0x4500]  }
0x166: {  	v8 =	vld [tilespmem:s11+$0x10500];
	_ =	sdelay $0x3  }
0x167: {  	v7 =	vmul.f32 v7, v6  }
0x168: {  	v8 =	vmul.f32 v8, v5;
	_ =	sdelay $0x1  }
0x169: {  	v7 =	vadd.f32 v8, v7  }
0x16a: {  	s11 =	sor.u32 $0x20, s16  }
0x16b: {  	s18 =	sor.u32 s11, s15;
	[tilespmem:s19+$0x0] =	vst v7  }
0x16c: {  	v7 =	vld [tilespmem:s18+$0x4500]  }
0x16d: {  	v8 =	vld [tilespmem:s18+$0x10500];
	_ =	sdelay $0x3  }
0x16e: {  	v7 =	vmul.f32 v7, v6  }
0x16f: {  	s11 =	sadd.s32 s11, s17;
	v8 =	vmul.f32 v8, v5;
	_ =	sdelay $0x1  }
0x170: {  	v7 =	vadd.f32 v8, v7  }
0x171: {  	s16 =	sor.u32 $0x30, s16  }
0x172: {  	[tilespmem:s11+$0x0] =	vst v7;
	s11 =	sor.u32 s16, s15  }
0x173: {  	v7 =	vld [tilespmem:s11+$0x4500]  }
.Ltmp2:
0x174: {  	v8 =	vld [tilespmem:s11+$0x10500];
	(pc) =	sbr.rel @p0 .LBB2_7-.Ltmp2, $2  }
0x175: {  	_ =	sdelay $0x2  }
0x176: {  	s17 =	sadd.s32 s16, s17;
	v7 =	vmul.f32 v7, v6  }
0x177: {  	s6 =	sadd.s32 $0x1, s6  }
0x178: {  	p0 =	sne.s32 s6, $0x10  }
.Ltmp3:
0x179: {  	v5 =	vmul.f32 v8, v5;
	(pc) =	sbr.rel @p0 .LBB2_6-.Ltmp3, $3  }
0x17a: {  	_ = 	snop  }
0x17b: {  	v5 =	vadd.f32 v5, v7;
	_ =	sdelay $0x1  }
0x17c: {  	[tilespmem:s17+$0x0] =	vst v5  }
0x17d: {  	s5 =	simm.s32 $0x0;
	s6 =	rddreg [dreg:$0x7]  }
0x17e: {  	[hbm4b:s6+s5] =	stream.linear.scatter [tilespmem:s0], [sflag:$0x4], $0x4000, $0x38;
	[tilespmem:$0x1C500] =	vst v63  }
0x17f: {  	_ =	swait.ge [sflag:s23], $0x4000  }
0x180: {  	[sflag:s23] =	ssyncset.done $0x0  }
0x181: {  	[sflag:s23] =	ssyncadd.s32 $0xFFFFC000  }
0x182: {  	_ =	swait.ge [sflag:s23], $0x4000  }
0x183: {  	[sflag:s23] =	ssyncset.done $0x0  }
0x184: {  	[sflag:s23] =	ssyncadd.s32 $0xFFFFC000  }
0x185: {  	v3 =	vld [tilespmem:$0x40];
	_ =	sdelay $0x4  }
0x186: {  	[tilespmem:$0x280] =	vst v3  }
0x187: {  	v3 =	vld [tilespmem:$0x280];
	_ =	sdelay $0x4  }
0x188: {  	v4 =	vshll.u32 v3, $0x3  }
0x189: {  	v3 =	vand.u32 $0x7, v3;
	v4 =	vand.u32 $0xFFFFFFC0, v4  }
0x18a: {  	v3 =	vor.u32 v3, v4  }
0x18b: {  	v4 =	vperm.xlane v3, v0  }
0x18c: {  	v5 =	vld [tilespmem:$0xC0]  }
0x18d: {  	v4 =	vadd.s32 v1, v4;
	_ =	sdelay $0x3  }
0x18e: {  	s11 =	simm.s32 $0x4500;
	[tilespmem:$0x400] =	vst v5  }
0x18f: {  	[tilespmem:s11], [sflag:$0x2] =	stream.indirect_vreg.gather [hbm4b:s3+s5], $0x80, v4, vm0, $0xb8;
	[tilespmem:$0x1C500] =	vst v63  }
0x190: {  	s12 =	simm.s32 $0x4D00;
	v3 =	vperm.xlane v3, v2  }
0x191: {  	[tilespmem:s12], [sflag:$0x2] =	stream.indirect_vreg.gather [hbm4b:s8+s5], $0x80, v4, vm0, $0xb8;
	[tilespmem:$0x1C500] =	vst v63  }
0x192: {  	s13 =	simm.s32 $0x5500;
	v3 =	vadd.s32 v1, v3  }
0x193: {  	[tilespmem:s13], [sflag:$0x2] =	stream.indirect_vreg.gather [hbm4b:s9+s5], $0x80, v4, vm0, $0xb8;
	[tilespmem:$0x1C500] =	vst v63  }
0x194: {  	s14 =	simm.s32 $0x5D00  }
0x195: {  	[tilespmem:s14], [sflag:$0x2] =	stream.indirect_vreg.gather [hbm4b:s10+s5], $0x80, v4, vm0, $0xb8;
	[tilespmem:$0x1C500] =	vst v63  }
0x196: {  	s15 =	simm.s32 $0x6500  }
0x197: {  	[tilespmem:s15], [sflag:$0x2] =	stream.indirect_vreg.gather [hbm4b:s3+s5], $0x80, v3, vm0, $0xb8;
	[tilespmem:$0x1C500] =	vst v63  }
0x198: {  	s16 =	simm.s32 $0x6D00  }
0x199: {  	[tilespmem:s16], [sflag:$0x2] =	stream.indirect_vreg.gather [hbm4b:s8+s5], $0x80, v3, vm0, $0xb8;
	[tilespmem:$0x1C500] =	vst v63  }
0x19a: {  	s17 =	simm.s32 $0x7500  }
0x19b: {  	[tilespmem:s17], [sflag:$0x2] =	stream.indirect_vreg.gather [hbm4b:s9+s5], $0x80, v3, vm0, $0xb8;
	[tilespmem:$0x1C500] =	vst v63  }
0x19c: {  	s18 =	simm.s32 $0x7D00  }
0x19d: {  	[tilespmem:s18], [sflag:$0x2] =	stream.indirect_vreg.gather [hbm4b:s10+s5], $0x80, v3, vm0, $0xb8;
	[tilespmem:$0x1C500] =	vst v63  }
0x19e: {  	v3 =	vld [tilespmem:$0x400];
	_ =	sdelay $0x4  }
0x19f: {  	v4 =	vshll.u32 v3, $0x3  }
0x1a0: {  	v3 =	vand.u32 $0x7, v3;
	v4 =	vand.u32 $0xFFFFFFC0, v4  }
0x1a1: {  	v3 =	vor.u32 v3, v4  }
0x1a2: {  	v4 =	vperm.xlane v3, v0;
	_ =	sdelay $0x1  }
0x1a3: {  	v4 =	vadd.s32 v1, v4;
	_ =	sdelay $0x3  }
0x1a4: {  	s19 =	simm.s32 $0x10500  }
0x1a5: {  	[tilespmem:s19], [sflag:$0x2] =	stream.indirect_vreg.gather [hbm4b:s3+s5], $0x80, v4, vm0, $0xb8;
	[tilespmem:$0x1C500] =	vst v63  }
0x1a6: {  	v3 =	vperm.xlane v3, v2  }
0x1a7: {  	[tilespmem:s24], [sflag:$0x2] =	stream.indirect_vreg.gather [hbm4b:s8+s5], $0x80, v4, vm0, $0xb8;
	[tilespmem:$0x1C500] =	vst v63  }
0x1a8: {  	v3 =	vadd.s32 v1, v3  }
0x1a9: {  	[tilespmem:s25], [sflag:$0x2] =	stream.indirect_vreg.gather [hbm4b:s9+s5], $0x80, v4, vm0, $0xb8;
	[tilespmem:$0x1C500] =	vst v63  }
0x1aa: {  	_ = 	snop  }
0x1ab: {  	[tilespmem:s26], [sflag:$0x2] =	stream.indirect_vreg.gather [hbm4b:s10+s5], $0x80, v4, vm0, $0xb8;
	[tilespmem:$0x1C500] =	vst v63  }
0x1ac: {  	_ = 	snop  }
0x1ad: {  	[tilespmem:s28], [sflag:$0x2] =	stream.indirect_vreg.gather [hbm4b:s3+s5], $0x80, v3, vm0, $0xb8;
	[tilespmem:$0x1C500] =	vst v63  }
0x1ae: {  	_ = 	snop  }
0x1af: {  	[tilespmem:s29], [sflag:$0x2] =	stream.indirect_vreg.gather [hbm4b:s8+s5], $0x80, v3, vm0, $0xb8;
	[tilespmem:$0x1C500] =	vst v63  }
0x1b0: {  	_ = 	snop  }
0x1b1: {  	[tilespmem:s30], [sflag:$0x2] =	stream.indirect_vreg.gather [hbm4b:s9+s5], $0x80, v3, vm0, $0xb8;
	[tilespmem:$0x1C500] =	vst v63  }
0x1b2: {  	_ = 	snop  }
0x1b3: {  	[tilespmem:s31], [sflag:$0x2] =	stream.indirect_vreg.gather [hbm4b:s10+s5], $0x80, v3, vm0, $0xb8;
	[tilespmem:$0x1C500] =	vst v63  }
0x1b4: {  	_ =	swait.ge [sflag:s22], $0x4000  }
0x1b5: {  	[sflag:s22] =	ssyncset.done $0x0  }
0x1b6: {  	[sflag:s22] =	ssyncadd.s32 $0xFFFFC000  }
0x1b7: {  	v3 =	vld [tilespmem:$0x120]  }
0x1b8: {  	s6 =	simm.s32 $0x0;
	v4 =	vld [tilespmem:$0x1A0]  }
.LBB2_10:
0x1b9: {  	s11 =	sshll.u32 s6, $0xA;
	s7 =	sshll.u32 s6, $0x7  }
0x1ba: {  	s12 =	sand.u32 $0x2000, s11;
	s7 =	sand.u32 $0x380, s7  }
0x1bb: {  	s16 =	sand.u32 $0x1C00, s5;
	s7 =	sor.u32 s12, s7  }
0x1bc: {  	s13 =	sand.u32 $0x40, s5;
	s14 =	sor.u32 s16, s7  }
0x1bd: {  	s12 =	sor.u32 s13, s14  }
0x1be: {  	v5 =	vmov s6;
	v7 =	vld [tilespmem:s12+$0x8500]  }
0x1bf: {  	v5 =	vand.u32 $0xF, v5;
	v8 =	vld [tilespmem:s12+$0x14500]  }
0x1c0: {  	v5 =	vbroadcast v5, $0x0;
	_ =	sdelay $0x1  }
0x1c1: {  	v6 =	vperm.xlane v3, v5;
	v5 =	vperm.xlane v4, v5;
	_ =	sdelay $0x1  }
0x1c2: {  	v7 =	vmul.f32 v7, v6;
	v8 =	vmul.f32 v8, v5  }
0x1c3: {  	s17 =	sand.u32 $0x380, s5;
	s12 =	sadd.s32 $0x18500, s11  }
0x1c4: {  	s11 =	sadd.s32 s17, s12;
	v7 =	vadd.f32 v8, v7  }
0x1c5: {  	s15 =	sor.u32 $0x10, s13;
	s16 =	sadd.s32 s13, s11  }
0x1c6: {  	s18 =	sor.u32 s15, s14;
	[tilespmem:s16+$0x0] =	vst v7  }
0x1c7: {  	v7 =	vld [tilespmem:s18+$0x8500]  }
0x1c8: {  	v8 =	vld [tilespmem:s18+$0x14500];
	_ =	sdelay $0x4  }
0x1c9: {  	v7 =	vmul.f32 v7, v6;
	v8 =	vmul.f32 v8, v5;
	_ =	sdelay $0x1  }
0x1ca: {  	v7 =	vadd.f32 v8, v7  }
0x1cb: {  	s19 =	sor.u32 $0x20, s13;
	s15 =	sadd.s32 s15, s11  }
0x1cc: {  	s17 =	sor.u32 s19, s14;
	[tilespmem:s15+$0x0] =	vst v7  }
0x1cd: {  	v7 =	vld [tilespmem:s17+$0x8500]  }
0x1ce: {  	v8 =	vld [tilespmem:s17+$0x14500];
	_ =	sdelay $0x4  }
0x1cf: {  	v7 =	vmul.f32 v7, v6;
	v8 =	vmul.f32 v8, v5;
	_ =	sdelay $0x1  }
0x1d0: {  	v7 =	vadd.f32 v8, v7  }
0x1d1: {  	s18 =	sadd.s32 s19, s11;
	s19 =	sor.u32 $0x30, s13  }
0x1d2: {  	s14 =	sor.u32 s19, s14;
	[tilespmem:s18+$0x0] =	vst v7  }
0x1d3: {  	v7 =	vld [tilespmem:s14+$0x8500];
	_ =	sdelay $0x1  }
0x1d4: {  	v8 =	vld [tilespmem:s14+$0x14500];
	_ =	sdelay $0x2  }
0x1d5: {  	s13 =	simm.s32 $0x40;
	s17 =	sadd.s32 s19, s11;
	s14 =	simm.s32 $0x0;
	v7 =	vmul.f32 v7, v6  }
.LBB2_11:
0x1d6: {  	p0 =	sne.s32 s13, $0x3C0  }
0x1d7: {  	v8 =	vmul.f32 v8, v5;
	s14 =	sadd.s32 $0x200, s14;
	s11 =	smov.u32 s13;
	s13 =	sadd.s32 $0x40, s13  }
0x1d8: {  	_ = 	snop  }
0x1d9: {  	s15 =	sand.u32 $0x1C00, s14;
	v7 =	vadd.f32 v8, v7  }
0x1da: {  	s16 =	sand.u32 $0x40, s11;
	s15 =	sor.u32 s15, s7  }
0x1db: {  	s19 =	sor.u32 $0x10, s16;
	s18 =	sor.u32 s16, s15;
	[tilespmem:s17+$0x0] =	vst v7  }
0x1dc: {  	v7 =	vld [tilespmem:s18+$0x8500]  }
0x1dd: {  	v8 =	vld [tilespmem:s18+$0x14500];
	_ =	sdelay $0x3  }
0x1de: {  	v7 =	vmul.f32 v7, v6  }
0x1df: {  	s11 =	sand.u32 $0x380, s11;
	v8 =	vmul.f32 v8, v5  }
0x1e0: {  	s11 =	sadd.s32 s11, s12  }
0x1e1: {  	s17 =	sadd.s32 s16, s11;
	s18 =	sadd.s32 s19, s11;
	v7 =	vadd.f32 v8, v7;
	_ =	sdelay $0x1  }
0x1e2: {  	[tilespmem:s17+$0x0] =	vst v7;
	s17 =	sor.u32 s19, s15  }
0x1e3: {  	v7 =	vld [tilespmem:s17+$0x8500]  }
0x1e4: {  	v8 =	vld [tilespmem:s17+$0x14500];
	_ =	sdelay $0x3  }
0x1e5: {  	v7 =	vmul.f32 v7, v6  }
0x1e6: {  	v8 =	vmul.f32 v8, v5;
	_ =	sdelay $0x1  }
0x1e7: {  	v7 =	vadd.f32 v8, v7  }
0x1e8: {  	s17 =	sor.u32 $0x20, s16  }
0x1e9: {  	[tilespmem:s18+$0x0] =	vst v7;
	s18 =	sor.u32 s17, s15  }
0x1ea: {  	v7 =	vld [tilespmem:s18+$0x8500]  }
0x1eb: {  	v8 =	vld [tilespmem:s18+$0x14500];
	_ =	sdelay $0x3  }
0x1ec: {  	v7 =	vmul.f32 v7, v6  }
0x1ed: {  	s17 =	sadd.s32 s17, s11;
	v8 =	vmul.f32 v8, v5;
	_ =	sdelay $0x1  }
0x1ee: {  	v7 =	vadd.f32 v8, v7  }
0x1ef: {  	s16 =	sor.u32 $0x30, s16  }
0x1f0: {  	s15 =	sor.u32 s16, s15;
	[tilespmem:s17+$0x0] =	vst v7  }
0x1f1: {  	v7 =	vld [tilespmem:s15+$0x8500]  }
.Ltmp4:
0x1f2: {  	v8 =	vld [tilespmem:s15+$0x14500];
	(pc) =	sbr.rel @p0 .LBB2_11-.Ltmp4, $2  }
0x1f3: {  	_ =	sdelay $0x2  }
0x1f4: {  	s17 =	sadd.s32 s16, s11;
	v7 =	vmul.f32 v7, v6  }
0x1f5: {  	s6 =	sadd.s32 $0x1, s6  }
0x1f6: {  	p0 =	sne.s32 s6, $0x10  }
.Ltmp5:
0x1f7: {  	v5 =	vmul.f32 v8, v5;
	(pc) =	sbr.rel @p0 .LBB2_10-.Ltmp5, $3  }
0x1f8: {  	_ = 	snop  }
0x1f9: {  	v5 =	vadd.f32 v5, v7;
	_ =	sdelay $0x1  }
0x1fa: {  	[tilespmem:s17+$0x0] =	vst v5  }
0x1fb: {  	s5 =	simm.s32 $0x0;
	s6 =	rddreg [dreg:$0x8]  }
0x1fc: {  	[hbm4b:s6+s5] =	stream.linear.scatter [tilespmem:s0], [sflag:$0x4], $0x4000, $0x38;
	[tilespmem:$0x1C500] =	vst v63  }
0x1fd: {  	_ =	swait.ge [sflag:s1], $0x4000  }
0x1fe: {  	[sflag:s1] =	ssyncset.done $0x0  }
0x1ff: {  	[sflag:s1] =	ssyncadd.s32 $0xFFFFC000  }
0x200: {  	_ =	swait.ge [sflag:s1], $0x4000  }
0x201: {  	[sflag:s1] =	ssyncset.done $0x0  }
0x202: {  	[sflag:s1] =	ssyncadd.s32 $0xFFFFC000  }
0x203: {  	v3 =	vld [tilespmem:$0x50];
	_ =	sdelay $0x4  }
0x204: {  	[tilespmem:$0x300] =	vst v3  }
0x205: {  	v3 =	vld [tilespmem:$0x300];
	_ =	sdelay $0x4  }
0x206: {  	v4 =	vshll.u32 v3, $0x3  }
0x207: {  	v3 =	vand.u32 $0x7, v3;
	v4 =	vand.u32 $0xFFFFFFC0, v4  }
0x208: {  	v3 =	vor.u32 v3, v4  }
0x209: {  	v4 =	vperm.xlane v3, v0  }
0x20a: {  	v5 =	vld [tilespmem:$0xD0]  }
0x20b: {  	v4 =	vadd.s32 v1, v4;
	_ =	sdelay $0x3  }
0x20c: {  	s14 =	simm.s32 $0x8500;
	[tilespmem:$0x480] =	vst v5  }
0x20d: {  	[tilespmem:s14], [sflag:$0x3] =	stream.indirect_vreg.gather [hbm4b:s3+s5], $0x80, v4, vm0, $0xb8;
	[tilespmem:$0x1C500] =	vst v63  }
0x20e: {  	s15 =	simm.s32 $0x8D00;
	v3 =	vperm.xlane v3, v2  }
0x20f: {  	[tilespmem:s15], [sflag:$0x3] =	stream.indirect_vreg.gather [hbm4b:s8+s5], $0x80, v4, vm0, $0xb8;
	[tilespmem:$0x1C500] =	vst v63  }
0x210: {  	s16 =	simm.s32 $0x9500;
	v3 =	vadd.s32 v1, v3  }
0x211: {  	[tilespmem:s16], [sflag:$0x3] =	stream.indirect_vreg.gather [hbm4b:s9+s5], $0x80, v4, vm0, $0xb8;
	[tilespmem:$0x1C500] =	vst v63  }
0x212: {  	s17 =	simm.s32 $0x9D00  }
0x213: {  	[tilespmem:s17], [sflag:$0x3] =	stream.indirect_vreg.gather [hbm4b:s10+s5], $0x80, v4, vm0, $0xb8;
	[tilespmem:$0x1C500] =	vst v63  }
0x214: {  	s18 =	simm.s32 $0xA500  }
0x215: {  	[tilespmem:s18], [sflag:$0x3] =	stream.indirect_vreg.gather [hbm4b:s3+s5], $0x80, v3, vm0, $0xb8;
	[tilespmem:$0x1C500] =	vst v63  }
0x216: {  	s19 =	simm.s32 $0xAD00  }
0x217: {  	[tilespmem:s19], [sflag:$0x3] =	stream.indirect_vreg.gather [hbm4b:s8+s5], $0x80, v3, vm0, $0xb8;
	[tilespmem:$0x1C500] =	vst v63  }
0x218: {  	s7 =	simm.s32 $0xB500  }
0x219: {  	[tilespmem:s7], [sflag:$0x3] =	stream.indirect_vreg.gather [hbm4b:s9+s5], $0x80, v3, vm0, $0xb8;
	[tilespmem:$0x1C500] =	vst v63  }
0x21a: {  	s11 =	simm.s32 $0xBD00  }
0x21b: {  	[tilespmem:s11], [sflag:$0x3] =	stream.indirect_vreg.gather [hbm4b:s10+s5], $0x80, v3, vm0, $0xb8;
	[tilespmem:$0x1C500] =	vst v63  }
0x21c: {  	v3 =	vld [tilespmem:$0x480];
	_ =	sdelay $0x4  }
0x21d: {  	v4 =	vshll.u32 v3, $0x3  }
0x21e: {  	v3 =	vand.u32 $0x7, v3;
	v4 =	vand.u32 $0xFFFFFFC0, v4  }
0x21f: {  	v3 =	vor.u32 v3, v4  }
0x220: {  	v4 =	vperm.xlane v3, v0;
	_ =	sdelay $0x1  }
0x221: {  	v4 =	vadd.s32 v1, v4;
	_ =	sdelay $0x3  }
0x222: {  	s12 =	simm.s32 $0x14500  }
0x223: {  	[tilespmem:s12], [sflag:$0x3] =	stream.indirect_vreg.gather [hbm4b:s3+s5], $0x80, v4, vm0, $0xb8;
	[tilespmem:$0x1C500] =	vst v63  }
0x224: {  	s13 =	simm.s32 $0x14D00;
	v3 =	vperm.xlane v3, v2  }
0x225: {  	[tilespmem:s13], [sflag:$0x3] =	stream.indirect_vreg.gather [hbm4b:s8+s5], $0x80, v4, vm0, $0xb8;
	[tilespmem:$0x1C500] =	vst v63  }
0x226: {  	s14 =	simm.s32 $0x15500;
	v3 =	vadd.s32 v1, v3  }
0x227: {  	[tilespmem:s14], [sflag:$0x3] =	stream.indirect_vreg.gather [hbm4b:s9+s5], $0x80, v4, vm0, $0xb8;
	[tilespmem:$0x1C500] =	vst v63  }
0x228: {  	s15 =	simm.s32 $0x15D00  }
0x229: {  	[tilespmem:s15], [sflag:$0x3] =	stream.indirect_vreg.gather [hbm4b:s10+s5], $0x80, v4, vm0, $0xb8;
	[tilespmem:$0x1C500] =	vst v63  }
0x22a: {  	s16 =	simm.s32 $0x16500  }
0x22b: {  	[tilespmem:s16], [sflag:$0x3] =	stream.indirect_vreg.gather [hbm4b:s3+s5], $0x80, v3, vm0, $0xb8;
	[tilespmem:$0x1C500] =	vst v63  }
0x22c: {  	s17 =	simm.s32 $0x16D00  }
0x22d: {  	[tilespmem:s17], [sflag:$0x3] =	stream.indirect_vreg.gather [hbm4b:s8+s5], $0x80, v3, vm0, $0xb8;
	[tilespmem:$0x1C500] =	vst v63  }
0x22e: {  	s18 =	simm.s32 $0x17500  }
0x22f: {  	[tilespmem:s18], [sflag:$0x3] =	stream.indirect_vreg.gather [hbm4b:s9+s5], $0x80, v3, vm0, $0xb8;
	[tilespmem:$0x1C500] =	vst v63  }
0x230: {  	s19 =	simm.s32 $0x17D00  }
0x231: {  	[tilespmem:s19], [sflag:$0x3] =	stream.indirect_vreg.gather [hbm4b:s10+s5], $0x80, v3, vm0, $0xb8;
	[tilespmem:$0x1C500] =	vst v63  }
0x232: {  	_ =	swait.ge [sflag:s22], $0x4000  }
0x233: {  	[sflag:s22] =	ssyncset.done $0x0  }
0x234: {  	[sflag:s22] =	ssyncadd.s32 $0xFFFFC000  }
0x235: {  	v3 =	vld [tilespmem:$0x130]  }
0x236: {  	s6 =	simm.s32 $0x0;
	v4 =	vld [tilespmem:$0x1B0]  }
.LBB2_14:
0x237: {  	s11 =	sshll.u32 s6, $0xA;
	s7 =	sshll.u32 s6, $0x7  }
0x238: {  	s12 =	sand.u32 $0x2000, s11;
	s7 =	sand.u32 $0x380, s7  }
0x239: {  	s16 =	sand.u32 $0x1C00, s5;
	s7 =	sor.u32 s12, s7  }
0x23a: {  	s13 =	sand.u32 $0x40, s5;
	s14 =	sor.u32 s16, s7  }
0x23b: {  	s12 =	sor.u32 s13, s14  }
0x23c: {  	v5 =	vmov s6;
	v7 =	vld [tilespmem:s12+$0x500]  }
0x23d: {  	v5 =	vand.u32 $0xF, v5;
	v8 =	vld [tilespmem:s12+$0xC500]  }
0x23e: {  	v5 =	vbroadcast v5, $0x0;
	_ =	sdelay $0x1  }
0x23f: {  	v6 =	vperm.xlane v3, v5;
	v5 =	vperm.xlane v4, v5;
	_ =	sdelay $0x1  }
0x240: {  	v7 =	vmul.f32 v7, v6;
	v8 =	vmul.f32 v8, v5  }
0x241: {  	s17 =	sand.u32 $0x380, s5;
	s12 =	sadd.s32 $0x18500, s11  }
0x242: {  	s11 =	sadd.s32 s17, s12;
	v7 =	vadd.f32 v8, v7  }
0x243: {  	s15 =	sor.u32 $0x10, s13;
	s16 =	sadd.s32 s13, s11  }
0x244: {  	s18 =	sor.u32 s15, s14;
	[tilespmem:s16+$0x0] =	vst v7  }
0x245: {  	v7 =	vld [tilespmem:s18+$0x500]  }
0x246: {  	v8 =	vld [tilespmem:s18+$0xC500];
	_ =	sdelay $0x4  }
0x247: {  	v7 =	vmul.f32 v7, v6;
	v8 =	vmul.f32 v8, v5;
	_ =	sdelay $0x1  }
0x248: {  	v7 =	vadd.f32 v8, v7  }
0x249: {  	s19 =	sor.u32 $0x20, s13;
	s15 =	sadd.s32 s15, s11  }
0x24a: {  	s17 =	sor.u32 s19, s14;
	[tilespmem:s15+$0x0] =	vst v7  }
0x24b: {  	v7 =	vld [tilespmem:s17+$0x500]  }
0x24c: {  	v8 =	vld [tilespmem:s17+$0xC500];
	_ =	sdelay $0x4  }
0x24d: {  	v7 =	vmul.f32 v7, v6;
	v8 =	vmul.f32 v8, v5;
	_ =	sdelay $0x1  }
0x24e: {  	v7 =	vadd.f32 v8, v7  }
0x24f: {  	s18 =	sadd.s32 s19, s11;
	s19 =	sor.u32 $0x30, s13  }
0x250: {  	s14 =	sor.u32 s19, s14;
	[tilespmem:s18+$0x0] =	vst v7  }
0x251: {  	v7 =	vld [tilespmem:s14+$0x500];
	_ =	sdelay $0x1  }
0x252: {  	v8 =	vld [tilespmem:s14+$0xC500];
	_ =	sdelay $0x2  }
0x253: {  	s13 =	simm.s32 $0x40;
	s17 =	sadd.s32 s19, s11;
	s14 =	simm.s32 $0x0;
	v7 =	vmul.f32 v7, v6  }
.LBB2_15:
0x254: {  	p0 =	sne.s32 s13, $0x3C0  }
0x255: {  	v8 =	vmul.f32 v8, v5;
	s14 =	sadd.s32 $0x200, s14;
	s11 =	smov.u32 s13;
	s13 =	sadd.s32 $0x40, s13  }
0x256: {  	_ = 	snop  }
0x257: {  	s15 =	sand.u32 $0x1C00, s14;
	v7 =	vadd.f32 v8, v7  }
0x258: {  	s16 =	sand.u32 $0x40, s11;
	s15 =	sor.u32 s15, s7  }
0x259: {  	s19 =	sor.u32 $0x10, s16;
	s18 =	sor.u32 s16, s15;
	[tilespmem:s17+$0x0] =	vst v7  }
0x25a: {  	v7 =	vld [tilespmem:s18+$0x500]  }
0x25b: {  	v8 =	vld [tilespmem:s18+$0xC500];
	_ =	sdelay $0x3  }
0x25c: {  	v7 =	vmul.f32 v7, v6  }
0x25d: {  	s11 =	sand.u32 $0x380, s11;
	v8 =	vmul.f32 v8, v5  }
0x25e: {  	s11 =	sadd.s32 s11, s12  }
0x25f: {  	s17 =	sadd.s32 s16, s11;
	s18 =	sadd.s32 s19, s11;
	v7 =	vadd.f32 v8, v7;
	_ =	sdelay $0x1  }
0x260: {  	[tilespmem:s17+$0x0] =	vst v7;
	s17 =	sor.u32 s19, s15  }
0x261: {  	v7 =	vld [tilespmem:s17+$0x500]  }
0x262: {  	v8 =	vld [tilespmem:s17+$0xC500];
	_ =	sdelay $0x3  }
0x263: {  	v7 =	vmul.f32 v7, v6  }
0x264: {  	v8 =	vmul.f32 v8, v5;
	_ =	sdelay $0x1  }
0x265: {  	v7 =	vadd.f32 v8, v7  }
0x266: {  	s17 =	sor.u32 $0x20, s16  }
0x267: {  	[tilespmem:s18+$0x0] =	vst v7;
	s18 =	sor.u32 s17, s15  }
0x268: {  	v7 =	vld [tilespmem:s18+$0x500]  }
0x269: {  	v8 =	vld [tilespmem:s18+$0xC500];
	_ =	sdelay $0x3  }
0x26a: {  	v7 =	vmul.f32 v7, v6  }
0x26b: {  	s17 =	sadd.s32 s17, s11;
	v8 =	vmul.f32 v8, v5;
	_ =	sdelay $0x1  }
0x26c: {  	v7 =	vadd.f32 v8, v7  }
0x26d: {  	s16 =	sor.u32 $0x30, s16  }
0x26e: {  	s15 =	sor.u32 s16, s15;
	[tilespmem:s17+$0x0] =	vst v7  }
0x26f: {  	v7 =	vld [tilespmem:s15+$0x500]  }
.Ltmp6:
0x270: {  	v8 =	vld [tilespmem:s15+$0xC500];
	(pc) =	sbr.rel @p0 .LBB2_15-.Ltmp6, $2  }
0x271: {  	_ =	sdelay $0x2  }
0x272: {  	s17 =	sadd.s32 s16, s11;
	v7 =	vmul.f32 v7, v6  }
0x273: {  	s6 =	sadd.s32 $0x1, s6  }
0x274: {  	p0 =	sne.s32 s6, $0x10  }
.Ltmp7:
0x275: {  	v5 =	vmul.f32 v8, v5;
	(pc) =	sbr.rel @p0 .LBB2_14-.Ltmp7, $3  }
0x276: {  	_ = 	snop  }
0x277: {  	v5 =	vadd.f32 v5, v7;
	_ =	sdelay $0x1  }
0x278: {  	[tilespmem:s17+$0x0] =	vst v5  }
0x279: {  	s5 =	simm.s32 $0x0;
	s6 =	rddreg [dreg:$0x9]  }
0x27a: {  	[hbm4b:s6+s5] =	stream.linear.scatter [tilespmem:s0], [sflag:$0x4], $0x4000, $0x38;
	[tilespmem:$0x1C500] =	vst v63  }
0x27b: {  	_ =	swait.ge [sflag:s21], $0x4000  }
0x27c: {  	[sflag:s21] =	ssyncset.done $0x0  }
0x27d: {  	[sflag:s21] =	ssyncadd.s32 $0xFFFFC000  }
0x27e: {  	_ =	swait.ge [sflag:s21], $0x4000  }
0x27f: {  	[sflag:s21] =	ssyncset.done $0x0  }
0x280: {  	[sflag:s21] =	ssyncadd.s32 $0xFFFFC000  }
0x281: {  	v3 =	vld [tilespmem:$0x60];
	_ =	sdelay $0x4  }
0x282: {  	[tilespmem:$0x200] =	vst v3  }
0x283: {  	v3 =	vld [tilespmem:$0x200];
	_ =	sdelay $0x4  }
0x284: {  	v4 =	vshll.u32 v3, $0x3  }
0x285: {  	v3 =	vand.u32 $0x7, v3;
	v4 =	vand.u32 $0xFFFFFFC0, v4  }
0x286: {  	v3 =	vor.u32 v3, v4  }
0x287: {  	v4 =	vperm.xlane v3, v0  }
0x288: {  	v5 =	vld [tilespmem:$0xE0]  }
0x289: {  	v4 =	vadd.s32 v1, v4;
	_ =	sdelay $0x3  }
0x28a: {  	s14 =	simm.s32 $0x500;
	[tilespmem:$0x380] =	vst v5  }
0x28b: {  	[tilespmem:s14], [sflag:$0x1] =	stream.indirect_vreg.gather [hbm4b:s3+s5], $0x80, v4, vm0, $0xb8;
	[tilespmem:$0x1C500] =	vst v63  }
0x28c: {  	s15 =	simm.s32 $0xD00;
	v3 =	vperm.xlane v3, v2  }
0x28d: {  	[tilespmem:s15], [sflag:$0x1] =	stream.indirect_vreg.gather [hbm4b:s8+s5], $0x80, v4, vm0, $0xb8;
	[tilespmem:$0x1C500] =	vst v63  }
0x28e: {  	s16 =	simm.s32 $0x1500;
	v3 =	vadd.s32 v1, v3  }
0x28f: {  	[tilespmem:s16], [sflag:$0x1] =	stream.indirect_vreg.gather [hbm4b:s9+s5], $0x80, v4, vm0, $0xb8;
	[tilespmem:$0x1C500] =	vst v63  }
0x290: {  	s17 =	simm.s32 $0x1D00  }
0x291: {  	[tilespmem:s17], [sflag:$0x1] =	stream.indirect_vreg.gather [hbm4b:s10+s5], $0x80, v4, vm0, $0xb8;
	[tilespmem:$0x1C500] =	vst v63  }
0x292: {  	s18 =	simm.s32 $0x2500  }
0x293: {  	[tilespmem:s18], [sflag:$0x1] =	stream.indirect_vreg.gather [hbm4b:s3+s5], $0x80, v3, vm0, $0xb8;
	[tilespmem:$0x1C500] =	vst v63  }
0x294: {  	s19 =	simm.s32 $0x2D00  }
0x295: {  	[tilespmem:s19], [sflag:$0x1] =	stream.indirect_vreg.gather [hbm4b:s8+s5], $0x80, v3, vm0, $0xb8;
	[tilespmem:$0x1C500] =	vst v63  }
0x296: {  	s7 =	simm.s32 $0x3500  }
0x297: {  	[tilespmem:s7], [sflag:$0x1] =	stream.indirect_vreg.gather [hbm4b:s9+s5], $0x80, v3, vm0, $0xb8;
	[tilespmem:$0x1C500] =	vst v63  }
0x298: {  	s11 =	simm.s32 $0x3D00  }
0x299: {  	[tilespmem:s11], [sflag:$0x1] =	stream.indirect_vreg.gather [hbm4b:s10+s5], $0x80, v3, vm0, $0xb8;
	[tilespmem:$0x1C500] =	vst v63  }
0x29a: {  	v3 =	vld [tilespmem:$0x380];
	_ =	sdelay $0x4  }
0x29b: {  	v4 =	vshll.u32 v3, $0x3  }
0x29c: {  	v3 =	vand.u32 $0x7, v3;
	v4 =	vand.u32 $0xFFFFFFC0, v4  }
0x29d: {  	v3 =	vor.u32 v3, v4  }
0x29e: {  	v4 =	vperm.xlane v3, v0;
	_ =	sdelay $0x1  }
0x29f: {  	v4 =	vadd.s32 v1, v4;
	_ =	sdelay $0x3  }
0x2a0: {  	s12 =	simm.s32 $0xC500  }
0x2a1: {  	[tilespmem:s12], [sflag:$0x1] =	stream.indirect_vreg.gather [hbm4b:s3+s5], $0x80, v4, vm0, $0xb8;
	[tilespmem:$0x1C500] =	vst v63  }
0x2a2: {  	s13 =	simm.s32 $0xCD00;
	v3 =	vperm.xlane v3, v2  }
0x2a3: {  	[tilespmem:s13], [sflag:$0x1] =	stream.indirect_vreg.gather [hbm4b:s8+s5], $0x80, v4, vm0, $0xb8;
	[tilespmem:$0x1C500] =	vst v63  }
0x2a4: {  	s14 =	simm.s32 $0xD500;
	v3 =	vadd.s32 v1, v3  }
0x2a5: {  	[tilespmem:s14], [sflag:$0x1] =	stream.indirect_vreg.gather [hbm4b:s9+s5], $0x80, v4, vm0, $0xb8;
	[tilespmem:$0x1C500] =	vst v63  }
0x2a6: {  	s15 =	simm.s32 $0xDD00  }
0x2a7: {  	[tilespmem:s15], [sflag:$0x1] =	stream.indirect_vreg.gather [hbm4b:s10+s5], $0x80, v4, vm0, $0xb8;
	[tilespmem:$0x1C500] =	vst v63  }
0x2a8: {  	s16 =	simm.s32 $0xE500  }
0x2a9: {  	[tilespmem:s16], [sflag:$0x1] =	stream.indirect_vreg.gather [hbm4b:s3+s5], $0x80, v3, vm0, $0xb8;
	[tilespmem:$0x1C500] =	vst v63  }
0x2aa: {  	s17 =	simm.s32 $0xED00  }
0x2ab: {  	[tilespmem:s17], [sflag:$0x1] =	stream.indirect_vreg.gather [hbm4b:s8+s5], $0x80, v3, vm0, $0xb8;
	[tilespmem:$0x1C500] =	vst v63  }
0x2ac: {  	s18 =	simm.s32 $0xF500  }
0x2ad: {  	[tilespmem:s18], [sflag:$0x1] =	stream.indirect_vreg.gather [hbm4b:s9+s5], $0x80, v3, vm0, $0xb8;
	[tilespmem:$0x1C500] =	vst v63  }
0x2ae: {  	s19 =	simm.s32 $0xFD00  }
0x2af: {  	[tilespmem:s19], [sflag:$0x1] =	stream.indirect_vreg.gather [hbm4b:s10+s5], $0x80, v3, vm0, $0xb8;
	[tilespmem:$0x1C500] =	vst v63  }
0x2b0: {  	_ =	swait.ge [sflag:s22], $0x4000  }
0x2b1: {  	[sflag:s22] =	ssyncset.done $0x0  }
0x2b2: {  	[sflag:s22] =	ssyncadd.s32 $0xFFFFC000  }
0x2b3: {  	v3 =	vld [tilespmem:$0x140]  }
0x2b4: {  	s6 =	simm.s32 $0x0;
	v4 =	vld [tilespmem:$0x1C0]  }
.LBB2_18:
0x2b5: {  	s11 =	sshll.u32 s6, $0xA;
	s7 =	sshll.u32 s6, $0x7  }
0x2b6: {  	s12 =	sand.u32 $0x2000, s11;
	s7 =	sand.u32 $0x380, s7  }
0x2b7: {  	s16 =	sand.u32 $0x1C00, s5;
	s7 =	sor.u32 s12, s7  }
0x2b8: {  	s13 =	sand.u32 $0x40, s5;
	s14 =	sor.u32 s16, s7  }
0x2b9: {  	s12 =	sor.u32 s13, s14  }
0x2ba: {  	v5 =	vmov s6;
	v7 =	vld [tilespmem:s12+$0x4500]  }
0x2bb: {  	v5 =	vand.u32 $0xF, v5;
	v8 =	vld [tilespmem:s12+$0x10500]  }
0x2bc: {  	v5 =	vbroadcast v5, $0x0;
	_ =	sdelay $0x1  }
0x2bd: {  	v6 =	vperm.xlane v3, v5;
	v5 =	vperm.xlane v4, v5;
	_ =	sdelay $0x1  }
0x2be: {  	v7 =	vmul.f32 v7, v6;
	v8 =	vmul.f32 v8, v5  }
0x2bf: {  	s17 =	sand.u32 $0x380, s5;
	s12 =	sadd.s32 $0x18500, s11  }
0x2c0: {  	s11 =	sadd.s32 s17, s12;
	v7 =	vadd.f32 v8, v7  }
0x2c1: {  	s15 =	sor.u32 $0x10, s13;
	s16 =	sadd.s32 s13, s11  }
0x2c2: {  	s18 =	sor.u32 s15, s14;
	[tilespmem:s16+$0x0] =	vst v7  }
0x2c3: {  	v7 =	vld [tilespmem:s18+$0x4500]  }
0x2c4: {  	v8 =	vld [tilespmem:s18+$0x10500];
	_ =	sdelay $0x4  }
0x2c5: {  	v7 =	vmul.f32 v7, v6;
	v8 =	vmul.f32 v8, v5;
	_ =	sdelay $0x1  }
0x2c6: {  	v7 =	vadd.f32 v8, v7  }
0x2c7: {  	s19 =	sor.u32 $0x20, s13;
	s15 =	sadd.s32 s15, s11  }
0x2c8: {  	s17 =	sor.u32 s19, s14;
	[tilespmem:s15+$0x0] =	vst v7  }
0x2c9: {  	v7 =	vld [tilespmem:s17+$0x4500]  }
0x2ca: {  	v8 =	vld [tilespmem:s17+$0x10500];
	_ =	sdelay $0x4  }
0x2cb: {  	v7 =	vmul.f32 v7, v6;
	v8 =	vmul.f32 v8, v5;
	_ =	sdelay $0x1  }
0x2cc: {  	v7 =	vadd.f32 v8, v7  }
0x2cd: {  	s18 =	sadd.s32 s19, s11;
	s19 =	sor.u32 $0x30, s13  }
0x2ce: {  	s14 =	sor.u32 s19, s14;
	[tilespmem:s18+$0x0] =	vst v7  }
0x2cf: {  	v7 =	vld [tilespmem:s14+$0x4500];
	_ =	sdelay $0x1  }
0x2d0: {  	v8 =	vld [tilespmem:s14+$0x10500];
	_ =	sdelay $0x2  }
0x2d1: {  	s13 =	simm.s32 $0x40;
	s17 =	sadd.s32 s19, s11;
	s14 =	simm.s32 $0x0;
	v7 =	vmul.f32 v7, v6  }
.LBB2_19:
0x2d2: {  	p0 =	sne.s32 s13, $0x3C0  }
0x2d3: {  	v8 =	vmul.f32 v8, v5;
	s14 =	sadd.s32 $0x200, s14;
	s11 =	smov.u32 s13;
	s13 =	sadd.s32 $0x40, s13  }
0x2d4: {  	_ = 	snop  }
0x2d5: {  	s15 =	sand.u32 $0x1C00, s14;
	v7 =	vadd.f32 v8, v7  }
0x2d6: {  	s16 =	sand.u32 $0x40, s11;
	s15 =	sor.u32 s15, s7  }
0x2d7: {  	s19 =	sor.u32 $0x10, s16;
	s18 =	sor.u32 s16, s15;
	[tilespmem:s17+$0x0] =	vst v7  }
0x2d8: {  	v7 =	vld [tilespmem:s18+$0x4500]  }
0x2d9: {  	v8 =	vld [tilespmem:s18+$0x10500];
	_ =	sdelay $0x3  }
0x2da: {  	v7 =	vmul.f32 v7, v6  }
0x2db: {  	s11 =	sand.u32 $0x380, s11;
	v8 =	vmul.f32 v8, v5  }
0x2dc: {  	s11 =	sadd.s32 s11, s12  }
0x2dd: {  	s17 =	sadd.s32 s16, s11;
	s18 =	sadd.s32 s19, s11;
	v7 =	vadd.f32 v8, v7;
	_ =	sdelay $0x1  }
0x2de: {  	[tilespmem:s17+$0x0] =	vst v7;
	s17 =	sor.u32 s19, s15  }
0x2df: {  	v7 =	vld [tilespmem:s17+$0x4500]  }
0x2e0: {  	v8 =	vld [tilespmem:s17+$0x10500];
	_ =	sdelay $0x3  }
0x2e1: {  	v7 =	vmul.f32 v7, v6  }
0x2e2: {  	v8 =	vmul.f32 v8, v5;
	_ =	sdelay $0x1  }
0x2e3: {  	v7 =	vadd.f32 v8, v7  }
0x2e4: {  	s17 =	sor.u32 $0x20, s16  }
0x2e5: {  	[tilespmem:s18+$0x0] =	vst v7;
	s18 =	sor.u32 s17, s15  }
0x2e6: {  	v7 =	vld [tilespmem:s18+$0x4500]  }
0x2e7: {  	v8 =	vld [tilespmem:s18+$0x10500];
	_ =	sdelay $0x3  }
0x2e8: {  	v7 =	vmul.f32 v7, v6  }
0x2e9: {  	s17 =	sadd.s32 s17, s11;
	v8 =	vmul.f32 v8, v5;
	_ =	sdelay $0x1  }
0x2ea: {  	v7 =	vadd.f32 v8, v7  }
0x2eb: {  	s16 =	sor.u32 $0x30, s16  }
0x2ec: {  	s15 =	sor.u32 s16, s15;
	[tilespmem:s17+$0x0] =	vst v7  }
0x2ed: {  	v7 =	vld [tilespmem:s15+$0x4500]  }
.Ltmp8:
0x2ee: {  	v8 =	vld [tilespmem:s15+$0x10500];
	(pc) =	sbr.rel @p0 .LBB2_19-.Ltmp8, $2  }
0x2ef: {  	_ =	sdelay $0x2  }
0x2f0: {  	s17 =	sadd.s32 s16, s11;
	v7 =	vmul.f32 v7, v6  }
0x2f1: {  	s6 =	sadd.s32 $0x1, s6  }
0x2f2: {  	p0 =	sne.s32 s6, $0x10  }
.Ltmp9:
0x2f3: {  	v5 =	vmul.f32 v8, v5;
	(pc) =	sbr.rel @p0 .LBB2_18-.Ltmp9, $3  }
0x2f4: {  	_ = 	snop  }
0x2f5: {  	v5 =	vadd.f32 v5, v7;
	_ =	sdelay $0x1  }
0x2f6: {  	[tilespmem:s17+$0x0] =	vst v5  }
0x2f7: {  	s5 =	simm.s32 $0x0;
	s6 =	rddreg [dreg:$0xa]  }
0x2f8: {  	[hbm4b:s6+s5] =	stream.linear.scatter [tilespmem:s0], [sflag:$0x4], $0x4000, $0x38;
	[tilespmem:$0x1C500] =	vst v63  }
0x2f9: {  	_ =	swait.ge [sflag:s23], $0x4000  }
0x2fa: {  	[sflag:s23] =	ssyncset.done $0x0  }
0x2fb: {  	[sflag:s23] =	ssyncadd.s32 $0xFFFFC000  }
0x2fc: {  	_ =	swait.ge [sflag:s23], $0x4000  }
0x2fd: {  	[sflag:s23] =	ssyncset.done $0x0  }
0x2fe: {  	[sflag:s23] =	ssyncadd.s32 $0xFFFFC000  }
0x2ff: {  	v3 =	vld [tilespmem:$0x70];
	_ =	sdelay $0x4  }
0x300: {  	[tilespmem:$0x280] =	vst v3  }
0x301: {  	v3 =	vld [tilespmem:$0x280];
	_ =	sdelay $0x4  }
0x302: {  	v4 =	vshll.u32 v3, $0x3  }
0x303: {  	v3 =	vand.u32 $0x7, v3;
	v4 =	vand.u32 $0xFFFFFFC0, v4  }
0x304: {  	v3 =	vor.u32 v3, v4  }
0x305: {  	v4 =	vperm.xlane v3, v0  }
0x306: {  	v5 =	vld [tilespmem:$0xF0]  }
0x307: {  	v4 =	vadd.s32 v1, v4;
	_ =	sdelay $0x3  }
0x308: {  	s11 =	simm.s32 $0x4500;
	[tilespmem:$0x400] =	vst v5  }
0x309: {  	[tilespmem:s11], [sflag:$0x2] =	stream.indirect_vreg.gather [hbm4b:s3+s5], $0x80, v4, vm0, $0xb8;
	[tilespmem:$0x1C500] =	vst v63  }
0x30a: {  	s12 =	simm.s32 $0x4D00;
	v3 =	vperm.xlane v3, v2  }
0x30b: {  	[tilespmem:s12], [sflag:$0x2] =	stream.indirect_vreg.gather [hbm4b:s8+s5], $0x80, v4, vm0, $0xb8;
	[tilespmem:$0x1C500] =	vst v63  }
0x30c: {  	s13 =	simm.s32 $0x5500;
	v3 =	vadd.s32 v1, v3  }
0x30d: {  	[tilespmem:s13], [sflag:$0x2] =	stream.indirect_vreg.gather [hbm4b:s9+s5], $0x80, v4, vm0, $0xb8;
	[tilespmem:$0x1C500] =	vst v63  }
0x30e: {  	s14 =	simm.s32 $0x5D00  }
0x30f: {  	[tilespmem:s14], [sflag:$0x2] =	stream.indirect_vreg.gather [hbm4b:s10+s5], $0x80, v4, vm0, $0xb8;
	[tilespmem:$0x1C500] =	vst v63  }
0x310: {  	s15 =	simm.s32 $0x6500  }
0x311: {  	[tilespmem:s15], [sflag:$0x2] =	stream.indirect_vreg.gather [hbm4b:s3+s5], $0x80, v3, vm0, $0xb8;
	[tilespmem:$0x1C500] =	vst v63  }
0x312: {  	s16 =	simm.s32 $0x6D00  }
0x313: {  	[tilespmem:s16], [sflag:$0x2] =	stream.indirect_vreg.gather [hbm4b:s8+s5], $0x80, v3, vm0, $0xb8;
	[tilespmem:$0x1C500] =	vst v63  }
0x314: {  	s17 =	simm.s32 $0x7500  }
0x315: {  	[tilespmem:s17], [sflag:$0x2] =	stream.indirect_vreg.gather [hbm4b:s9+s5], $0x80, v3, vm0, $0xb8;
	[tilespmem:$0x1C500] =	vst v63  }
0x316: {  	s18 =	simm.s32 $0x7D00  }
0x317: {  	[tilespmem:s18], [sflag:$0x2] =	stream.indirect_vreg.gather [hbm4b:s10+s5], $0x80, v3, vm0, $0xb8;
	[tilespmem:$0x1C500] =	vst v63  }
0x318: {  	v3 =	vld [tilespmem:$0x400];
	_ =	sdelay $0x4  }
0x319: {  	v4 =	vshll.u32 v3, $0x3  }
0x31a: {  	v3 =	vand.u32 $0x7, v3;
	v4 =	vand.u32 $0xFFFFFFC0, v4  }
0x31b: {  	v3 =	vor.u32 v3, v4  }
0x31c: {  	v4 =	vperm.xlane v3, v0;
	_ =	sdelay $0x1  }
0x31d: {  	v4 =	vadd.s32 v1, v4;
	_ =	sdelay $0x3  }
0x31e: {  	s19 =	simm.s32 $0x10500  }
0x31f: {  	[tilespmem:s19], [sflag:$0x2] =	stream.indirect_vreg.gather [hbm4b:s3+s5], $0x80, v4, vm0, $0xb8;
	[tilespmem:$0x1C500] =	vst v63  }
0x320: {  	v3 =	vperm.xlane v3, v2  }
0x321: {  	[tilespmem:s24], [sflag:$0x2] =	stream.indirect_vreg.gather [hbm4b:s8+s5], $0x80, v4, vm0, $0xb8;
	[tilespmem:$0x1C500] =	vst v63  }
0x322: {  	v3 =	vadd.s32 v1, v3  }
0x323: {  	[tilespmem:s25], [sflag:$0x2] =	stream.indirect_vreg.gather [hbm4b:s9+s5], $0x80, v4, vm0, $0xb8;
	[tilespmem:$0x1C500] =	vst v63  }
0x324: {  	_ = 	snop  }
0x325: {  	[tilespmem:s26], [sflag:$0x2] =	stream.indirect_vreg.gather [hbm4b:s10+s5], $0x80, v4, vm0, $0xb8;
	[tilespmem:$0x1C500] =	vst v63  }
0x326: {  	_ = 	snop  }
0x327: {  	[tilespmem:s28], [sflag:$0x2] =	stream.indirect_vreg.gather [hbm4b:s3+s5], $0x80, v3, vm0, $0xb8;
	[tilespmem:$0x1C500] =	vst v63  }
0x328: {  	_ = 	snop  }
0x329: {  	[tilespmem:s29], [sflag:$0x2] =	stream.indirect_vreg.gather [hbm4b:s8+s5], $0x80, v3, vm0, $0xb8;
	[tilespmem:$0x1C500] =	vst v63  }
0x32a: {  	_ = 	snop  }
0x32b: {  	[tilespmem:s30], [sflag:$0x2] =	stream.indirect_vreg.gather [hbm4b:s9+s5], $0x80, v3, vm0, $0xb8;
	[tilespmem:$0x1C500] =	vst v63  }
0x32c: {  	_ = 	snop  }
0x32d: {  	[tilespmem:s31], [sflag:$0x2] =	stream.indirect_vreg.gather [hbm4b:s10+s5], $0x80, v3, vm0, $0xb8;
	[tilespmem:$0x1C500] =	vst v63  }
0x32e: {  	_ =	swait.ge [sflag:s22], $0x4000  }
0x32f: {  	[sflag:s22] =	ssyncset.done $0x0  }
0x330: {  	[sflag:s22] =	ssyncadd.s32 $0xFFFFC000  }
0x331: {  	v3 =	vld [tilespmem:$0x150]  }
0x332: {  	s6 =	simm.s32 $0x0;
	v4 =	vld [tilespmem:$0x1D0]  }
.LBB2_22:
0x333: {  	s11 =	sshll.u32 s6, $0xA;
	s7 =	sshll.u32 s6, $0x7  }
0x334: {  	s12 =	sand.u32 $0x2000, s11;
	s7 =	sand.u32 $0x380, s7  }
0x335: {  	s16 =	sand.u32 $0x1C00, s5;
	s7 =	sor.u32 s12, s7  }
0x336: {  	s13 =	sand.u32 $0x40, s5;
	s14 =	sor.u32 s16, s7  }
0x337: {  	s12 =	sor.u32 s13, s14  }
0x338: {  	v5 =	vmov s6;
	v7 =	vld [tilespmem:s12+$0x8500]  }
0x339: {  	v5 =	vand.u32 $0xF, v5;
	v8 =	vld [tilespmem:s12+$0x14500]  }
0x33a: {  	v5 =	vbroadcast v5, $0x0;
	_ =	sdelay $0x1  }
0x33b: {  	v6 =	vperm.xlane v3, v5;
	v5 =	vperm.xlane v4, v5;
	_ =	sdelay $0x1  }
0x33c: {  	v7 =	vmul.f32 v7, v6;
	v8 =	vmul.f32 v8, v5  }
0x33d: {  	s17 =	sand.u32 $0x380, s5;
	s12 =	sadd.s32 $0x18500, s11  }
0x33e: {  	s11 =	sadd.s32 s17, s12;
	v7 =	vadd.f32 v8, v7  }
0x33f: {  	s15 =	sor.u32 $0x10, s13;
	s16 =	sadd.s32 s13, s11  }
0x340: {  	s18 =	sor.u32 s15, s14;
	[tilespmem:s16+$0x0] =	vst v7  }
0x341: {  	v7 =	vld [tilespmem:s18+$0x8500]  }
0x342: {  	v8 =	vld [tilespmem:s18+$0x14500];
	_ =	sdelay $0x4  }
0x343: {  	v7 =	vmul.f32 v7, v6;
	v8 =	vmul.f32 v8, v5;
	_ =	sdelay $0x1  }
0x344: {  	v7 =	vadd.f32 v8, v7  }
0x345: {  	s19 =	sor.u32 $0x20, s13;
	s15 =	sadd.s32 s15, s11  }
0x346: {  	s17 =	sor.u32 s19, s14;
	[tilespmem:s15+$0x0] =	vst v7  }
0x347: {  	v7 =	vld [tilespmem:s17+$0x8500]  }
0x348: {  	v8 =	vld [tilespmem:s17+$0x14500];
	_ =	sdelay $0x4  }
0x349: {  	v7 =	vmul.f32 v7, v6;
	v8 =	vmul.f32 v8, v5;
	_ =	sdelay $0x1  }
0x34a: {  	v7 =	vadd.f32 v8, v7  }
0x34b: {  	s18 =	sadd.s32 s19, s11;
	s19 =	sor.u32 $0x30, s13  }
0x34c: {  	s14 =	sor.u32 s19, s14;
	[tilespmem:s18+$0x0] =	vst v7  }
0x34d: {  	v7 =	vld [tilespmem:s14+$0x8500];
	_ =	sdelay $0x1  }
0x34e: {  	v8 =	vld [tilespmem:s14+$0x14500];
	_ =	sdelay $0x2  }
0x34f: {  	s13 =	simm.s32 $0x40;
	s17 =	sadd.s32 s19, s11;
	s14 =	simm.s32 $0x0;
	v7 =	vmul.f32 v7, v6  }
.LBB2_23:
0x350: {  	p0 =	sne.s32 s13, $0x3C0  }
0x351: {  	v8 =	vmul.f32 v8, v5;
	s14 =	sadd.s32 $0x200, s14;
	s11 =	smov.u32 s13;
	s13 =	sadd.s32 $0x40, s13  }
0x352: {  	_ = 	snop  }
0x353: {  	s15 =	sand.u32 $0x1C00, s14;
	v7 =	vadd.f32 v8, v7  }
0x354: {  	s16 =	sand.u32 $0x40, s11;
	s15 =	sor.u32 s15, s7  }
0x355: {  	s19 =	sor.u32 $0x10, s16;
	s18 =	sor.u32 s16, s15;
	[tilespmem:s17+$0x0] =	vst v7  }
0x356: {  	v7 =	vld [tilespmem:s18+$0x8500]  }
0x357: {  	v8 =	vld [tilespmem:s18+$0x14500];
	_ =	sdelay $0x3  }
0x358: {  	v7 =	vmul.f32 v7, v6  }
0x359: {  	s11 =	sand.u32 $0x380, s11;
	v8 =	vmul.f32 v8, v5  }
0x35a: {  	s11 =	sadd.s32 s11, s12  }
0x35b: {  	s17 =	sadd.s32 s16, s11;
	s18 =	sadd.s32 s19, s11;
	v7 =	vadd.f32 v8, v7;
	_ =	sdelay $0x1  }
0x35c: {  	[tilespmem:s17+$0x0] =	vst v7;
	s17 =	sor.u32 s19, s15  }
0x35d: {  	v7 =	vld [tilespmem:s17+$0x8500]  }
0x35e: {  	v8 =	vld [tilespmem:s17+$0x14500];
	_ =	sdelay $0x3  }
0x35f: {  	v7 =	vmul.f32 v7, v6  }
0x360: {  	v8 =	vmul.f32 v8, v5;
	_ =	sdelay $0x1  }
0x361: {  	v7 =	vadd.f32 v8, v7  }
0x362: {  	s17 =	sor.u32 $0x20, s16  }
0x363: {  	[tilespmem:s18+$0x0] =	vst v7;
	s18 =	sor.u32 s17, s15  }
0x364: {  	v7 =	vld [tilespmem:s18+$0x8500]  }
0x365: {  	v8 =	vld [tilespmem:s18+$0x14500];
	_ =	sdelay $0x3  }
0x366: {  	v7 =	vmul.f32 v7, v6  }
0x367: {  	s17 =	sadd.s32 s17, s11;
	v8 =	vmul.f32 v8, v5;
	_ =	sdelay $0x1  }
0x368: {  	v7 =	vadd.f32 v8, v7  }
0x369: {  	s16 =	sor.u32 $0x30, s16  }
0x36a: {  	s15 =	sor.u32 s16, s15;
	[tilespmem:s17+$0x0] =	vst v7  }
0x36b: {  	v7 =	vld [tilespmem:s15+$0x8500]  }
.Ltmp10:
0x36c: {  	v8 =	vld [tilespmem:s15+$0x14500];
	(pc) =	sbr.rel @p0 .LBB2_23-.Ltmp10, $2  }
0x36d: {  	_ =	sdelay $0x2  }
0x36e: {  	s17 =	sadd.s32 s16, s11;
	v7 =	vmul.f32 v7, v6  }
0x36f: {  	s6 =	sadd.s32 $0x1, s6  }
0x370: {  	p0 =	sne.s32 s6, $0x10  }
.Ltmp11:
0x371: {  	v5 =	vmul.f32 v8, v5;
	(pc) =	sbr.rel @p0 .LBB2_22-.Ltmp11, $3  }
0x372: {  	_ = 	snop  }
0x373: {  	v5 =	vadd.f32 v5, v7;
	_ =	sdelay $0x1  }
0x374: {  	[tilespmem:s17+$0x0] =	vst v5  }
0x375: {  	s5 =	simm.s32 $0x0;
	s6 =	rddreg [dreg:$0xb]  }
0x376: {  	[hbm4b:s6+s5] =	stream.linear.scatter [tilespmem:s0], [sflag:$0x4], $0x4000, $0x38;
	[tilespmem:$0x1C500] =	vst v63  }
0x377: {  	_ =	swait.ge [sflag:s1], $0x4000  }
0x378: {  	[sflag:s1] =	ssyncset.done $0x0  }
0x379: {  	[sflag:s1] =	ssyncadd.s32 $0xFFFFC000  }
0x37a: {  	_ =	swait.ge [sflag:s1], $0x4000  }
0x37b: {  	[sflag:s1] =	ssyncset.done $0x0  }
0x37c: {  	[sflag:s1] =	ssyncadd.s32 $0xFFFFC000  }
0x37d: {  	_ =	swait.ge [sflag:s22], $0x4000  }
0x37e: {  	[sflag:s22] =	ssyncset.done $0x0  }
0x37f: {  	[sflag:s22] =	ssyncadd.s32 $0xFFFFC000  }
0x380: {  	v3 =	vld [tilespmem:$0x160]  }
0x381: {  	s6 =	simm.s32 $0x0;
	v4 =	vld [tilespmem:$0x1E0]  }
.LBB2_26:
0x382: {  	s11 =	sshll.u32 s6, $0xA;
	s7 =	sshll.u32 s6, $0x7  }
0x383: {  	s12 =	sand.u32 $0x2000, s11;
	s7 =	sand.u32 $0x380, s7  }
0x384: {  	s16 =	sand.u32 $0x1C00, s5;
	s7 =	sor.u32 s12, s7  }
0x385: {  	s13 =	sand.u32 $0x40, s5;
	s14 =	sor.u32 s16, s7  }
0x386: {  	s12 =	sor.u32 s13, s14  }
0x387: {  	v5 =	vmov s6;
	v7 =	vld [tilespmem:s12+$0x500]  }
0x388: {  	v5 =	vand.u32 $0xF, v5;
	v8 =	vld [tilespmem:s12+$0xC500]  }
0x389: {  	v5 =	vbroadcast v5, $0x0;
	_ =	sdelay $0x1  }
0x38a: {  	v6 =	vperm.xlane v3, v5;
	v5 =	vperm.xlane v4, v5;
	_ =	sdelay $0x1  }
0x38b: {  	v7 =	vmul.f32 v7, v6;
	v8 =	vmul.f32 v8, v5  }
0x38c: {  	s17 =	sand.u32 $0x380, s5;
	s12 =	sadd.s32 $0x18500, s11  }
0x38d: {  	s11 =	sadd.s32 s17, s12;
	v7 =	vadd.f32 v8, v7  }
0x38e: {  	s15 =	sor.u32 $0x10, s13;
	s16 =	sadd.s32 s13, s11  }
0x38f: {  	s18 =	sor.u32 s15, s14;
	[tilespmem:s16+$0x0] =	vst v7  }
0x390: {  	v7 =	vld [tilespmem:s18+$0x500]  }
0x391: {  	v8 =	vld [tilespmem:s18+$0xC500];
	_ =	sdelay $0x4  }
0x392: {  	v7 =	vmul.f32 v7, v6;
	v8 =	vmul.f32 v8, v5;
	_ =	sdelay $0x1  }
0x393: {  	v7 =	vadd.f32 v8, v7  }
0x394: {  	s19 =	sor.u32 $0x20, s13;
	s15 =	sadd.s32 s15, s11  }
0x395: {  	s17 =	sor.u32 s19, s14;
	[tilespmem:s15+$0x0] =	vst v7  }
0x396: {  	v7 =	vld [tilespmem:s17+$0x500]  }
0x397: {  	v8 =	vld [tilespmem:s17+$0xC500];
	_ =	sdelay $0x4  }
0x398: {  	v7 =	vmul.f32 v7, v6;
	v8 =	vmul.f32 v8, v5;
	_ =	sdelay $0x1  }
0x399: {  	v7 =	vadd.f32 v8, v7  }
0x39a: {  	s18 =	sadd.s32 s19, s11;
	s19 =	sor.u32 $0x30, s13  }
0x39b: {  	s14 =	sor.u32 s19, s14;
	[tilespmem:s18+$0x0] =	vst v7  }
0x39c: {  	v7 =	vld [tilespmem:s14+$0x500];
	_ =	sdelay $0x1  }
0x39d: {  	v8 =	vld [tilespmem:s14+$0xC500];
	_ =	sdelay $0x2  }
0x39e: {  	s13 =	simm.s32 $0x40;
	s17 =	sadd.s32 s19, s11;
	s14 =	simm.s32 $0x0;
	v7 =	vmul.f32 v7, v6  }
.LBB2_27:
0x39f: {  	p0 =	sne.s32 s13, $0x3C0  }
0x3a0: {  	v8 =	vmul.f32 v8, v5;
	s14 =	sadd.s32 $0x200, s14;
	s11 =	smov.u32 s13;
	s13 =	sadd.s32 $0x40, s13  }
0x3a1: {  	_ = 	snop  }
0x3a2: {  	s15 =	sand.u32 $0x1C00, s14;
	v7 =	vadd.f32 v8, v7  }
0x3a3: {  	s16 =	sand.u32 $0x40, s11;
	s15 =	sor.u32 s15, s7  }
0x3a4: {  	s19 =	sor.u32 $0x10, s16;
	s18 =	sor.u32 s16, s15;
	[tilespmem:s17+$0x0] =	vst v7  }
0x3a5: {  	v7 =	vld [tilespmem:s18+$0x500]  }
0x3a6: {  	v8 =	vld [tilespmem:s18+$0xC500];
	_ =	sdelay $0x3  }
0x3a7: {  	v7 =	vmul.f32 v7, v6  }
0x3a8: {  	s11 =	sand.u32 $0x380, s11;
	v8 =	vmul.f32 v8, v5  }
0x3a9: {  	s11 =	sadd.s32 s11, s12  }
0x3aa: {  	s17 =	sadd.s32 s16, s11;
	s18 =	sadd.s32 s19, s11;
	v7 =	vadd.f32 v8, v7;
	_ =	sdelay $0x1  }
0x3ab: {  	[tilespmem:s17+$0x0] =	vst v7;
	s17 =	sor.u32 s19, s15  }
0x3ac: {  	v7 =	vld [tilespmem:s17+$0x500]  }
0x3ad: {  	v8 =	vld [tilespmem:s17+$0xC500];
	_ =	sdelay $0x3  }
0x3ae: {  	v7 =	vmul.f32 v7, v6  }
0x3af: {  	v8 =	vmul.f32 v8, v5;
	_ =	sdelay $0x1  }
0x3b0: {  	v7 =	vadd.f32 v8, v7  }
0x3b1: {  	s17 =	sor.u32 $0x20, s16  }
0x3b2: {  	[tilespmem:s18+$0x0] =	vst v7;
	s18 =	sor.u32 s17, s15  }
0x3b3: {  	v7 =	vld [tilespmem:s18+$0x500]  }
0x3b4: {  	v8 =	vld [tilespmem:s18+$0xC500];
	_ =	sdelay $0x3  }
0x3b5: {  	v7 =	vmul.f32 v7, v6  }
0x3b6: {  	s17 =	sadd.s32 s17, s11;
	v8 =	vmul.f32 v8, v5;
	_ =	sdelay $0x1  }
0x3b7: {  	v7 =	vadd.f32 v8, v7  }
0x3b8: {  	s16 =	sor.u32 $0x30, s16  }
0x3b9: {  	s15 =	sor.u32 s16, s15;
	[tilespmem:s17+$0x0] =	vst v7  }
0x3ba: {  	v7 =	vld [tilespmem:s15+$0x500]  }
.Ltmp12:
0x3bb: {  	v8 =	vld [tilespmem:s15+$0xC500];
	(pc) =	sbr.rel @p0 .LBB2_27-.Ltmp12, $2  }
0x3bc: {  	_ =	sdelay $0x2  }
0x3bd: {  	s17 =	sadd.s32 s16, s11;
	v7 =	vmul.f32 v7, v6  }
0x3be: {  	s6 =	sadd.s32 $0x1, s6  }
0x3bf: {  	p0 =	sne.s32 s6, $0x10  }
.Ltmp13:
0x3c0: {  	v5 =	vmul.f32 v8, v5;
	(pc) =	sbr.rel @p0 .LBB2_26-.Ltmp13, $3  }
0x3c1: {  	_ = 	snop  }
0x3c2: {  	v5 =	vadd.f32 v5, v7;
	_ =	sdelay $0x1  }
0x3c3: {  	[tilespmem:s17+$0x0] =	vst v5  }
0x3c4: {  	s5 =	simm.s32 $0x0;
	s6 =	rddreg [dreg:$0xc]  }
0x3c5: {  	[hbm4b:s6+s5] =	stream.linear.scatter [tilespmem:s0], [sflag:$0x4], $0x4000, $0x38;
	[tilespmem:$0x1C500] =	vst v63  }
0x3c6: {  	_ =	swait.ge [sflag:s21], $0x4000  }
0x3c7: {  	[sflag:s21] =	ssyncset.done $0x0  }
0x3c8: {  	[sflag:s21] =	ssyncadd.s32 $0xFFFFC000  }
0x3c9: {  	_ =	swait.ge [sflag:s21], $0x4000  }
0x3ca: {  	[sflag:s21] =	ssyncset.done $0x0  }
0x3cb: {  	[sflag:s21] =	ssyncadd.s32 $0xFFFFC000  }
0x3cc: {  	_ =	swait.ge [sflag:s22], $0x4000  }
0x3cd: {  	[sflag:s22] =	ssyncset.done $0x0  }
0x3ce: {  	[sflag:s22] =	ssyncadd.s32 $0xFFFFC000  }
0x3cf: {  	v3 =	vld [tilespmem:$0x170]  }
0x3d0: {  	s6 =	simm.s32 $0x0;
	v4 =	vld [tilespmem:$0x1F0]  }
.LBB2_30:
0x3d1: {  	s11 =	sshll.u32 s6, $0xA;
	s7 =	sshll.u32 s6, $0x7  }
0x3d2: {  	s12 =	sand.u32 $0x2000, s11;
	s7 =	sand.u32 $0x380, s7  }
0x3d3: {  	s16 =	sand.u32 $0x1C00, s5;
	s7 =	sor.u32 s12, s7  }
0x3d4: {  	s13 =	sand.u32 $0x40, s5;
	s14 =	sor.u32 s16, s7  }
0x3d5: {  	s12 =	sor.u32 s13, s14  }
0x3d6: {  	v5 =	vmov s6;
	v7 =	vld [tilespmem:s12+$0x4500]  }
0x3d7: {  	v5 =	vand.u32 $0xF, v5;
	v8 =	vld [tilespmem:s12+$0x10500]  }
0x3d8: {  	v5 =	vbroadcast v5, $0x0;
	_ =	sdelay $0x1  }
0x3d9: {  	v6 =	vperm.xlane v3, v5;
	v5 =	vperm.xlane v4, v5;
	_ =	sdelay $0x1  }
0x3da: {  	v7 =	vmul.f32 v7, v6;
	v8 =	vmul.f32 v8, v5  }
0x3db: {  	s17 =	sand.u32 $0x380, s5;
	s12 =	sadd.s32 $0x18500, s11  }
0x3dc: {  	s11 =	sadd.s32 s17, s12;
	v7 =	vadd.f32 v8, v7  }
0x3dd: {  	s15 =	sor.u32 $0x10, s13;
	s16 =	sadd.s32 s13, s11  }
0x3de: {  	s18 =	sor.u32 s15, s14;
	[tilespmem:s16+$0x0] =	vst v7  }
0x3df: {  	v7 =	vld [tilespmem:s18+$0x4500]  }
0x3e0: {  	v8 =	vld [tilespmem:s18+$0x10500];
	_ =	sdelay $0x4  }
0x3e1: {  	v7 =	vmul.f32 v7, v6;
	v8 =	vmul.f32 v8, v5;
	_ =	sdelay $0x1  }
0x3e2: {  	v7 =	vadd.f32 v8, v7  }
0x3e3: {  	s19 =	sor.u32 $0x20, s13;
	s15 =	sadd.s32 s15, s11  }
0x3e4: {  	s17 =	sor.u32 s19, s14;
	[tilespmem:s15+$0x0] =	vst v7  }
0x3e5: {  	v7 =	vld [tilespmem:s17+$0x4500]  }
0x3e6: {  	v8 =	vld [tilespmem:s17+$0x10500];
	_ =	sdelay $0x4  }
0x3e7: {  	v7 =	vmul.f32 v7, v6;
	v8 =	vmul.f32 v8, v5;
	_ =	sdelay $0x1  }
0x3e8: {  	v7 =	vadd.f32 v8, v7  }
0x3e9: {  	s18 =	sadd.s32 s19, s11;
	s19 =	sor.u32 $0x30, s13  }
0x3ea: {  	s14 =	sor.u32 s19, s14;
	[tilespmem:s18+$0x0] =	vst v7  }
0x3eb: {  	v7 =	vld [tilespmem:s14+$0x4500];
	_ =	sdelay $0x1  }
0x3ec: {  	v8 =	vld [tilespmem:s14+$0x10500];
	_ =	sdelay $0x2  }
0x3ed: {  	s13 =	simm.s32 $0x40;
	s17 =	sadd.s32 s19, s11;
	s14 =	simm.s32 $0x0;
	v7 =	vmul.f32 v7, v6  }
.LBB2_31:
0x3ee: {  	p0 =	sne.s32 s13, $0x3C0  }
0x3ef: {  	v8 =	vmul.f32 v8, v5;
	s14 =	sadd.s32 $0x200, s14;
	s11 =	smov.u32 s13;
	s13 =	sadd.s32 $0x40, s13  }
0x3f0: {  	_ = 	snop  }
0x3f1: {  	s15 =	sand.u32 $0x1C00, s14;
	v7 =	vadd.f32 v8, v7  }
0x3f2: {  	s16 =	sand.u32 $0x40, s11;
	s15 =	sor.u32 s15, s7  }
0x3f3: {  	s19 =	sor.u32 $0x10, s16;
	s18 =	sor.u32 s16, s15;
	[tilespmem:s17+$0x0] =	vst v7  }
0x3f4: {  	v7 =	vld [tilespmem:s18+$0x4500]  }
0x3f5: {  	v8 =	vld [tilespmem:s18+$0x10500];
	_ =	sdelay $0x3  }
0x3f6: {  	v7 =	vmul.f32 v7, v6  }
0x3f7: {  	s11 =	sand.u32 $0x380, s11;
	v8 =	vmul.f32 v8, v5  }
0x3f8: {  	s11 =	sadd.s32 s11, s12  }
0x3f9: {  	s17 =	sadd.s32 s16, s11;
	s18 =	sadd.s32 s19, s11;
	v7 =	vadd.f32 v8, v7;
	_ =	sdelay $0x1  }
0x3fa: {  	[tilespmem:s17+$0x0] =	vst v7;
	s17 =	sor.u32 s19, s15  }
0x3fb: {  	v7 =	vld [tilespmem:s17+$0x4500]  }
0x3fc: {  	v8 =	vld [tilespmem:s17+$0x10500];
	_ =	sdelay $0x3  }
0x3fd: {  	v7 =	vmul.f32 v7, v6  }
0x3fe: {  	v8 =	vmul.f32 v8, v5;
	_ =	sdelay $0x1  }
0x3ff: {  	v7 =	vadd.f32 v8, v7  }
0x400: {  	s17 =	sor.u32 $0x20, s16  }
0x401: {  	[tilespmem:s18+$0x0] =	vst v7;
	s18 =	sor.u32 s17, s15  }
0x402: {  	v7 =	vld [tilespmem:s18+$0x4500]  }
0x403: {  	v8 =	vld [tilespmem:s18+$0x10500];
	_ =	sdelay $0x3  }
0x404: {  	v7 =	vmul.f32 v7, v6  }
0x405: {  	s17 =	sadd.s32 s17, s11;
	v8 =	vmul.f32 v8, v5;
	_ =	sdelay $0x1  }
0x406: {  	v7 =	vadd.f32 v8, v7  }
0x407: {  	s16 =	sor.u32 $0x30, s16  }
0x408: {  	s15 =	sor.u32 s16, s15;
	[tilespmem:s17+$0x0] =	vst v7  }
0x409: {  	v7 =	vld [tilespmem:s15+$0x4500]  }
.Ltmp14:
0x40a: {  	v8 =	vld [tilespmem:s15+$0x10500];
	(pc) =	sbr.rel @p0 .LBB2_31-.Ltmp14, $2  }
0x40b: {  	_ =	sdelay $0x2  }
0x40c: {  	s17 =	sadd.s32 s16, s11;
	v7 =	vmul.f32 v7, v6  }
0x40d: {  	s6 =	sadd.s32 $0x1, s6  }
0x40e: {  	p0 =	sne.s32 s6, $0x10  }
.Ltmp15:
0x40f: {  	v5 =	vmul.f32 v8, v5;
	(pc) =	sbr.rel @p0 .LBB2_30-.Ltmp15, $3  }
0x410: {  	_ = 	snop  }
0x411: {  	v5 =	vadd.f32 v5, v7;
	_ =	sdelay $0x1  }
0x412: {  	[tilespmem:s17+$0x0] =	vst v5  }
0x413: {  	s5 =	rddreg [dreg:$0xd]  }
0x414: {  	[hbm4b:s5+s2] =	stream.linear.scatter [tilespmem:s0], [sflag:$0x4], $0x4000, $0x38;
	[tilespmem:$0x1C500] =	vst v63  }
0x415: {  	_ =	swait.ge [sflag:s22], $0x4000  }
0x416: {  	s4 =	sadd.s32 $0x1, s4;
	s19 =	rddreg [dreg:$0xe]  }
0x417: {  	p0 =	sne.s32 s4, s19  }
.Ltmp16:
0x418: {  	_ = 	snop;
	(pc) =	sbr.rel @p0 .LBB2_1-.Ltmp16, $3  }
0x419: {  	_ =	sdelay $0x1  }
0x41a: {  	[sflag:s22] =	ssyncset.done $0x0  }
0x41b: {  	[sflag:s22] =	ssyncadd.s32 $0xFFFFC000  }
0x41c: {  	_ =	sfence.sel $0x180000  }
0x41d: {  	[bflag:$0x0] =	sbarrier.arrive $0xFFFF  }
0x41e: {  	_ =	strace $0x9000004A  }
0x41f: {  	s0 =	stileid.u32;
	[bflag:$0x2] =	sbarrier.arrive $0xFFFF  }
0x420: {  	p0 =	sne.s32 s0, $0x0;
	s0 =	rddreg [dreg:$0x1]  }
0x421: {  	s0 =	sadd.s32 @!p0 $0x100000, s0  }
0x422: {  	[sflag:s0] =	ssyncadd.tile.s32 @!p0 $0x1;
	_ =	shalt  }
.Lfunc_end2:
_tile_overlayer_lowered:
.L_overlay_start_2:
0x423: {  	(tag) =	ssettag $0x2  }
0x424: {  	s0 =	rddreg [dreg:$0x0];
	s2 =	stileid.u32  }
0x425: {  	s1 =	rddreg [dreg:$0x1];
	p0 =	sne.s32 s2, $0x0  }
0x426: {  	s3 =	rddreg [dreg:$0x2];
	[bflag:$0x3] =	sbarrier.arrive $0xFFFF;
	s2 =	simm.s32 @!p0 $0x1C05  }
0x427: {  	[timem:s3], [sflag:s2] =	dma.local @!p0 [hbm:s0], s1  }
0x428: {  	s0 =	simm.s32 @!p0 $0x5  }
0x429: {  	_ =	swait.ge @!p0 [sflag:s0], s1  }
0x42a: {  	s1 =	ssub.s32 @!p0 $0x0, s1;
	[sflag:s0] =	ssyncset.done @!p0 $0x0  }
0x42b: {  	[sflag:s0] =	ssyncadd.s32 @!p0 s1  }
0x42c: {  	[bflag:$0x3] =	sbarrier.arrive $0xFFFF  }
0x42d: {  	_ =	shalt  }

</sc_bundles>
